<compile_context>
chip_gen: v7x
topology: tpu7x:2x2x1
jax: 0.10.2.dev20260603
libtpu: 0.0.44.dev20260713+nightly
codegen_flags: <defaults>
</compile_context>

<pallas_src>
import functools

import jax
import jax.numpy as jnp
from jax import lax
from jax.experimental import pallas as pl
from jax.experimental.pallas import tpu as pltpu
from jax.experimental.pallas import tpu_sc as plsc

_PARTS = [[0, 1, 2, 3, 20], [4, 5, 6, 7, 21, 22], [8, 9, 10, 11, 23, 24],
          [12, 13, 14, 15], [16, 17, 18, 19]]
_V_OUT = 25
_NC, _NS = 2, 16
_NW = _NC * _NS
_NB = 3


@functools.cache
def _make_sc_copy(N, C, T):
    mesh = plsc.VectorSubcoreMesh(core_axis_name="c", subcore_axis_name="s")

    @functools.partial(
        pl.kernel,
        mesh=mesh,
        out_type=jax.ShapeDtypeStruct((N, _V_OUT, C, T), jnp.float32),
        scratch_types=[
            pltpu.VMEM((_NB, C, T), jnp.float32),
            pltpu.SemaphoreType.DMA((_NB,)),
            pltpu.SemaphoreType.DMA((_NB,)),
        ],
    )
    def sc_copy(x_hbm, o_hbm, bufs, in_sems, out_sems):
        wid = lax.axis_index("c") * _NS + lax.axis_index("s")
        n_per_w = N // _NW
        steps = [(wid * n_per_w + k, i, part)
                 for k in range(n_per_w) for i, part in enumerate(_PARTS)]
        pending = [[] for _ in range(_NB)]
        in_cps = {}

        def start_in(s):
            n, i, _ = steps[s]
            b = s % _NB
            for cp in pending[b]:
                cp.wait()
            pending[b] = []
            in_cps[s] = pltpu.async_copy(x_hbm.at[n, i], bufs.at[b],
                                         in_sems.at[b])

        start_in(0)
        start_in(1)
        for s, (n, i, part) in enumerate(steps):
            b = s % _NB
            in_cps.pop(s).wait()
            for v in part:
                cp = pltpu.async_copy(bufs.at[b], o_hbm.at[n, v],
                                      out_sems.at[b])
                pending[b].append(cp)
            if s + 2 < len(steps):
                start_in(s + 2)
        for b in range(_NB):
            for cp in pending[b]:
                cp.wait()

    return sc_copy


def kernel(x):
    N, C, T, V = x.shape
    xt = jnp.transpose(x, (0, 3, 1, 2))
    out_t = _make_sc_copy(N, C, T)(xt)
    return jnp.transpose(out_t, (0, 2, 3, 1))

# --- scband reference (transcript-rebuilt; emitter-appended) ---
"""Pipeline reference for scband-graph-upsample-51951924412779 (READ-ONLY COPY).

The authoritative reference and input builder live on the scoring server;
editing this copy changes nothing except your own understanding.
"""

import jax, jax.numpy as jnp
import numpy as np

# graph.part: NTU-25 skeleton partitioned into 5 body parts (torso, L-arm, R-arm, L-leg, R-leg)
PARTS = [[0, 1, 2, 3, 20], [4, 5, 6, 7, 21, 22], [8, 9, 10, 11, 23, 24], [12, 13, 14, 15], [16, 17, 18, 19]]


def setup_inputs(seed: int = 0) -> dict:
    key = jax.random.key(seed)
    x = jax.random.normal(key, (64, 256, 128, 5), dtype=jnp.float32)
    return {"x": x}


def reference(x):
    # Faithful translation of GraphUpsample.forward:
    #   out[..., p] = x[..., i:i+1] for each part p (scatter-overwrite with broadcast)
    N, C, T, V = x.shape
    v_out = sum(len(p) for p in PARTS)
    out = jnp.zeros((N, C, T, v_out), dtype=x.dtype)
    for i, p in enumerate(PARTS):
        idx = jnp.array(p, dtype=jnp.int32)
        vals = jnp.broadcast_to(x[..., i:i + 1], (N, C, T, len(p)))
        out = out.at[..., idx].set(vals)
    return out

if __name__ == "__main__":
    import jax
    _d = setup_inputs()
    print(jax.jit(kernel)(*tuple(_d.values())))

</pallas_src>

<mosaic_0001>
#map = affine_map<(d0, d1) -> (0, 0, 0, 0)>
module attributes {stable_mosaic.version = 14 : i64} {
  func.func @sc_copy(%arg0: i32, %arg1: i32, %arg2: memref<64x5x256x128xf32, #tpu.memory_space<hbm>>, %arg3: memref<64x25x256x128xf32, #tpu.memory_space<hbm>>, %arg4: memref<3x256x128xf32, #tpu.memory_space<vmem>>, %arg5: memref<3x!tpu.dma_semaphore, #tpu.memory_space<semaphore_mem>>, %arg6: memref<3x!tpu.dma_semaphore, #tpu.memory_space<semaphore_mem>>) attributes {dimension_semantics = [#tpu.dimension_semantics<core_parallel>, #tpu.dimension_semantics<subcore_parallel>], iteration_bounds = array<i64: 2, 16>, scalar_prefetch = 0 : i64, scratch_operands = 3 : i64, tpu.core_type = #tpu.core_type<sc_vector_subcore>, window_params = [{transform_indices = #map}, {transform_indices = #map}]} {
    %mul3A = arith.constant 16 : i32
    %mul3A_0 = arith.muli %arg0, %mul3A : i32
    %add3A = arith.addi %mul3A_0, %arg1 : i32
    %mul3A_1 = arith.constant 2 : i32
    %mul3A_2 = arith.muli %add3A, %mul3A_1 : i32
    %add3A_3 = arith.constant 0 : i32
    %add3A_4 = arith.addi %mul3A_2, %add3A_3 : i32
    %mul3A_5 = arith.constant 2 : i32
    %mul3A_6 = arith.muli %add3A, %mul3A_5 : i32
    %add3A_7 = arith.constant 0 : i32
    %add3A_8 = arith.addi %mul3A_6, %add3A_7 : i32
    %mul3A_9 = arith.constant 2 : i32
    %mul3A_10 = arith.muli %add3A, %mul3A_9 : i32
    %add3A_11 = arith.constant 0 : i32
    %add3A_12 = arith.addi %mul3A_10, %add3A_11 : i32
    %mul3A_13 = arith.constant 2 : i32
    %mul3A_14 = arith.muli %add3A, %mul3A_13 : i32
    %add3A_15 = arith.constant 0 : i32
    %add3A_16 = arith.addi %mul3A_14, %add3A_15 : i32
    %mul3A_17 = arith.constant 2 : i32
    %mul3A_18 = arith.muli %add3A, %mul3A_17 : i32
    %add3A_19 = arith.constant 0 : i32
    %add3A_20 = arith.addi %mul3A_18, %add3A_19 : i32
    %mul3A_21 = arith.constant 2 : i32
    %mul3A_22 = arith.muli %add3A, %mul3A_21 : i32
    %add3A_23 = arith.constant 1 : i32
    %add3A_24 = arith.addi %mul3A_22, %add3A_23 : i32
    %mul3A_25 = arith.constant 2 : i32
    %mul3A_26 = arith.muli %add3A, %mul3A_25 : i32
    %add3A_27 = arith.constant 1 : i32
    %add3A_28 = arith.addi %mul3A_26, %add3A_27 : i32
    %mul3A_29 = arith.constant 2 : i32
    %mul3A_30 = arith.muli %add3A, %mul3A_29 : i32
    %add3A_31 = arith.constant 1 : i32
    %add3A_32 = arith.addi %mul3A_30, %add3A_31 : i32
    %mul3A_33 = arith.constant 2 : i32
    %mul3A_34 = arith.muli %add3A, %mul3A_33 : i32
    %add3A_35 = arith.constant 1 : i32
    %add3A_36 = arith.addi %mul3A_34, %add3A_35 : i32
    %mul3A_37 = arith.constant 2 : i32
    %mul3A_38 = arith.muli %add3A, %mul3A_37 : i32
    %add3A_39 = arith.constant 1 : i32
    %add3A_40 = arith.addi %mul3A_38, %add3A_39 : i32
    %dma_start3A = arith.constant 0 : i32
    %dma_start3A_41 = arith.constant 0 : i32
    %dma_start3A_42 = arith.constant 0 : i32
    %dma_start3A_43 = arith.constant 0 : i32
    %dma_start3A_44 = arith.constant 0 : i32
    %dma_start3A_45 = tpu.memref_slice %arg4[%dma_start3A_41, %dma_start3A_43, %dma_start3A_44] : memref<3x256x128xf32, #tpu.memory_space<vmem>> -> memref<1x256x128xf32, #tpu.memory_space<vmem>>
    %dma_start3A_46 = tpu.memref_squeeze %dma_start3A_45 : memref<1x256x128xf32, #tpu.memory_space<vmem>> -> memref<256x128xf32, #tpu.memory_space<vmem>>
    %dma_start3A_47 = arith.constant 0 : i32
    %dma_start3A_48 = arith.constant 0 : i32
    %dma_start3A_49 = tpu.memref_slice %arg2[%add3A_4, %dma_start3A, %dma_start3A_47, %dma_start3A_48] : memref<64x5x256x128xf32, #tpu.memory_space<hbm>> -> memref<1x1x256x128xf32, #tpu.memory_space<hbm>>
    %dma_start3A_50 = tpu.memref_squeeze %dma_start3A_49 : memref<1x1x256x128xf32, #tpu.memory_space<hbm>> -> memref<256x128xf32, #tpu.memory_space<hbm>>
    %dma_start3A_51 = tpu.memref_slice %arg5[%dma_start3A_42] : memref<3x!tpu.dma_semaphore, #tpu.memory_space<semaphore_mem>> -> memref<1x!tpu.dma_semaphore, #tpu.memory_space<semaphore_mem>>
    %dma_start3A_52 = tpu.memref_squeeze %dma_start3A_51 : memref<1x!tpu.dma_semaphore, #tpu.memory_space<semaphore_mem>> -> memref<!tpu.dma_semaphore, #tpu.memory_space<semaphore_mem>>
    %dma_start3A_53 = arith.constant 0 : i32
    %dma_start3A_54 = arith.constant 0 : i32
    %dma_start3A_55 = tpu.memref_slice %arg4[%dma_start3A_41, %dma_start3A_53, %dma_start3A_54] : memref<3x256x128xf32, #tpu.memory_space<vmem>> -> memref<1x256x128xf32, #tpu.memory_space<vmem>>
    %dma_start3A_56 = tpu.memref_squeeze %dma_start3A_55 : memref<1x256x128xf32, #tpu.memory_space<vmem>> -> memref<256x128xf32, #tpu.memory_space<vmem>>
    %dma_start3A_57 = arith.constant 0 : i32
    %dma_start3A_58 = arith.constant 0 : i32
    %dma_start3A_59 = tpu.memref_slice %arg2[%add3A_4, %dma_start3A, %dma_start3A_57, %dma_start3A_58] : memref<64x5x256x128xf32, #tpu.memory_space<hbm>> -> memref<1x1x256x128xf32, #tpu.memory_space<hbm>>
    %dma_start3A_60 = tpu.memref_squeeze %dma_start3A_59 : memref<1x1x256x128xf32, #tpu.memory_space<hbm>> -> memref<256x128xf32, #tpu.memory_space<hbm>>
    tpu.enqueue_dma source(%dma_start3A_60 : memref<256x128xf32, #tpu.memory_space<hbm>>) target(%dma_start3A_56 : memref<256x128xf32, #tpu.memory_space<vmem>>) target_semaphore(%dma_start3A_52 : memref<!tpu.dma_semaphore, #tpu.memory_space<semaphore_mem>>)
    %dma_start3A_61 = arith.constant 1 : i32
    %dma_start3A_62 = arith.constant 1 : i32
    %dma_start3A_63 = arith.constant 1 : i32
    %dma_start3A_64 = arith.constant 0 : i32
    %dma_start3A_65 = arith.constant 0 : i32
    %dma_start3A_66 = tpu.memref_slice %arg4[%dma_start3A_62, %dma_start3A_64, %dma_start3A_65] : memref<3x256x128xf32, #tpu.memory_space<vmem>> -> memref<1x256x128xf32, #tpu.memory_space<vmem>>
    %dma_start3A_67 = tpu.memref_squeeze %dma_start3A_66 : memref<1x256x128xf32, #tpu.memory_space<vmem>> -> memref<256x128xf32, #tpu.memory_space<vmem>>
    %dma_start3A_68 = arith.constant 0 : i32
    %dma_start3A_69 = arith.constant 0 : i32
    %dma_start3A_70 = tpu.memref_slice %arg2[%add3A_8, %dma_start3A_61, %dma_start3A_68, %dma_start3A_69] : memref<64x5x256x128xf32, #tpu.memory_space<hbm>> -> memref<1x1x256x128xf32, #tpu.memory_space<hbm>>
    %dma_start3A_71 = tpu.memref_squeeze %dma_start3A_70 : memref<1x1x256x128xf32, #tpu.memory_space<hbm>> -> memref<256x128xf32, #tpu.memory_space<hbm>>
    %dma_start3A_72 = tpu.memref_slice %arg5[%dma_start3A_63] : memref<3x!tpu.dma_semaphore, #tpu.memory_space<semaphore_mem>> -> memref<1x!tpu.dma_semaphore, #tpu.memory_space<semaphore_mem>>
    %dma_start3A_73 = tpu.memref_squeeze %dma_start3A_72 : memref<1x!tpu.dma_semaphore, #tpu.memory_space<semaphore_mem>> -> memref<!tpu.dma_semaphore, #tpu.memory_space<semaphore_mem>>
    %dma_start3A_74 = arith.constant 0 : i32
    %dma_start3A_75 = arith.constant 0 : i32
    %dma_start3A_76 = tpu.memref_slice %arg4[%dma_start3A_62, %dma_start3A_74, %dma_start3A_75] : memref<3x256x128xf32, #tpu.memory_space<vmem>> -> memref<1x256x128xf32, #tpu.memory_space<vmem>>
    %dma_start3A_77 = tpu.memref_squeeze %dma_start3A_76 : memref<1x256x128xf32, #tpu.memory_space<vmem>> -> memref<256x128xf32, #tpu.memory_space<vmem>>
    %dma_start3A_78 = arith.constant 0 : i32
    %dma_start3A_79 = arith.constant 0 : i32
    %dma_start3A_80 = tpu.memref_slice %arg2[%add3A_8, %dma_start3A_61, %dma_start3A_78, %dma_start3A_79] : memref<64x5x256x128xf32, #tpu.memory_space<hbm>> -> memref<1x1x256x128xf32, #tpu.memory_space<hbm>>
    %dma_start3A_81 = tpu.memref_squeeze %dma_start3A_80 : memref<1x1x256x128xf32, #tpu.memory_space<hbm>> -> memref<256x128xf32, #tpu.memory_space<hbm>>
    tpu.enqueue_dma source(%dma_start3A_81 : memref<256x128xf32, #tpu.memory_space<hbm>>) target(%dma_start3A_77 : memref<256x128xf32, #tpu.memory_space<vmem>>) target_semaphore(%dma_start3A_73 : memref<!tpu.dma_semaphore, #tpu.memory_space<semaphore_mem>>)
    %dma_wait3A = arith.constant 0 : i32
    %dma_wait3A_82 = arith.constant 0 : i32
    %dma_wait3A_83 = arith.constant 0 : i32
    %dma_wait3A_84 = arith.constant 0 : i32
    %dma_wait3A_85 = arith.constant 0 : i32
    %dma_wait3A_86 = tpu.memref_slice %arg4[%dma_wait3A_82, %dma_wait3A_84, %dma_wait3A_85] : memref<3x256x128xf32, #tpu.memory_space<vmem>> -> memref<1x256x128xf32, #tpu.memory_space<vmem>>
    %dma_wait3A_87 = tpu.memref_squeeze %dma_wait3A_86 : memref<1x256x128xf32, #tpu.memory_space<vmem>> -> memref<256x128xf32, #tpu.memory_space<vmem>>
    %dma_wait3A_88 = arith.constant 0 : i32
    %dma_wait3A_89 = arith.constant 0 : i32
    %dma_wait3A_90 = tpu.memref_slice %arg2[%add3A_4, %dma_wait3A, %dma_wait3A_88, %dma_wait3A_89] : memref<64x5x256x128xf32, #tpu.memory_space<hbm>> -> memref<1x1x256x128xf32, #tpu.memory_space<hbm>>
    %dma_wait3A_91 = tpu.memref_squeeze %dma_wait3A_90 : memref<1x1x256x128xf32, #tpu.memory_space<hbm>> -> memref<256x128xf32, #tpu.memory_space<hbm>>
    %dma_wait3A_92 = tpu.memref_slice %arg5[%dma_wait3A_83] : memref<3x!tpu.dma_semaphore, #tpu.memory_space<semaphore_mem>> -> memref<1x!tpu.dma_semaphore, #tpu.memory_space<semaphore_mem>>
    %dma_wait3A_93 = tpu.memref_squeeze %dma_wait3A_92 : memref<1x!tpu.dma_semaphore, #tpu.memory_space<semaphore_mem>> -> memref<!tpu.dma_semaphore, #tpu.memory_space<semaphore_mem>>
    %dma_wait3A_94 = arith.constant 0 : i32
    %dma_wait3A_95 = arith.constant 0 : i32
    %dma_wait3A_96 = tpu.memref_slice %arg4[%dma_wait3A_82, %dma_wait3A_94, %dma_wait3A_95] : memref<3x256x128xf32, #tpu.memory_space<vmem>> -> memref<1x256x128xf32, #tpu.memory_space<vmem>>
    %dma_wait3A_97 = tpu.memref_squeeze %dma_wait3A_96 : memref<1x256x128xf32, #tpu.memory_space<vmem>> -> memref<256x128xf32, #tpu.memory_space<vmem>>
    %dma_wait3A_98 = arith.constant 0 : i32
    %dma_wait3A_99 = arith.constant 0 : i32
    %dma_wait3A_100 = tpu.memref_slice %arg2[%add3A_4, %dma_wait3A, %dma_wait3A_98, %dma_wait3A_99] : memref<64x5x256x128xf32, #tpu.memory_space<hbm>> -> memref<1x1x256x128xf32, #tpu.memory_space<hbm>>
    %dma_wait3A_101 = tpu.memref_squeeze %dma_wait3A_100 : memref<1x1x256x128xf32, #tpu.memory_space<hbm>> -> memref<256x128xf32, #tpu.memory_space<hbm>>
    tpu.wait_dma2 semaphore(%dma_wait3A_93 : memref<!tpu.dma_semaphore, #tpu.memory_space<semaphore_mem>>) src(%dma_wait3A_101 : memref<256x128xf32, #tpu.memory_space<hbm>>) dst(%dma_wait3A_97 : memref<256x128xf32, #tpu.memory_space<vmem>>)
    %dma_start3A_102 = arith.constant 0 : i32
    %dma_start3A_103 = arith.constant 0 : i32
    %dma_start3A_104 = arith.constant 0 : i32
    %dma_start3A_105 = arith.constant 0 : i32
    %dma_start3A_106 = arith.constant 0 : i32
    %dma_start3A_107 = tpu.memref_slice %arg4[%dma_start3A_102, %dma_start3A_105, %dma_start3A_106] : memref<3x256x128xf32, #tpu.memory_space<vmem>> -> memref<1x256x128xf32, #tpu.memory_space<vmem>>
    %dma_start3A_108 = tpu.memref_squeeze %dma_start3A_107 : memref<1x256x128xf32, #tpu.memory_space<vmem>> -> memref<256x128xf32, #tpu.memory_space<vmem>>
    %dma_start3A_109 = arith.constant 0 : i32
    %dma_start3A_110 = arith.constant 0 : i32
    %dma_start3A_111 = tpu.memref_slice %arg3[%add3A_4, %dma_start3A_103, %dma_start3A_109, %dma_start3A_110] : memref<64x25x256x128xf32, #tpu.memory_space<hbm>> -> memref<1x1x256x128xf32, #tpu.memory_space<hbm>>
    %dma_start3A_112 = tpu.memref_squeeze %dma_start3A_111 : memref<1x1x256x128xf32, #tpu.memory_space<hbm>> -> memref<256x128xf32, #tpu.memory_space<hbm>>
    %dma_start3A_113 = tpu.memref_slice %arg6[%dma_start3A_104] : memref<3x!tpu.dma_semaphore, #tpu.memory_space<semaphore_mem>> -> memref<1x!tpu.dma_semaphore, #tpu.memory_space<semaphore_mem>>
    %dma_start3A_114 = tpu.memref_squeeze %dma_start3A_113 : memref<1x!tpu.dma_semaphore, #tpu.memory_space<semaphore_mem>> -> memref<!tpu.dma_semaphore, #tpu.memory_space<semaphore_mem>>
    %dma_start3A_115 = arith.constant 0 : i32
    %dma_start3A_116 = arith.constant 0 : i32
    %dma_start3A_117 = tpu.memref_slice %arg3[%add3A_4, %dma_start3A_103, %dma_start3A_115, %dma_start3A_116] : memref<64x25x256x128xf32, #tpu.memory_space<hbm>> -> memref<1x1x256x128xf32, #tpu.memory_space<hbm>>
    %dma_start3A_118 = tpu.memref_squeeze %dma_start3A_117 : memref<1x1x256x128xf32, #tpu.memory_space<hbm>> -> memref<256x128xf32, #tpu.memory_space<hbm>>
    %dma_start3A_119 = arith.constant 0 : i32
    %dma_start3A_120 = arith.constant 0 : i32
    %dma_start3A_121 = tpu.memref_slice %arg4[%dma_start3A_102, %dma_start3A_119, %dma_start3A_120] : memref<3x256x128xf32, #tpu.memory_space<vmem>> -> memref<1x256x128xf32, #tpu.memory_space<vmem>>
    %dma_start3A_122 = tpu.memref_squeeze %dma_start3A_121 : memref<1x256x128xf32, #tpu.memory_space<vmem>> -> memref<256x128xf32, #tpu.memory_space<vmem>>
    tpu.enqueue_dma source(%dma_start3A_122 : memref<256x128xf32, #tpu.memory_space<vmem>>) target(%dma_start3A_118 : memref<256x128xf32, #tpu.memory_space<hbm>>) target_semaphore(%dma_start3A_114 : memref<!tpu.dma_semaphore, #tpu.memory_space<semaphore_mem>>)
    %dma_start3A_123 = arith.constant 0 : i32
    %dma_start3A_124 = arith.constant 1 : i32
    %dma_start3A_125 = arith.constant 0 : i32
    %dma_start3A_126 = arith.constant 0 : i32
    %dma_start3A_127 = arith.constant 0 : i32
    %dma_start3A_128 = tpu.memref_slice %arg4[%dma_start3A_123, %dma_start3A_126, %dma_start3A_127] : memref<3x256x128xf32, #tpu.memory_space<vmem>> -> memref<1x256x128xf32, #tpu.memory_space<vmem>>
    %dma_start3A_129 = tpu.memref_squeeze %dma_start3A_128 : memref<1x256x128xf32, #tpu.memory_space<vmem>> -> memref<256x128xf32, #tpu.memory_space<vmem>>
    %dma_start3A_130 = arith.constant 0 : i32
    %dma_start3A_131 = arith.constant 0 : i32
    %dma_start3A_132 = tpu.memref_slice %arg3[%add3A_4, %dma_start3A_124, %dma_start3A_130, %dma_start3A_131] : memref<64x25x256x128xf32, #tpu.memory_space<hbm>> -> memref<1x1x256x128xf32, #tpu.memory_space<hbm>>
    %dma_start3A_133 = tpu.memref_squeeze %dma_start3A_132 : memref<1x1x256x128xf32, #tpu.memory_space<hbm>> -> memref<256x128xf32, #tpu.memory_space<hbm>>
    %dma_start3A_134 = tpu.memref_slice %arg6[%dma_start3A_125] : memref<3x!tpu.dma_semaphore, #tpu.memory_space<semaphore_mem>> -> memref<1x!tpu.dma_semaphore, #tpu.memory_space<semaphore_mem>>
    %dma_start3A_135 = tpu.memref_squeeze %dma_start3A_134 : memref<1x!tpu.dma_semaphore, #tpu.memory_space<semaphore_mem>> -> memref<!tpu.dma_semaphore, #tpu.memory_space<semaphore_mem>>
    %dma_start3A_136 = arith.constant 0 : i32
    %dma_start3A_137 = arith.constant 0 : i32
    %dma_start3A_138 = tpu.memref_slice %arg3[%add3A_4, %dma_start3A_124, %dma_start3A_136, %dma_start3A_137] : memref<64x25x256x128xf32, #tpu.memory_space<hbm>> -> memref<1x1x256x128xf32, #tpu.memory_space<hbm>>
    %dma_start3A_139 = tpu.memref_squeeze %dma_start3A_138 : memref<1x1x256x128xf32, #tpu.memory_space<hbm>> -> memref<256x128xf32, #tpu.memory_space<hbm>>
    %dma_start3A_140 = arith.constant 0 : i32
    %dma_start3A_141 = arith.constant 0 : i32
    %dma_start3A_142 = tpu.memref_slice %arg4[%dma_start3A_123, %dma_start3A_140, %dma_start3A_141] : memref<3x256x128xf32, #tpu.memory_space<vmem>> -> memref<1x256x128xf32, #tpu.memory_space<vmem>>
    %dma_start3A_143 = tpu.memref_squeeze %dma_start3A_142 : memref<1x256x128xf32, #tpu.memory_space<vmem>> -> memref<256x128xf32, #tpu.memory_space<vmem>>
    tpu.enqueue_dma source(%dma_start3A_143 : memref<256x128xf32, #tpu.memory_space<vmem>>) target(%dma_start3A_139 : memref<256x128xf32, #tpu.memory_space<hbm>>) target_semaphore(%dma_start3A_135 : memref<!tpu.dma_semaphore, #tpu.memory_space<semaphore_mem>>)
    %dma_start3A_144 = arith.constant 0 : i32
    %dma_start3A_145 = arith.constant 2 : i32
    %dma_start3A_146 = arith.constant 0 : i32
    %dma_start3A_147 = arith.constant 0 : i32
    %dma_start3A_148 = arith.constant 0 : i32
    %dma_start3A_149 = tpu.memref_slice %arg4[%dma_start3A_144, %dma_start3A_147, %dma_start3A_148] : memref<3x256x128xf32, #tpu.memory_space<vmem>> -> memref<1x256x128xf32, #tpu.memory_space<vmem>>
    %dma_start3A_150 = tpu.memref_squeeze %dma_start3A_149 : memref<1x256x128xf32, #tpu.memory_space<vmem>> -> memref<256x128xf32, #tpu.memory_space<vmem>>
    %dma_start3A_151 = arith.constant 0 : i32
    %dma_start3A_152 = arith.constant 0 : i32
    %dma_start3A_153 = tpu.memref_slice %arg3[%add3A_4, %dma_start3A_145, %dma_start3A_151, %dma_start3A_152] : memref<64x25x256x128xf32, #tpu.memory_space<hbm>> -> memref<1x1x256x128xf32, #tpu.memory_space<hbm>>
    %dma_start3A_154 = tpu.memref_squeeze %dma_start3A_153 : memref<1x1x256x128xf32, #tpu.memory_space<hbm>> -> memref<256x128xf32, #tpu.memory_space<hbm>>
    %dma_start3A_155 = tpu.memref_slice %arg6[%dma_start3A_146] : memref<3x!tpu.dma_semaphore, #tpu.memory_space<semaphore_mem>> -> memref<1x!tpu.dma_semaphore, #tpu.memory_space<semaphore_mem>>
    %dma_start3A_156 = tpu.memref_squeeze %dma_start3A_155 : memref<1x!tpu.dma_semaphore, #tpu.memory_space<semaphore_mem>> -> memref<!tpu.dma_semaphore, #tpu.memory_space<semaphore_mem>>
    %dma_start3A_157 = arith.constant 0 : i32
    %dma_start3A_158 = arith.constant 0 : i32
    %dma_start3A_159 = tpu.memref_slice %arg3[%add3A_4, %dma_start3A_145, %dma_start3A_157, %dma_start3A_158] : memref<64x25x256x128xf32, #tpu.memory_space<hbm>> -> memref<1x1x256x128xf32, #tpu.memory_space<hbm>>
    %dma_start3A_160 = tpu.memref_squeeze %dma_start3A_159 : memref<1x1x256x128xf32, #tpu.memory_space<hbm>> -> memref<256x128xf32, #tpu.memory_space<hbm>>
    %dma_start3A_161 = arith.constant 0 : i32
    %dma_start3A_162 = arith.constant 0 : i32
    %dma_start3A_163 = tpu.memref_slice %arg4[%dma_start3A_144, %dma_start3A_161, %dma_start3A_162] : memref<3x256x128xf32, #tpu.memory_space<vmem>> -> memref<1x256x128xf32, #tpu.memory_space<vmem>>
    %dma_start3A_164 = tpu.memref_squeeze %dma_start3A_163 : memref<1x256x128xf32, #tpu.memory_space<vmem>> -> memref<256x128xf32, #tpu.memory_space<vmem>>
    tpu.enqueue_dma source(%dma_start3A_164 : memref<256x128xf32, #tpu.memory_space<vmem>>) target(%dma_start3A_160 : memref<256x128xf32, #tpu.memory_space<hbm>>) target_semaphore(%dma_start3A_156 : memref<!tpu.dma_semaphore, #tpu.memory_space<semaphore_mem>>)
    %dma_start3A_165 = arith.constant 0 : i32
    %dma_start3A_166 = arith.constant 3 : i32
    %dma_start3A_167 = arith.constant 0 : i32
    %dma_start3A_168 = arith.constant 0 : i32
    %dma_start3A_169 = arith.constant 0 : i32
    %dma_start3A_170 = tpu.memref_slice %arg4[%dma_start3A_165, %dma_start3A_168, %dma_start3A_169] : memref<3x256x128xf32, #tpu.memory_space<vmem>> -> memref<1x256x128xf32, #tpu.memory_space<vmem>>
    %dma_start3A_171 = tpu.memref_squeeze %dma_start3A_170 : memref<1x256x128xf32, #tpu.memory_space<vmem>> -> memref<256x128xf32, #tpu.memory_space<vmem>>
    %dma_start3A_172 = arith.constant 0 : i32
    %dma_start3A_173 = arith.constant 0 : i32
    %dma_start3A_174 = tpu.memref_slice %arg3[%add3A_4, %dma_start3A_166, %dma_start3A_172, %dma_start3A_173] : memref<64x25x256x128xf32, #tpu.memory_space<hbm>> -> memref<1x1x256x128xf32, #tpu.memory_space<hbm>>
    %dma_start3A_175 = tpu.memref_squeeze %dma_start3A_174 : memref<1x1x256x128xf32, #tpu.memory_space<hbm>> -> memref<256x128xf32, #tpu.memory_space<hbm>>
    %dma_start3A_176 = tpu.memref_slice %arg6[%dma_start3A_167] : memref<3x!tpu.dma_semaphore, #tpu.memory_space<semaphore_mem>> -> memref<1x!tpu.dma_semaphore, #tpu.memory_space<semaphore_mem>>
    %dma_start3A_177 = tpu.memref_squeeze %dma_start3A_176 : memref<1x!tpu.dma_semaphore, #tpu.memory_space<semaphore_mem>> -> memref<!tpu.dma_semaphore, #tpu.memory_space<semaphore_mem>>
    %dma_start3A_178 = arith.constant 0 : i32
    %dma_start3A_179 = arith.constant 0 : i32
    %dma_start3A_180 = tpu.memref_slice %arg3[%add3A_4, %dma_start3A_166, %dma_start3A_178, %dma_start3A_179] : memref<64x25x256x128xf32, #tpu.memory_space<hbm>> -> memref<1x1x256x128xf32, #tpu.memory_space<hbm>>
    %dma_start3A_181 = tpu.memref_squeeze %dma_start3A_180 : memref<1x1x256x128xf32, #tpu.memory_space<hbm>> -> memref<256x128xf32, #tpu.memory_space<hbm>>
    %dma_start3A_182 = arith.constant 0 : i32
    %dma_start3A_183 = arith.constant 0 : i32
    %dma_start3A_184 = tpu.memref_slice %arg4[%dma_start3A_165, %dma_start3A_182, %dma_start3A_183] : memref<3x256x128xf32, #tpu.memory_space<vmem>> -> memref<1x256x128xf32, #tpu.memory_space<vmem>>
    %dma_start3A_185 = tpu.memref_squeeze %dma_start3A_184 : memref<1x256x128xf32, #tpu.memory_space<vmem>> -> memref<256x128xf32, #tpu.memory_space<vmem>>
    tpu.enqueue_dma source(%dma_start3A_185 : memref<256x128xf32, #tpu.memory_space<vmem>>) target(%dma_start3A_181 : memref<256x128xf32, #tpu.memory_space<hbm>>) target_semaphore(%dma_start3A_177 : memref<!tpu.dma_semaphore, #tpu.memory_space<semaphore_mem>>)
    %dma_start3A_186 = arith.constant 0 : i32
    %dma_start3A_187 = arith.constant 20 : i32
    %dma_start3A_188 = arith.constant 0 : i32
    %dma_start3A_189 = arith.constant 0 : i32
    %dma_start3A_190 = arith.constant 0 : i32
    %dma_start3A_191 = tpu.memref_slice %arg4[%dma_start3A_186, %dma_start3A_189, %dma_start3A_190] : memref<3x256x128xf32, #tpu.memory_space<vmem>> -> memref<1x256x128xf32, #tpu.memory_space<vmem>>
    %dma_start3A_192 = tpu.memref_squeeze %dma_start3A_191 : memref<1x256x128xf32, #tpu.memory_space<vmem>> -> memref<256x128xf32, #tpu.memory_space<vmem>>
    %dma_start3A_193 = arith.constant 0 : i32
    %dma_start3A_194 = arith.constant 0 : i32
    %dma_start3A_195 = tpu.memref_slice %arg3[%add3A_4, %dma_start3A_187, %dma_start3A_193, %dma_start3A_194] : memref<64x25x256x128xf32, #tpu.memory_space<hbm>> -> memref<1x1x256x128xf32, #tpu.memory_space<hbm>>
    %dma_start3A_196 = tpu.memref_squeeze %dma_start3A_195 : memref<1x1x256x128xf32, #tpu.memory_space<hbm>> -> memref<256x128xf32, #tpu.memory_space<hbm>>
    %dma_start3A_197 = tpu.memref_slice %arg6[%dma_start3A_188] : memref<3x!tpu.dma_semaphore, #tpu.memory_space<semaphore_mem>> -> memref<1x!tpu.dma_semaphore, #tpu.memory_space<semaphore_mem>>
    %dma_start3A_198 = tpu.memref_squeeze %dma_start3A_197 : memref<1x!tpu.dma_semaphore, #tpu.memory_space<semaphore_mem>> -> memref<!tpu.dma_semaphore, #tpu.memory_space<semaphore_mem>>
    %dma_start3A_199 = arith.constant 0 : i32
    %dma_start3A_200 = arith.constant 0 : i32
    %dma_start3A_201 = tpu.memref_slice %arg3[%add3A_4, %dma_start3A_187, %dma_start3A_199, %dma_start3A_200] : memref<64x25x256x128xf32, #tpu.memory_space<hbm>> -> memref<1x1x256x128xf32, #tpu.memory_space<hbm>>
    %dma_start3A_202 = tpu.memref_squeeze %dma_start3A_201 : memref<1x1x256x128xf32, #tpu.memory_space<hbm>> -> memref<256x128xf32, #tpu.memory_space<hbm>>
    %dma_start3A_203 = arith.constant 0 : i32
    %dma_start3A_204 = arith.constant 0 : i32
    %dma_start3A_205 = tpu.memref_slice %arg4[%dma_start3A_186, %dma_start3A_203, %dma_start3A_204] : memref<3x256x128xf32, #tpu.memory_space<vmem>> -> memref<1x256x128xf32, #tpu.memory_space<vmem>>
    %dma_start3A_206 = tpu.memref_squeeze %dma_start3A_205 : memref<1x256x128xf32, #tpu.memory_space<vmem>> -> memref<256x128xf32, #tpu.memory_space<vmem>>
    tpu.enqueue_dma source(%dma_start3A_206 : memref<256x128xf32, #tpu.memory_space<vmem>>) target(%dma_start3A_202 : memref<256x128xf32, #tpu.memory_space<hbm>>) target_semaphore(%dma_start3A_198 : memref<!tpu.dma_semaphore, #tpu.memory_space<semaphore_mem>>)
    %dma_start3A_207 = arith.constant 2 : i32
    %dma_start3A_208 = arith.constant 2 : i32
    %dma_start3A_209 = arith.constant 2 : i32
    %dma_start3A_210 = arith.constant 0 : i32
    %dma_start3A_211 = arith.constant 0 : i32
    %dma_start3A_212 = tpu.memref_slice %arg4[%dma_start3A_208, %dma_start3A_210, %dma_start3A_211] : memref<3x256x128xf32, #tpu.memory_space<vmem>> -> memref<1x256x128xf32, #tpu.memory_space<vmem>>
    %dma_start3A_213 = tpu.memref_squeeze %dma_start3A_212 : memref<1x256x128xf32, #tpu.memory_space<vmem>> -> memref<256x128xf32, #tpu.memory_space<vmem>>
    %dma_start3A_214 = arith.constant 0 : i32
    %dma_start3A_215 = arith.constant 0 : i32
    %dma_start3A_216 = tpu.memref_slice %arg2[%add3A_12, %dma_start3A_207, %dma_start3A_214, %dma_start3A_215] : memref<64x5x256x128xf32, #tpu.memory_space<hbm>> -> memref<1x1x256x128xf32, #tpu.memory_space<hbm>>
    %dma_start3A_217 = tpu.memref_squeeze %dma_start3A_216 : memref<1x1x256x128xf32, #tpu.memory_space<hbm>> -> memref<256x128xf32, #tpu.memory_space<hbm>>
    %dma_start3A_218 = tpu.memref_slice %arg5[%dma_start3A_209] : memref<3x!tpu.dma_semaphore, #tpu.memory_space<semaphore_mem>> -> memref<1x!tpu.dma_semaphore, #tpu.memory_space<semaphore_mem>>
    %dma_start3A_219 = tpu.memref_squeeze %dma_start3A_218 : memref<1x!tpu.dma_semaphore, #tpu.memory_space<semaphore_mem>> -> memref<!tpu.dma_semaphore, #tpu.memory_space<semaphore_mem>>
    %dma_start3A_220 = arith.constant 0 : i32
    %dma_start3A_221 = arith.constant 0 : i32
    %dma_start3A_222 = tpu.memref_slice %arg4[%dma_start3A_208, %dma_start3A_220, %dma_start3A_221] : memref<3x256x128xf32, #tpu.memory_space<vmem>> -> memref<1x256x128xf32, #tpu.memory_space<vmem>>
    %dma_start3A_223 = tpu.memref_squeeze %dma_start3A_222 : memref<1x256x128xf32, #tpu.memory_space<vmem>> -> memref<256x128xf32, #tpu.memory_space<vmem>>
    %dma_start3A_224 = arith.constant 0 : i32
    %dma_start3A_225 = arith.constant 0 : i32
    %dma_start3A_226 = tpu.memref_slice %arg2[%add3A_12, %dma_start3A_207, %dma_start3A_224, %dma_start3A_225] : memref<64x5x256x128xf32, #tpu.memory_space<hbm>> -> memref<1x1x256x128xf32, #tpu.memory_space<hbm>>
    %dma_start3A_227 = tpu.memref_squeeze %dma_start3A_226 : memref<1x1x256x128xf32, #tpu.memory_space<hbm>> -> memref<256x128xf32, #tpu.memory_space<hbm>>
    tpu.enqueue_dma source(%dma_start3A_227 : memref<256x128xf32, #tpu.memory_space<hbm>>) target(%dma_start3A_223 : memref<256x128xf32, #tpu.memory_space<vmem>>) target_semaphore(%dma_start3A_219 : memref<!tpu.dma_semaphore, #tpu.memory_space<semaphore_mem>>)
    %dma_wait3A_228 = arith.constant 1 : i32
    %dma_wait3A_229 = arith.constant 1 : i32
    %dma_wait3A_230 = arith.constant 1 : i32
    %dma_wait3A_231 = arith.constant 0 : i32
    %dma_wait3A_232 = arith.constant 0 : i32
    %dma_wait3A_233 = tpu.memref_slice %arg4[%dma_wait3A_229, %dma_wait3A_231, %dma_wait3A_232] : memref<3x256x128xf32, #tpu.memory_space<vmem>> -> memref<1x256x128xf32, #tpu.memory_space<vmem>>
    %dma_wait3A_234 = tpu.memref_squeeze %dma_wait3A_233 : memref<1x256x128xf32, #tpu.memory_space<vmem>> -> memref<256x128xf32, #tpu.memory_space<vmem>>
    %dma_wait3A_235 = arith.constant 0 : i32
    %dma_wait3A_236 = arith.constant 0 : i32
    %dma_wait3A_237 = tpu.memref_slice %arg2[%add3A_8, %dma_wait3A_228, %dma_wait3A_235, %dma_wait3A_236] : memref<64x5x256x128xf32, #tpu.memory_space<hbm>> -> memref<1x1x256x128xf32, #tpu.memory_space<hbm>>
    %dma_wait3A_238 = tpu.memref_squeeze %dma_wait3A_237 : memref<1x1x256x128xf32, #tpu.memory_space<hbm>> -> memref<256x128xf32, #tpu.memory_space<hbm>>
    %dma_wait3A_239 = tpu.memref_slice %arg5[%dma_wait3A_230] : memref<3x!tpu.dma_semaphore, #tpu.memory_space<semaphore_mem>> -> memref<1x!tpu.dma_semaphore, #tpu.memory_space<semaphore_mem>>
    %dma_wait3A_240 = tpu.memref_squeeze %dma_wait3A_239 : memref<1x!tpu.dma_semaphore, #tpu.memory_space<semaphore_mem>> -> memref<!tpu.dma_semaphore, #tpu.memory_space<semaphore_mem>>
    %dma_wait3A_241 = arith.constant 0 : i32
    %dma_wait3A_242 = arith.constant 0 : i32
    %dma_wait3A_243 = tpu.memref_slice %arg4[%dma_wait3A_229, %dma_wait3A_241, %dma_wait3A_242] : memref<3x256x128xf32, #tpu.memory_space<vmem>> -> memref<1x256x128xf32, #tpu.memory_space<vmem>>
    %dma_wait3A_244 = tpu.memref_squeeze %dma_wait3A_243 : memref<1x256x128xf32, #tpu.memory_space<vmem>> -> memref<256x128xf32, #tpu.memory_space<vmem>>
    %dma_wait3A_245 = arith.constant 0 : i32
    %dma_wait3A_246 = arith.constant 0 : i32
    %dma_wait3A_247 = tpu.memref_slice %arg2[%add3A_8, %dma_wait3A_228, %dma_wait3A_245, %dma_wait3A_246] : memref<64x5x256x128xf32, #tpu.memory_space<hbm>> -> memref<1x1x256x128xf32, #tpu.memory_space<hbm>>
    %dma_wait3A_248 = tpu.memref_squeeze %dma_wait3A_247 : memref<1x1x256x128xf32, #tpu.memory_space<hbm>> -> memref<256x128xf32, #tpu.memory_space<hbm>>
    tpu.wait_dma2 semaphore(%dma_wait3A_240 : memref<!tpu.dma_semaphore, #tpu.memory_space<semaphore_mem>>) src(%dma_wait3A_248 : memref<256x128xf32, #tpu.memory_space<hbm>>) dst(%dma_wait3A_244 : memref<256x128xf32, #tpu.memory_space<vmem>>)
    %dma_start3A_249 = arith.constant 1 : i32
    %dma_start3A_250 = arith.constant 4 : i32
    %dma_start3A_251 = arith.constant 1 : i32
    %dma_start3A_252 = arith.constant 0 : i32
    %dma_start3A_253 = arith.constant 0 : i32
    %dma_start3A_254 = tpu.memref_slice %arg4[%dma_start3A_249, %dma_start3A_252, %dma_start3A_253] : memref<3x256x128xf32, #tpu.memory_space<vmem>> -> memref<1x256x128xf32, #tpu.memory_space<vmem>>
    %dma_start3A_255 = tpu.memref_squeeze %dma_start3A_254 : memref<1x256x128xf32, #tpu.memory_space<vmem>> -> memref<256x128xf32, #tpu.memory_space<vmem>>
    %dma_start3A_256 = arith.constant 0 : i32
    %dma_start3A_257 = arith.constant 0 : i32
    %dma_start3A_258 = tpu.memref_slice %arg3[%add3A_8, %dma_start3A_250, %dma_start3A_256, %dma_start3A_257] : memref<64x25x256x128xf32, #tpu.memory_space<hbm>> -> memref<1x1x256x128xf32, #tpu.memory_space<hbm>>
    %dma_start3A_259 = tpu.memref_squeeze %dma_start3A_258 : memref<1x1x256x128xf32, #tpu.memory_space<hbm>> -> memref<256x128xf32, #tpu.memory_space<hbm>>
    %dma_start3A_260 = tpu.memref_slice %arg6[%dma_start3A_251] : memref<3x!tpu.dma_semaphore, #tpu.memory_space<semaphore_mem>> -> memref<1x!tpu.dma_semaphore, #tpu.memory_space<semaphore_mem>>
    %dma_start3A_261 = tpu.memref_squeeze %dma_start3A_260 : memref<1x!tpu.dma_semaphore, #tpu.memory_space<semaphore_mem>> -> memref<!tpu.dma_semaphore, #tpu.memory_space<semaphore_mem>>
    %dma_start3A_262 = arith.constant 0 : i32
    %dma_start3A_263 = arith.constant 0 : i32
    %dma_start3A_264 = tpu.memref_slice %arg3[%add3A_8, %dma_start3A_250, %dma_start3A_262, %dma_start3A_263] : memref<64x25x256x128xf32, #tpu.memory_space<hbm>> -> memref<1x1x256x128xf32, #tpu.memory_space<hbm>>
    %dma_start3A_265 = tpu.memref_squeeze %dma_start3A_264 : memref<1x1x256x128xf32, #tpu.memory_space<hbm>> -> memref<256x128xf32, #tpu.memory_space<hbm>>
    %dma_start3A_266 = arith.constant 0 : i32
    %dma_start3A_267 = arith.constant 0 : i32
    %dma_start3A_268 = tpu.memref_slice %arg4[%dma_start3A_249, %dma_start3A_266, %dma_start3A_267] : memref<3x256x128xf32, #tpu.memory_space<vmem>> -> memref<1x256x128xf32, #tpu.memory_space<vmem>>
    %dma_start3A_269 = tpu.memref_squeeze %dma_start3A_268 : memref<1x256x128xf32, #tpu.memory_space<vmem>> -> memref<256x128xf32, #tpu.memory_space<vmem>>
    tpu.enqueue_dma source(%dma_start3A_269 : memref<256x128xf32, #tpu.memory_space<vmem>>) target(%dma_start3A_265 : memref<256x128xf32, #tpu.memory_space<hbm>>) target_semaphore(%dma_start3A_261 : memref<!tpu.dma_semaphore, #tpu.memory_space<semaphore_mem>>)
    %dma_start3A_270 = arith.constant 1 : i32
    %dma_start3A_271 = arith.constant 5 : i32
    %dma_start3A_272 = arith.constant 1 : i32
    %dma_start3A_273 = arith.constant 0 : i32
    %dma_start3A_274 = arith.constant 0 : i32
    %dma_start3A_275 = tpu.memref_slice %arg4[%dma_start3A_270, %dma_start3A_273, %dma_start3A_274] : memref<3x256x128xf32, #tpu.memory_space<vmem>> -> memref<1x256x128xf32, #tpu.memory_space<vmem>>
    %dma_start3A_276 = tpu.memref_squeeze %dma_start3A_275 : memref<1x256x128xf32, #tpu.memory_space<vmem>> -> memref<256x128xf32, #tpu.memory_space<vmem>>
    %dma_start3A_277 = arith.constant 0 : i32
    %dma_start3A_278 = arith.constant 0 : i32
    %dma_start3A_279 = tpu.memref_slice %arg3[%add3A_8, %dma_start3A_271, %dma_start3A_277, %dma_start3A_278] : memref<64x25x256x128xf32, #tpu.memory_space<hbm>> -> memref<1x1x256x128xf32, #tpu.memory_space<hbm>>
    %dma_start3A_280 = tpu.memref_squeeze %dma_start3A_279 : memref<1x1x256x128xf32, #tpu.memory_space<hbm>> -> memref<256x128xf32, #tpu.memory_space<hbm>>
    %dma_start3A_281 = tpu.memref_slice %arg6[%dma_start3A_272] : memref<3x!tpu.dma_semaphore, #tpu.memory_space<semaphore_mem>> -> memref<1x!tpu.dma_semaphore, #tpu.memory_space<semaphore_mem>>
    %dma_start3A_282 = tpu.memref_squeeze %dma_start3A_281 : memref<1x!tpu.dma_semaphore, #tpu.memory_space<semaphore_mem>> -> memref<!tpu.dma_semaphore, #tpu.memory_space<semaphore_mem>>
    %dma_start3A_283 = arith.constant 0 : i32
    %dma_start3A_284 = arith.constant 0 : i32
    %dma_start3A_285 = tpu.memref_slice %arg3[%add3A_8, %dma_start3A_271, %dma_start3A_283, %dma_start3A_284] : memref<64x25x256x128xf32, #tpu.memory_space<hbm>> -> memref<1x1x256x128xf32, #tpu.memory_space<hbm>>
    %dma_start3A_286 = tpu.memref_squeeze %dma_start3A_285 : memref<1x1x256x128xf32, #tpu.memory_space<hbm>> -> memref<256x128xf32, #tpu.memory_space<hbm>>
    %dma_start3A_287 = arith.constant 0 : i32
    %dma_start3A_288 = arith.constant 0 : i32
    %dma_start3A_289 = tpu.memref_slice %arg4[%dma_start3A_270, %dma_start3A_287, %dma_start3A_288] : memref<3x256x128xf32, #tpu.memory_space<vmem>> -> memref<1x256x128xf32, #tpu.memory_space<vmem>>
    %dma_start3A_290 = tpu.memref_squeeze %dma_start3A_289 : memref<1x256x128xf32, #tpu.memory_space<vmem>> -> memref<256x128xf32, #tpu.memory_space<vmem>>
    tpu.enqueue_dma source(%dma_start3A_290 : memref<256x128xf32, #tpu.memory_space<vmem>>) target(%dma_start3A_286 : memref<256x128xf32, #tpu.memory_space<hbm>>) target_semaphore(%dma_start3A_282 : memref<!tpu.dma_semaphore, #tpu.memory_space<semaphore_mem>>)
    %dma_start3A_291 = arith.constant 1 : i32
    %dma_start3A_292 = arith.constant 6 : i32
    %dma_start3A_293 = arith.constant 1 : i32
    %dma_start3A_294 = arith.constant 0 : i32
    %dma_start3A_295 = arith.constant 0 : i32
    %dma_start3A_296 = tpu.memref_slice %arg4[%dma_start3A_291, %dma_start3A_294, %dma_start3A_295] : memref<3x256x128xf32, #tpu.memory_space<vmem>> -> memref<1x256x128xf32, #tpu.memory_space<vmem>>
    %dma_start3A_297 = tpu.memref_squeeze %dma_start3A_296 : memref<1x256x128xf32, #tpu.memory_space<vmem>> -> memref<256x128xf32, #tpu.memory_space<vmem>>
    %dma_start3A_298 = arith.constant 0 : i32
    %dma_start3A_299 = arith.constant 0 : i32
    %dma_start3A_300 = tpu.memref_slice %arg3[%add3A_8, %dma_start3A_292, %dma_start3A_298, %dma_start3A_299] : memref<64x25x256x128xf32, #tpu.memory_space<hbm>> -> memref<1x1x256x128xf32, #tpu.memory_space<hbm>>
    %dma_start3A_301 = tpu.memref_squeeze %dma_start3A_300 : memref<1x1x256x128xf32, #tpu.memory_space<hbm>> -> memref<256x128xf32, #tpu.memory_space<hbm>>
    %dma_start3A_302 = tpu.memref_slice %arg6[%dma_start3A_293] : memref<3x!tpu.dma_semaphore, #tpu.memory_space<semaphore_mem>> -> memref<1x!tpu.dma_semaphore, #tpu.memory_space<semaphore_mem>>
    %dma_start3A_303 = tpu.memref_squeeze %dma_start3A_302 : memref<1x!tpu.dma_semaphore, #tpu.memory_space<semaphore_mem>> -> memref<!tpu.dma_semaphore, #tpu.memory_space<semaphore_mem>>
    %dma_start3A_304 = arith.constant 0 : i32
    %dma_start3A_305 = arith.constant 0 : i32
    %dma_start3A_306 = tpu.memref_slice %arg3[%add3A_8, %dma_start3A_292, %dma_start3A_304, %dma_start3A_305] : memref<64x25x256x128xf32, #tpu.memory_space<hbm>> -> memref<1x1x256x128xf32, #tpu.memory_space<hbm>>
    %dma_start3A_307 = tpu.memref_squeeze %dma_start3A_306 : memref<1x1x256x128xf32, #tpu.memory_space<hbm>> -> memref<256x128xf32, #tpu.memory_space<hbm>>
    %dma_start3A_308 = arith.constant 0 : i32
    %dma_start3A_309 = arith.constant 0 : i32
    %dma_start3A_310 = tpu.memref_slice %arg4[%dma_start3A_291, %dma_start3A_308, %dma_start3A_309] : memref<3x256x128xf32, #tpu.memory_space<vmem>> -> memref<1x256x128xf32, #tpu.memory_space<vmem>>
    %dma_start3A_311 = tpu.memref_squeeze %dma_start3A_310 : memref<1x256x128xf32, #tpu.memory_space<vmem>> -> memref<256x128xf32, #tpu.memory_space<vmem>>
    tpu.enqueue_dma source(%dma_start3A_311 : memref<256x128xf32, #tpu.memory_space<vmem>>) target(%dma_start3A_307 : memref<256x128xf32, #tpu.memory_space<hbm>>) target_semaphore(%dma_start3A_303 : memref<!tpu.dma_semaphore, #tpu.memory_space<semaphore_mem>>)
    %dma_start3A_312 = arith.constant 1 : i32
    %dma_start3A_313 = arith.constant 7 : i32
    %dma_start3A_314 = arith.constant 1 : i32
    %dma_start3A_315 = arith.constant 0 : i32
    %dma_start3A_316 = arith.constant 0 : i32
    %dma_start3A_317 = tpu.memref_slice %arg4[%dma_start3A_312, %dma_start3A_315, %dma_start3A_316] : memref<3x256x128xf32, #tpu.memory_space<vmem>> -> memref<1x256x128xf32, #tpu.memory_space<vmem>>
    %dma_start3A_318 = tpu.memref_squeeze %dma_start3A_317 : memref<1x256x128xf32, #tpu.memory_space<vmem>> -> memref<256x128xf32, #tpu.memory_space<vmem>>
    %dma_start3A_319 = arith.constant 0 : i32
    %dma_start3A_320 = arith.constant 0 : i32
    %dma_start3A_321 = tpu.memref_slice %arg3[%add3A_8, %dma_start3A_313, %dma_start3A_319, %dma_start3A_320] : memref<64x25x256x128xf32, #tpu.memory_space<hbm>> -> memref<1x1x256x128xf32, #tpu.memory_space<hbm>>
    %dma_start3A_322 = tpu.memref_squeeze %dma_start3A_321 : memref<1x1x256x128xf32, #tpu.memory_space<hbm>> -> memref<256x128xf32, #tpu.memory_space<hbm>>
    %dma_start3A_323 = tpu.memref_slice %arg6[%dma_start3A_314] : memref<3x!tpu.dma_semaphore, #tpu.memory_space<semaphore_mem>> -> memref<1x!tpu.dma_semaphore, #tpu.memory_space<semaphore_mem>>
    %dma_start3A_324 = tpu.memref_squeeze %dma_start3A_323 : memref<1x!tpu.dma_semaphore, #tpu.memory_space<semaphore_mem>> -> memref<!tpu.dma_semaphore, #tpu.memory_space<semaphore_mem>>
    %dma_start3A_325 = arith.constant 0 : i32
    %dma_start3A_326 = arith.constant 0 : i32
    %dma_start3A_327 = tpu.memref_slice %arg3[%add3A_8, %dma_start3A_313, %dma_start3A_325, %dma_start3A_326] : memref<64x25x256x128xf32, #tpu.memory_space<hbm>> -> memref<1x1x256x128xf32, #tpu.memory_space<hbm>>
    %dma_start3A_328 = tpu.memref_squeeze %dma_start3A_327 : memref<1x1x256x128xf32, #tpu.memory_space<hbm>> -> memref<256x128xf32, #tpu.memory_space<hbm>>
    %dma_start3A_329 = arith.constant 0 : i32
    %dma_start3A_330 = arith.constant 0 : i32
    %dma_start3A_331 = tpu.memref_slice %arg4[%dma_start3A_312, %dma_start3A_329, %dma_start3A_330] : memref<3x256x128xf32, #tpu.memory_space<vmem>> -> memref<1x256x128xf32, #tpu.memory_space<vmem>>
    %dma_start3A_332 = tpu.memref_squeeze %dma_start3A_331 : memref<1x256x128xf32, #tpu.memory_space<vmem>> -> memref<256x128xf32, #tpu.memory_space<vmem>>
    tpu.enqueue_dma source(%dma_start3A_332 : memref<256x128xf32, #tpu.memory_space<vmem>>) target(%dma_start3A_328 : memref<256x128xf32, #tpu.memory_space<hbm>>) target_semaphore(%dma_start3A_324 : memref<!tpu.dma_semaphore, #tpu.memory_space<semaphore_mem>>)
    %dma_start3A_333 = arith.constant 1 : i32
    %dma_start3A_334 = arith.constant 21 : i32
    %dma_start3A_335 = arith.constant 1 : i32
    %dma_start3A_336 = arith.constant 0 : i32
    %dma_start3A_337 = arith.constant 0 : i32
    %dma_start3A_338 = tpu.memref_slice %arg4[%dma_start3A_333, %dma_start3A_336, %dma_start3A_337] : memref<3x256x128xf32, #tpu.memory_space<vmem>> -> memref<1x256x128xf32, #tpu.memory_space<vmem>>
    %dma_start3A_339 = tpu.memref_squeeze %dma_start3A_338 : memref<1x256x128xf32, #tpu.memory_space<vmem>> -> memref<256x128xf32, #tpu.memory_space<vmem>>
    %dma_start3A_340 = arith.constant 0 : i32
    %dma_start3A_341 = arith.constant 0 : i32
    %dma_start3A_342 = tpu.memref_slice %arg3[%add3A_8, %dma_start3A_334, %dma_start3A_340, %dma_start3A_341] : memref<64x25x256x128xf32, #tpu.memory_space<hbm>> -> memref<1x1x256x128xf32, #tpu.memory_space<hbm>>
    %dma_start3A_343 = tpu.memref_squeeze %dma_start3A_342 : memref<1x1x256x128xf32, #tpu.memory_space<hbm>> -> memref<256x128xf32, #tpu.memory_space<hbm>>
    %dma_start3A_344 = tpu.memref_slice %arg6[%dma_start3A_335] : memref<3x!tpu.dma_semaphore, #tpu.memory_space<semaphore_mem>> -> memref<1x!tpu.dma_semaphore, #tpu.memory_space<semaphore_mem>>
    %dma_start3A_345 = tpu.memref_squeeze %dma_start3A_344 : memref<1x!tpu.dma_semaphore, #tpu.memory_space<semaphore_mem>> -> memref<!tpu.dma_semaphore, #tpu.memory_space<semaphore_mem>>
    %dma_start3A_346 = arith.constant 0 : i32
    %dma_start3A_347 = arith.constant 0 : i32
    %dma_start3A_348 = tpu.memref_slice %arg3[%add3A_8, %dma_start3A_334, %dma_start3A_346, %dma_start3A_347] : memref<64x25x256x128xf32, #tpu.memory_space<hbm>> -> memref<1x1x256x128xf32, #tpu.memory_space<hbm>>
    %dma_start3A_349 = tpu.memref_squeeze %dma_start3A_348 : memref<1x1x256x128xf32, #tpu.memory_space<hbm>> -> memref<256x128xf32, #tpu.memory_space<hbm>>
    %dma_start3A_350 = arith.constant 0 : i32
    %dma_start3A_351 = arith.constant 0 : i32
    %dma_start3A_352 = tpu.memref_slice %arg4[%dma_start3A_333, %dma_start3A_350, %dma_start3A_351] : memref<3x256x128xf32, #tpu.memory_space<vmem>> -> memref<1x256x128xf32, #tpu.memory_space<vmem>>
    %dma_start3A_353 = tpu.memref_squeeze %dma_start3A_352 : memref<1x256x128xf32, #tpu.memory_space<vmem>> -> memref<256x128xf32, #tpu.memory_space<vmem>>
    tpu.enqueue_dma source(%dma_start3A_353 : memref<256x128xf32, #tpu.memory_space<vmem>>) target(%dma_start3A_349 : memref<256x128xf32, #tpu.memory_space<hbm>>) target_semaphore(%dma_start3A_345 : memref<!tpu.dma_semaphore, #tpu.memory_space<semaphore_mem>>)
    %dma_start3A_354 = arith.constant 1 : i32
    %dma_start3A_355 = arith.constant 22 : i32
    %dma_start3A_356 = arith.constant 1 : i32
    %dma_start3A_357 = arith.constant 0 : i32
    %dma_start3A_358 = arith.constant 0 : i32
    %dma_start3A_359 = tpu.memref_slice %arg4[%dma_start3A_354, %dma_start3A_357, %dma_start3A_358] : memref<3x256x128xf32, #tpu.memory_space<vmem>> -> memref<1x256x128xf32, #tpu.memory_space<vmem>>
    %dma_start3A_360 = tpu.memref_squeeze %dma_start3A_359 : memref<1x256x128xf32, #tpu.memory_space<vmem>> -> memref<256x128xf32, #tpu.memory_space<vmem>>
    %dma_start3A_361 = arith.constant 0 : i32
    %dma_start3A_362 = arith.constant 0 : i32
    %dma_start3A_363 = tpu.memref_slice %arg3[%add3A_8, %dma_start3A_355, %dma_start3A_361, %dma_start3A_362] : memref<64x25x256x128xf32, #tpu.memory_space<hbm>> -> memref<1x1x256x128xf32, #tpu.memory_space<hbm>>
    %dma_start3A_364 = tpu.memref_squeeze %dma_start3A_363 : memref<1x1x256x128xf32, #tpu.memory_space<hbm>> -> memref<256x128xf32, #tpu.memory_space<hbm>>
    %dma_start3A_365 = tpu.memref_slice %arg6[%dma_start3A_356] : memref<3x!tpu.dma_semaphore, #tpu.memory_space<semaphore_mem>> -> memref<1x!tpu.dma_semaphore, #tpu.memory_space<semaphore_mem>>
    %dma_start3A_366 = tpu.memref_squeeze %dma_start3A_365 : memref<1x!tpu.dma_semaphore, #tpu.memory_space<semaphore_mem>> -> memref<!tpu.dma_semaphore, #tpu.memory_space<semaphore_mem>>
    %dma_start3A_367 = arith.constant 0 : i32
    %dma_start3A_368 = arith.constant 0 : i32
    %dma_start3A_369 = tpu.memref_slice %arg3[%add3A_8, %dma_start3A_355, %dma_start3A_367, %dma_start3A_368] : memref<64x25x256x128xf32, #tpu.memory_space<hbm>> -> memref<1x1x256x128xf32, #tpu.memory_space<hbm>>
    %dma_start3A_370 = tpu.memref_squeeze %dma_start3A_369 : memref<1x1x256x128xf32, #tpu.memory_space<hbm>> -> memref<256x128xf32, #tpu.memory_space<hbm>>
    %dma_start3A_371 = arith.constant 0 : i32
    %dma_start3A_372 = arith.constant 0 : i32
    %dma_start3A_373 = tpu.memref_slice %arg4[%dma_start3A_354, %dma_start3A_371, %dma_start3A_372] : memref<3x256x128xf32, #tpu.memory_space<vmem>> -> memref<1x256x128xf32, #tpu.memory_space<vmem>>
    %dma_start3A_374 = tpu.memref_squeeze %dma_start3A_373 : memref<1x256x128xf32, #tpu.memory_space<vmem>> -> memref<256x128xf32, #tpu.memory_space<vmem>>
    tpu.enqueue_dma source(%dma_start3A_374 : memref<256x128xf32, #tpu.memory_space<vmem>>) target(%dma_start3A_370 : memref<256x128xf32, #tpu.memory_space<hbm>>) target_semaphore(%dma_start3A_366 : memref<!tpu.dma_semaphore, #tpu.memory_space<semaphore_mem>>)
    %dma_wait3A_375 = arith.constant 0 : i32
    %dma_wait3A_376 = arith.constant 0 : i32
    %dma_wait3A_377 = arith.constant 0 : i32
    %dma_wait3A_378 = arith.constant 0 : i32
    %dma_wait3A_379 = arith.constant 0 : i32
    %dma_wait3A_380 = tpu.memref_slice %arg4[%dma_wait3A_375, %dma_wait3A_378, %dma_wait3A_379] : memref<3x256x128xf32, #tpu.memory_space<vmem>> -> memref<1x256x128xf32, #tpu.memory_space<vmem>>
    %dma_wait3A_381 = tpu.memref_squeeze %dma_wait3A_380 : memref<1x256x128xf32, #tpu.memory_space<vmem>> -> memref<256x128xf32, #tpu.memory_space<vmem>>
    %dma_wait3A_382 = arith.constant 0 : i32
    %dma_wait3A_383 = arith.constant 0 : i32
    %dma_wait3A_384 = tpu.memref_slice %arg3[%add3A_4, %dma_wait3A_376, %dma_wait3A_382, %dma_wait3A_383] : memref<64x25x256x128xf32, #tpu.memory_space<hbm>> -> memref<1x1x256x128xf32, #tpu.memory_space<hbm>>
    %dma_wait3A_385 = tpu.memref_squeeze %dma_wait3A_384 : memref<1x1x256x128xf32, #tpu.memory_space<hbm>> -> memref<256x128xf32, #tpu.memory_space<hbm>>
    %dma_wait3A_386 = tpu.memref_slice %arg6[%dma_wait3A_377] : memref<3x!tpu.dma_semaphore, #tpu.memory_space<semaphore_mem>> -> memref<1x!tpu.dma_semaphore, #tpu.memory_space<semaphore_mem>>
    %dma_wait3A_387 = tpu.memref_squeeze %dma_wait3A_386 : memref<1x!tpu.dma_semaphore, #tpu.memory_space<semaphore_mem>> -> memref<!tpu.dma_semaphore, #tpu.memory_space<semaphore_mem>>
    %dma_wait3A_388 = arith.constant 0 : i32
    %dma_wait3A_389 = arith.constant 0 : i32
    %dma_wait3A_390 = tpu.memref_slice %arg3[%add3A_4, %dma_wait3A_376, %dma_wait3A_388, %dma_wait3A_389] : memref<64x25x256x128xf32, #tpu.memory_space<hbm>> -> memref<1x1x256x128xf32, #tpu.memory_space<hbm>>
    %dma_wait3A_391 = tpu.memref_squeeze %dma_wait3A_390 : memref<1x1x256x128xf32, #tpu.memory_space<hbm>> -> memref<256x128xf32, #tpu.memory_space<hbm>>
    %dma_wait3A_392 = arith.constant 0 : i32
    %dma_wait3A_393 = arith.constant 0 : i32
    %dma_wait3A_394 = tpu.memref_slice %arg4[%dma_wait3A_375, %dma_wait3A_392, %dma_wait3A_393] : memref<3x256x128xf32, #tpu.memory_space<vmem>> -> memref<1x256x128xf32, #tpu.memory_space<vmem>>
    %dma_wait3A_395 = tpu.memref_squeeze %dma_wait3A_394 : memref<1x256x128xf32, #tpu.memory_space<vmem>> -> memref<256x128xf32, #tpu.memory_space<vmem>>
    tpu.wait_dma2 semaphore(%dma_wait3A_387 : memref<!tpu.dma_semaphore, #tpu.memory_space<semaphore_mem>>) src(%dma_wait3A_395 : memref<256x128xf32, #tpu.memory_space<vmem>>) dst(%dma_wait3A_391 : memref<256x128xf32, #tpu.memory_space<hbm>>)
    %dma_wait3A_396 = arith.constant 0 : i32
    %dma_wait3A_397 = arith.constant 1 : i32
    %dma_wait3A_398 = arith.constant 0 : i32
    %dma_wait3A_399 = arith.constant 0 : i32
    %dma_wait3A_400 = arith.constant 0 : i32
    %dma_wait3A_401 = tpu.memref_slice %arg4[%dma_wait3A_396, %dma_wait3A_399, %dma_wait3A_400] : memref<3x256x128xf32, #tpu.memory_space<vmem>> -> memref<1x256x128xf32, #tpu.memory_space<vmem>>
    %dma_wait3A_402 = tpu.memref_squeeze %dma_wait3A_401 : memref<1x256x128xf32, #tpu.memory_space<vmem>> -> memref<256x128xf32, #tpu.memory_space<vmem>>
    %dma_wait3A_403 = arith.constant 0 : i32
    %dma_wait3A_404 = arith.constant 0 : i32
    %dma_wait3A_405 = tpu.memref_slice %arg3[%add3A_4, %dma_wait3A_397, %dma_wait3A_403, %dma_wait3A_404] : memref<64x25x256x128xf32, #tpu.memory_space<hbm>> -> memref<1x1x256x128xf32, #tpu.memory_space<hbm>>
    %dma_wait3A_406 = tpu.memref_squeeze %dma_wait3A_405 : memref<1x1x256x128xf32, #tpu.memory_space<hbm>> -> memref<256x128xf32, #tpu.memory_space<hbm>>
    %dma_wait3A_407 = tpu.memref_slice %arg6[%dma_wait3A_398] : memref<3x!tpu.dma_semaphore, #tpu.memory_space<semaphore_mem>> -> memref<1x!tpu.dma_semaphore, #tpu.memory_space<semaphore_mem>>
    %dma_wait3A_408 = tpu.memref_squeeze %dma_wait3A_407 : memref<1x!tpu.dma_semaphore, #tpu.memory_space<semaphore_mem>> -> memref<!tpu.dma_semaphore, #tpu.memory_space<semaphore_mem>>
    %dma_wait3A_409 = arith.constant 0 : i32
    %dma_wait3A_410 = arith.constant 0 : i32
    %dma_wait3A_411 = tpu.memref_slice %arg3[%add3A_4, %dma_wait3A_397, %dma_wait3A_409, %dma_wait3A_410] : memref<64x25x256x128xf32, #tpu.memory_space<hbm>> -> memref<1x1x256x128xf32, #tpu.memory_space<hbm>>
    %dma_wait3A_412 = tpu.memref_squeeze %dma_wait3A_411 : memref<1x1x256x128xf32, #tpu.memory_space<hbm>> -> memref<256x128xf32, #tpu.memory_space<hbm>>
    %dma_wait3A_413 = arith.constant 0 : i32
    %dma_wait3A_414 = arith.constant 0 : i32
    %dma_wait3A_415 = tpu.memref_slice %arg4[%dma_wait3A_396, %dma_wait3A_413, %dma_wait3A_414] : memref<3x256x128xf32, #tpu.memory_space<vmem>> -> memref<1x256x128xf32, #tpu.memory_space<vmem>>
    %dma_wait3A_416 = tpu.memref_squeeze %dma_wait3A_415 : memref<1x256x128xf32, #tpu.memory_space<vmem>> -> memref<256x128xf32, #tpu.memory_space<vmem>>
    tpu.wait_dma2 semaphore(%dma_wait3A_408 : memref<!tpu.dma_semaphore, #tpu.memory_space<semaphore_mem>>) src(%dma_wait3A_416 : memref<256x128xf32, #tpu.memory_space<vmem>>) dst(%dma_wait3A_412 : memref<256x128xf32, #tpu.memory_space<hbm>>)
    %dma_wait3A_417 = arith.constant 0 : i32
    %dma_wait3A_418 = arith.constant 2 : i32
    %dma_wait3A_419 = arith.constant 0 : i32
    %dma_wait3A_420 = arith.constant 0 : i32
    %dma_wait3A_421 = arith.constant 0 : i32
    %dma_wait3A_422 = tpu.memref_slice %arg4[%dma_wait3A_417, %dma_wait3A_420, %dma_wait3A_421] : memref<3x256x128xf32, #tpu.memory_space<vmem>> -> memref<1x256x128xf32, #tpu.memory_space<vmem>>
    %dma_wait3A_423 = tpu.memref_squeeze %dma_wait3A_422 : memref<1x256x128xf32, #tpu.memory_space<vmem>> -> memref<256x128xf32, #tpu.memory_space<vmem>>
    %dma_wait3A_424 = arith.constant 0 : i32
    %dma_wait3A_425 = arith.constant 0 : i32
    %dma_wait3A_426 = tpu.memref_slice %arg3[%add3A_4, %dma_wait3A_418, %dma_wait3A_424, %dma_wait3A_425] : memref<64x25x256x128xf32, #tpu.memory_space<hbm>> -> memref<1x1x256x128xf32, #tpu.memory_space<hbm>>
    %dma_wait3A_427 = tpu.memref_squeeze %dma_wait3A_426 : memref<1x1x256x128xf32, #tpu.memory_space<hbm>> -> memref<256x128xf32, #tpu.memory_space<hbm>>
    %dma_wait3A_428 = tpu.memref_slice %arg6[%dma_wait3A_419] : memref<3x!tpu.dma_semaphore, #tpu.memory_space<semaphore_mem>> -> memref<1x!tpu.dma_semaphore, #tpu.memory_space<semaphore_mem>>
    %dma_wait3A_429 = tpu.memref_squeeze %dma_wait3A_428 : memref<1x!tpu.dma_semaphore, #tpu.memory_space<semaphore_mem>> -> memref<!tpu.dma_semaphore, #tpu.memory_space<semaphore_mem>>
    %dma_wait3A_430 = arith.constant 0 : i32
    %dma_wait3A_431 = arith.constant 0 : i32
    %dma_wait3A_432 = tpu.memref_slice %arg3[%add3A_4, %dma_wait3A_418, %dma_wait3A_430, %dma_wait3A_431] : memref<64x25x256x128xf32, #tpu.memory_space<hbm>> -> memref<1x1x256x128xf32, #tpu.memory_space<hbm>>
    %dma_wait3A_433 = tpu.memref_squeeze %dma_wait3A_432 : memref<1x1x256x128xf32, #tpu.memory_space<hbm>> -> memref<256x128xf32, #tpu.memory_space<hbm>>
    %dma_wait3A_434 = arith.constant 0 : i32
    %dma_wait3A_435 = arith.constant 0 : i32
    %dma_wait3A_436 = tpu.memref_slice %arg4[%dma_wait3A_417, %dma_wait3A_434, %dma_wait3A_435] : memref<3x256x128xf32, #tpu.memory_space<vmem>> -> memref<1x256x128xf32, #tpu.memory_space<vmem>>
    %dma_wait3A_437 = tpu.memref_squeeze %dma_wait3A_436 : memref<1x256x128xf32, #tpu.memory_space<vmem>> -> memref<256x128xf32, #tpu.memory_space<vmem>>
    tpu.wait_dma2 semaphore(%dma_wait3A_429 : memref<!tpu.dma_semaphore, #tpu.memory_space<semaphore_mem>>) src(%dma_wait3A_437 : memref<256x128xf32, #tpu.memory_space<vmem>>) dst(%dma_wait3A_433 : memref<256x128xf32, #tpu.memory_space<hbm>>)
    %dma_wait3A_438 = arith.constant 0 : i32
    %dma_wait3A_439 = arith.constant 3 : i32
    %dma_wait3A_440 = arith.constant 0 : i32
    %dma_wait3A_441 = arith.constant 0 : i32
    %dma_wait3A_442 = arith.constant 0 : i32
    %dma_wait3A_443 = tpu.memref_slice %arg4[%dma_wait3A_438, %dma_wait3A_441, %dma_wait3A_442] : memref<3x256x128xf32, #tpu.memory_space<vmem>> -> memref<1x256x128xf32, #tpu.memory_space<vmem>>
    %dma_wait3A_444 = tpu.memref_squeeze %dma_wait3A_443 : memref<1x256x128xf32, #tpu.memory_space<vmem>> -> memref<256x128xf32, #tpu.memory_space<vmem>>
    %dma_wait3A_445 = arith.constant 0 : i32
    %dma_wait3A_446 = arith.constant 0 : i32
    %dma_wait3A_447 = tpu.memref_slice %arg3[%add3A_4, %dma_wait3A_439, %dma_wait3A_445, %dma_wait3A_446] : memref<64x25x256x128xf32, #tpu.memory_space<hbm>> -> memref<1x1x256x128xf32, #tpu.memory_space<hbm>>
    %dma_wait3A_448 = tpu.memref_squeeze %dma_wait3A_447 : memref<1x1x256x128xf32, #tpu.memory_space<hbm>> -> memref<256x128xf32, #tpu.memory_space<hbm>>
    %dma_wait3A_449 = tpu.memref_slice %arg6[%dma_wait3A_440] : memref<3x!tpu.dma_semaphore, #tpu.memory_space<semaphore_mem>> -> memref<1x!tpu.dma_semaphore, #tpu.memory_space<semaphore_mem>>
    %dma_wait3A_450 = tpu.memref_squeeze %dma_wait3A_449 : memref<1x!tpu.dma_semaphore, #tpu.memory_space<semaphore_mem>> -> memref<!tpu.dma_semaphore, #tpu.memory_space<semaphore_mem>>
    %dma_wait3A_451 = arith.constant 0 : i32
    %dma_wait3A_452 = arith.constant 0 : i32
    %dma_wait3A_453 = tpu.memref_slice %arg3[%add3A_4, %dma_wait3A_439, %dma_wait3A_451, %dma_wait3A_452] : memref<64x25x256x128xf32, #tpu.memory_space<hbm>> -> memref<1x1x256x128xf32, #tpu.memory_space<hbm>>
    %dma_wait3A_454 = tpu.memref_squeeze %dma_wait3A_453 : memref<1x1x256x128xf32, #tpu.memory_space<hbm>> -> memref<256x128xf32, #tpu.memory_space<hbm>>
    %dma_wait3A_455 = arith.constant 0 : i32
    %dma_wait3A_456 = arith.constant 0 : i32
    %dma_wait3A_457 = tpu.memref_slice %arg4[%dma_wait3A_438, %dma_wait3A_455, %dma_wait3A_456] : memref<3x256x128xf32, #tpu.memory_space<vmem>> -> memref<1x256x128xf32, #tpu.memory_space<vmem>>
    %dma_wait3A_458 = tpu.memref_squeeze %dma_wait3A_457 : memref<1x256x128xf32, #tpu.memory_space<vmem>> -> memref<256x128xf32, #tpu.memory_space<vmem>>
    tpu.wait_dma2 semaphore(%dma_wait3A_450 : memref<!tpu.dma_semaphore, #tpu.memory_space<semaphore_mem>>) src(%dma_wait3A_458 : memref<256x128xf32, #tpu.memory_space<vmem>>) dst(%dma_wait3A_454 : memref<256x128xf32, #tpu.memory_space<hbm>>)
    %dma_wait3A_459 = arith.constant 0 : i32
    %dma_wait3A_460 = arith.constant 20 : i32
    %dma_wait3A_461 = arith.constant 0 : i32
    %dma_wait3A_462 = arith.constant 0 : i32
    %dma_wait3A_463 = arith.constant 0 : i32
    %dma_wait3A_464 = tpu.memref_slice %arg4[%dma_wait3A_459, %dma_wait3A_462, %dma_wait3A_463] : memref<3x256x128xf32, #tpu.memory_space<vmem>> -> memref<1x256x128xf32, #tpu.memory_space<vmem>>
    %dma_wait3A_465 = tpu.memref_squeeze %dma_wait3A_464 : memref<1x256x128xf32, #tpu.memory_space<vmem>> -> memref<256x128xf32, #tpu.memory_space<vmem>>
    %dma_wait3A_466 = arith.constant 0 : i32
    %dma_wait3A_467 = arith.constant 0 : i32
    %dma_wait3A_468 = tpu.memref_slice %arg3[%add3A_4, %dma_wait3A_460, %dma_wait3A_466, %dma_wait3A_467] : memref<64x25x256x128xf32, #tpu.memory_space<hbm>> -> memref<1x1x256x128xf32, #tpu.memory_space<hbm>>
    %dma_wait3A_469 = tpu.memref_squeeze %dma_wait3A_468 : memref<1x1x256x128xf32, #tpu.memory_space<hbm>> -> memref<256x128xf32, #tpu.memory_space<hbm>>
    %dma_wait3A_470 = tpu.memref_slice %arg6[%dma_wait3A_461] : memref<3x!tpu.dma_semaphore, #tpu.memory_space<semaphore_mem>> -> memref<1x!tpu.dma_semaphore, #tpu.memory_space<semaphore_mem>>
    %dma_wait3A_471 = tpu.memref_squeeze %dma_wait3A_470 : memref<1x!tpu.dma_semaphore, #tpu.memory_space<semaphore_mem>> -> memref<!tpu.dma_semaphore, #tpu.memory_space<semaphore_mem>>
    %dma_wait3A_472 = arith.constant 0 : i32
    %dma_wait3A_473 = arith.constant 0 : i32
    %dma_wait3A_474 = tpu.memref_slice %arg3[%add3A_4, %dma_wait3A_460, %dma_wait3A_472, %dma_wait3A_473] : memref<64x25x256x128xf32, #tpu.memory_space<hbm>> -> memref<1x1x256x128xf32, #tpu.memory_space<hbm>>
    %dma_wait3A_475 = tpu.memref_squeeze %dma_wait3A_474 : memref<1x1x256x128xf32, #tpu.memory_space<hbm>> -> memref<256x128xf32, #tpu.memory_space<hbm>>
    %dma_wait3A_476 = arith.constant 0 : i32
    %dma_wait3A_477 = arith.constant 0 : i32
    %dma_wait3A_478 = tpu.memref_slice %arg4[%dma_wait3A_459, %dma_wait3A_476, %dma_wait3A_477] : memref<3x256x128xf32, #tpu.memory_space<vmem>> -> memref<1x256x128xf32, #tpu.memory_space<vmem>>
    %dma_wait3A_479 = tpu.memref_squeeze %dma_wait3A_478 : memref<1x256x128xf32, #tpu.memory_space<vmem>> -> memref<256x128xf32, #tpu.memory_space<vmem>>
    tpu.wait_dma2 semaphore(%dma_wait3A_471 : memref<!tpu.dma_semaphore, #tpu.memory_space<semaphore_mem>>) src(%dma_wait3A_479 : memref<256x128xf32, #tpu.memory_space<vmem>>) dst(%dma_wait3A_475 : memref<256x128xf32, #tpu.memory_space<hbm>>)
    %dma_start3A_480 = arith.constant 3 : i32
    %dma_start3A_481 = arith.constant 0 : i32
    %dma_start3A_482 = arith.constant 0 : i32
    %dma_start3A_483 = arith.constant 0 : i32
    %dma_start3A_484 = arith.constant 0 : i32
    %dma_start3A_485 = tpu.memref_slice %arg4[%dma_start3A_481, %dma_start3A_483, %dma_start3A_484] : memref<3x256x128xf32, #tpu.memory_space<vmem>> -> memref<1x256x128xf32, #tpu.memory_space<vmem>>
    %dma_start3A_486 = tpu.memref_squeeze %dma_start3A_485 : memref<1x256x128xf32, #tpu.memory_space<vmem>> -> memref<256x128xf32, #tpu.memory_space<vmem>>
    %dma_start3A_487 = arith.constant 0 : i32
    %dma_start3A_488 = arith.constant 0 : i32
    %dma_start3A_489 = tpu.memref_slice %arg2[%add3A_16, %dma_start3A_480, %dma_start3A_487, %dma_start3A_488] : memref<64x5x256x128xf32, #tpu.memory_space<hbm>> -> memref<1x1x256x128xf32, #tpu.memory_space<hbm>>
    %dma_start3A_490 = tpu.memref_squeeze %dma_start3A_489 : memref<1x1x256x128xf32, #tpu.memory_space<hbm>> -> memref<256x128xf32, #tpu.memory_space<hbm>>
    %dma_start3A_491 = tpu.memref_slice %arg5[%dma_start3A_482] : memref<3x!tpu.dma_semaphore, #tpu.memory_space<semaphore_mem>> -> memref<1x!tpu.dma_semaphore, #tpu.memory_space<semaphore_mem>>
    %dma_start3A_492 = tpu.memref_squeeze %dma_start3A_491 : memref<1x!tpu.dma_semaphore, #tpu.memory_space<semaphore_mem>> -> memref<!tpu.dma_semaphore, #tpu.memory_space<semaphore_mem>>
    %dma_start3A_493 = arith.constant 0 : i32
    %dma_start3A_494 = arith.constant 0 : i32
    %dma_start3A_495 = tpu.memref_slice %arg4[%dma_start3A_481, %dma_start3A_493, %dma_start3A_494] : memref<3x256x128xf32, #tpu.memory_space<vmem>> -> memref<1x256x128xf32, #tpu.memory_space<vmem>>
    %dma_start3A_496 = tpu.memref_squeeze %dma_start3A_495 : memref<1x256x128xf32, #tpu.memory_space<vmem>> -> memref<256x128xf32, #tpu.memory_space<vmem>>
    %dma_start3A_497 = arith.constant 0 : i32
    %dma_start3A_498 = arith.constant 0 : i32
    %dma_start3A_499 = tpu.memref_slice %arg2[%add3A_16, %dma_start3A_480, %dma_start3A_497, %dma_start3A_498] : memref<64x5x256x128xf32, #tpu.memory_space<hbm>> -> memref<1x1x256x128xf32, #tpu.memory_space<hbm>>
    %dma_start3A_500 = tpu.memref_squeeze %dma_start3A_499 : memref<1x1x256x128xf32, #tpu.memory_space<hbm>> -> memref<256x128xf32, #tpu.memory_space<hbm>>
    tpu.enqueue_dma source(%dma_start3A_500 : memref<256x128xf32, #tpu.memory_space<hbm>>) target(%dma_start3A_496 : memref<256x128xf32, #tpu.memory_space<vmem>>) target_semaphore(%dma_start3A_492 : memref<!tpu.dma_semaphore, #tpu.memory_space<semaphore_mem>>)
    %dma_wait3A_501 = arith.constant 2 : i32
    %dma_wait3A_502 = arith.constant 2 : i32
    %dma_wait3A_503 = arith.constant 2 : i32
    %dma_wait3A_504 = arith.constant 0 : i32
    %dma_wait3A_505 = arith.constant 0 : i32
    %dma_wait3A_506 = tpu.memref_slice %arg4[%dma_wait3A_502, %dma_wait3A_504, %dma_wait3A_505] : memref<3x256x128xf32, #tpu.memory_space<vmem>> -> memref<1x256x128xf32, #tpu.memory_space<vmem>>
    %dma_wait3A_507 = tpu.memref_squeeze %dma_wait3A_506 : memref<1x256x128xf32, #tpu.memory_space<vmem>> -> memref<256x128xf32, #tpu.memory_space<vmem>>
    %dma_wait3A_508 = arith.constant 0 : i32
    %dma_wait3A_509 = arith.constant 0 : i32
    %dma_wait3A_510 = tpu.memref_slice %arg2[%add3A_12, %dma_wait3A_501, %dma_wait3A_508, %dma_wait3A_509] : memref<64x5x256x128xf32, #tpu.memory_space<hbm>> -> memref<1x1x256x128xf32, #tpu.memory_space<hbm>>
    %dma_wait3A_511 = tpu.memref_squeeze %dma_wait3A_510 : memref<1x1x256x128xf32, #tpu.memory_space<hbm>> -> memref<256x128xf32, #tpu.memory_space<hbm>>
    %dma_wait3A_512 = tpu.memref_slice %arg5[%dma_wait3A_503] : memref<3x!tpu.dma_semaphore, #tpu.memory_space<semaphore_mem>> -> memref<1x!tpu.dma_semaphore, #tpu.memory_space<semaphore_mem>>
    %dma_wait3A_513 = tpu.memref_squeeze %dma_wait3A_512 : memref<1x!tpu.dma_semaphore, #tpu.memory_space<semaphore_mem>> -> memref<!tpu.dma_semaphore, #tpu.memory_space<semaphore_mem>>
    %dma_wait3A_514 = arith.constant 0 : i32
    %dma_wait3A_515 = arith.constant 0 : i32
    %dma_wait3A_516 = tpu.memref_slice %arg4[%dma_wait3A_502, %dma_wait3A_514, %dma_wait3A_515] : memref<3x256x128xf32, #tpu.memory_space<vmem>> -> memref<1x256x128xf32, #tpu.memory_space<vmem>>
    %dma_wait3A_517 = tpu.memref_squeeze %dma_wait3A_516 : memref<1x256x128xf32, #tpu.memory_space<vmem>> -> memref<256x128xf32, #tpu.memory_space<vmem>>
    %dma_wait3A_518 = arith.constant 0 : i32
    %dma_wait3A_519 = arith.constant 0 : i32
    %dma_wait3A_520 = tpu.memref_slice %arg2[%add3A_12, %dma_wait3A_501, %dma_wait3A_518, %dma_wait3A_519] : memref<64x5x256x128xf32, #tpu.memory_space<hbm>> -> memref<1x1x256x128xf32, #tpu.memory_space<hbm>>
    %dma_wait3A_521 = tpu.memref_squeeze %dma_wait3A_520 : memref<1x1x256x128xf32, #tpu.memory_space<hbm>> -> memref<256x128xf32, #tpu.memory_space<hbm>>
    tpu.wait_dma2 semaphore(%dma_wait3A_513 : memref<!tpu.dma_semaphore, #tpu.memory_space<semaphore_mem>>) src(%dma_wait3A_521 : memref<256x128xf32, #tpu.memory_space<hbm>>) dst(%dma_wait3A_517 : memref<256x128xf32, #tpu.memory_space<vmem>>)
    %dma_start3A_522 = arith.constant 2 : i32
    %dma_start3A_523 = arith.constant 8 : i32
    %dma_start3A_524 = arith.constant 2 : i32
    %dma_start3A_525 = arith.constant 0 : i32
    %dma_start3A_526 = arith.constant 0 : i32
    %dma_start3A_527 = tpu.memref_slice %arg4[%dma_start3A_522, %dma_start3A_525, %dma_start3A_526] : memref<3x256x128xf32, #tpu.memory_space<vmem>> -> memref<1x256x128xf32, #tpu.memory_space<vmem>>
    %dma_start3A_528 = tpu.memref_squeeze %dma_start3A_527 : memref<1x256x128xf32, #tpu.memory_space<vmem>> -> memref<256x128xf32, #tpu.memory_space<vmem>>
    %dma_start3A_529 = arith.constant 0 : i32
    %dma_start3A_530 = arith.constant 0 : i32
    %dma_start3A_531 = tpu.memref_slice %arg3[%add3A_12, %dma_start3A_523, %dma_start3A_529, %dma_start3A_530] : memref<64x25x256x128xf32, #tpu.memory_space<hbm>> -> memref<1x1x256x128xf32, #tpu.memory_space<hbm>>
    %dma_start3A_532 = tpu.memref_squeeze %dma_start3A_531 : memref<1x1x256x128xf32, #tpu.memory_space<hbm>> -> memref<256x128xf32, #tpu.memory_space<hbm>>
    %dma_start3A_533 = tpu.memref_slice %arg6[%dma_start3A_524] : memref<3x!tpu.dma_semaphore, #tpu.memory_space<semaphore_mem>> -> memref<1x!tpu.dma_semaphore, #tpu.memory_space<semaphore_mem>>
    %dma_start3A_534 = tpu.memref_squeeze %dma_start3A_533 : memref<1x!tpu.dma_semaphore, #tpu.memory_space<semaphore_mem>> -> memref<!tpu.dma_semaphore, #tpu.memory_space<semaphore_mem>>
    %dma_start3A_535 = arith.constant 0 : i32
    %dma_start3A_536 = arith.constant 0 : i32
    %dma_start3A_537 = tpu.memref_slice %arg3[%add3A_12, %dma_start3A_523, %dma_start3A_535, %dma_start3A_536] : memref<64x25x256x128xf32, #tpu.memory_space<hbm>> -> memref<1x1x256x128xf32, #tpu.memory_space<hbm>>
    %dma_start3A_538 = tpu.memref_squeeze %dma_start3A_537 : memref<1x1x256x128xf32, #tpu.memory_space<hbm>> -> memref<256x128xf32, #tpu.memory_space<hbm>>
    %dma_start3A_539 = arith.constant 0 : i32
    %dma_start3A_540 = arith.constant 0 : i32
    %dma_start3A_541 = tpu.memref_slice %arg4[%dma_start3A_522, %dma_start3A_539, %dma_start3A_540] : memref<3x256x128xf32, #tpu.memory_space<vmem>> -> memref<1x256x128xf32, #tpu.memory_space<vmem>>
    %dma_start3A_542 = tpu.memref_squeeze %dma_start3A_541 : memref<1x256x128xf32, #tpu.memory_space<vmem>> -> memref<256x128xf32, #tpu.memory_space<vmem>>
    tpu.enqueue_dma source(%dma_start3A_542 : memref<256x128xf32, #tpu.memory_space<vmem>>) target(%dma_start3A_538 : memref<256x128xf32, #tpu.memory_space<hbm>>) target_semaphore(%dma_start3A_534 : memref<!tpu.dma_semaphore, #tpu.memory_space<semaphore_mem>>)
    %dma_start3A_543 = arith.constant 2 : i32
    %dma_start3A_544 = arith.constant 9 : i32
    %dma_start3A_545 = arith.constant 2 : i32
    %dma_start3A_546 = arith.constant 0 : i32
    %dma_start3A_547 = arith.constant 0 : i32
    %dma_start3A_548 = tpu.memref_slice %arg4[%dma_start3A_543, %dma_start3A_546, %dma_start3A_547] : memref<3x256x128xf32, #tpu.memory_space<vmem>> -> memref<1x256x128xf32, #tpu.memory_space<vmem>>
    %dma_start3A_549 = tpu.memref_squeeze %dma_start3A_548 : memref<1x256x128xf32, #tpu.memory_space<vmem>> -> memref<256x128xf32, #tpu.memory_space<vmem>>
    %dma_start3A_550 = arith.constant 0 : i32
    %dma_start3A_551 = arith.constant 0 : i32
    %dma_start3A_552 = tpu.memref_slice %arg3[%add3A_12, %dma_start3A_544, %dma_start3A_550, %dma_start3A_551] : memref<64x25x256x128xf32, #tpu.memory_space<hbm>> -> memref<1x1x256x128xf32, #tpu.memory_space<hbm>>
    %dma_start3A_553 = tpu.memref_squeeze %dma_start3A_552 : memref<1x1x256x128xf32, #tpu.memory_space<hbm>> -> memref<256x128xf32, #tpu.memory_space<hbm>>
    %dma_start3A_554 = tpu.memref_slice %arg6[%dma_start3A_545] : memref<3x!tpu.dma_semaphore, #tpu.memory_space<semaphore_mem>> -> memref<1x!tpu.dma_semaphore, #tpu.memory_space<semaphore_mem>>
    %dma_start3A_555 = tpu.memref_squeeze %dma_start3A_554 : memref<1x!tpu.dma_semaphore, #tpu.memory_space<semaphore_mem>> -> memref<!tpu.dma_semaphore, #tpu.memory_space<semaphore_mem>>
    %dma_start3A_556 = arith.constant 0 : i32
    %dma_start3A_557 = arith.constant 0 : i32
    %dma_start3A_558 = tpu.memref_slice %arg3[%add3A_12, %dma_start3A_544, %dma_start3A_556, %dma_start3A_557] : memref<64x25x256x128xf32, #tpu.memory_space<hbm>> -> memref<1x1x256x128xf32, #tpu.memory_space<hbm>>
    %dma_start3A_559 = tpu.memref_squeeze %dma_start3A_558 : memref<1x1x256x128xf32, #tpu.memory_space<hbm>> -> memref<256x128xf32, #tpu.memory_space<hbm>>
    %dma_start3A_560 = arith.constant 0 : i32
    %dma_start3A_561 = arith.constant 0 : i32
    %dma_start3A_562 = tpu.memref_slice %arg4[%dma_start3A_543, %dma_start3A_560, %dma_start3A_561] : memref<3x256x128xf32, #tpu.memory_space<vmem>> -> memref<1x256x128xf32, #tpu.memory_space<vmem>>
    %dma_start3A_563 = tpu.memref_squeeze %dma_start3A_562 : memref<1x256x128xf32, #tpu.memory_space<vmem>> -> memref<256x128xf32, #tpu.memory_space<vmem>>
    tpu.enqueue_dma source(%dma_start3A_563 : memref<256x128xf32, #tpu.memory_space<vmem>>) target(%dma_start3A_559 : memref<256x128xf32, #tpu.memory_space<hbm>>) target_semaphore(%dma_start3A_555 : memref<!tpu.dma_semaphore, #tpu.memory_space<semaphore_mem>>)
    %dma_start3A_564 = arith.constant 2 : i32
    %dma_start3A_565 = arith.constant 10 : i32
    %dma_start3A_566 = arith.constant 2 : i32
    %dma_start3A_567 = arith.constant 0 : i32
    %dma_start3A_568 = arith.constant 0 : i32
    %dma_start3A_569 = tpu.memref_slice %arg4[%dma_start3A_564, %dma_start3A_567, %dma_start3A_568] : memref<3x256x128xf32, #tpu.memory_space<vmem>> -> memref<1x256x128xf32, #tpu.memory_space<vmem>>
    %dma_start3A_570 = tpu.memref_squeeze %dma_start3A_569 : memref<1x256x128xf32, #tpu.memory_space<vmem>> -> memref<256x128xf32, #tpu.memory_space<vmem>>
    %dma_start3A_571 = arith.constant 0 : i32
    %dma_start3A_572 = arith.constant 0 : i32
    %dma_start3A_573 = tpu.memref_slice %arg3[%add3A_12, %dma_start3A_565, %dma_start3A_571, %dma_start3A_572] : memref<64x25x256x128xf32, #tpu.memory_space<hbm>> -> memref<1x1x256x128xf32, #tpu.memory_space<hbm>>
    %dma_start3A_574 = tpu.memref_squeeze %dma_start3A_573 : memref<1x1x256x128xf32, #tpu.memory_space<hbm>> -> memref<256x128xf32, #tpu.memory_space<hbm>>
    %dma_start3A_575 = tpu.memref_slice %arg6[%dma_start3A_566] : memref<3x!tpu.dma_semaphore, #tpu.memory_space<semaphore_mem>> -> memref<1x!tpu.dma_semaphore, #tpu.memory_space<semaphore_mem>>
    %dma_start3A_576 = tpu.memref_squeeze %dma_start3A_575 : memref<1x!tpu.dma_semaphore, #tpu.memory_space<semaphore_mem>> -> memref<!tpu.dma_semaphore, #tpu.memory_space<semaphore_mem>>
    %dma_start3A_577 = arith.constant 0 : i32
    %dma_start3A_578 = arith.constant 0 : i32
    %dma_start3A_579 = tpu.memref_slice %arg3[%add3A_12, %dma_start3A_565, %dma_start3A_577, %dma_start3A_578] : memref<64x25x256x128xf32, #tpu.memory_space<hbm>> -> memref<1x1x256x128xf32, #tpu.memory_space<hbm>>
    %dma_start3A_580 = tpu.memref_squeeze %dma_start3A_579 : memref<1x1x256x128xf32, #tpu.memory_space<hbm>> -> memref<256x128xf32, #tpu.memory_space<hbm>>
    %dma_start3A_581 = arith.constant 0 : i32
    %dma_start3A_582 = arith.constant 0 : i32
    %dma_start3A_583 = tpu.memref_slice %arg4[%dma_start3A_564, %dma_start3A_581, %dma_start3A_582] : memref<3x256x128xf32, #tpu.memory_space<vmem>> -> memref<1x256x128xf32, #tpu.memory_space<vmem>>
    %dma_start3A_584 = tpu.memref_squeeze %dma_start3A_583 : memref<1x256x128xf32, #tpu.memory_space<vmem>> -> memref<256x128xf32, #tpu.memory_space<vmem>>
    tpu.enqueue_dma source(%dma_start3A_584 : memref<256x128xf32, #tpu.memory_space<vmem>>) target(%dma_start3A_580 : memref<256x128xf32, #tpu.memory_space<hbm>>) target_semaphore(%dma_start3A_576 : memref<!tpu.dma_semaphore, #tpu.memory_space<semaphore_mem>>)
    %dma_start3A_585 = arith.constant 2 : i32
    %dma_start3A_586 = arith.constant 11 : i32
    %dma_start3A_587 = arith.constant 2 : i32
    %dma_start3A_588 = arith.constant 0 : i32
    %dma_start3A_589 = arith.constant 0 : i32
    %dma_start3A_590 = tpu.memref_slice %arg4[%dma_start3A_585, %dma_start3A_588, %dma_start3A_589] : memref<3x256x128xf32, #tpu.memory_space<vmem>> -> memref<1x256x128xf32, #tpu.memory_space<vmem>>
    %dma_start3A_591 = tpu.memref_squeeze %dma_start3A_590 : memref<1x256x128xf32, #tpu.memory_space<vmem>> -> memref<256x128xf32, #tpu.memory_space<vmem>>
    %dma_start3A_592 = arith.constant 0 : i32
    %dma_start3A_593 = arith.constant 0 : i32
    %dma_start3A_594 = tpu.memref_slice %arg3[%add3A_12, %dma_start3A_586, %dma_start3A_592, %dma_start3A_593] : memref<64x25x256x128xf32, #tpu.memory_space<hbm>> -> memref<1x1x256x128xf32, #tpu.memory_space<hbm>>
    %dma_start3A_595 = tpu.memref_squeeze %dma_start3A_594 : memref<1x1x256x128xf32, #tpu.memory_space<hbm>> -> memref<256x128xf32, #tpu.memory_space<hbm>>
    %dma_start3A_596 = tpu.memref_slice %arg6[%dma_start3A_587] : memref<3x!tpu.dma_semaphore, #tpu.memory_space<semaphore_mem>> -> memref<1x!tpu.dma_semaphore, #tpu.memory_space<semaphore_mem>>
    %dma_start3A_597 = tpu.memref_squeeze %dma_start3A_596 : memref<1x!tpu.dma_semaphore, #tpu.memory_space<semaphore_mem>> -> memref<!tpu.dma_semaphore, #tpu.memory_space<semaphore_mem>>
    %dma_start3A_598 = arith.constant 0 : i32
    %dma_start3A_599 = arith.constant 0 : i32
    %dma_start3A_600 = tpu.memref_slice %arg3[%add3A_12, %dma_start3A_586, %dma_start3A_598, %dma_start3A_599] : memref<64x25x256x128xf32, #tpu.memory_space<hbm>> -> memref<1x1x256x128xf32, #tpu.memory_space<hbm>>
    %dma_start3A_601 = tpu.memref_squeeze %dma_start3A_600 : memref<1x1x256x128xf32, #tpu.memory_space<hbm>> -> memref<256x128xf32, #tpu.memory_space<hbm>>
    %dma_start3A_602 = arith.constant 0 : i32
    %dma_start3A_603 = arith.constant 0 : i32
    %dma_start3A_604 = tpu.memref_slice %arg4[%dma_start3A_585, %dma_start3A_602, %dma_start3A_603] : memref<3x256x128xf32, #tpu.memory_space<vmem>> -> memref<1x256x128xf32, #tpu.memory_space<vmem>>
    %dma_start3A_605 = tpu.memref_squeeze %dma_start3A_604 : memref<1x256x128xf32, #tpu.memory_space<vmem>> -> memref<256x128xf32, #tpu.memory_space<vmem>>
    tpu.enqueue_dma source(%dma_start3A_605 : memref<256x128xf32, #tpu.memory_space<vmem>>) target(%dma_start3A_601 : memref<256x128xf32, #tpu.memory_space<hbm>>) target_semaphore(%dma_start3A_597 : memref<!tpu.dma_semaphore, #tpu.memory_space<semaphore_mem>>)
    %dma_start3A_606 = arith.constant 2 : i32
    %dma_start3A_607 = arith.constant 23 : i32
    %dma_start3A_608 = arith.constant 2 : i32
    %dma_start3A_609 = arith.constant 0 : i32
    %dma_start3A_610 = arith.constant 0 : i32
    %dma_start3A_611 = tpu.memref_slice %arg4[%dma_start3A_606, %dma_start3A_609, %dma_start3A_610] : memref<3x256x128xf32, #tpu.memory_space<vmem>> -> memref<1x256x128xf32, #tpu.memory_space<vmem>>
    %dma_start3A_612 = tpu.memref_squeeze %dma_start3A_611 : memref<1x256x128xf32, #tpu.memory_space<vmem>> -> memref<256x128xf32, #tpu.memory_space<vmem>>
    %dma_start3A_613 = arith.constant 0 : i32
    %dma_start3A_614 = arith.constant 0 : i32
    %dma_start3A_615 = tpu.memref_slice %arg3[%add3A_12, %dma_start3A_607, %dma_start3A_613, %dma_start3A_614] : memref<64x25x256x128xf32, #tpu.memory_space<hbm>> -> memref<1x1x256x128xf32, #tpu.memory_space<hbm>>
    %dma_start3A_616 = tpu.memref_squeeze %dma_start3A_615 : memref<1x1x256x128xf32, #tpu.memory_space<hbm>> -> memref<256x128xf32, #tpu.memory_space<hbm>>
    %dma_start3A_617 = tpu.memref_slice %arg6[%dma_start3A_608] : memref<3x!tpu.dma_semaphore, #tpu.memory_space<semaphore_mem>> -> memref<1x!tpu.dma_semaphore, #tpu.memory_space<semaphore_mem>>
    %dma_start3A_618 = tpu.memref_squeeze %dma_start3A_617 : memref<1x!tpu.dma_semaphore, #tpu.memory_space<semaphore_mem>> -> memref<!tpu.dma_semaphore, #tpu.memory_space<semaphore_mem>>
    %dma_start3A_619 = arith.constant 0 : i32
    %dma_start3A_620 = arith.constant 0 : i32
    %dma_start3A_621 = tpu.memref_slice %arg3[%add3A_12, %dma_start3A_607, %dma_start3A_619, %dma_start3A_620] : memref<64x25x256x128xf32, #tpu.memory_space<hbm>> -> memref<1x1x256x128xf32, #tpu.memory_space<hbm>>
    %dma_start3A_622 = tpu.memref_squeeze %dma_start3A_621 : memref<1x1x256x128xf32, #tpu.memory_space<hbm>> -> memref<256x128xf32, #tpu.memory_space<hbm>>
    %dma_start3A_623 = arith.constant 0 : i32
    %dma_start3A_624 = arith.constant 0 : i32
    %dma_start3A_625 = tpu.memref_slice %arg4[%dma_start3A_606, %dma_start3A_623, %dma_start3A_624] : memref<3x256x128xf32, #tpu.memory_space<vmem>> -> memref<1x256x128xf32, #tpu.memory_space<vmem>>
    %dma_start3A_626 = tpu.memref_squeeze %dma_start3A_625 : memref<1x256x128xf32, #tpu.memory_space<vmem>> -> memref<256x128xf32, #tpu.memory_space<vmem>>
    tpu.enqueue_dma source(%dma_start3A_626 : memref<256x128xf32, #tpu.memory_space<vmem>>) target(%dma_start3A_622 : memref<256x128xf32, #tpu.memory_space<hbm>>) target_semaphore(%dma_start3A_618 : memref<!tpu.dma_semaphore, #tpu.memory_space<semaphore_mem>>)
    %dma_start3A_627 = arith.constant 2 : i32
    %dma_start3A_628 = arith.constant 24 : i32
    %dma_start3A_629 = arith.constant 2 : i32
    %dma_start3A_630 = arith.constant 0 : i32
    %dma_start3A_631 = arith.constant 0 : i32
    %dma_start3A_632 = tpu.memref_slice %arg4[%dma_start3A_627, %dma_start3A_630, %dma_start3A_631] : memref<3x256x128xf32, #tpu.memory_space<vmem>> -> memref<1x256x128xf32, #tpu.memory_space<vmem>>
    %dma_start3A_633 = tpu.memref_squeeze %dma_start3A_632 : memref<1x256x128xf32, #tpu.memory_space<vmem>> -> memref<256x128xf32, #tpu.memory_space<vmem>>
    %dma_start3A_634 = arith.constant 0 : i32
    %dma_start3A_635 = arith.constant 0 : i32
    %dma_start3A_636 = tpu.memref_slice %arg3[%add3A_12, %dma_start3A_628, %dma_start3A_634, %dma_start3A_635] : memref<64x25x256x128xf32, #tpu.memory_space<hbm>> -> memref<1x1x256x128xf32, #tpu.memory_space<hbm>>
    %dma_start3A_637 = tpu.memref_squeeze %dma_start3A_636 : memref<1x1x256x128xf32, #tpu.memory_space<hbm>> -> memref<256x128xf32, #tpu.memory_space<hbm>>
    %dma_start3A_638 = tpu.memref_slice %arg6[%dma_start3A_629] : memref<3x!tpu.dma_semaphore, #tpu.memory_space<semaphore_mem>> -> memref<1x!tpu.dma_semaphore, #tpu.memory_space<semaphore_mem>>
    %dma_start3A_639 = tpu.memref_squeeze %dma_start3A_638 : memref<1x!tpu.dma_semaphore, #tpu.memory_space<semaphore_mem>> -> memref<!tpu.dma_semaphore, #tpu.memory_space<semaphore_mem>>
    %dma_start3A_640 = arith.constant 0 : i32
    %dma_start3A_641 = arith.constant 0 : i32
    %dma_start3A_642 = tpu.memref_slice %arg3[%add3A_12, %dma_start3A_628, %dma_start3A_640, %dma_start3A_641] : memref<64x25x256x128xf32, #tpu.memory_space<hbm>> -> memref<1x1x256x128xf32, #tpu.memory_space<hbm>>
    %dma_start3A_643 = tpu.memref_squeeze %dma_start3A_642 : memref<1x1x256x128xf32, #tpu.memory_space<hbm>> -> memref<256x128xf32, #tpu.memory_space<hbm>>
    %dma_start3A_644 = arith.constant 0 : i32
    %dma_start3A_645 = arith.constant 0 : i32
    %dma_start3A_646 = tpu.memref_slice %arg4[%dma_start3A_627, %dma_start3A_644, %dma_start3A_645] : memref<3x256x128xf32, #tpu.memory_space<vmem>> -> memref<1x256x128xf32, #tpu.memory_space<vmem>>
    %dma_start3A_647 = tpu.memref_squeeze %dma_start3A_646 : memref<1x256x128xf32, #tpu.memory_space<vmem>> -> memref<256x128xf32, #tpu.memory_space<vmem>>
    tpu.enqueue_dma source(%dma_start3A_647 : memref<256x128xf32, #tpu.memory_space<vmem>>) target(%dma_start3A_643 : memref<256x128xf32, #tpu.memory_space<hbm>>) target_semaphore(%dma_start3A_639 : memref<!tpu.dma_semaphore, #tpu.memory_space<semaphore_mem>>)
    %dma_wait3A_648 = arith.constant 1 : i32
    %dma_wait3A_649 = arith.constant 4 : i32
    %dma_wait3A_650 = arith.constant 1 : i32
    %dma_wait3A_651 = arith.constant 0 : i32
    %dma_wait3A_652 = arith.constant 0 : i32
    %dma_wait3A_653 = tpu.memref_slice %arg4[%dma_wait3A_648, %dma_wait3A_651, %dma_wait3A_652] : memref<3x256x128xf32, #tpu.memory_space<vmem>> -> memref<1x256x128xf32, #tpu.memory_space<vmem>>
    %dma_wait3A_654 = tpu.memref_squeeze %dma_wait3A_653 : memref<1x256x128xf32, #tpu.memory_space<vmem>> -> memref<256x128xf32, #tpu.memory_space<vmem>>
    %dma_wait3A_655 = arith.constant 0 : i32
    %dma_wait3A_656 = arith.constant 0 : i32
    %dma_wait3A_657 = tpu.memref_slice %arg3[%add3A_8, %dma_wait3A_649, %dma_wait3A_655, %dma_wait3A_656] : memref<64x25x256x128xf32, #tpu.memory_space<hbm>> -> memref<1x1x256x128xf32, #tpu.memory_space<hbm>>
    %dma_wait3A_658 = tpu.memref_squeeze %dma_wait3A_657 : memref<1x1x256x128xf32, #tpu.memory_space<hbm>> -> memref<256x128xf32, #tpu.memory_space<hbm>>
    %dma_wait3A_659 = tpu.memref_slice %arg6[%dma_wait3A_650] : memref<3x!tpu.dma_semaphore, #tpu.memory_space<semaphore_mem>> -> memref<1x!tpu.dma_semaphore, #tpu.memory_space<semaphore_mem>>
    %dma_wait3A_660 = tpu.memref_squeeze %dma_wait3A_659 : memref<1x!tpu.dma_semaphore, #tpu.memory_space<semaphore_mem>> -> memref<!tpu.dma_semaphore, #tpu.memory_space<semaphore_mem>>
    %dma_wait3A_661 = arith.constant 0 : i32
    %dma_wait3A_662 = arith.constant 0 : i32
    %dma_wait3A_663 = tpu.memref_slice %arg3[%add3A_8, %dma_wait3A_649, %dma_wait3A_661, %dma_wait3A_662] : memref<64x25x256x128xf32, #tpu.memory_space<hbm>> -> memref<1x1x256x128xf32, #tpu.memory_space<hbm>>
    %dma_wait3A_664 = tpu.memref_squeeze %dma_wait3A_663 : memref<1x1x256x128xf32, #tpu.memory_space<hbm>> -> memref<256x128xf32, #tpu.memory_space<hbm>>
    %dma_wait3A_665 = arith.constant 0 : i32
    %dma_wait3A_666 = arith.constant 0 : i32
    %dma_wait3A_667 = tpu.memref_slice %arg4[%dma_wait3A_648, %dma_wait3A_665, %dma_wait3A_666] : memref<3x256x128xf32, #tpu.memory_space<vmem>> -> memref<1x256x128xf32, #tpu.memory_space<vmem>>
    %dma_wait3A_668 = tpu.memref_squeeze %dma_wait3A_667 : memref<1x256x128xf32, #tpu.memory_space<vmem>> -> memref<256x128xf32, #tpu.memory_space<vmem>>
    tpu.wait_dma2 semaphore(%dma_wait3A_660 : memref<!tpu.dma_semaphore, #tpu.memory_space<semaphore_mem>>) src(%dma_wait3A_668 : memref<256x128xf32, #tpu.memory_space<vmem>>) dst(%dma_wait3A_664 : memref<256x128xf32, #tpu.memory_space<hbm>>)
    %dma_wait3A_669 = arith.constant 1 : i32
    %dma_wait3A_670 = arith.constant 5 : i32
    %dma_wait3A_671 = arith.constant 1 : i32
    %dma_wait3A_672 = arith.constant 0 : i32
    %dma_wait3A_673 = arith.constant 0 : i32
    %dma_wait3A_674 = tpu.memref_slice %arg4[%dma_wait3A_669, %dma_wait3A_672, %dma_wait3A_673] : memref<3x256x128xf32, #tpu.memory_space<vmem>> -> memref<1x256x128xf32, #tpu.memory_space<vmem>>
    %dma_wait3A_675 = tpu.memref_squeeze %dma_wait3A_674 : memref<1x256x128xf32, #tpu.memory_space<vmem>> -> memref<256x128xf32, #tpu.memory_space<vmem>>
    %dma_wait3A_676 = arith.constant 0 : i32
    %dma_wait3A_677 = arith.constant 0 : i32
    %dma_wait3A_678 = tpu.memref_slice %arg3[%add3A_8, %dma_wait3A_670, %dma_wait3A_676, %dma_wait3A_677] : memref<64x25x256x128xf32, #tpu.memory_space<hbm>> -> memref<1x1x256x128xf32, #tpu.memory_space<hbm>>
    %dma_wait3A_679 = tpu.memref_squeeze %dma_wait3A_678 : memref<1x1x256x128xf32, #tpu.memory_space<hbm>> -> memref<256x128xf32, #tpu.memory_space<hbm>>
    %dma_wait3A_680 = tpu.memref_slice %arg6[%dma_wait3A_671] : memref<3x!tpu.dma_semaphore, #tpu.memory_space<semaphore_mem>> -> memref<1x!tpu.dma_semaphore, #tpu.memory_space<semaphore_mem>>
    %dma_wait3A_681 = tpu.memref_squeeze %dma_wait3A_680 : memref<1x!tpu.dma_semaphore, #tpu.memory_space<semaphore_mem>> -> memref<!tpu.dma_semaphore, #tpu.memory_space<semaphore_mem>>
    %dma_wait3A_682 = arith.constant 0 : i32
    %dma_wait3A_683 = arith.constant 0 : i32
    %dma_wait3A_684 = tpu.memref_slice %arg3[%add3A_8, %dma_wait3A_670, %dma_wait3A_682, %dma_wait3A_683] : memref<64x25x256x128xf32, #tpu.memory_space<hbm>> -> memref<1x1x256x128xf32, #tpu.memory_space<hbm>>
    %dma_wait3A_685 = tpu.memref_squeeze %dma_wait3A_684 : memref<1x1x256x128xf32, #tpu.memory_space<hbm>> -> memref<256x128xf32, #tpu.memory_space<hbm>>
    %dma_wait3A_686 = arith.constant 0 : i32
    %dma_wait3A_687 = arith.constant 0 : i32
    %dma_wait3A_688 = tpu.memref_slice %arg4[%dma_wait3A_669, %dma_wait3A_686, %dma_wait3A_687] : memref<3x256x128xf32, #tpu.memory_space<vmem>> -> memref<1x256x128xf32, #tpu.memory_space<vmem>>
    %dma_wait3A_689 = tpu.memref_squeeze %dma_wait3A_688 : memref<1x256x128xf32, #tpu.memory_space<vmem>> -> memref<256x128xf32, #tpu.memory_space<vmem>>
    tpu.wait_dma2 semaphore(%dma_wait3A_681 : memref<!tpu.dma_semaphore, #tpu.memory_space<semaphore_mem>>) src(%dma_wait3A_689 : memref<256x128xf32, #tpu.memory_space<vmem>>) dst(%dma_wait3A_685 : memref<256x128xf32, #tpu.memory_space<hbm>>)
    %dma_wait3A_690 = arith.constant 1 : i32
    %dma_wait3A_691 = arith.constant 6 : i32
    %dma_wait3A_692 = arith.constant 1 : i32
    %dma_wait3A_693 = arith.constant 0 : i32
    %dma_wait3A_694 = arith.constant 0 : i32
    %dma_wait3A_695 = tpu.memref_slice %arg4[%dma_wait3A_690, %dma_wait3A_693, %dma_wait3A_694] : memref<3x256x128xf32, #tpu.memory_space<vmem>> -> memref<1x256x128xf32, #tpu.memory_space<vmem>>
    %dma_wait3A_696 = tpu.memref_squeeze %dma_wait3A_695 : memref<1x256x128xf32, #tpu.memory_space<vmem>> -> memref<256x128xf32, #tpu.memory_space<vmem>>
    %dma_wait3A_697 = arith.constant 0 : i32
    %dma_wait3A_698 = arith.constant 0 : i32
    %dma_wait3A_699 = tpu.memref_slice %arg3[%add3A_8, %dma_wait3A_691, %dma_wait3A_697, %dma_wait3A_698] : memref<64x25x256x128xf32, #tpu.memory_space<hbm>> -> memref<1x1x256x128xf32, #tpu.memory_space<hbm>>
    %dma_wait3A_700 = tpu.memref_squeeze %dma_wait3A_699 : memref<1x1x256x128xf32, #tpu.memory_space<hbm>> -> memref<256x128xf32, #tpu.memory_space<hbm>>
    %dma_wait3A_701 = tpu.memref_slice %arg6[%dma_wait3A_692] : memref<3x!tpu.dma_semaphore, #tpu.memory_space<semaphore_mem>> -> memref<1x!tpu.dma_semaphore, #tpu.memory_space<semaphore_mem>>
    %dma_wait3A_702 = tpu.memref_squeeze %dma_wait3A_701 : memref<1x!tpu.dma_semaphore, #tpu.memory_space<semaphore_mem>> -> memref<!tpu.dma_semaphore, #tpu.memory_space<semaphore_mem>>
    %dma_wait3A_703 = arith.constant 0 : i32
    %dma_wait3A_704 = arith.constant 0 : i32
    %dma_wait3A_705 = tpu.memref_slice %arg3[%add3A_8, %dma_wait3A_691, %dma_wait3A_703, %dma_wait3A_704] : memref<64x25x256x128xf32, #tpu.memory_space<hbm>> -> memref<1x1x256x128xf32, #tpu.memory_space<hbm>>
    %dma_wait3A_706 = tpu.memref_squeeze %dma_wait3A_705 : memref<1x1x256x128xf32, #tpu.memory_space<hbm>> -> memref<256x128xf32, #tpu.memory_space<hbm>>
    %dma_wait3A_707 = arith.constant 0 : i32
    %dma_wait3A_708 = arith.constant 0 : i32
    %dma_wait3A_709 = tpu.memref_slice %arg4[%dma_wait3A_690, %dma_wait3A_707, %dma_wait3A_708] : memref<3x256x128xf32, #tpu.memory_space<vmem>> -> memref<1x256x128xf32, #tpu.memory_space<vmem>>
    %dma_wait3A_710 = tpu.memref_squeeze %dma_wait3A_709 : memref<1x256x128xf32, #tpu.memory_space<vmem>> -> memref<256x128xf32, #tpu.memory_space<vmem>>
    tpu.wait_dma2 semaphore(%dma_wait3A_702 : memref<!tpu.dma_semaphore, #tpu.memory_space<semaphore_mem>>) src(%dma_wait3A_710 : memref<256x128xf32, #tpu.memory_space<vmem>>) dst(%dma_wait3A_706 : memref<256x128xf32, #tpu.memory_space<hbm>>)
    %dma_wait3A_711 = arith.constant 1 : i32
    %dma_wait3A_712 = arith.constant 7 : i32
    %dma_wait3A_713 = arith.constant 1 : i32
    %dma_wait3A_714 = arith.constant 0 : i32
    %dma_wait3A_715 = arith.constant 0 : i32
    %dma_wait3A_716 = tpu.memref_slice %arg4[%dma_wait3A_711, %dma_wait3A_714, %dma_wait3A_715] : memref<3x256x128xf32, #tpu.memory_space<vmem>> -> memref<1x256x128xf32, #tpu.memory_space<vmem>>
    %dma_wait3A_717 = tpu.memref_squeeze %dma_wait3A_716 : memref<1x256x128xf32, #tpu.memory_space<vmem>> -> memref<256x128xf32, #tpu.memory_space<vmem>>
    %dma_wait3A_718 = arith.constant 0 : i32
    %dma_wait3A_719 = arith.constant 0 : i32
    %dma_wait3A_720 = tpu.memref_slice %arg3[%add3A_8, %dma_wait3A_712, %dma_wait3A_718, %dma_wait3A_719] : memref<64x25x256x128xf32, #tpu.memory_space<hbm>> -> memref<1x1x256x128xf32, #tpu.memory_space<hbm>>
    %dma_wait3A_721 = tpu.memref_squeeze %dma_wait3A_720 : memref<1x1x256x128xf32, #tpu.memory_space<hbm>> -> memref<256x128xf32, #tpu.memory_space<hbm>>
    %dma_wait3A_722 = tpu.memref_slice %arg6[%dma_wait3A_713] : memref<3x!tpu.dma_semaphore, #tpu.memory_space<semaphore_mem>> -> memref<1x!tpu.dma_semaphore, #tpu.memory_space<semaphore_mem>>
    %dma_wait3A_723 = tpu.memref_squeeze %dma_wait3A_722 : memref<1x!tpu.dma_semaphore, #tpu.memory_space<semaphore_mem>> -> memref<!tpu.dma_semaphore, #tpu.memory_space<semaphore_mem>>
    %dma_wait3A_724 = arith.constant 0 : i32
    %dma_wait3A_725 = arith.constant 0 : i32
    %dma_wait3A_726 = tpu.memref_slice %arg3[%add3A_8, %dma_wait3A_712, %dma_wait3A_724, %dma_wait3A_725] : memref<64x25x256x128xf32, #tpu.memory_space<hbm>> -> memref<1x1x256x128xf32, #tpu.memory_space<hbm>>
    %dma_wait3A_727 = tpu.memref_squeeze %dma_wait3A_726 : memref<1x1x256x128xf32, #tpu.memory_space<hbm>> -> memref<256x128xf32, #tpu.memory_space<hbm>>
    %dma_wait3A_728 = arith.constant 0 : i32
    %dma_wait3A_729 = arith.constant 0 : i32
    %dma_wait3A_730 = tpu.memref_slice %arg4[%dma_wait3A_711, %dma_wait3A_728, %dma_wait3A_729] : memref<3x256x128xf32, #tpu.memory_space<vmem>> -> memref<1x256x128xf32, #tpu.memory_space<vmem>>
    %dma_wait3A_731 = tpu.memref_squeeze %dma_wait3A_730 : memref<1x256x128xf32, #tpu.memory_space<vmem>> -> memref<256x128xf32, #tpu.memory_space<vmem>>
    tpu.wait_dma2 semaphore(%dma_wait3A_723 : memref<!tpu.dma_semaphore, #tpu.memory_space<semaphore_mem>>) src(%dma_wait3A_731 : memref<256x128xf32, #tpu.memory_space<vmem>>) dst(%dma_wait3A_727 : memref<256x128xf32, #tpu.memory_space<hbm>>)
    %dma_wait3A_732 = arith.constant 1 : i32
    %dma_wait3A_733 = arith.constant 21 : i32
    %dma_wait3A_734 = arith.constant 1 : i32
    %dma_wait3A_735 = arith.constant 0 : i32
    %dma_wait3A_736 = arith.constant 0 : i32
    %dma_wait3A_737 = tpu.memref_slice %arg4[%dma_wait3A_732, %dma_wait3A_735, %dma_wait3A_736] : memref<3x256x128xf32, #tpu.memory_space<vmem>> -> memref<1x256x128xf32, #tpu.memory_space<vmem>>
    %dma_wait3A_738 = tpu.memref_squeeze %dma_wait3A_737 : memref<1x256x128xf32, #tpu.memory_space<vmem>> -> memref<256x128xf32, #tpu.memory_space<vmem>>
    %dma_wait3A_739 = arith.constant 0 : i32
    %dma_wait3A_740 = arith.constant 0 : i32
    %dma_wait3A_741 = tpu.memref_slice %arg3[%add3A_8, %dma_wait3A_733, %dma_wait3A_739, %dma_wait3A_740] : memref<64x25x256x128xf32, #tpu.memory_space<hbm>> -> memref<1x1x256x128xf32, #tpu.memory_space<hbm>>
    %dma_wait3A_742 = tpu.memref_squeeze %dma_wait3A_741 : memref<1x1x256x128xf32, #tpu.memory_space<hbm>> -> memref<256x128xf32, #tpu.memory_space<hbm>>
    %dma_wait3A_743 = tpu.memref_slice %arg6[%dma_wait3A_734] : memref<3x!tpu.dma_semaphore, #tpu.memory_space<semaphore_mem>> -> memref<1x!tpu.dma_semaphore, #tpu.memory_space<semaphore_mem>>
    %dma_wait3A_744 = tpu.memref_squeeze %dma_wait3A_743 : memref<1x!tpu.dma_semaphore, #tpu.memory_space<semaphore_mem>> -> memref<!tpu.dma_semaphore, #tpu.memory_space<semaphore_mem>>
    %dma_wait3A_745 = arith.constant 0 : i32
    %dma_wait3A_746 = arith.constant 0 : i32
    %dma_wait3A_747 = tpu.memref_slice %arg3[%add3A_8, %dma_wait3A_733, %dma_wait3A_745, %dma_wait3A_746] : memref<64x25x256x128xf32, #tpu.memory_space<hbm>> -> memref<1x1x256x128xf32, #tpu.memory_space<hbm>>
    %dma_wait3A_748 = tpu.memref_squeeze %dma_wait3A_747 : memref<1x1x256x128xf32, #tpu.memory_space<hbm>> -> memref<256x128xf32, #tpu.memory_space<hbm>>
    %dma_wait3A_749 = arith.constant 0 : i32
    %dma_wait3A_750 = arith.constant 0 : i32
    %dma_wait3A_751 = tpu.memref_slice %arg4[%dma_wait3A_732, %dma_wait3A_749, %dma_wait3A_750] : memref<3x256x128xf32, #tpu.memory_space<vmem>> -> memref<1x256x128xf32, #tpu.memory_space<vmem>>
    %dma_wait3A_752 = tpu.memref_squeeze %dma_wait3A_751 : memref<1x256x128xf32, #tpu.memory_space<vmem>> -> memref<256x128xf32, #tpu.memory_space<vmem>>
    tpu.wait_dma2 semaphore(%dma_wait3A_744 : memref<!tpu.dma_semaphore, #tpu.memory_space<semaphore_mem>>) src(%dma_wait3A_752 : memref<256x128xf32, #tpu.memory_space<vmem>>) dst(%dma_wait3A_748 : memref<256x128xf32, #tpu.memory_space<hbm>>)
    %dma_wait3A_753 = arith.constant 1 : i32
    %dma_wait3A_754 = arith.constant 22 : i32
    %dma_wait3A_755 = arith.constant 1 : i32
    %dma_wait3A_756 = arith.constant 0 : i32
    %dma_wait3A_757 = arith.constant 0 : i32
    %dma_wait3A_758 = tpu.memref_slice %arg4[%dma_wait3A_753, %dma_wait3A_756, %dma_wait3A_757] : memref<3x256x128xf32, #tpu.memory_space<vmem>> -> memref<1x256x128xf32, #tpu.memory_space<vmem>>
    %dma_wait3A_759 = tpu.memref_squeeze %dma_wait3A_758 : memref<1x256x128xf32, #tpu.memory_space<vmem>> -> memref<256x128xf32, #tpu.memory_space<vmem>>
    %dma_wait3A_760 = arith.constant 0 : i32
    %dma_wait3A_761 = arith.constant 0 : i32
    %dma_wait3A_762 = tpu.memref_slice %arg3[%add3A_8, %dma_wait3A_754, %dma_wait3A_760, %dma_wait3A_761] : memref<64x25x256x128xf32, #tpu.memory_space<hbm>> -> memref<1x1x256x128xf32, #tpu.memory_space<hbm>>
    %dma_wait3A_763 = tpu.memref_squeeze %dma_wait3A_762 : memref<1x1x256x128xf32, #tpu.memory_space<hbm>> -> memref<256x128xf32, #tpu.memory_space<hbm>>
    %dma_wait3A_764 = tpu.memref_slice %arg6[%dma_wait3A_755] : memref<3x!tpu.dma_semaphore, #tpu.memory_space<semaphore_mem>> -> memref<1x!tpu.dma_semaphore, #tpu.memory_space<semaphore_mem>>
    %dma_wait3A_765 = tpu.memref_squeeze %dma_wait3A_764 : memref<1x!tpu.dma_semaphore, #tpu.memory_space<semaphore_mem>> -> memref<!tpu.dma_semaphore, #tpu.memory_space<semaphore_mem>>
    %dma_wait3A_766 = arith.constant 0 : i32
    %dma_wait3A_767 = arith.constant 0 : i32
    %dma_wait3A_768 = tpu.memref_slice %arg3[%add3A_8, %dma_wait3A_754, %dma_wait3A_766, %dma_wait3A_767] : memref<64x25x256x128xf32, #tpu.memory_space<hbm>> -> memref<1x1x256x128xf32, #tpu.memory_space<hbm>>
    %dma_wait3A_769 = tpu.memref_squeeze %dma_wait3A_768 : memref<1x1x256x128xf32, #tpu.memory_space<hbm>> -> memref<256x128xf32, #tpu.memory_space<hbm>>
    %dma_wait3A_770 = arith.constant 0 : i32
    %dma_wait3A_771 = arith.constant 0 : i32
    %dma_wait3A_772 = tpu.memref_slice %arg4[%dma_wait3A_753, %dma_wait3A_770, %dma_wait3A_771] : memref<3x256x128xf32, #tpu.memory_space<vmem>> -> memref<1x256x128xf32, #tpu.memory_space<vmem>>
    %dma_wait3A_773 = tpu.memref_squeeze %dma_wait3A_772 : memref<1x256x128xf32, #tpu.memory_space<vmem>> -> memref<256x128xf32, #tpu.memory_space<vmem>>
    tpu.wait_dma2 semaphore(%dma_wait3A_765 : memref<!tpu.dma_semaphore, #tpu.memory_space<semaphore_mem>>) src(%dma_wait3A_773 : memref<256x128xf32, #tpu.memory_space<vmem>>) dst(%dma_wait3A_769 : memref<256x128xf32, #tpu.memory_space<hbm>>)
    %dma_start3A_774 = arith.constant 4 : i32
    %dma_start3A_775 = arith.constant 1 : i32
    %dma_start3A_776 = arith.constant 1 : i32
    %dma_start3A_777 = arith.constant 0 : i32
    %dma_start3A_778 = arith.constant 0 : i32
    %dma_start3A_779 = tpu.memref_slice %arg4[%dma_start3A_775, %dma_start3A_777, %dma_start3A_778] : memref<3x256x128xf32, #tpu.memory_space<vmem>> -> memref<1x256x128xf32, #tpu.memory_space<vmem>>
    %dma_start3A_780 = tpu.memref_squeeze %dma_start3A_779 : memref<1x256x128xf32, #tpu.memory_space<vmem>> -> memref<256x128xf32, #tpu.memory_space<vmem>>
    %dma_start3A_781 = arith.constant 0 : i32
    %dma_start3A_782 = arith.constant 0 : i32
    %dma_start3A_783 = tpu.memref_slice %arg2[%add3A_20, %dma_start3A_774, %dma_start3A_781, %dma_start3A_782] : memref<64x5x256x128xf32, #tpu.memory_space<hbm>> -> memref<1x1x256x128xf32, #tpu.memory_space<hbm>>
    %dma_start3A_784 = tpu.memref_squeeze %dma_start3A_783 : memref<1x1x256x128xf32, #tpu.memory_space<hbm>> -> memref<256x128xf32, #tpu.memory_space<hbm>>
    %dma_start3A_785 = tpu.memref_slice %arg5[%dma_start3A_776] : memref<3x!tpu.dma_semaphore, #tpu.memory_space<semaphore_mem>> -> memref<1x!tpu.dma_semaphore, #tpu.memory_space<semaphore_mem>>
    %dma_start3A_786 = tpu.memref_squeeze %dma_start3A_785 : memref<1x!tpu.dma_semaphore, #tpu.memory_space<semaphore_mem>> -> memref<!tpu.dma_semaphore, #tpu.memory_space<semaphore_mem>>
    %dma_start3A_787 = arith.constant 0 : i32
    %dma_start3A_788 = arith.constant 0 : i32
    %dma_start3A_789 = tpu.memref_slice %arg4[%dma_start3A_775, %dma_start3A_787, %dma_start3A_788] : memref<3x256x128xf32, #tpu.memory_space<vmem>> -> memref<1x256x128xf32, #tpu.memory_space<vmem>>
    %dma_start3A_790 = tpu.memref_squeeze %dma_start3A_789 : memref<1x256x128xf32, #tpu.memory_space<vmem>> -> memref<256x128xf32, #tpu.memory_space<vmem>>
    %dma_start3A_791 = arith.constant 0 : i32
    %dma_start3A_792 = arith.constant 0 : i32
    %dma_start3A_793 = tpu.memref_slice %arg2[%add3A_20, %dma_start3A_774, %dma_start3A_791, %dma_start3A_792] : memref<64x5x256x128xf32, #tpu.memory_space<hbm>> -> memref<1x1x256x128xf32, #tpu.memory_space<hbm>>
    %dma_start3A_794 = tpu.memref_squeeze %dma_start3A_793 : memref<1x1x256x128xf32, #tpu.memory_space<hbm>> -> memref<256x128xf32, #tpu.memory_space<hbm>>
    tpu.enqueue_dma source(%dma_start3A_794 : memref<256x128xf32, #tpu.memory_space<hbm>>) target(%dma_start3A_790 : memref<256x128xf32, #tpu.memory_space<vmem>>) target_semaphore(%dma_start3A_786 : memref<!tpu.dma_semaphore, #tpu.memory_space<semaphore_mem>>)
    %dma_wait3A_795 = arith.constant 3 : i32
    %dma_wait3A_796 = arith.constant 0 : i32
    %dma_wait3A_797 = arith.constant 0 : i32
    %dma_wait3A_798 = arith.constant 0 : i32
    %dma_wait3A_799 = arith.constant 0 : i32
    %dma_wait3A_800 = tpu.memref_slice %arg4[%dma_wait3A_796, %dma_wait3A_798, %dma_wait3A_799] : memref<3x256x128xf32, #tpu.memory_space<vmem>> -> memref<1x256x128xf32, #tpu.memory_space<vmem>>
    %dma_wait3A_801 = tpu.memref_squeeze %dma_wait3A_800 : memref<1x256x128xf32, #tpu.memory_space<vmem>> -> memref<256x128xf32, #tpu.memory_space<vmem>>
    %dma_wait3A_802 = arith.constant 0 : i32
    %dma_wait3A_803 = arith.constant 0 : i32
    %dma_wait3A_804 = tpu.memref_slice %arg2[%add3A_16, %dma_wait3A_795, %dma_wait3A_802, %dma_wait3A_803] : memref<64x5x256x128xf32, #tpu.memory_space<hbm>> -> memref<1x1x256x128xf32, #tpu.memory_space<hbm>>
    %dma_wait3A_805 = tpu.memref_squeeze %dma_wait3A_804 : memref<1x1x256x128xf32, #tpu.memory_space<hbm>> -> memref<256x128xf32, #tpu.memory_space<hbm>>
    %dma_wait3A_806 = tpu.memref_slice %arg5[%dma_wait3A_797] : memref<3x!tpu.dma_semaphore, #tpu.memory_space<semaphore_mem>> -> memref<1x!tpu.dma_semaphore, #tpu.memory_space<semaphore_mem>>
    %dma_wait3A_807 = tpu.memref_squeeze %dma_wait3A_806 : memref<1x!tpu.dma_semaphore, #tpu.memory_space<semaphore_mem>> -> memref<!tpu.dma_semaphore, #tpu.memory_space<semaphore_mem>>
    %dma_wait3A_808 = arith.constant 0 : i32
    %dma_wait3A_809 = arith.constant 0 : i32
    %dma_wait3A_810 = tpu.memref_slice %arg4[%dma_wait3A_796, %dma_wait3A_808, %dma_wait3A_809] : memref<3x256x128xf32, #tpu.memory_space<vmem>> -> memref<1x256x128xf32, #tpu.memory_space<vmem>>
    %dma_wait3A_811 = tpu.memref_squeeze %dma_wait3A_810 : memref<1x256x128xf32, #tpu.memory_space<vmem>> -> memref<256x128xf32, #tpu.memory_space<vmem>>
    %dma_wait3A_812 = arith.constant 0 : i32
    %dma_wait3A_813 = arith.constant 0 : i32
    %dma_wait3A_814 = tpu.memref_slice %arg2[%add3A_16, %dma_wait3A_795, %dma_wait3A_812, %dma_wait3A_813] : memref<64x5x256x128xf32, #tpu.memory_space<hbm>> -> memref<1x1x256x128xf32, #tpu.memory_space<hbm>>
    %dma_wait3A_815 = tpu.memref_squeeze %dma_wait3A_814 : memref<1x1x256x128xf32, #tpu.memory_space<hbm>> -> memref<256x128xf32, #tpu.memory_space<hbm>>
    tpu.wait_dma2 semaphore(%dma_wait3A_807 : memref<!tpu.dma_semaphore, #tpu.memory_space<semaphore_mem>>) src(%dma_wait3A_815 : memref<256x128xf32, #tpu.memory_space<hbm>>) dst(%dma_wait3A_811 : memref<256x128xf32, #tpu.memory_space<vmem>>)
    %dma_start3A_816 = arith.constant 0 : i32
    %dma_start3A_817 = arith.constant 12 : i32
    %dma_start3A_818 = arith.constant 0 : i32
    %dma_start3A_819 = arith.constant 0 : i32
    %dma_start3A_820 = arith.constant 0 : i32
    %dma_start3A_821 = tpu.memref_slice %arg4[%dma_start3A_816, %dma_start3A_819, %dma_start3A_820] : memref<3x256x128xf32, #tpu.memory_space<vmem>> -> memref<1x256x128xf32, #tpu.memory_space<vmem>>
    %dma_start3A_822 = tpu.memref_squeeze %dma_start3A_821 : memref<1x256x128xf32, #tpu.memory_space<vmem>> -> memref<256x128xf32, #tpu.memory_space<vmem>>
    %dma_start3A_823 = arith.constant 0 : i32
    %dma_start3A_824 = arith.constant 0 : i32
    %dma_start3A_825 = tpu.memref_slice %arg3[%add3A_16, %dma_start3A_817, %dma_start3A_823, %dma_start3A_824] : memref<64x25x256x128xf32, #tpu.memory_space<hbm>> -> memref<1x1x256x128xf32, #tpu.memory_space<hbm>>
    %dma_start3A_826 = tpu.memref_squeeze %dma_start3A_825 : memref<1x1x256x128xf32, #tpu.memory_space<hbm>> -> memref<256x128xf32, #tpu.memory_space<hbm>>
    %dma_start3A_827 = tpu.memref_slice %arg6[%dma_start3A_818] : memref<3x!tpu.dma_semaphore, #tpu.memory_space<semaphore_mem>> -> memref<1x!tpu.dma_semaphore, #tpu.memory_space<semaphore_mem>>
    %dma_start3A_828 = tpu.memref_squeeze %dma_start3A_827 : memref<1x!tpu.dma_semaphore, #tpu.memory_space<semaphore_mem>> -> memref<!tpu.dma_semaphore, #tpu.memory_space<semaphore_mem>>
    %dma_start3A_829 = arith.constant 0 : i32
    %dma_start3A_830 = arith.constant 0 : i32
    %dma_start3A_831 = tpu.memref_slice %arg3[%add3A_16, %dma_start3A_817, %dma_start3A_829, %dma_start3A_830] : memref<64x25x256x128xf32, #tpu.memory_space<hbm>> -> memref<1x1x256x128xf32, #tpu.memory_space<hbm>>
    %dma_start3A_832 = tpu.memref_squeeze %dma_start3A_831 : memref<1x1x256x128xf32, #tpu.memory_space<hbm>> -> memref<256x128xf32, #tpu.memory_space<hbm>>
    %dma_start3A_833 = arith.constant 0 : i32
    %dma_start3A_834 = arith.constant 0 : i32
    %dma_start3A_835 = tpu.memref_slice %arg4[%dma_start3A_816, %dma_start3A_833, %dma_start3A_834] : memref<3x256x128xf32, #tpu.memory_space<vmem>> -> memref<1x256x128xf32, #tpu.memory_space<vmem>>
    %dma_start3A_836 = tpu.memref_squeeze %dma_start3A_835 : memref<1x256x128xf32, #tpu.memory_space<vmem>> -> memref<256x128xf32, #tpu.memory_space<vmem>>
    tpu.enqueue_dma source(%dma_start3A_836 : memref<256x128xf32, #tpu.memory_space<vmem>>) target(%dma_start3A_832 : memref<256x128xf32, #tpu.memory_space<hbm>>) target_semaphore(%dma_start3A_828 : memref<!tpu.dma_semaphore, #tpu.memory_space<semaphore_mem>>)
    %dma_start3A_837 = arith.constant 0 : i32
    %dma_start3A_838 = arith.constant 13 : i32
    %dma_start3A_839 = arith.constant 0 : i32
    %dma_start3A_840 = arith.constant 0 : i32
    %dma_start3A_841 = arith.constant 0 : i32
    %dma_start3A_842 = tpu.memref_slice %arg4[%dma_start3A_837, %dma_start3A_840, %dma_start3A_841] : memref<3x256x128xf32, #tpu.memory_space<vmem>> -> memref<1x256x128xf32, #tpu.memory_space<vmem>>
    %dma_start3A_843 = tpu.memref_squeeze %dma_start3A_842 : memref<1x256x128xf32, #tpu.memory_space<vmem>> -> memref<256x128xf32, #tpu.memory_space<vmem>>
    %dma_start3A_844 = arith.constant 0 : i32
    %dma_start3A_845 = arith.constant 0 : i32
    %dma_start3A_846 = tpu.memref_slice %arg3[%add3A_16, %dma_start3A_838, %dma_start3A_844, %dma_start3A_845] : memref<64x25x256x128xf32, #tpu.memory_space<hbm>> -> memref<1x1x256x128xf32, #tpu.memory_space<hbm>>
    %dma_start3A_847 = tpu.memref_squeeze %dma_start3A_846 : memref<1x1x256x128xf32, #tpu.memory_space<hbm>> -> memref<256x128xf32, #tpu.memory_space<hbm>>
    %dma_start3A_848 = tpu.memref_slice %arg6[%dma_start3A_839] : memref<3x!tpu.dma_semaphore, #tpu.memory_space<semaphore_mem>> -> memref<1x!tpu.dma_semaphore, #tpu.memory_space<semaphore_mem>>
    %dma_start3A_849 = tpu.memref_squeeze %dma_start3A_848 : memref<1x!tpu.dma_semaphore, #tpu.memory_space<semaphore_mem>> -> memref<!tpu.dma_semaphore, #tpu.memory_space<semaphore_mem>>
    %dma_start3A_850 = arith.constant 0 : i32
    %dma_start3A_851 = arith.constant 0 : i32
    %dma_start3A_852 = tpu.memref_slice %arg3[%add3A_16, %dma_start3A_838, %dma_start3A_850, %dma_start3A_851] : memref<64x25x256x128xf32, #tpu.memory_space<hbm>> -> memref<1x1x256x128xf32, #tpu.memory_space<hbm>>
    %dma_start3A_853 = tpu.memref_squeeze %dma_start3A_852 : memref<1x1x256x128xf32, #tpu.memory_space<hbm>> -> memref<256x128xf32, #tpu.memory_space<hbm>>
    %dma_start3A_854 = arith.constant 0 : i32
    %dma_start3A_855 = arith.constant 0 : i32
    %dma_start3A_856 = tpu.memref_slice %arg4[%dma_start3A_837, %dma_start3A_854, %dma_start3A_855] : memref<3x256x128xf32, #tpu.memory_space<vmem>> -> memref<1x256x128xf32, #tpu.memory_space<vmem>>
    %dma_start3A_857 = tpu.memref_squeeze %dma_start3A_856 : memref<1x256x128xf32, #tpu.memory_space<vmem>> -> memref<256x128xf32, #tpu.memory_space<vmem>>
    tpu.enqueue_dma source(%dma_start3A_857 : memref<256x128xf32, #tpu.memory_space<vmem>>) target(%dma_start3A_853 : memref<256x128xf32, #tpu.memory_space<hbm>>) target_semaphore(%dma_start3A_849 : memref<!tpu.dma_semaphore, #tpu.memory_space<semaphore_mem>>)
    %dma_start3A_858 = arith.constant 0 : i32
    %dma_start3A_859 = arith.constant 14 : i32
    %dma_start3A_860 = arith.constant 0 : i32
    %dma_start3A_861 = arith.constant 0 : i32
    %dma_start3A_862 = arith.constant 0 : i32
    %dma_start3A_863 = tpu.memref_slice %arg4[%dma_start3A_858, %dma_start3A_861, %dma_start3A_862] : memref<3x256x128xf32, #tpu.memory_space<vmem>> -> memref<1x256x128xf32, #tpu.memory_space<vmem>>
    %dma_start3A_864 = tpu.memref_squeeze %dma_start3A_863 : memref<1x256x128xf32, #tpu.memory_space<vmem>> -> memref<256x128xf32, #tpu.memory_space<vmem>>
    %dma_start3A_865 = arith.constant 0 : i32
    %dma_start3A_866 = arith.constant 0 : i32
    %dma_start3A_867 = tpu.memref_slice %arg3[%add3A_16, %dma_start3A_859, %dma_start3A_865, %dma_start3A_866] : memref<64x25x256x128xf32, #tpu.memory_space<hbm>> -> memref<1x1x256x128xf32, #tpu.memory_space<hbm>>
    %dma_start3A_868 = tpu.memref_squeeze %dma_start3A_867 : memref<1x1x256x128xf32, #tpu.memory_space<hbm>> -> memref<256x128xf32, #tpu.memory_space<hbm>>
    %dma_start3A_869 = tpu.memref_slice %arg6[%dma_start3A_860] : memref<3x!tpu.dma_semaphore, #tpu.memory_space<semaphore_mem>> -> memref<1x!tpu.dma_semaphore, #tpu.memory_space<semaphore_mem>>
    %dma_start3A_870 = tpu.memref_squeeze %dma_start3A_869 : memref<1x!tpu.dma_semaphore, #tpu.memory_space<semaphore_mem>> -> memref<!tpu.dma_semaphore, #tpu.memory_space<semaphore_mem>>
    %dma_start3A_871 = arith.constant 0 : i32
    %dma_start3A_872 = arith.constant 0 : i32
    %dma_start3A_873 = tpu.memref_slice %arg3[%add3A_16, %dma_start3A_859, %dma_start3A_871, %dma_start3A_872] : memref<64x25x256x128xf32, #tpu.memory_space<hbm>> -> memref<1x1x256x128xf32, #tpu.memory_space<hbm>>
    %dma_start3A_874 = tpu.memref_squeeze %dma_start3A_873 : memref<1x1x256x128xf32, #tpu.memory_space<hbm>> -> memref<256x128xf32, #tpu.memory_space<hbm>>
    %dma_start3A_875 = arith.constant 0 : i32
    %dma_start3A_876 = arith.constant 0 : i32
    %dma_start3A_877 = tpu.memref_slice %arg4[%dma_start3A_858, %dma_start3A_875, %dma_start3A_876] : memref<3x256x128xf32, #tpu.memory_space<vmem>> -> memref<1x256x128xf32, #tpu.memory_space<vmem>>
    %dma_start3A_878 = tpu.memref_squeeze %dma_start3A_877 : memref<1x256x128xf32, #tpu.memory_space<vmem>> -> memref<256x128xf32, #tpu.memory_space<vmem>>
    tpu.enqueue_dma source(%dma_start3A_878 : memref<256x128xf32, #tpu.memory_space<vmem>>) target(%dma_start3A_874 : memref<256x128xf32, #tpu.memory_space<hbm>>) target_semaphore(%dma_start3A_870 : memref<!tpu.dma_semaphore, #tpu.memory_space<semaphore_mem>>)
    %dma_start3A_879 = arith.constant 0 : i32
    %dma_start3A_880 = arith.constant 15 : i32
    %dma_start3A_881 = arith.constant 0 : i32
    %dma_start3A_882 = arith.constant 0 : i32
    %dma_start3A_883 = arith.constant 0 : i32
    %dma_start3A_884 = tpu.memref_slice %arg4[%dma_start3A_879, %dma_start3A_882, %dma_start3A_883] : memref<3x256x128xf32, #tpu.memory_space<vmem>> -> memref<1x256x128xf32, #tpu.memory_space<vmem>>
    %dma_start3A_885 = tpu.memref_squeeze %dma_start3A_884 : memref<1x256x128xf32, #tpu.memory_space<vmem>> -> memref<256x128xf32, #tpu.memory_space<vmem>>
    %dma_start3A_886 = arith.constant 0 : i32
    %dma_start3A_887 = arith.constant 0 : i32
    %dma_start3A_888 = tpu.memref_slice %arg3[%add3A_16, %dma_start3A_880, %dma_start3A_886, %dma_start3A_887] : memref<64x25x256x128xf32, #tpu.memory_space<hbm>> -> memref<1x1x256x128xf32, #tpu.memory_space<hbm>>
    %dma_start3A_889 = tpu.memref_squeeze %dma_start3A_888 : memref<1x1x256x128xf32, #tpu.memory_space<hbm>> -> memref<256x128xf32, #tpu.memory_space<hbm>>
    %dma_start3A_890 = tpu.memref_slice %arg6[%dma_start3A_881] : memref<3x!tpu.dma_semaphore, #tpu.memory_space<semaphore_mem>> -> memref<1x!tpu.dma_semaphore, #tpu.memory_space<semaphore_mem>>
    %dma_start3A_891 = tpu.memref_squeeze %dma_start3A_890 : memref<1x!tpu.dma_semaphore, #tpu.memory_space<semaphore_mem>> -> memref<!tpu.dma_semaphore, #tpu.memory_space<semaphore_mem>>
    %dma_start3A_892 = arith.constant 0 : i32
    %dma_start3A_893 = arith.constant 0 : i32
    %dma_start3A_894 = tpu.memref_slice %arg3[%add3A_16, %dma_start3A_880, %dma_start3A_892, %dma_start3A_893] : memref<64x25x256x128xf32, #tpu.memory_space<hbm>> -> memref<1x1x256x128xf32, #tpu.memory_space<hbm>>
    %dma_start3A_895 = tpu.memref_squeeze %dma_start3A_894 : memref<1x1x256x128xf32, #tpu.memory_space<hbm>> -> memref<256x128xf32, #tpu.memory_space<hbm>>
    %dma_start3A_896 = arith.constant 0 : i32
    %dma_start3A_897 = arith.constant 0 : i32
    %dma_start3A_898 = tpu.memref_slice %arg4[%dma_start3A_879, %dma_start3A_896, %dma_start3A_897] : memref<3x256x128xf32, #tpu.memory_space<vmem>> -> memref<1x256x128xf32, #tpu.memory_space<vmem>>
    %dma_start3A_899 = tpu.memref_squeeze %dma_start3A_898 : memref<1x256x128xf32, #tpu.memory_space<vmem>> -> memref<256x128xf32, #tpu.memory_space<vmem>>
    tpu.enqueue_dma source(%dma_start3A_899 : memref<256x128xf32, #tpu.memory_space<vmem>>) target(%dma_start3A_895 : memref<256x128xf32, #tpu.memory_space<hbm>>) target_semaphore(%dma_start3A_891 : memref<!tpu.dma_semaphore, #tpu.memory_space<semaphore_mem>>)
    %dma_wait3A_900 = arith.constant 2 : i32
    %dma_wait3A_901 = arith.constant 8 : i32
    %dma_wait3A_902 = arith.constant 2 : i32
    %dma_wait3A_903 = arith.constant 0 : i32
    %dma_wait3A_904 = arith.constant 0 : i32
    %dma_wait3A_905 = tpu.memref_slice %arg4[%dma_wait3A_900, %dma_wait3A_903, %dma_wait3A_904] : memref<3x256x128xf32, #tpu.memory_space<vmem>> -> memref<1x256x128xf32, #tpu.memory_space<vmem>>
    %dma_wait3A_906 = tpu.memref_squeeze %dma_wait3A_905 : memref<1x256x128xf32, #tpu.memory_space<vmem>> -> memref<256x128xf32, #tpu.memory_space<vmem>>
    %dma_wait3A_907 = arith.constant 0 : i32
    %dma_wait3A_908 = arith.constant 0 : i32
    %dma_wait3A_909 = tpu.memref_slice %arg3[%add3A_12, %dma_wait3A_901, %dma_wait3A_907, %dma_wait3A_908] : memref<64x25x256x128xf32, #tpu.memory_space<hbm>> -> memref<1x1x256x128xf32, #tpu.memory_space<hbm>>
    %dma_wait3A_910 = tpu.memref_squeeze %dma_wait3A_909 : memref<1x1x256x128xf32, #tpu.memory_space<hbm>> -> memref<256x128xf32, #tpu.memory_space<hbm>>
    %dma_wait3A_911 = tpu.memref_slice %arg6[%dma_wait3A_902] : memref<3x!tpu.dma_semaphore, #tpu.memory_space<semaphore_mem>> -> memref<1x!tpu.dma_semaphore, #tpu.memory_space<semaphore_mem>>
    %dma_wait3A_912 = tpu.memref_squeeze %dma_wait3A_911 : memref<1x!tpu.dma_semaphore, #tpu.memory_space<semaphore_mem>> -> memref<!tpu.dma_semaphore, #tpu.memory_space<semaphore_mem>>
    %dma_wait3A_913 = arith.constant 0 : i32
    %dma_wait3A_914 = arith.constant 0 : i32
    %dma_wait3A_915 = tpu.memref_slice %arg3[%add3A_12, %dma_wait3A_901, %dma_wait3A_913, %dma_wait3A_914] : memref<64x25x256x128xf32, #tpu.memory_space<hbm>> -> memref<1x1x256x128xf32, #tpu.memory_space<hbm>>
    %dma_wait3A_916 = tpu.memref_squeeze %dma_wait3A_915 : memref<1x1x256x128xf32, #tpu.memory_space<hbm>> -> memref<256x128xf32, #tpu.memory_space<hbm>>
    %dma_wait3A_917 = arith.constant 0 : i32
    %dma_wait3A_918 = arith.constant 0 : i32
    %dma_wait3A_919 = tpu.memref_slice %arg4[%dma_wait3A_900, %dma_wait3A_917, %dma_wait3A_918] : memref<3x256x128xf32, #tpu.memory_space<vmem>> -> memref<1x256x128xf32, #tpu.memory_space<vmem>>
    %dma_wait3A_920 = tpu.memref_squeeze %dma_wait3A_919 : memref<1x256x128xf32, #tpu.memory_space<vmem>> -> memref<256x128xf32, #tpu.memory_space<vmem>>
    tpu.wait_dma2 semaphore(%dma_wait3A_912 : memref<!tpu.dma_semaphore, #tpu.memory_space<semaphore_mem>>) src(%dma_wait3A_920 : memref<256x128xf32, #tpu.memory_space<vmem>>) dst(%dma_wait3A_916 : memref<256x128xf32, #tpu.memory_space<hbm>>)
    %dma_wait3A_921 = arith.constant 2 : i32
    %dma_wait3A_922 = arith.constant 9 : i32
    %dma_wait3A_923 = arith.constant 2 : i32
    %dma_wait3A_924 = arith.constant 0 : i32
    %dma_wait3A_925 = arith.constant 0 : i32
    %dma_wait3A_926 = tpu.memref_slice %arg4[%dma_wait3A_921, %dma_wait3A_924, %dma_wait3A_925] : memref<3x256x128xf32, #tpu.memory_space<vmem>> -> memref<1x256x128xf32, #tpu.memory_space<vmem>>
    %dma_wait3A_927 = tpu.memref_squeeze %dma_wait3A_926 : memref<1x256x128xf32, #tpu.memory_space<vmem>> -> memref<256x128xf32, #tpu.memory_space<vmem>>
    %dma_wait3A_928 = arith.constant 0 : i32
    %dma_wait3A_929 = arith.constant 0 : i32
    %dma_wait3A_930 = tpu.memref_slice %arg3[%add3A_12, %dma_wait3A_922, %dma_wait3A_928, %dma_wait3A_929] : memref<64x25x256x128xf32, #tpu.memory_space<hbm>> -> memref<1x1x256x128xf32, #tpu.memory_space<hbm>>
    %dma_wait3A_931 = tpu.memref_squeeze %dma_wait3A_930 : memref<1x1x256x128xf32, #tpu.memory_space<hbm>> -> memref<256x128xf32, #tpu.memory_space<hbm>>
    %dma_wait3A_932 = tpu.memref_slice %arg6[%dma_wait3A_923] : memref<3x!tpu.dma_semaphore, #tpu.memory_space<semaphore_mem>> -> memref<1x!tpu.dma_semaphore, #tpu.memory_space<semaphore_mem>>
    %dma_wait3A_933 = tpu.memref_squeeze %dma_wait3A_932 : memref<1x!tpu.dma_semaphore, #tpu.memory_space<semaphore_mem>> -> memref<!tpu.dma_semaphore, #tpu.memory_space<semaphore_mem>>
    %dma_wait3A_934 = arith.constant 0 : i32
    %dma_wait3A_935 = arith.constant 0 : i32
    %dma_wait3A_936 = tpu.memref_slice %arg3[%add3A_12, %dma_wait3A_922, %dma_wait3A_934, %dma_wait3A_935] : memref<64x25x256x128xf32, #tpu.memory_space<hbm>> -> memref<1x1x256x128xf32, #tpu.memory_space<hbm>>
    %dma_wait3A_937 = tpu.memref_squeeze %dma_wait3A_936 : memref<1x1x256x128xf32, #tpu.memory_space<hbm>> -> memref<256x128xf32, #tpu.memory_space<hbm>>
    %dma_wait3A_938 = arith.constant 0 : i32
    %dma_wait3A_939 = arith.constant 0 : i32
    %dma_wait3A_940 = tpu.memref_slice %arg4[%dma_wait3A_921, %dma_wait3A_938, %dma_wait3A_939] : memref<3x256x128xf32, #tpu.memory_space<vmem>> -> memref<1x256x128xf32, #tpu.memory_space<vmem>>
    %dma_wait3A_941 = tpu.memref_squeeze %dma_wait3A_940 : memref<1x256x128xf32, #tpu.memory_space<vmem>> -> memref<256x128xf32, #tpu.memory_space<vmem>>
    tpu.wait_dma2 semaphore(%dma_wait3A_933 : memref<!tpu.dma_semaphore, #tpu.memory_space<semaphore_mem>>) src(%dma_wait3A_941 : memref<256x128xf32, #tpu.memory_space<vmem>>) dst(%dma_wait3A_937 : memref<256x128xf32, #tpu.memory_space<hbm>>)
    %dma_wait3A_942 = arith.constant 2 : i32
    %dma_wait3A_943 = arith.constant 10 : i32
    %dma_wait3A_944 = arith.constant 2 : i32
    %dma_wait3A_945 = arith.constant 0 : i32
    %dma_wait3A_946 = arith.constant 0 : i32
    %dma_wait3A_947 = tpu.memref_slice %arg4[%dma_wait3A_942, %dma_wait3A_945, %dma_wait3A_946] : memref<3x256x128xf32, #tpu.memory_space<vmem>> -> memref<1x256x128xf32, #tpu.memory_space<vmem>>
    %dma_wait3A_948 = tpu.memref_squeeze %dma_wait3A_947 : memref<1x256x128xf32, #tpu.memory_space<vmem>> -> memref<256x128xf32, #tpu.memory_space<vmem>>
    %dma_wait3A_949 = arith.constant 0 : i32
    %dma_wait3A_950 = arith.constant 0 : i32
    %dma_wait3A_951 = tpu.memref_slice %arg3[%add3A_12, %dma_wait3A_943, %dma_wait3A_949, %dma_wait3A_950] : memref<64x25x256x128xf32, #tpu.memory_space<hbm>> -> memref<1x1x256x128xf32, #tpu.memory_space<hbm>>
    %dma_wait3A_952 = tpu.memref_squeeze %dma_wait3A_951 : memref<1x1x256x128xf32, #tpu.memory_space<hbm>> -> memref<256x128xf32, #tpu.memory_space<hbm>>
    %dma_wait3A_953 = tpu.memref_slice %arg6[%dma_wait3A_944] : memref<3x!tpu.dma_semaphore, #tpu.memory_space<semaphore_mem>> -> memref<1x!tpu.dma_semaphore, #tpu.memory_space<semaphore_mem>>
    %dma_wait3A_954 = tpu.memref_squeeze %dma_wait3A_953 : memref<1x!tpu.dma_semaphore, #tpu.memory_space<semaphore_mem>> -> memref<!tpu.dma_semaphore, #tpu.memory_space<semaphore_mem>>
    %dma_wait3A_955 = arith.constant 0 : i32
    %dma_wait3A_956 = arith.constant 0 : i32
    %dma_wait3A_957 = tpu.memref_slice %arg3[%add3A_12, %dma_wait3A_943, %dma_wait3A_955, %dma_wait3A_956] : memref<64x25x256x128xf32, #tpu.memory_space<hbm>> -> memref<1x1x256x128xf32, #tpu.memory_space<hbm>>
    %dma_wait3A_958 = tpu.memref_squeeze %dma_wait3A_957 : memref<1x1x256x128xf32, #tpu.memory_space<hbm>> -> memref<256x128xf32, #tpu.memory_space<hbm>>
    %dma_wait3A_959 = arith.constant 0 : i32
    %dma_wait3A_960 = arith.constant 0 : i32
    %dma_wait3A_961 = tpu.memref_slice %arg4[%dma_wait3A_942, %dma_wait3A_959, %dma_wait3A_960] : memref<3x256x128xf32, #tpu.memory_space<vmem>> -> memref<1x256x128xf32, #tpu.memory_space<vmem>>
    %dma_wait3A_962 = tpu.memref_squeeze %dma_wait3A_961 : memref<1x256x128xf32, #tpu.memory_space<vmem>> -> memref<256x128xf32, #tpu.memory_space<vmem>>
    tpu.wait_dma2 semaphore(%dma_wait3A_954 : memref<!tpu.dma_semaphore, #tpu.memory_space<semaphore_mem>>) src(%dma_wait3A_962 : memref<256x128xf32, #tpu.memory_space<vmem>>) dst(%dma_wait3A_958 : memref<256x128xf32, #tpu.memory_space<hbm>>)
    %dma_wait3A_963 = arith.constant 2 : i32
    %dma_wait3A_964 = arith.constant 11 : i32
    %dma_wait3A_965 = arith.constant 2 : i32
    %dma_wait3A_966 = arith.constant 0 : i32
    %dma_wait3A_967 = arith.constant 0 : i32
    %dma_wait3A_968 = tpu.memref_slice %arg4[%dma_wait3A_963, %dma_wait3A_966, %dma_wait3A_967] : memref<3x256x128xf32, #tpu.memory_space<vmem>> -> memref<1x256x128xf32, #tpu.memory_space<vmem>>
    %dma_wait3A_969 = tpu.memref_squeeze %dma_wait3A_968 : memref<1x256x128xf32, #tpu.memory_space<vmem>> -> memref<256x128xf32, #tpu.memory_space<vmem>>
    %dma_wait3A_970 = arith.constant 0 : i32
    %dma_wait3A_971 = arith.constant 0 : i32
    %dma_wait3A_972 = tpu.memref_slice %arg3[%add3A_12, %dma_wait3A_964, %dma_wait3A_970, %dma_wait3A_971] : memref<64x25x256x128xf32, #tpu.memory_space<hbm>> -> memref<1x1x256x128xf32, #tpu.memory_space<hbm>>
    %dma_wait3A_973 = tpu.memref_squeeze %dma_wait3A_972 : memref<1x1x256x128xf32, #tpu.memory_space<hbm>> -> memref<256x128xf32, #tpu.memory_space<hbm>>
    %dma_wait3A_974 = tpu.memref_slice %arg6[%dma_wait3A_965] : memref<3x!tpu.dma_semaphore, #tpu.memory_space<semaphore_mem>> -> memref<1x!tpu.dma_semaphore, #tpu.memory_space<semaphore_mem>>
    %dma_wait3A_975 = tpu.memref_squeeze %dma_wait3A_974 : memref<1x!tpu.dma_semaphore, #tpu.memory_space<semaphore_mem>> -> memref<!tpu.dma_semaphore, #tpu.memory_space<semaphore_mem>>
    %dma_wait3A_976 = arith.constant 0 : i32
    %dma_wait3A_977 = arith.constant 0 : i32
    %dma_wait3A_978 = tpu.memref_slice %arg3[%add3A_12, %dma_wait3A_964, %dma_wait3A_976, %dma_wait3A_977] : memref<64x25x256x128xf32, #tpu.memory_space<hbm>> -> memref<1x1x256x128xf32, #tpu.memory_space<hbm>>
    %dma_wait3A_979 = tpu.memref_squeeze %dma_wait3A_978 : memref<1x1x256x128xf32, #tpu.memory_space<hbm>> -> memref<256x128xf32, #tpu.memory_space<hbm>>
    %dma_wait3A_980 = arith.constant 0 : i32
    %dma_wait3A_981 = arith.constant 0 : i32
    %dma_wait3A_982 = tpu.memref_slice %arg4[%dma_wait3A_963, %dma_wait3A_980, %dma_wait3A_981] : memref<3x256x128xf32, #tpu.memory_space<vmem>> -> memref<1x256x128xf32, #tpu.memory_space<vmem>>
    %dma_wait3A_983 = tpu.memref_squeeze %dma_wait3A_982 : memref<1x256x128xf32, #tpu.memory_space<vmem>> -> memref<256x128xf32, #tpu.memory_space<vmem>>
    tpu.wait_dma2 semaphore(%dma_wait3A_975 : memref<!tpu.dma_semaphore, #tpu.memory_space<semaphore_mem>>) src(%dma_wait3A_983 : memref<256x128xf32, #tpu.memory_space<vmem>>) dst(%dma_wait3A_979 : memref<256x128xf32, #tpu.memory_space<hbm>>)
    %dma_wait3A_984 = arith.constant 2 : i32
    %dma_wait3A_985 = arith.constant 23 : i32
    %dma_wait3A_986 = arith.constant 2 : i32
    %dma_wait3A_987 = arith.constant 0 : i32
    %dma_wait3A_988 = arith.constant 0 : i32
    %dma_wait3A_989 = tpu.memref_slice %arg4[%dma_wait3A_984, %dma_wait3A_987, %dma_wait3A_988] : memref<3x256x128xf32, #tpu.memory_space<vmem>> -> memref<1x256x128xf32, #tpu.memory_space<vmem>>
    %dma_wait3A_990 = tpu.memref_squeeze %dma_wait3A_989 : memref<1x256x128xf32, #tpu.memory_space<vmem>> -> memref<256x128xf32, #tpu.memory_space<vmem>>
    %dma_wait3A_991 = arith.constant 0 : i32
    %dma_wait3A_992 = arith.constant 0 : i32
    %dma_wait3A_993 = tpu.memref_slice %arg3[%add3A_12, %dma_wait3A_985, %dma_wait3A_991, %dma_wait3A_992] : memref<64x25x256x128xf32, #tpu.memory_space<hbm>> -> memref<1x1x256x128xf32, #tpu.memory_space<hbm>>
    %dma_wait3A_994 = tpu.memref_squeeze %dma_wait3A_993 : memref<1x1x256x128xf32, #tpu.memory_space<hbm>> -> memref<256x128xf32, #tpu.memory_space<hbm>>
    %dma_wait3A_995 = tpu.memref_slice %arg6[%dma_wait3A_986] : memref<3x!tpu.dma_semaphore, #tpu.memory_space<semaphore_mem>> -> memref<1x!tpu.dma_semaphore, #tpu.memory_space<semaphore_mem>>
    %dma_wait3A_996 = tpu.memref_squeeze %dma_wait3A_995 : memref<1x!tpu.dma_semaphore, #tpu.memory_space<semaphore_mem>> -> memref<!tpu.dma_semaphore, #tpu.memory_space<semaphore_mem>>
    %dma_wait3A_997 = arith.constant 0 : i32
    %dma_wait3A_998 = arith.constant 0 : i32
    %dma_wait3A_999 = tpu.memref_slice %arg3[%add3A_12, %dma_wait3A_985, %dma_wait3A_997, %dma_wait3A_998] : memref<64x25x256x128xf32, #tpu.memory_space<hbm>> -> memref<1x1x256x128xf32, #tpu.memory_space<hbm>>
    %dma_wait3A_1000 = tpu.memref_squeeze %dma_wait3A_999 : memref<1x1x256x128xf32, #tpu.memory_space<hbm>> -> memref<256x128xf32, #tpu.memory_space<hbm>>
    %dma_wait3A_1001 = arith.constant 0 : i32
    %dma_wait3A_1002 = arith.constant 0 : i32
    %dma_wait3A_1003 = tpu.memref_slice %arg4[%dma_wait3A_984, %dma_wait3A_1001, %dma_wait3A_1002] : memref<3x256x128xf32, #tpu.memory_space<vmem>> -> memref<1x256x128xf32, #tpu.memory_space<vmem>>
    %dma_wait3A_1004 = tpu.memref_squeeze %dma_wait3A_1003 : memref<1x256x128xf32, #tpu.memory_space<vmem>> -> memref<256x128xf32, #tpu.memory_space<vmem>>
    tpu.wait_dma2 semaphore(%dma_wait3A_996 : memref<!tpu.dma_semaphore, #tpu.memory_space<semaphore_mem>>) src(%dma_wait3A_1004 : memref<256x128xf32, #tpu.memory_space<vmem>>) dst(%dma_wait3A_1000 : memref<256x128xf32, #tpu.memory_space<hbm>>)
    %dma_wait3A_1005 = arith.constant 2 : i32
    %dma_wait3A_1006 = arith.constant 24 : i32
    %dma_wait3A_1007 = arith.constant 2 : i32
    %dma_wait3A_1008 = arith.constant 0 : i32
    %dma_wait3A_1009 = arith.constant 0 : i32
    %dma_wait3A_1010 = tpu.memref_slice %arg4[%dma_wait3A_1005, %dma_wait3A_1008, %dma_wait3A_1009] : memref<3x256x128xf32, #tpu.memory_space<vmem>> -> memref<1x256x128xf32, #tpu.memory_space<vmem>>
    %dma_wait3A_1011 = tpu.memref_squeeze %dma_wait3A_1010 : memref<1x256x128xf32, #tpu.memory_space<vmem>> -> memref<256x128xf32, #tpu.memory_space<vmem>>
    %dma_wait3A_1012 = arith.constant 0 : i32
    %dma_wait3A_1013 = arith.constant 0 : i32
    %dma_wait3A_1014 = tpu.memref_slice %arg3[%add3A_12, %dma_wait3A_1006, %dma_wait3A_1012, %dma_wait3A_1013] : memref<64x25x256x128xf32, #tpu.memory_space<hbm>> -> memref<1x1x256x128xf32, #tpu.memory_space<hbm>>
    %dma_wait3A_1015 = tpu.memref_squeeze %dma_wait3A_1014 : memref<1x1x256x128xf32, #tpu.memory_space<hbm>> -> memref<256x128xf32, #tpu.memory_space<hbm>>
    %dma_wait3A_1016 = tpu.memref_slice %arg6[%dma_wait3A_1007] : memref<3x!tpu.dma_semaphore, #tpu.memory_space<semaphore_mem>> -> memref<1x!tpu.dma_semaphore, #tpu.memory_space<semaphore_mem>>
    %dma_wait3A_1017 = tpu.memref_squeeze %dma_wait3A_1016 : memref<1x!tpu.dma_semaphore, #tpu.memory_space<semaphore_mem>> -> memref<!tpu.dma_semaphore, #tpu.memory_space<semaphore_mem>>
    %dma_wait3A_1018 = arith.constant 0 : i32
    %dma_wait3A_1019 = arith.constant 0 : i32
    %dma_wait3A_1020 = tpu.memref_slice %arg3[%add3A_12, %dma_wait3A_1006, %dma_wait3A_1018, %dma_wait3A_1019] : memref<64x25x256x128xf32, #tpu.memory_space<hbm>> -> memref<1x1x256x128xf32, #tpu.memory_space<hbm>>
    %dma_wait3A_1021 = tpu.memref_squeeze %dma_wait3A_1020 : memref<1x1x256x128xf32, #tpu.memory_space<hbm>> -> memref<256x128xf32, #tpu.memory_space<hbm>>
    %dma_wait3A_1022 = arith.constant 0 : i32
    %dma_wait3A_1023 = arith.constant 0 : i32
    %dma_wait3A_1024 = tpu.memref_slice %arg4[%dma_wait3A_1005, %dma_wait3A_1022, %dma_wait3A_1023] : memref<3x256x128xf32, #tpu.memory_space<vmem>> -> memref<1x256x128xf32, #tpu.memory_space<vmem>>
    %dma_wait3A_1025 = tpu.memref_squeeze %dma_wait3A_1024 : memref<1x256x128xf32, #tpu.memory_space<vmem>> -> memref<256x128xf32, #tpu.memory_space<vmem>>
    tpu.wait_dma2 semaphore(%dma_wait3A_1017 : memref<!tpu.dma_semaphore, #tpu.memory_space<semaphore_mem>>) src(%dma_wait3A_1025 : memref<256x128xf32, #tpu.memory_space<vmem>>) dst(%dma_wait3A_1021 : memref<256x128xf32, #tpu.memory_space<hbm>>)
    %dma_start3A_1026 = arith.constant 0 : i32
    %dma_start3A_1027 = arith.constant 2 : i32
    %dma_start3A_1028 = arith.constant 2 : i32
    %dma_start3A_1029 = arith.constant 0 : i32
    %dma_start3A_1030 = arith.constant 0 : i32
    %dma_start3A_1031 = tpu.memref_slice %arg4[%dma_start3A_1027, %dma_start3A_1029, %dma_start3A_1030] : memref<3x256x128xf32, #tpu.memory_space<vmem>> -> memref<1x256x128xf32, #tpu.memory_space<vmem>>
    %dma_start3A_1032 = tpu.memref_squeeze %dma_start3A_1031 : memref<1x256x128xf32, #tpu.memory_space<vmem>> -> memref<256x128xf32, #tpu.memory_space<vmem>>
    %dma_start3A_1033 = arith.constant 0 : i32
    %dma_start3A_1034 = arith.constant 0 : i32
    %dma_start3A_1035 = tpu.memref_slice %arg2[%add3A_24, %dma_start3A_1026, %dma_start3A_1033, %dma_start3A_1034] : memref<64x5x256x128xf32, #tpu.memory_space<hbm>> -> memref<1x1x256x128xf32, #tpu.memory_space<hbm>>
    %dma_start3A_1036 = tpu.memref_squeeze %dma_start3A_1035 : memref<1x1x256x128xf32, #tpu.memory_space<hbm>> -> memref<256x128xf32, #tpu.memory_space<hbm>>
    %dma_start3A_1037 = tpu.memref_slice %arg5[%dma_start3A_1028] : memref<3x!tpu.dma_semaphore, #tpu.memory_space<semaphore_mem>> -> memref<1x!tpu.dma_semaphore, #tpu.memory_space<semaphore_mem>>
    %dma_start3A_1038 = tpu.memref_squeeze %dma_start3A_1037 : memref<1x!tpu.dma_semaphore, #tpu.memory_space<semaphore_mem>> -> memref<!tpu.dma_semaphore, #tpu.memory_space<semaphore_mem>>
    %dma_start3A_1039 = arith.constant 0 : i32
    %dma_start3A_1040 = arith.constant 0 : i32
    %dma_start3A_1041 = tpu.memref_slice %arg4[%dma_start3A_1027, %dma_start3A_1039, %dma_start3A_1040] : memref<3x256x128xf32, #tpu.memory_space<vmem>> -> memref<1x256x128xf32, #tpu.memory_space<vmem>>
    %dma_start3A_1042 = tpu.memref_squeeze %dma_start3A_1041 : memref<1x256x128xf32, #tpu.memory_space<vmem>> -> memref<256x128xf32, #tpu.memory_space<vmem>>
    %dma_start3A_1043 = arith.constant 0 : i32
    %dma_start3A_1044 = arith.constant 0 : i32
    %dma_start3A_1045 = tpu.memref_slice %arg2[%add3A_24, %dma_start3A_1026, %dma_start3A_1043, %dma_start3A_1044] : memref<64x5x256x128xf32, #tpu.memory_space<hbm>> -> memref<1x1x256x128xf32, #tpu.memory_space<hbm>>
    %dma_start3A_1046 = tpu.memref_squeeze %dma_start3A_1045 : memref<1x1x256x128xf32, #tpu.memory_space<hbm>> -> memref<256x128xf32, #tpu.memory_space<hbm>>
    tpu.enqueue_dma source(%dma_start3A_1046 : memref<256x128xf32, #tpu.memory_space<hbm>>) target(%dma_start3A_1042 : memref<256x128xf32, #tpu.memory_space<vmem>>) target_semaphore(%dma_start3A_1038 : memref<!tpu.dma_semaphore, #tpu.memory_space<semaphore_mem>>)
    %dma_wait3A_1047 = arith.constant 4 : i32
    %dma_wait3A_1048 = arith.constant 1 : i32
    %dma_wait3A_1049 = arith.constant 1 : i32
    %dma_wait3A_1050 = arith.constant 0 : i32
    %dma_wait3A_1051 = arith.constant 0 : i32
    %dma_wait3A_1052 = tpu.memref_slice %arg4[%dma_wait3A_1048, %dma_wait3A_1050, %dma_wait3A_1051] : memref<3x256x128xf32, #tpu.memory_space<vmem>> -> memref<1x256x128xf32, #tpu.memory_space<vmem>>
    %dma_wait3A_1053 = tpu.memref_squeeze %dma_wait3A_1052 : memref<1x256x128xf32, #tpu.memory_space<vmem>> -> memref<256x128xf32, #tpu.memory_space<vmem>>
    %dma_wait3A_1054 = arith.constant 0 : i32
    %dma_wait3A_1055 = arith.constant 0 : i32
    %dma_wait3A_1056 = tpu.memref_slice %arg2[%add3A_20, %dma_wait3A_1047, %dma_wait3A_1054, %dma_wait3A_1055] : memref<64x5x256x128xf32, #tpu.memory_space<hbm>> -> memref<1x1x256x128xf32, #tpu.memory_space<hbm>>
    %dma_wait3A_1057 = tpu.memref_squeeze %dma_wait3A_1056 : memref<1x1x256x128xf32, #tpu.memory_space<hbm>> -> memref<256x128xf32, #tpu.memory_space<hbm>>
    %dma_wait3A_1058 = tpu.memref_slice %arg5[%dma_wait3A_1049] : memref<3x!tpu.dma_semaphore, #tpu.memory_space<semaphore_mem>> -> memref<1x!tpu.dma_semaphore, #tpu.memory_space<semaphore_mem>>
    %dma_wait3A_1059 = tpu.memref_squeeze %dma_wait3A_1058 : memref<1x!tpu.dma_semaphore, #tpu.memory_space<semaphore_mem>> -> memref<!tpu.dma_semaphore, #tpu.memory_space<semaphore_mem>>
    %dma_wait3A_1060 = arith.constant 0 : i32
    %dma_wait3A_1061 = arith.constant 0 : i32
    %dma_wait3A_1062 = tpu.memref_slice %arg4[%dma_wait3A_1048, %dma_wait3A_1060, %dma_wait3A_1061] : memref<3x256x128xf32, #tpu.memory_space<vmem>> -> memref<1x256x128xf32, #tpu.memory_space<vmem>>
    %dma_wait3A_1063 = tpu.memref_squeeze %dma_wait3A_1062 : memref<1x256x128xf32, #tpu.memory_space<vmem>> -> memref<256x128xf32, #tpu.memory_space<vmem>>
    %dma_wait3A_1064 = arith.constant 0 : i32
    %dma_wait3A_1065 = arith.constant 0 : i32
    %dma_wait3A_1066 = tpu.memref_slice %arg2[%add3A_20, %dma_wait3A_1047, %dma_wait3A_1064, %dma_wait3A_1065] : memref<64x5x256x128xf32, #tpu.memory_space<hbm>> -> memref<1x1x256x128xf32, #tpu.memory_space<hbm>>
    %dma_wait3A_1067 = tpu.memref_squeeze %dma_wait3A_1066 : memref<1x1x256x128xf32, #tpu.memory_space<hbm>> -> memref<256x128xf32, #tpu.memory_space<hbm>>
    tpu.wait_dma2 semaphore(%dma_wait3A_1059 : memref<!tpu.dma_semaphore, #tpu.memory_space<semaphore_mem>>) src(%dma_wait3A_1067 : memref<256x128xf32, #tpu.memory_space<hbm>>) dst(%dma_wait3A_1063 : memref<256x128xf32, #tpu.memory_space<vmem>>)
    %dma_start3A_1068 = arith.constant 1 : i32
    %dma_start3A_1069 = arith.constant 16 : i32
    %dma_start3A_1070 = arith.constant 1 : i32
    %dma_start3A_1071 = arith.constant 0 : i32
    %dma_start3A_1072 = arith.constant 0 : i32
    %dma_start3A_1073 = tpu.memref_slice %arg4[%dma_start3A_1068, %dma_start3A_1071, %dma_start3A_1072] : memref<3x256x128xf32, #tpu.memory_space<vmem>> -> memref<1x256x128xf32, #tpu.memory_space<vmem>>
    %dma_start3A_1074 = tpu.memref_squeeze %dma_start3A_1073 : memref<1x256x128xf32, #tpu.memory_space<vmem>> -> memref<256x128xf32, #tpu.memory_space<vmem>>
    %dma_start3A_1075 = arith.constant 0 : i32
    %dma_start3A_1076 = arith.constant 0 : i32
    %dma_start3A_1077 = tpu.memref_slice %arg3[%add3A_20, %dma_start3A_1069, %dma_start3A_1075, %dma_start3A_1076] : memref<64x25x256x128xf32, #tpu.memory_space<hbm>> -> memref<1x1x256x128xf32, #tpu.memory_space<hbm>>
    %dma_start3A_1078 = tpu.memref_squeeze %dma_start3A_1077 : memref<1x1x256x128xf32, #tpu.memory_space<hbm>> -> memref<256x128xf32, #tpu.memory_space<hbm>>
    %dma_start3A_1079 = tpu.memref_slice %arg6[%dma_start3A_1070] : memref<3x!tpu.dma_semaphore, #tpu.memory_space<semaphore_mem>> -> memref<1x!tpu.dma_semaphore, #tpu.memory_space<semaphore_mem>>
    %dma_start3A_1080 = tpu.memref_squeeze %dma_start3A_1079 : memref<1x!tpu.dma_semaphore, #tpu.memory_space<semaphore_mem>> -> memref<!tpu.dma_semaphore, #tpu.memory_space<semaphore_mem>>
    %dma_start3A_1081 = arith.constant 0 : i32
    %dma_start3A_1082 = arith.constant 0 : i32
    %dma_start3A_1083 = tpu.memref_slice %arg3[%add3A_20, %dma_start3A_1069, %dma_start3A_1081, %dma_start3A_1082] : memref<64x25x256x128xf32, #tpu.memory_space<hbm>> -> memref<1x1x256x128xf32, #tpu.memory_space<hbm>>
    %dma_start3A_1084 = tpu.memref_squeeze %dma_start3A_1083 : memref<1x1x256x128xf32, #tpu.memory_space<hbm>> -> memref<256x128xf32, #tpu.memory_space<hbm>>
    %dma_start3A_1085 = arith.constant 0 : i32
    %dma_start3A_1086 = arith.constant 0 : i32
    %dma_start3A_1087 = tpu.memref_slice %arg4[%dma_start3A_1068, %dma_start3A_1085, %dma_start3A_1086] : memref<3x256x128xf32, #tpu.memory_space<vmem>> -> memref<1x256x128xf32, #tpu.memory_space<vmem>>
    %dma_start3A_1088 = tpu.memref_squeeze %dma_start3A_1087 : memref<1x256x128xf32, #tpu.memory_space<vmem>> -> memref<256x128xf32, #tpu.memory_space<vmem>>
    tpu.enqueue_dma source(%dma_start3A_1088 : memref<256x128xf32, #tpu.memory_space<vmem>>) target(%dma_start3A_1084 : memref<256x128xf32, #tpu.memory_space<hbm>>) target_semaphore(%dma_start3A_1080 : memref<!tpu.dma_semaphore, #tpu.memory_space<semaphore_mem>>)
    %dma_start3A_1089 = arith.constant 1 : i32
    %dma_start3A_1090 = arith.constant 17 : i32
    %dma_start3A_1091 = arith.constant 1 : i32
    %dma_start3A_1092 = arith.constant 0 : i32
    %dma_start3A_1093 = arith.constant 0 : i32
    %dma_start3A_1094 = tpu.memref_slice %arg4[%dma_start3A_1089, %dma_start3A_1092, %dma_start3A_1093] : memref<3x256x128xf32, #tpu.memory_space<vmem>> -> memref<1x256x128xf32, #tpu.memory_space<vmem>>
    %dma_start3A_1095 = tpu.memref_squeeze %dma_start3A_1094 : memref<1x256x128xf32, #tpu.memory_space<vmem>> -> memref<256x128xf32, #tpu.memory_space<vmem>>
    %dma_start3A_1096 = arith.constant 0 : i32
    %dma_start3A_1097 = arith.constant 0 : i32
    %dma_start3A_1098 = tpu.memref_slice %arg3[%add3A_20, %dma_start3A_1090, %dma_start3A_1096, %dma_start3A_1097] : memref<64x25x256x128xf32, #tpu.memory_space<hbm>> -> memref<1x1x256x128xf32, #tpu.memory_space<hbm>>
    %dma_start3A_1099 = tpu.memref_squeeze %dma_start3A_1098 : memref<1x1x256x128xf32, #tpu.memory_space<hbm>> -> memref<256x128xf32, #tpu.memory_space<hbm>>
    %dma_start3A_1100 = tpu.memref_slice %arg6[%dma_start3A_1091] : memref<3x!tpu.dma_semaphore, #tpu.memory_space<semaphore_mem>> -> memref<1x!tpu.dma_semaphore, #tpu.memory_space<semaphore_mem>>
    %dma_start3A_1101 = tpu.memref_squeeze %dma_start3A_1100 : memref<1x!tpu.dma_semaphore, #tpu.memory_space<semaphore_mem>> -> memref<!tpu.dma_semaphore, #tpu.memory_space<semaphore_mem>>
    %dma_start3A_1102 = arith.constant 0 : i32
    %dma_start3A_1103 = arith.constant 0 : i32
    %dma_start3A_1104 = tpu.memref_slice %arg3[%add3A_20, %dma_start3A_1090, %dma_start3A_1102, %dma_start3A_1103] : memref<64x25x256x128xf32, #tpu.memory_space<hbm>> -> memref<1x1x256x128xf32, #tpu.memory_space<hbm>>
    %dma_start3A_1105 = tpu.memref_squeeze %dma_start3A_1104 : memref<1x1x256x128xf32, #tpu.memory_space<hbm>> -> memref<256x128xf32, #tpu.memory_space<hbm>>
    %dma_start3A_1106 = arith.constant 0 : i32
    %dma_start3A_1107 = arith.constant 0 : i32
    %dma_start3A_1108 = tpu.memref_slice %arg4[%dma_start3A_1089, %dma_start3A_1106, %dma_start3A_1107] : memref<3x256x128xf32, #tpu.memory_space<vmem>> -> memref<1x256x128xf32, #tpu.memory_space<vmem>>
    %dma_start3A_1109 = tpu.memref_squeeze %dma_start3A_1108 : memref<1x256x128xf32, #tpu.memory_space<vmem>> -> memref<256x128xf32, #tpu.memory_space<vmem>>
    tpu.enqueue_dma source(%dma_start3A_1109 : memref<256x128xf32, #tpu.memory_space<vmem>>) target(%dma_start3A_1105 : memref<256x128xf32, #tpu.memory_space<hbm>>) target_semaphore(%dma_start3A_1101 : memref<!tpu.dma_semaphore, #tpu.memory_space<semaphore_mem>>)
    %dma_start3A_1110 = arith.constant 1 : i32
    %dma_start3A_1111 = arith.constant 18 : i32
    %dma_start3A_1112 = arith.constant 1 : i32
    %dma_start3A_1113 = arith.constant 0 : i32
    %dma_start3A_1114 = arith.constant 0 : i32
    %dma_start3A_1115 = tpu.memref_slice %arg4[%dma_start3A_1110, %dma_start3A_1113, %dma_start3A_1114] : memref<3x256x128xf32, #tpu.memory_space<vmem>> -> memref<1x256x128xf32, #tpu.memory_space<vmem>>
    %dma_start3A_1116 = tpu.memref_squeeze %dma_start3A_1115 : memref<1x256x128xf32, #tpu.memory_space<vmem>> -> memref<256x128xf32, #tpu.memory_space<vmem>>
    %dma_start3A_1117 = arith.constant 0 : i32
    %dma_start3A_1118 = arith.constant 0 : i32
    %dma_start3A_1119 = tpu.memref_slice %arg3[%add3A_20, %dma_start3A_1111, %dma_start3A_1117, %dma_start3A_1118] : memref<64x25x256x128xf32, #tpu.memory_space<hbm>> -> memref<1x1x256x128xf32, #tpu.memory_space<hbm>>
    %dma_start3A_1120 = tpu.memref_squeeze %dma_start3A_1119 : memref<1x1x256x128xf32, #tpu.memory_space<hbm>> -> memref<256x128xf32, #tpu.memory_space<hbm>>
    %dma_start3A_1121 = tpu.memref_slice %arg6[%dma_start3A_1112] : memref<3x!tpu.dma_semaphore, #tpu.memory_space<semaphore_mem>> -> memref<1x!tpu.dma_semaphore, #tpu.memory_space<semaphore_mem>>
    %dma_start3A_1122 = tpu.memref_squeeze %dma_start3A_1121 : memref<1x!tpu.dma_semaphore, #tpu.memory_space<semaphore_mem>> -> memref<!tpu.dma_semaphore, #tpu.memory_space<semaphore_mem>>
    %dma_start3A_1123 = arith.constant 0 : i32
    %dma_start3A_1124 = arith.constant 0 : i32
    %dma_start3A_1125 = tpu.memref_slice %arg3[%add3A_20, %dma_start3A_1111, %dma_start3A_1123, %dma_start3A_1124] : memref<64x25x256x128xf32, #tpu.memory_space<hbm>> -> memref<1x1x256x128xf32, #tpu.memory_space<hbm>>
    %dma_start3A_1126 = tpu.memref_squeeze %dma_start3A_1125 : memref<1x1x256x128xf32, #tpu.memory_space<hbm>> -> memref<256x128xf32, #tpu.memory_space<hbm>>
    %dma_start3A_1127 = arith.constant 0 : i32
    %dma_start3A_1128 = arith.constant 0 : i32
    %dma_start3A_1129 = tpu.memref_slice %arg4[%dma_start3A_1110, %dma_start3A_1127, %dma_start3A_1128] : memref<3x256x128xf32, #tpu.memory_space<vmem>> -> memref<1x256x128xf32, #tpu.memory_space<vmem>>
    %dma_start3A_1130 = tpu.memref_squeeze %dma_start3A_1129 : memref<1x256x128xf32, #tpu.memory_space<vmem>> -> memref<256x128xf32, #tpu.memory_space<vmem>>
    tpu.enqueue_dma source(%dma_start3A_1130 : memref<256x128xf32, #tpu.memory_space<vmem>>) target(%dma_start3A_1126 : memref<256x128xf32, #tpu.memory_space<hbm>>) target_semaphore(%dma_start3A_1122 : memref<!tpu.dma_semaphore, #tpu.memory_space<semaphore_mem>>)
    %dma_start3A_1131 = arith.constant 1 : i32
    %dma_start3A_1132 = arith.constant 19 : i32
    %dma_start3A_1133 = arith.constant 1 : i32
    %dma_start3A_1134 = arith.constant 0 : i32
    %dma_start3A_1135 = arith.constant 0 : i32
    %dma_start3A_1136 = tpu.memref_slice %arg4[%dma_start3A_1131, %dma_start3A_1134, %dma_start3A_1135] : memref<3x256x128xf32, #tpu.memory_space<vmem>> -> memref<1x256x128xf32, #tpu.memory_space<vmem>>
    %dma_start3A_1137 = tpu.memref_squeeze %dma_start3A_1136 : memref<1x256x128xf32, #tpu.memory_space<vmem>> -> memref<256x128xf32, #tpu.memory_space<vmem>>
    %dma_start3A_1138 = arith.constant 0 : i32
    %dma_start3A_1139 = arith.constant 0 : i32
    %dma_start3A_1140 = tpu.memref_slice %arg3[%add3A_20, %dma_start3A_1132, %dma_start3A_1138, %dma_start3A_1139] : memref<64x25x256x128xf32, #tpu.memory_space<hbm>> -> memref<1x1x256x128xf32, #tpu.memory_space<hbm>>
    %dma_start3A_1141 = tpu.memref_squeeze %dma_start3A_1140 : memref<1x1x256x128xf32, #tpu.memory_space<hbm>> -> memref<256x128xf32, #tpu.memory_space<hbm>>
    %dma_start3A_1142 = tpu.memref_slice %arg6[%dma_start3A_1133] : memref<3x!tpu.dma_semaphore, #tpu.memory_space<semaphore_mem>> -> memref<1x!tpu.dma_semaphore, #tpu.memory_space<semaphore_mem>>
    %dma_start3A_1143 = tpu.memref_squeeze %dma_start3A_1142 : memref<1x!tpu.dma_semaphore, #tpu.memory_space<semaphore_mem>> -> memref<!tpu.dma_semaphore, #tpu.memory_space<semaphore_mem>>
    %dma_start3A_1144 = arith.constant 0 : i32
    %dma_start3A_1145 = arith.constant 0 : i32
    %dma_start3A_1146 = tpu.memref_slice %arg3[%add3A_20, %dma_start3A_1132, %dma_start3A_1144, %dma_start3A_1145] : memref<64x25x256x128xf32, #tpu.memory_space<hbm>> -> memref<1x1x256x128xf32, #tpu.memory_space<hbm>>
    %dma_start3A_1147 = tpu.memref_squeeze %dma_start3A_1146 : memref<1x1x256x128xf32, #tpu.memory_space<hbm>> -> memref<256x128xf32, #tpu.memory_space<hbm>>
    %dma_start3A_1148 = arith.constant 0 : i32
    %dma_start3A_1149 = arith.constant 0 : i32
    %dma_start3A_1150 = tpu.memref_slice %arg4[%dma_start3A_1131, %dma_start3A_1148, %dma_start3A_1149] : memref<3x256x128xf32, #tpu.memory_space<vmem>> -> memref<1x256x128xf32, #tpu.memory_space<vmem>>
    %dma_start3A_1151 = tpu.memref_squeeze %dma_start3A_1150 : memref<1x256x128xf32, #tpu.memory_space<vmem>> -> memref<256x128xf32, #tpu.memory_space<vmem>>
    tpu.enqueue_dma source(%dma_start3A_1151 : memref<256x128xf32, #tpu.memory_space<vmem>>) target(%dma_start3A_1147 : memref<256x128xf32, #tpu.memory_space<hbm>>) target_semaphore(%dma_start3A_1143 : memref<!tpu.dma_semaphore, #tpu.memory_space<semaphore_mem>>)
    %dma_wait3A_1152 = arith.constant 0 : i32
    %dma_wait3A_1153 = arith.constant 12 : i32
    %dma_wait3A_1154 = arith.constant 0 : i32
    %dma_wait3A_1155 = arith.constant 0 : i32
    %dma_wait3A_1156 = arith.constant 0 : i32
    %dma_wait3A_1157 = tpu.memref_slice %arg4[%dma_wait3A_1152, %dma_wait3A_1155, %dma_wait3A_1156] : memref<3x256x128xf32, #tpu.memory_space<vmem>> -> memref<1x256x128xf32, #tpu.memory_space<vmem>>
    %dma_wait3A_1158 = tpu.memref_squeeze %dma_wait3A_1157 : memref<1x256x128xf32, #tpu.memory_space<vmem>> -> memref<256x128xf32, #tpu.memory_space<vmem>>
    %dma_wait3A_1159 = arith.constant 0 : i32
    %dma_wait3A_1160 = arith.constant 0 : i32
    %dma_wait3A_1161 = tpu.memref_slice %arg3[%add3A_16, %dma_wait3A_1153, %dma_wait3A_1159, %dma_wait3A_1160] : memref<64x25x256x128xf32, #tpu.memory_space<hbm>> -> memref<1x1x256x128xf32, #tpu.memory_space<hbm>>
    %dma_wait3A_1162 = tpu.memref_squeeze %dma_wait3A_1161 : memref<1x1x256x128xf32, #tpu.memory_space<hbm>> -> memref<256x128xf32, #tpu.memory_space<hbm>>
    %dma_wait3A_1163 = tpu.memref_slice %arg6[%dma_wait3A_1154] : memref<3x!tpu.dma_semaphore, #tpu.memory_space<semaphore_mem>> -> memref<1x!tpu.dma_semaphore, #tpu.memory_space<semaphore_mem>>
    %dma_wait3A_1164 = tpu.memref_squeeze %dma_wait3A_1163 : memref<1x!tpu.dma_semaphore, #tpu.memory_space<semaphore_mem>> -> memref<!tpu.dma_semaphore, #tpu.memory_space<semaphore_mem>>
    %dma_wait3A_1165 = arith.constant 0 : i32
    %dma_wait3A_1166 = arith.constant 0 : i32
    %dma_wait3A_1167 = tpu.memref_slice %arg3[%add3A_16, %dma_wait3A_1153, %dma_wait3A_1165, %dma_wait3A_1166] : memref<64x25x256x128xf32, #tpu.memory_space<hbm>> -> memref<1x1x256x128xf32, #tpu.memory_space<hbm>>
    %dma_wait3A_1168 = tpu.memref_squeeze %dma_wait3A_1167 : memref<1x1x256x128xf32, #tpu.memory_space<hbm>> -> memref<256x128xf32, #tpu.memory_space<hbm>>
    %dma_wait3A_1169 = arith.constant 0 : i32
    %dma_wait3A_1170 = arith.constant 0 : i32
    %dma_wait3A_1171 = tpu.memref_slice %arg4[%dma_wait3A_1152, %dma_wait3A_1169, %dma_wait3A_1170] : memref<3x256x128xf32, #tpu.memory_space<vmem>> -> memref<1x256x128xf32, #tpu.memory_space<vmem>>
    %dma_wait3A_1172 = tpu.memref_squeeze %dma_wait3A_1171 : memref<1x256x128xf32, #tpu.memory_space<vmem>> -> memref<256x128xf32, #tpu.memory_space<vmem>>
    tpu.wait_dma2 semaphore(%dma_wait3A_1164 : memref<!tpu.dma_semaphore, #tpu.memory_space<semaphore_mem>>) src(%dma_wait3A_1172 : memref<256x128xf32, #tpu.memory_space<vmem>>) dst(%dma_wait3A_1168 : memref<256x128xf32, #tpu.memory_space<hbm>>)
    %dma_wait3A_1173 = arith.constant 0 : i32
    %dma_wait3A_1174 = arith.constant 13 : i32
    %dma_wait3A_1175 = arith.constant 0 : i32
    %dma_wait3A_1176 = arith.constant 0 : i32
    %dma_wait3A_1177 = arith.constant 0 : i32
    %dma_wait3A_1178 = tpu.memref_slice %arg4[%dma_wait3A_1173, %dma_wait3A_1176, %dma_wait3A_1177] : memref<3x256x128xf32, #tpu.memory_space<vmem>> -> memref<1x256x128xf32, #tpu.memory_space<vmem>>
    %dma_wait3A_1179 = tpu.memref_squeeze %dma_wait3A_1178 : memref<1x256x128xf32, #tpu.memory_space<vmem>> -> memref<256x128xf32, #tpu.memory_space<vmem>>
    %dma_wait3A_1180 = arith.constant 0 : i32
    %dma_wait3A_1181 = arith.constant 0 : i32
    %dma_wait3A_1182 = tpu.memref_slice %arg3[%add3A_16, %dma_wait3A_1174, %dma_wait3A_1180, %dma_wait3A_1181] : memref<64x25x256x128xf32, #tpu.memory_space<hbm>> -> memref<1x1x256x128xf32, #tpu.memory_space<hbm>>
    %dma_wait3A_1183 = tpu.memref_squeeze %dma_wait3A_1182 : memref<1x1x256x128xf32, #tpu.memory_space<hbm>> -> memref<256x128xf32, #tpu.memory_space<hbm>>
    %dma_wait3A_1184 = tpu.memref_slice %arg6[%dma_wait3A_1175] : memref<3x!tpu.dma_semaphore, #tpu.memory_space<semaphore_mem>> -> memref<1x!tpu.dma_semaphore, #tpu.memory_space<semaphore_mem>>
    %dma_wait3A_1185 = tpu.memref_squeeze %dma_wait3A_1184 : memref<1x!tpu.dma_semaphore, #tpu.memory_space<semaphore_mem>> -> memref<!tpu.dma_semaphore, #tpu.memory_space<semaphore_mem>>
    %dma_wait3A_1186 = arith.constant 0 : i32
    %dma_wait3A_1187 = arith.constant 0 : i32
    %dma_wait3A_1188 = tpu.memref_slice %arg3[%add3A_16, %dma_wait3A_1174, %dma_wait3A_1186, %dma_wait3A_1187] : memref<64x25x256x128xf32, #tpu.memory_space<hbm>> -> memref<1x1x256x128xf32, #tpu.memory_space<hbm>>
    %dma_wait3A_1189 = tpu.memref_squeeze %dma_wait3A_1188 : memref<1x1x256x128xf32, #tpu.memory_space<hbm>> -> memref<256x128xf32, #tpu.memory_space<hbm>>
    %dma_wait3A_1190 = arith.constant 0 : i32
    %dma_wait3A_1191 = arith.constant 0 : i32
    %dma_wait3A_1192 = tpu.memref_slice %arg4[%dma_wait3A_1173, %dma_wait3A_1190, %dma_wait3A_1191] : memref<3x256x128xf32, #tpu.memory_space<vmem>> -> memref<1x256x128xf32, #tpu.memory_space<vmem>>
    %dma_wait3A_1193 = tpu.memref_squeeze %dma_wait3A_1192 : memref<1x256x128xf32, #tpu.memory_space<vmem>> -> memref<256x128xf32, #tpu.memory_space<vmem>>
    tpu.wait_dma2 semaphore(%dma_wait3A_1185 : memref<!tpu.dma_semaphore, #tpu.memory_space<semaphore_mem>>) src(%dma_wait3A_1193 : memref<256x128xf32, #tpu.memory_space<vmem>>) dst(%dma_wait3A_1189 : memref<256x128xf32, #tpu.memory_space<hbm>>)
    %dma_wait3A_1194 = arith.constant 0 : i32
    %dma_wait3A_1195 = arith.constant 14 : i32
    %dma_wait3A_1196 = arith.constant 0 : i32
    %dma_wait3A_1197 = arith.constant 0 : i32
    %dma_wait3A_1198 = arith.constant 0 : i32
    %dma_wait3A_1199 = tpu.memref_slice %arg4[%dma_wait3A_1194, %dma_wait3A_1197, %dma_wait3A_1198] : memref<3x256x128xf32, #tpu.memory_space<vmem>> -> memref<1x256x128xf32, #tpu.memory_space<vmem>>
    %dma_wait3A_1200 = tpu.memref_squeeze %dma_wait3A_1199 : memref<1x256x128xf32, #tpu.memory_space<vmem>> -> memref<256x128xf32, #tpu.memory_space<vmem>>
    %dma_wait3A_1201 = arith.constant 0 : i32
    %dma_wait3A_1202 = arith.constant 0 : i32
    %dma_wait3A_1203 = tpu.memref_slice %arg3[%add3A_16, %dma_wait3A_1195, %dma_wait3A_1201, %dma_wait3A_1202] : memref<64x25x256x128xf32, #tpu.memory_space<hbm>> -> memref<1x1x256x128xf32, #tpu.memory_space<hbm>>
    %dma_wait3A_1204 = tpu.memref_squeeze %dma_wait3A_1203 : memref<1x1x256x128xf32, #tpu.memory_space<hbm>> -> memref<256x128xf32, #tpu.memory_space<hbm>>
    %dma_wait3A_1205 = tpu.memref_slice %arg6[%dma_wait3A_1196] : memref<3x!tpu.dma_semaphore, #tpu.memory_space<semaphore_mem>> -> memref<1x!tpu.dma_semaphore, #tpu.memory_space<semaphore_mem>>
    %dma_wait3A_1206 = tpu.memref_squeeze %dma_wait3A_1205 : memref<1x!tpu.dma_semaphore, #tpu.memory_space<semaphore_mem>> -> memref<!tpu.dma_semaphore, #tpu.memory_space<semaphore_mem>>
    %dma_wait3A_1207 = arith.constant 0 : i32
    %dma_wait3A_1208 = arith.constant 0 : i32
    %dma_wait3A_1209 = tpu.memref_slice %arg3[%add3A_16, %dma_wait3A_1195, %dma_wait3A_1207, %dma_wait3A_1208] : memref<64x25x256x128xf32, #tpu.memory_space<hbm>> -> memref<1x1x256x128xf32, #tpu.memory_space<hbm>>
    %dma_wait3A_1210 = tpu.memref_squeeze %dma_wait3A_1209 : memref<1x1x256x128xf32, #tpu.memory_space<hbm>> -> memref<256x128xf32, #tpu.memory_space<hbm>>
    %dma_wait3A_1211 = arith.constant 0 : i32
    %dma_wait3A_1212 = arith.constant 0 : i32
    %dma_wait3A_1213 = tpu.memref_slice %arg4[%dma_wait3A_1194, %dma_wait3A_1211, %dma_wait3A_1212] : memref<3x256x128xf32, #tpu.memory_space<vmem>> -> memref<1x256x128xf32, #tpu.memory_space<vmem>>
    %dma_wait3A_1214 = tpu.memref_squeeze %dma_wait3A_1213 : memref<1x256x128xf32, #tpu.memory_space<vmem>> -> memref<256x128xf32, #tpu.memory_space<vmem>>
    tpu.wait_dma2 semaphore(%dma_wait3A_1206 : memref<!tpu.dma_semaphore, #tpu.memory_space<semaphore_mem>>) src(%dma_wait3A_1214 : memref<256x128xf32, #tpu.memory_space<vmem>>) dst(%dma_wait3A_1210 : memref<256x128xf32, #tpu.memory_space<hbm>>)
    %dma_wait3A_1215 = arith.constant 0 : i32
    %dma_wait3A_1216 = arith.constant 15 : i32
    %dma_wait3A_1217 = arith.constant 0 : i32
    %dma_wait3A_1218 = arith.constant 0 : i32
    %dma_wait3A_1219 = arith.constant 0 : i32
    %dma_wait3A_1220 = tpu.memref_slice %arg4[%dma_wait3A_1215, %dma_wait3A_1218, %dma_wait3A_1219] : memref<3x256x128xf32, #tpu.memory_space<vmem>> -> memref<1x256x128xf32, #tpu.memory_space<vmem>>
    %dma_wait3A_1221 = tpu.memref_squeeze %dma_wait3A_1220 : memref<1x256x128xf32, #tpu.memory_space<vmem>> -> memref<256x128xf32, #tpu.memory_space<vmem>>
    %dma_wait3A_1222 = arith.constant 0 : i32
    %dma_wait3A_1223 = arith.constant 0 : i32
    %dma_wait3A_1224 = tpu.memref_slice %arg3[%add3A_16, %dma_wait3A_1216, %dma_wait3A_1222, %dma_wait3A_1223] : memref<64x25x256x128xf32, #tpu.memory_space<hbm>> -> memref<1x1x256x128xf32, #tpu.memory_space<hbm>>
    %dma_wait3A_1225 = tpu.memref_squeeze %dma_wait3A_1224 : memref<1x1x256x128xf32, #tpu.memory_space<hbm>> -> memref<256x128xf32, #tpu.memory_space<hbm>>
    %dma_wait3A_1226 = tpu.memref_slice %arg6[%dma_wait3A_1217] : memref<3x!tpu.dma_semaphore, #tpu.memory_space<semaphore_mem>> -> memref<1x!tpu.dma_semaphore, #tpu.memory_space<semaphore_mem>>
    %dma_wait3A_1227 = tpu.memref_squeeze %dma_wait3A_1226 : memref<1x!tpu.dma_semaphore, #tpu.memory_space<semaphore_mem>> -> memref<!tpu.dma_semaphore, #tpu.memory_space<semaphore_mem>>
    %dma_wait3A_1228 = arith.constant 0 : i32
    %dma_wait3A_1229 = arith.constant 0 : i32
    %dma_wait3A_1230 = tpu.memref_slice %arg3[%add3A_16, %dma_wait3A_1216, %dma_wait3A_1228, %dma_wait3A_1229] : memref<64x25x256x128xf32, #tpu.memory_space<hbm>> -> memref<1x1x256x128xf32, #tpu.memory_space<hbm>>
    %dma_wait3A_1231 = tpu.memref_squeeze %dma_wait3A_1230 : memref<1x1x256x128xf32, #tpu.memory_space<hbm>> -> memref<256x128xf32, #tpu.memory_space<hbm>>
    %dma_wait3A_1232 = arith.constant 0 : i32
    %dma_wait3A_1233 = arith.constant 0 : i32
    %dma_wait3A_1234 = tpu.memref_slice %arg4[%dma_wait3A_1215, %dma_wait3A_1232, %dma_wait3A_1233] : memref<3x256x128xf32, #tpu.memory_space<vmem>> -> memref<1x256x128xf32, #tpu.memory_space<vmem>>
    %dma_wait3A_1235 = tpu.memref_squeeze %dma_wait3A_1234 : memref<1x256x128xf32, #tpu.memory_space<vmem>> -> memref<256x128xf32, #tpu.memory_space<vmem>>
    tpu.wait_dma2 semaphore(%dma_wait3A_1227 : memref<!tpu.dma_semaphore, #tpu.memory_space<semaphore_mem>>) src(%dma_wait3A_1235 : memref<256x128xf32, #tpu.memory_space<vmem>>) dst(%dma_wait3A_1231 : memref<256x128xf32, #tpu.memory_space<hbm>>)
    %dma_start3A_1236 = arith.constant 1 : i32
    %dma_start3A_1237 = arith.constant 0 : i32
    %dma_start3A_1238 = arith.constant 0 : i32
    %dma_start3A_1239 = arith.constant 0 : i32
    %dma_start3A_1240 = arith.constant 0 : i32
    %dma_start3A_1241 = tpu.memref_slice %arg4[%dma_start3A_1237, %dma_start3A_1239, %dma_start3A_1240] : memref<3x256x128xf32, #tpu.memory_space<vmem>> -> memref<1x256x128xf32, #tpu.memory_space<vmem>>
    %dma_start3A_1242 = tpu.memref_squeeze %dma_start3A_1241 : memref<1x256x128xf32, #tpu.memory_space<vmem>> -> memref<256x128xf32, #tpu.memory_space<vmem>>
    %dma_start3A_1243 = arith.constant 0 : i32
    %dma_start3A_1244 = arith.constant 0 : i32
    %dma_start3A_1245 = tpu.memref_slice %arg2[%add3A_28, %dma_start3A_1236, %dma_start3A_1243, %dma_start3A_1244] : memref<64x5x256x128xf32, #tpu.memory_space<hbm>> -> memref<1x1x256x128xf32, #tpu.memory_space<hbm>>
    %dma_start3A_1246 = tpu.memref_squeeze %dma_start3A_1245 : memref<1x1x256x128xf32, #tpu.memory_space<hbm>> -> memref<256x128xf32, #tpu.memory_space<hbm>>
    %dma_start3A_1247 = tpu.memref_slice %arg5[%dma_start3A_1238] : memref<3x!tpu.dma_semaphore, #tpu.memory_space<semaphore_mem>> -> memref<1x!tpu.dma_semaphore, #tpu.memory_space<semaphore_mem>>
    %dma_start3A_1248 = tpu.memref_squeeze %dma_start3A_1247 : memref<1x!tpu.dma_semaphore, #tpu.memory_space<semaphore_mem>> -> memref<!tpu.dma_semaphore, #tpu.memory_space<semaphore_mem>>
    %dma_start3A_1249 = arith.constant 0 : i32
    %dma_start3A_1250 = arith.constant 0 : i32
    %dma_start3A_1251 = tpu.memref_slice %arg4[%dma_start3A_1237, %dma_start3A_1249, %dma_start3A_1250] : memref<3x256x128xf32, #tpu.memory_space<vmem>> -> memref<1x256x128xf32, #tpu.memory_space<vmem>>
    %dma_start3A_1252 = tpu.memref_squeeze %dma_start3A_1251 : memref<1x256x128xf32, #tpu.memory_space<vmem>> -> memref<256x128xf32, #tpu.memory_space<vmem>>
    %dma_start3A_1253 = arith.constant 0 : i32
    %dma_start3A_1254 = arith.constant 0 : i32
    %dma_start3A_1255 = tpu.memref_slice %arg2[%add3A_28, %dma_start3A_1236, %dma_start3A_1253, %dma_start3A_1254] : memref<64x5x256x128xf32, #tpu.memory_space<hbm>> -> memref<1x1x256x128xf32, #tpu.memory_space<hbm>>
    %dma_start3A_1256 = tpu.memref_squeeze %dma_start3A_1255 : memref<1x1x256x128xf32, #tpu.memory_space<hbm>> -> memref<256x128xf32, #tpu.memory_space<hbm>>
    tpu.enqueue_dma source(%dma_start3A_1256 : memref<256x128xf32, #tpu.memory_space<hbm>>) target(%dma_start3A_1252 : memref<256x128xf32, #tpu.memory_space<vmem>>) target_semaphore(%dma_start3A_1248 : memref<!tpu.dma_semaphore, #tpu.memory_space<semaphore_mem>>)
    %dma_wait3A_1257 = arith.constant 0 : i32
    %dma_wait3A_1258 = arith.constant 2 : i32
    %dma_wait3A_1259 = arith.constant 2 : i32
    %dma_wait3A_1260 = arith.constant 0 : i32
    %dma_wait3A_1261 = arith.constant 0 : i32
    %dma_wait3A_1262 = tpu.memref_slice %arg4[%dma_wait3A_1258, %dma_wait3A_1260, %dma_wait3A_1261] : memref<3x256x128xf32, #tpu.memory_space<vmem>> -> memref<1x256x128xf32, #tpu.memory_space<vmem>>
    %dma_wait3A_1263 = tpu.memref_squeeze %dma_wait3A_1262 : memref<1x256x128xf32, #tpu.memory_space<vmem>> -> memref<256x128xf32, #tpu.memory_space<vmem>>
    %dma_wait3A_1264 = arith.constant 0 : i32
    %dma_wait3A_1265 = arith.constant 0 : i32
    %dma_wait3A_1266 = tpu.memref_slice %arg2[%add3A_24, %dma_wait3A_1257, %dma_wait3A_1264, %dma_wait3A_1265] : memref<64x5x256x128xf32, #tpu.memory_space<hbm>> -> memref<1x1x256x128xf32, #tpu.memory_space<hbm>>
    %dma_wait3A_1267 = tpu.memref_squeeze %dma_wait3A_1266 : memref<1x1x256x128xf32, #tpu.memory_space<hbm>> -> memref<256x128xf32, #tpu.memory_space<hbm>>
    %dma_wait3A_1268 = tpu.memref_slice %arg5[%dma_wait3A_1259] : memref<3x!tpu.dma_semaphore, #tpu.memory_space<semaphore_mem>> -> memref<1x!tpu.dma_semaphore, #tpu.memory_space<semaphore_mem>>
    %dma_wait3A_1269 = tpu.memref_squeeze %dma_wait3A_1268 : memref<1x!tpu.dma_semaphore, #tpu.memory_space<semaphore_mem>> -> memref<!tpu.dma_semaphore, #tpu.memory_space<semaphore_mem>>
    %dma_wait3A_1270 = arith.constant 0 : i32
    %dma_wait3A_1271 = arith.constant 0 : i32
    %dma_wait3A_1272 = tpu.memref_slice %arg4[%dma_wait3A_1258, %dma_wait3A_1270, %dma_wait3A_1271] : memref<3x256x128xf32, #tpu.memory_space<vmem>> -> memref<1x256x128xf32, #tpu.memory_space<vmem>>
    %dma_wait3A_1273 = tpu.memref_squeeze %dma_wait3A_1272 : memref<1x256x128xf32, #tpu.memory_space<vmem>> -> memref<256x128xf32, #tpu.memory_space<vmem>>
    %dma_wait3A_1274 = arith.constant 0 : i32
    %dma_wait3A_1275 = arith.constant 0 : i32
    %dma_wait3A_1276 = tpu.memref_slice %arg2[%add3A_24, %dma_wait3A_1257, %dma_wait3A_1274, %dma_wait3A_1275] : memref<64x5x256x128xf32, #tpu.memory_space<hbm>> -> memref<1x1x256x128xf32, #tpu.memory_space<hbm>>
    %dma_wait3A_1277 = tpu.memref_squeeze %dma_wait3A_1276 : memref<1x1x256x128xf32, #tpu.memory_space<hbm>> -> memref<256x128xf32, #tpu.memory_space<hbm>>
    tpu.wait_dma2 semaphore(%dma_wait3A_1269 : memref<!tpu.dma_semaphore, #tpu.memory_space<semaphore_mem>>) src(%dma_wait3A_1277 : memref<256x128xf32, #tpu.memory_space<hbm>>) dst(%dma_wait3A_1273 : memref<256x128xf32, #tpu.memory_space<vmem>>)
    %dma_start3A_1278 = arith.constant 2 : i32
    %dma_start3A_1279 = arith.constant 0 : i32
    %dma_start3A_1280 = arith.constant 2 : i32
    %dma_start3A_1281 = arith.constant 0 : i32
    %dma_start3A_1282 = arith.constant 0 : i32
    %dma_start3A_1283 = tpu.memref_slice %arg4[%dma_start3A_1278, %dma_start3A_1281, %dma_start3A_1282] : memref<3x256x128xf32, #tpu.memory_space<vmem>> -> memref<1x256x128xf32, #tpu.memory_space<vmem>>
    %dma_start3A_1284 = tpu.memref_squeeze %dma_start3A_1283 : memref<1x256x128xf32, #tpu.memory_space<vmem>> -> memref<256x128xf32, #tpu.memory_space<vmem>>
    %dma_start3A_1285 = arith.constant 0 : i32
    %dma_start3A_1286 = arith.constant 0 : i32
    %dma_start3A_1287 = tpu.memref_slice %arg3[%add3A_24, %dma_start3A_1279, %dma_start3A_1285, %dma_start3A_1286] : memref<64x25x256x128xf32, #tpu.memory_space<hbm>> -> memref<1x1x256x128xf32, #tpu.memory_space<hbm>>
    %dma_start3A_1288 = tpu.memref_squeeze %dma_start3A_1287 : memref<1x1x256x128xf32, #tpu.memory_space<hbm>> -> memref<256x128xf32, #tpu.memory_space<hbm>>
    %dma_start3A_1289 = tpu.memref_slice %arg6[%dma_start3A_1280] : memref<3x!tpu.dma_semaphore, #tpu.memory_space<semaphore_mem>> -> memref<1x!tpu.dma_semaphore, #tpu.memory_space<semaphore_mem>>
    %dma_start3A_1290 = tpu.memref_squeeze %dma_start3A_1289 : memref<1x!tpu.dma_semaphore, #tpu.memory_space<semaphore_mem>> -> memref<!tpu.dma_semaphore, #tpu.memory_space<semaphore_mem>>
    %dma_start3A_1291 = arith.constant 0 : i32
    %dma_start3A_1292 = arith.constant 0 : i32
    %dma_start3A_1293 = tpu.memref_slice %arg3[%add3A_24, %dma_start3A_1279, %dma_start3A_1291, %dma_start3A_1292] : memref<64x25x256x128xf32, #tpu.memory_space<hbm>> -> memref<1x1x256x128xf32, #tpu.memory_space<hbm>>
    %dma_start3A_1294 = tpu.memref_squeeze %dma_start3A_1293 : memref<1x1x256x128xf32, #tpu.memory_space<hbm>> -> memref<256x128xf32, #tpu.memory_space<hbm>>
    %dma_start3A_1295 = arith.constant 0 : i32
    %dma_start3A_1296 = arith.constant 0 : i32
    %dma_start3A_1297 = tpu.memref_slice %arg4[%dma_start3A_1278, %dma_start3A_1295, %dma_start3A_1296] : memref<3x256x128xf32, #tpu.memory_space<vmem>> -> memref<1x256x128xf32, #tpu.memory_space<vmem>>
    %dma_start3A_1298 = tpu.memref_squeeze %dma_start3A_1297 : memref<1x256x128xf32, #tpu.memory_space<vmem>> -> memref<256x128xf32, #tpu.memory_space<vmem>>
    tpu.enqueue_dma source(%dma_start3A_1298 : memref<256x128xf32, #tpu.memory_space<vmem>>) target(%dma_start3A_1294 : memref<256x128xf32, #tpu.memory_space<hbm>>) target_semaphore(%dma_start3A_1290 : memref<!tpu.dma_semaphore, #tpu.memory_space<semaphore_mem>>)
    %dma_start3A_1299 = arith.constant 2 : i32
    %dma_start3A_1300 = arith.constant 1 : i32
    %dma_start3A_1301 = arith.constant 2 : i32
    %dma_start3A_1302 = arith.constant 0 : i32
    %dma_start3A_1303 = arith.constant 0 : i32
    %dma_start3A_1304 = tpu.memref_slice %arg4[%dma_start3A_1299, %dma_start3A_1302, %dma_start3A_1303] : memref<3x256x128xf32, #tpu.memory_space<vmem>> -> memref<1x256x128xf32, #tpu.memory_space<vmem>>
    %dma_start3A_1305 = tpu.memref_squeeze %dma_start3A_1304 : memref<1x256x128xf32, #tpu.memory_space<vmem>> -> memref<256x128xf32, #tpu.memory_space<vmem>>
    %dma_start3A_1306 = arith.constant 0 : i32
    %dma_start3A_1307 = arith.constant 0 : i32
    %dma_start3A_1308 = tpu.memref_slice %arg3[%add3A_24, %dma_start3A_1300, %dma_start3A_1306, %dma_start3A_1307] : memref<64x25x256x128xf32, #tpu.memory_space<hbm>> -> memref<1x1x256x128xf32, #tpu.memory_space<hbm>>
    %dma_start3A_1309 = tpu.memref_squeeze %dma_start3A_1308 : memref<1x1x256x128xf32, #tpu.memory_space<hbm>> -> memref<256x128xf32, #tpu.memory_space<hbm>>
    %dma_start3A_1310 = tpu.memref_slice %arg6[%dma_start3A_1301] : memref<3x!tpu.dma_semaphore, #tpu.memory_space<semaphore_mem>> -> memref<1x!tpu.dma_semaphore, #tpu.memory_space<semaphore_mem>>
    %dma_start3A_1311 = tpu.memref_squeeze %dma_start3A_1310 : memref<1x!tpu.dma_semaphore, #tpu.memory_space<semaphore_mem>> -> memref<!tpu.dma_semaphore, #tpu.memory_space<semaphore_mem>>
    %dma_start3A_1312 = arith.constant 0 : i32
    %dma_start3A_1313 = arith.constant 0 : i32
    %dma_start3A_1314 = tpu.memref_slice %arg3[%add3A_24, %dma_start3A_1300, %dma_start3A_1312, %dma_start3A_1313] : memref<64x25x256x128xf32, #tpu.memory_space<hbm>> -> memref<1x1x256x128xf32, #tpu.memory_space<hbm>>
    %dma_start3A_1315 = tpu.memref_squeeze %dma_start3A_1314 : memref<1x1x256x128xf32, #tpu.memory_space<hbm>> -> memref<256x128xf32, #tpu.memory_space<hbm>>
    %dma_start3A_1316 = arith.constant 0 : i32
    %dma_start3A_1317 = arith.constant 0 : i32
    %dma_start3A_1318 = tpu.memref_slice %arg4[%dma_start3A_1299, %dma_start3A_1316, %dma_start3A_1317] : memref<3x256x128xf32, #tpu.memory_space<vmem>> -> memref<1x256x128xf32, #tpu.memory_space<vmem>>
    %dma_start3A_1319 = tpu.memref_squeeze %dma_start3A_1318 : memref<1x256x128xf32, #tpu.memory_space<vmem>> -> memref<256x128xf32, #tpu.memory_space<vmem>>
    tpu.enqueue_dma source(%dma_start3A_1319 : memref<256x128xf32, #tpu.memory_space<vmem>>) target(%dma_start3A_1315 : memref<256x128xf32, #tpu.memory_space<hbm>>) target_semaphore(%dma_start3A_1311 : memref<!tpu.dma_semaphore, #tpu.memory_space<semaphore_mem>>)
    %dma_start3A_1320 = arith.constant 2 : i32
    %dma_start3A_1321 = arith.constant 2 : i32
    %dma_start3A_1322 = arith.constant 2 : i32
    %dma_start3A_1323 = arith.constant 0 : i32
    %dma_start3A_1324 = arith.constant 0 : i32
    %dma_start3A_1325 = tpu.memref_slice %arg4[%dma_start3A_1320, %dma_start3A_1323, %dma_start3A_1324] : memref<3x256x128xf32, #tpu.memory_space<vmem>> -> memref<1x256x128xf32, #tpu.memory_space<vmem>>
    %dma_start3A_1326 = tpu.memref_squeeze %dma_start3A_1325 : memref<1x256x128xf32, #tpu.memory_space<vmem>> -> memref<256x128xf32, #tpu.memory_space<vmem>>
    %dma_start3A_1327 = arith.constant 0 : i32
    %dma_start3A_1328 = arith.constant 0 : i32
    %dma_start3A_1329 = tpu.memref_slice %arg3[%add3A_24, %dma_start3A_1321, %dma_start3A_1327, %dma_start3A_1328] : memref<64x25x256x128xf32, #tpu.memory_space<hbm>> -> memref<1x1x256x128xf32, #tpu.memory_space<hbm>>
    %dma_start3A_1330 = tpu.memref_squeeze %dma_start3A_1329 : memref<1x1x256x128xf32, #tpu.memory_space<hbm>> -> memref<256x128xf32, #tpu.memory_space<hbm>>
    %dma_start3A_1331 = tpu.memref_slice %arg6[%dma_start3A_1322] : memref<3x!tpu.dma_semaphore, #tpu.memory_space<semaphore_mem>> -> memref<1x!tpu.dma_semaphore, #tpu.memory_space<semaphore_mem>>
    %dma_start3A_1332 = tpu.memref_squeeze %dma_start3A_1331 : memref<1x!tpu.dma_semaphore, #tpu.memory_space<semaphore_mem>> -> memref<!tpu.dma_semaphore, #tpu.memory_space<semaphore_mem>>
    %dma_start3A_1333 = arith.constant 0 : i32
    %dma_start3A_1334 = arith.constant 0 : i32
    %dma_start3A_1335 = tpu.memref_slice %arg3[%add3A_24, %dma_start3A_1321, %dma_start3A_1333, %dma_start3A_1334] : memref<64x25x256x128xf32, #tpu.memory_space<hbm>> -> memref<1x1x256x128xf32, #tpu.memory_space<hbm>>
    %dma_start3A_1336 = tpu.memref_squeeze %dma_start3A_1335 : memref<1x1x256x128xf32, #tpu.memory_space<hbm>> -> memref<256x128xf32, #tpu.memory_space<hbm>>
    %dma_start3A_1337 = arith.constant 0 : i32
    %dma_start3A_1338 = arith.constant 0 : i32
    %dma_start3A_1339 = tpu.memref_slice %arg4[%dma_start3A_1320, %dma_start3A_1337, %dma_start3A_1338] : memref<3x256x128xf32, #tpu.memory_space<vmem>> -> memref<1x256x128xf32, #tpu.memory_space<vmem>>
    %dma_start3A_1340 = tpu.memref_squeeze %dma_start3A_1339 : memref<1x256x128xf32, #tpu.memory_space<vmem>> -> memref<256x128xf32, #tpu.memory_space<vmem>>
    tpu.enqueue_dma source(%dma_start3A_1340 : memref<256x128xf32, #tpu.memory_space<vmem>>) target(%dma_start3A_1336 : memref<256x128xf32, #tpu.memory_space<hbm>>) target_semaphore(%dma_start3A_1332 : memref<!tpu.dma_semaphore, #tpu.memory_space<semaphore_mem>>)
    %dma_start3A_1341 = arith.constant 2 : i32
    %dma_start3A_1342 = arith.constant 3 : i32
    %dma_start3A_1343 = arith.constant 2 : i32
    %dma_start3A_1344 = arith.constant 0 : i32
    %dma_start3A_1345 = arith.constant 0 : i32
    %dma_start3A_1346 = tpu.memref_slice %arg4[%dma_start3A_1341, %dma_start3A_1344, %dma_start3A_1345] : memref<3x256x128xf32, #tpu.memory_space<vmem>> -> memref<1x256x128xf32, #tpu.memory_space<vmem>>
    %dma_start3A_1347 = tpu.memref_squeeze %dma_start3A_1346 : memref<1x256x128xf32, #tpu.memory_space<vmem>> -> memref<256x128xf32, #tpu.memory_space<vmem>>
    %dma_start3A_1348 = arith.constant 0 : i32
    %dma_start3A_1349 = arith.constant 0 : i32
    %dma_start3A_1350 = tpu.memref_slice %arg3[%add3A_24, %dma_start3A_1342, %dma_start3A_1348, %dma_start3A_1349] : memref<64x25x256x128xf32, #tpu.memory_space<hbm>> -> memref<1x1x256x128xf32, #tpu.memory_space<hbm>>
    %dma_start3A_1351 = tpu.memref_squeeze %dma_start3A_1350 : memref<1x1x256x128xf32, #tpu.memory_space<hbm>> -> memref<256x128xf32, #tpu.memory_space<hbm>>
    %dma_start3A_1352 = tpu.memref_slice %arg6[%dma_start3A_1343] : memref<3x!tpu.dma_semaphore, #tpu.memory_space<semaphore_mem>> -> memref<1x!tpu.dma_semaphore, #tpu.memory_space<semaphore_mem>>
    %dma_start3A_1353 = tpu.memref_squeeze %dma_start3A_1352 : memref<1x!tpu.dma_semaphore, #tpu.memory_space<semaphore_mem>> -> memref<!tpu.dma_semaphore, #tpu.memory_space<semaphore_mem>>
    %dma_start3A_1354 = arith.constant 0 : i32
    %dma_start3A_1355 = arith.constant 0 : i32
    %dma_start3A_1356 = tpu.memref_slice %arg3[%add3A_24, %dma_start3A_1342, %dma_start3A_1354, %dma_start3A_1355] : memref<64x25x256x128xf32, #tpu.memory_space<hbm>> -> memref<1x1x256x128xf32, #tpu.memory_space<hbm>>
    %dma_start3A_1357 = tpu.memref_squeeze %dma_start3A_1356 : memref<1x1x256x128xf32, #tpu.memory_space<hbm>> -> memref<256x128xf32, #tpu.memory_space<hbm>>
    %dma_start3A_1358 = arith.constant 0 : i32
    %dma_start3A_1359 = arith.constant 0 : i32
    %dma_start3A_1360 = tpu.memref_slice %arg4[%dma_start3A_1341, %dma_start3A_1358, %dma_start3A_1359] : memref<3x256x128xf32, #tpu.memory_space<vmem>> -> memref<1x256x128xf32, #tpu.memory_space<vmem>>
    %dma_start3A_1361 = tpu.memref_squeeze %dma_start3A_1360 : memref<1x256x128xf32, #tpu.memory_space<vmem>> -> memref<256x128xf32, #tpu.memory_space<vmem>>
    tpu.enqueue_dma source(%dma_start3A_1361 : memref<256x128xf32, #tpu.memory_space<vmem>>) target(%dma_start3A_1357 : memref<256x128xf32, #tpu.memory_space<hbm>>) target_semaphore(%dma_start3A_1353 : memref<!tpu.dma_semaphore, #tpu.memory_space<semaphore_mem>>)
    %dma_start3A_1362 = arith.constant 2 : i32
    %dma_start3A_1363 = arith.constant 20 : i32
    %dma_start3A_1364 = arith.constant 2 : i32
    %dma_start3A_1365 = arith.constant 0 : i32
    %dma_start3A_1366 = arith.constant 0 : i32
    %dma_start3A_1367 = tpu.memref_slice %arg4[%dma_start3A_1362, %dma_start3A_1365, %dma_start3A_1366] : memref<3x256x128xf32, #tpu.memory_space<vmem>> -> memref<1x256x128xf32, #tpu.memory_space<vmem>>
    %dma_start3A_1368 = tpu.memref_squeeze %dma_start3A_1367 : memref<1x256x128xf32, #tpu.memory_space<vmem>> -> memref<256x128xf32, #tpu.memory_space<vmem>>
    %dma_start3A_1369 = arith.constant 0 : i32
    %dma_start3A_1370 = arith.constant 0 : i32
    %dma_start3A_1371 = tpu.memref_slice %arg3[%add3A_24, %dma_start3A_1363, %dma_start3A_1369, %dma_start3A_1370] : memref<64x25x256x128xf32, #tpu.memory_space<hbm>> -> memref<1x1x256x128xf32, #tpu.memory_space<hbm>>
    %dma_start3A_1372 = tpu.memref_squeeze %dma_start3A_1371 : memref<1x1x256x128xf32, #tpu.memory_space<hbm>> -> memref<256x128xf32, #tpu.memory_space<hbm>>
    %dma_start3A_1373 = tpu.memref_slice %arg6[%dma_start3A_1364] : memref<3x!tpu.dma_semaphore, #tpu.memory_space<semaphore_mem>> -> memref<1x!tpu.dma_semaphore, #tpu.memory_space<semaphore_mem>>
    %dma_start3A_1374 = tpu.memref_squeeze %dma_start3A_1373 : memref<1x!tpu.dma_semaphore, #tpu.memory_space<semaphore_mem>> -> memref<!tpu.dma_semaphore, #tpu.memory_space<semaphore_mem>>
    %dma_start3A_1375 = arith.constant 0 : i32
    %dma_start3A_1376 = arith.constant 0 : i32
    %dma_start3A_1377 = tpu.memref_slice %arg3[%add3A_24, %dma_start3A_1363, %dma_start3A_1375, %dma_start3A_1376] : memref<64x25x256x128xf32, #tpu.memory_space<hbm>> -> memref<1x1x256x128xf32, #tpu.memory_space<hbm>>
    %dma_start3A_1378 = tpu.memref_squeeze %dma_start3A_1377 : memref<1x1x256x128xf32, #tpu.memory_space<hbm>> -> memref<256x128xf32, #tpu.memory_space<hbm>>
    %dma_start3A_1379 = arith.constant 0 : i32
    %dma_start3A_1380 = arith.constant 0 : i32
    %dma_start3A_1381 = tpu.memref_slice %arg4[%dma_start3A_1362, %dma_start3A_1379, %dma_start3A_1380] : memref<3x256x128xf32, #tpu.memory_space<vmem>> -> memref<1x256x128xf32, #tpu.memory_space<vmem>>
    %dma_start3A_1382 = tpu.memref_squeeze %dma_start3A_1381 : memref<1x256x128xf32, #tpu.memory_space<vmem>> -> memref<256x128xf32, #tpu.memory_space<vmem>>
    tpu.enqueue_dma source(%dma_start3A_1382 : memref<256x128xf32, #tpu.memory_space<vmem>>) target(%dma_start3A_1378 : memref<256x128xf32, #tpu.memory_space<hbm>>) target_semaphore(%dma_start3A_1374 : memref<!tpu.dma_semaphore, #tpu.memory_space<semaphore_mem>>)
    %dma_wait3A_1383 = arith.constant 1 : i32
    %dma_wait3A_1384 = arith.constant 16 : i32
    %dma_wait3A_1385 = arith.constant 1 : i32
    %dma_wait3A_1386 = arith.constant 0 : i32
    %dma_wait3A_1387 = arith.constant 0 : i32
    %dma_wait3A_1388 = tpu.memref_slice %arg4[%dma_wait3A_1383, %dma_wait3A_1386, %dma_wait3A_1387] : memref<3x256x128xf32, #tpu.memory_space<vmem>> -> memref<1x256x128xf32, #tpu.memory_space<vmem>>
    %dma_wait3A_1389 = tpu.memref_squeeze %dma_wait3A_1388 : memref<1x256x128xf32, #tpu.memory_space<vmem>> -> memref<256x128xf32, #tpu.memory_space<vmem>>
    %dma_wait3A_1390 = arith.constant 0 : i32
    %dma_wait3A_1391 = arith.constant 0 : i32
    %dma_wait3A_1392 = tpu.memref_slice %arg3[%add3A_20, %dma_wait3A_1384, %dma_wait3A_1390, %dma_wait3A_1391] : memref<64x25x256x128xf32, #tpu.memory_space<hbm>> -> memref<1x1x256x128xf32, #tpu.memory_space<hbm>>
    %dma_wait3A_1393 = tpu.memref_squeeze %dma_wait3A_1392 : memref<1x1x256x128xf32, #tpu.memory_space<hbm>> -> memref<256x128xf32, #tpu.memory_space<hbm>>
    %dma_wait3A_1394 = tpu.memref_slice %arg6[%dma_wait3A_1385] : memref<3x!tpu.dma_semaphore, #tpu.memory_space<semaphore_mem>> -> memref<1x!tpu.dma_semaphore, #tpu.memory_space<semaphore_mem>>
    %dma_wait3A_1395 = tpu.memref_squeeze %dma_wait3A_1394 : memref<1x!tpu.dma_semaphore, #tpu.memory_space<semaphore_mem>> -> memref<!tpu.dma_semaphore, #tpu.memory_space<semaphore_mem>>
    %dma_wait3A_1396 = arith.constant 0 : i32
    %dma_wait3A_1397 = arith.constant 0 : i32
    %dma_wait3A_1398 = tpu.memref_slice %arg3[%add3A_20, %dma_wait3A_1384, %dma_wait3A_1396, %dma_wait3A_1397] : memref<64x25x256x128xf32, #tpu.memory_space<hbm>> -> memref<1x1x256x128xf32, #tpu.memory_space<hbm>>
    %dma_wait3A_1399 = tpu.memref_squeeze %dma_wait3A_1398 : memref<1x1x256x128xf32, #tpu.memory_space<hbm>> -> memref<256x128xf32, #tpu.memory_space<hbm>>
    %dma_wait3A_1400 = arith.constant 0 : i32
    %dma_wait3A_1401 = arith.constant 0 : i32
    %dma_wait3A_1402 = tpu.memref_slice %arg4[%dma_wait3A_1383, %dma_wait3A_1400, %dma_wait3A_1401] : memref<3x256x128xf32, #tpu.memory_space<vmem>> -> memref<1x256x128xf32, #tpu.memory_space<vmem>>
    %dma_wait3A_1403 = tpu.memref_squeeze %dma_wait3A_1402 : memref<1x256x128xf32, #tpu.memory_space<vmem>> -> memref<256x128xf32, #tpu.memory_space<vmem>>
    tpu.wait_dma2 semaphore(%dma_wait3A_1395 : memref<!tpu.dma_semaphore, #tpu.memory_space<semaphore_mem>>) src(%dma_wait3A_1403 : memref<256x128xf32, #tpu.memory_space<vmem>>) dst(%dma_wait3A_1399 : memref<256x128xf32, #tpu.memory_space<hbm>>)
    %dma_wait3A_1404 = arith.constant 1 : i32
    %dma_wait3A_1405 = arith.constant 17 : i32
    %dma_wait3A_1406 = arith.constant 1 : i32
    %dma_wait3A_1407 = arith.constant 0 : i32
    %dma_wait3A_1408 = arith.constant 0 : i32
    %dma_wait3A_1409 = tpu.memref_slice %arg4[%dma_wait3A_1404, %dma_wait3A_1407, %dma_wait3A_1408] : memref<3x256x128xf32, #tpu.memory_space<vmem>> -> memref<1x256x128xf32, #tpu.memory_space<vmem>>
    %dma_wait3A_1410 = tpu.memref_squeeze %dma_wait3A_1409 : memref<1x256x128xf32, #tpu.memory_space<vmem>> -> memref<256x128xf32, #tpu.memory_space<vmem>>
    %dma_wait3A_1411 = arith.constant 0 : i32
    %dma_wait3A_1412 = arith.constant 0 : i32
    %dma_wait3A_1413 = tpu.memref_slice %arg3[%add3A_20, %dma_wait3A_1405, %dma_wait3A_1411, %dma_wait3A_1412] : memref<64x25x256x128xf32, #tpu.memory_space<hbm>> -> memref<1x1x256x128xf32, #tpu.memory_space<hbm>>
    %dma_wait3A_1414 = tpu.memref_squeeze %dma_wait3A_1413 : memref<1x1x256x128xf32, #tpu.memory_space<hbm>> -> memref<256x128xf32, #tpu.memory_space<hbm>>
    %dma_wait3A_1415 = tpu.memref_slice %arg6[%dma_wait3A_1406] : memref<3x!tpu.dma_semaphore, #tpu.memory_space<semaphore_mem>> -> memref<1x!tpu.dma_semaphore, #tpu.memory_space<semaphore_mem>>
    %dma_wait3A_1416 = tpu.memref_squeeze %dma_wait3A_1415 : memref<1x!tpu.dma_semaphore, #tpu.memory_space<semaphore_mem>> -> memref<!tpu.dma_semaphore, #tpu.memory_space<semaphore_mem>>
    %dma_wait3A_1417 = arith.constant 0 : i32
    %dma_wait3A_1418 = arith.constant 0 : i32
    %dma_wait3A_1419 = tpu.memref_slice %arg3[%add3A_20, %dma_wait3A_1405, %dma_wait3A_1417, %dma_wait3A_1418] : memref<64x25x256x128xf32, #tpu.memory_space<hbm>> -> memref<1x1x256x128xf32, #tpu.memory_space<hbm>>
    %dma_wait3A_1420 = tpu.memref_squeeze %dma_wait3A_1419 : memref<1x1x256x128xf32, #tpu.memory_space<hbm>> -> memref<256x128xf32, #tpu.memory_space<hbm>>
    %dma_wait3A_1421 = arith.constant 0 : i32
    %dma_wait3A_1422 = arith.constant 0 : i32
    %dma_wait3A_1423 = tpu.memref_slice %arg4[%dma_wait3A_1404, %dma_wait3A_1421, %dma_wait3A_1422] : memref<3x256x128xf32, #tpu.memory_space<vmem>> -> memref<1x256x128xf32, #tpu.memory_space<vmem>>
    %dma_wait3A_1424 = tpu.memref_squeeze %dma_wait3A_1423 : memref<1x256x128xf32, #tpu.memory_space<vmem>> -> memref<256x128xf32, #tpu.memory_space<vmem>>
    tpu.wait_dma2 semaphore(%dma_wait3A_1416 : memref<!tpu.dma_semaphore, #tpu.memory_space<semaphore_mem>>) src(%dma_wait3A_1424 : memref<256x128xf32, #tpu.memory_space<vmem>>) dst(%dma_wait3A_1420 : memref<256x128xf32, #tpu.memory_space<hbm>>)
    %dma_wait3A_1425 = arith.constant 1 : i32
    %dma_wait3A_1426 = arith.constant 18 : i32
    %dma_wait3A_1427 = arith.constant 1 : i32
    %dma_wait3A_1428 = arith.constant 0 : i32
    %dma_wait3A_1429 = arith.constant 0 : i32
    %dma_wait3A_1430 = tpu.memref_slice %arg4[%dma_wait3A_1425, %dma_wait3A_1428, %dma_wait3A_1429] : memref<3x256x128xf32, #tpu.memory_space<vmem>> -> memref<1x256x128xf32, #tpu.memory_space<vmem>>
    %dma_wait3A_1431 = tpu.memref_squeeze %dma_wait3A_1430 : memref<1x256x128xf32, #tpu.memory_space<vmem>> -> memref<256x128xf32, #tpu.memory_space<vmem>>
    %dma_wait3A_1432 = arith.constant 0 : i32
    %dma_wait3A_1433 = arith.constant 0 : i32
    %dma_wait3A_1434 = tpu.memref_slice %arg3[%add3A_20, %dma_wait3A_1426, %dma_wait3A_1432, %dma_wait3A_1433] : memref<64x25x256x128xf32, #tpu.memory_space<hbm>> -> memref<1x1x256x128xf32, #tpu.memory_space<hbm>>
    %dma_wait3A_1435 = tpu.memref_squeeze %dma_wait3A_1434 : memref<1x1x256x128xf32, #tpu.memory_space<hbm>> -> memref<256x128xf32, #tpu.memory_space<hbm>>
    %dma_wait3A_1436 = tpu.memref_slice %arg6[%dma_wait3A_1427] : memref<3x!tpu.dma_semaphore, #tpu.memory_space<semaphore_mem>> -> memref<1x!tpu.dma_semaphore, #tpu.memory_space<semaphore_mem>>
    %dma_wait3A_1437 = tpu.memref_squeeze %dma_wait3A_1436 : memref<1x!tpu.dma_semaphore, #tpu.memory_space<semaphore_mem>> -> memref<!tpu.dma_semaphore, #tpu.memory_space<semaphore_mem>>
    %dma_wait3A_1438 = arith.constant 0 : i32
    %dma_wait3A_1439 = arith.constant 0 : i32
    %dma_wait3A_1440 = tpu.memref_slice %arg3[%add3A_20, %dma_wait3A_1426, %dma_wait3A_1438, %dma_wait3A_1439] : memref<64x25x256x128xf32, #tpu.memory_space<hbm>> -> memref<1x1x256x128xf32, #tpu.memory_space<hbm>>
    %dma_wait3A_1441 = tpu.memref_squeeze %dma_wait3A_1440 : memref<1x1x256x128xf32, #tpu.memory_space<hbm>> -> memref<256x128xf32, #tpu.memory_space<hbm>>
    %dma_wait3A_1442 = arith.constant 0 : i32
    %dma_wait3A_1443 = arith.constant 0 : i32
    %dma_wait3A_1444 = tpu.memref_slice %arg4[%dma_wait3A_1425, %dma_wait3A_1442, %dma_wait3A_1443] : memref<3x256x128xf32, #tpu.memory_space<vmem>> -> memref<1x256x128xf32, #tpu.memory_space<vmem>>
    %dma_wait3A_1445 = tpu.memref_squeeze %dma_wait3A_1444 : memref<1x256x128xf32, #tpu.memory_space<vmem>> -> memref<256x128xf32, #tpu.memory_space<vmem>>
    tpu.wait_dma2 semaphore(%dma_wait3A_1437 : memref<!tpu.dma_semaphore, #tpu.memory_space<semaphore_mem>>) src(%dma_wait3A_1445 : memref<256x128xf32, #tpu.memory_space<vmem>>) dst(%dma_wait3A_1441 : memref<256x128xf32, #tpu.memory_space<hbm>>)
    %dma_wait3A_1446 = arith.constant 1 : i32
    %dma_wait3A_1447 = arith.constant 19 : i32
    %dma_wait3A_1448 = arith.constant 1 : i32
    %dma_wait3A_1449 = arith.constant 0 : i32
    %dma_wait3A_1450 = arith.constant 0 : i32
    %dma_wait3A_1451 = tpu.memref_slice %arg4[%dma_wait3A_1446, %dma_wait3A_1449, %dma_wait3A_1450] : memref<3x256x128xf32, #tpu.memory_space<vmem>> -> memref<1x256x128xf32, #tpu.memory_space<vmem>>
    %dma_wait3A_1452 = tpu.memref_squeeze %dma_wait3A_1451 : memref<1x256x128xf32, #tpu.memory_space<vmem>> -> memref<256x128xf32, #tpu.memory_space<vmem>>
    %dma_wait3A_1453 = arith.constant 0 : i32
    %dma_wait3A_1454 = arith.constant 0 : i32
    %dma_wait3A_1455 = tpu.memref_slice %arg3[%add3A_20, %dma_wait3A_1447, %dma_wait3A_1453, %dma_wait3A_1454] : memref<64x25x256x128xf32, #tpu.memory_space<hbm>> -> memref<1x1x256x128xf32, #tpu.memory_space<hbm>>
    %dma_wait3A_1456 = tpu.memref_squeeze %dma_wait3A_1455 : memref<1x1x256x128xf32, #tpu.memory_space<hbm>> -> memref<256x128xf32, #tpu.memory_space<hbm>>
    %dma_wait3A_1457 = tpu.memref_slice %arg6[%dma_wait3A_1448] : memref<3x!tpu.dma_semaphore, #tpu.memory_space<semaphore_mem>> -> memref<1x!tpu.dma_semaphore, #tpu.memory_space<semaphore_mem>>
    %dma_wait3A_1458 = tpu.memref_squeeze %dma_wait3A_1457 : memref<1x!tpu.dma_semaphore, #tpu.memory_space<semaphore_mem>> -> memref<!tpu.dma_semaphore, #tpu.memory_space<semaphore_mem>>
    %dma_wait3A_1459 = arith.constant 0 : i32
    %dma_wait3A_1460 = arith.constant 0 : i32
    %dma_wait3A_1461 = tpu.memref_slice %arg3[%add3A_20, %dma_wait3A_1447, %dma_wait3A_1459, %dma_wait3A_1460] : memref<64x25x256x128xf32, #tpu.memory_space<hbm>> -> memref<1x1x256x128xf32, #tpu.memory_space<hbm>>
    %dma_wait3A_1462 = tpu.memref_squeeze %dma_wait3A_1461 : memref<1x1x256x128xf32, #tpu.memory_space<hbm>> -> memref<256x128xf32, #tpu.memory_space<hbm>>
    %dma_wait3A_1463 = arith.constant 0 : i32
    %dma_wait3A_1464 = arith.constant 0 : i32
    %dma_wait3A_1465 = tpu.memref_slice %arg4[%dma_wait3A_1446, %dma_wait3A_1463, %dma_wait3A_1464] : memref<3x256x128xf32, #tpu.memory_space<vmem>> -> memref<1x256x128xf32, #tpu.memory_space<vmem>>
    %dma_wait3A_1466 = tpu.memref_squeeze %dma_wait3A_1465 : memref<1x256x128xf32, #tpu.memory_space<vmem>> -> memref<256x128xf32, #tpu.memory_space<vmem>>
    tpu.wait_dma2 semaphore(%dma_wait3A_1458 : memref<!tpu.dma_semaphore, #tpu.memory_space<semaphore_mem>>) src(%dma_wait3A_1466 : memref<256x128xf32, #tpu.memory_space<vmem>>) dst(%dma_wait3A_1462 : memref<256x128xf32, #tpu.memory_space<hbm>>)
    %dma_start3A_1467 = arith.constant 2 : i32
    %dma_start3A_1468 = arith.constant 1 : i32
    %dma_start3A_1469 = arith.constant 1 : i32
    %dma_start3A_1470 = arith.constant 0 : i32
    %dma_start3A_1471 = arith.constant 0 : i32
    %dma_start3A_1472 = tpu.memref_slice %arg4[%dma_start3A_1468, %dma_start3A_1470, %dma_start3A_1471] : memref<3x256x128xf32, #tpu.memory_space<vmem>> -> memref<1x256x128xf32, #tpu.memory_space<vmem>>
    %dma_start3A_1473 = tpu.memref_squeeze %dma_start3A_1472 : memref<1x256x128xf32, #tpu.memory_space<vmem>> -> memref<256x128xf32, #tpu.memory_space<vmem>>
    %dma_start3A_1474 = arith.constant 0 : i32
    %dma_start3A_1475 = arith.constant 0 : i32
    %dma_start3A_1476 = tpu.memref_slice %arg2[%add3A_32, %dma_start3A_1467, %dma_start3A_1474, %dma_start3A_1475] : memref<64x5x256x128xf32, #tpu.memory_space<hbm>> -> memref<1x1x256x128xf32, #tpu.memory_space<hbm>>
    %dma_start3A_1477 = tpu.memref_squeeze %dma_start3A_1476 : memref<1x1x256x128xf32, #tpu.memory_space<hbm>> -> memref<256x128xf32, #tpu.memory_space<hbm>>
    %dma_start3A_1478 = tpu.memref_slice %arg5[%dma_start3A_1469] : memref<3x!tpu.dma_semaphore, #tpu.memory_space<semaphore_mem>> -> memref<1x!tpu.dma_semaphore, #tpu.memory_space<semaphore_mem>>
    %dma_start3A_1479 = tpu.memref_squeeze %dma_start3A_1478 : memref<1x!tpu.dma_semaphore, #tpu.memory_space<semaphore_mem>> -> memref<!tpu.dma_semaphore, #tpu.memory_space<semaphore_mem>>
    %dma_start3A_1480 = arith.constant 0 : i32
    %dma_start3A_1481 = arith.constant 0 : i32
    %dma_start3A_1482 = tpu.memref_slice %arg4[%dma_start3A_1468, %dma_start3A_1480, %dma_start3A_1481] : memref<3x256x128xf32, #tpu.memory_space<vmem>> -> memref<1x256x128xf32, #tpu.memory_space<vmem>>
    %dma_start3A_1483 = tpu.memref_squeeze %dma_start3A_1482 : memref<1x256x128xf32, #tpu.memory_space<vmem>> -> memref<256x128xf32, #tpu.memory_space<vmem>>
    %dma_start3A_1484 = arith.constant 0 : i32
    %dma_start3A_1485 = arith.constant 0 : i32
    %dma_start3A_1486 = tpu.memref_slice %arg2[%add3A_32, %dma_start3A_1467, %dma_start3A_1484, %dma_start3A_1485] : memref<64x5x256x128xf32, #tpu.memory_space<hbm>> -> memref<1x1x256x128xf32, #tpu.memory_space<hbm>>
    %dma_start3A_1487 = tpu.memref_squeeze %dma_start3A_1486 : memref<1x1x256x128xf32, #tpu.memory_space<hbm>> -> memref<256x128xf32, #tpu.memory_space<hbm>>
    tpu.enqueue_dma source(%dma_start3A_1487 : memref<256x128xf32, #tpu.memory_space<hbm>>) target(%dma_start3A_1483 : memref<256x128xf32, #tpu.memory_space<vmem>>) target_semaphore(%dma_start3A_1479 : memref<!tpu.dma_semaphore, #tpu.memory_space<semaphore_mem>>)
    %dma_wait3A_1488 = arith.constant 1 : i32
    %dma_wait3A_1489 = arith.constant 0 : i32
    %dma_wait3A_1490 = arith.constant 0 : i32
    %dma_wait3A_1491 = arith.constant 0 : i32
    %dma_wait3A_1492 = arith.constant 0 : i32
    %dma_wait3A_1493 = tpu.memref_slice %arg4[%dma_wait3A_1489, %dma_wait3A_1491, %dma_wait3A_1492] : memref<3x256x128xf32, #tpu.memory_space<vmem>> -> memref<1x256x128xf32, #tpu.memory_space<vmem>>
    %dma_wait3A_1494 = tpu.memref_squeeze %dma_wait3A_1493 : memref<1x256x128xf32, #tpu.memory_space<vmem>> -> memref<256x128xf32, #tpu.memory_space<vmem>>
    %dma_wait3A_1495 = arith.constant 0 : i32
    %dma_wait3A_1496 = arith.constant 0 : i32
    %dma_wait3A_1497 = tpu.memref_slice %arg2[%add3A_28, %dma_wait3A_1488, %dma_wait3A_1495, %dma_wait3A_1496] : memref<64x5x256x128xf32, #tpu.memory_space<hbm>> -> memref<1x1x256x128xf32, #tpu.memory_space<hbm>>
    %dma_wait3A_1498 = tpu.memref_squeeze %dma_wait3A_1497 : memref<1x1x256x128xf32, #tpu.memory_space<hbm>> -> memref<256x128xf32, #tpu.memory_space<hbm>>
    %dma_wait3A_1499 = tpu.memref_slice %arg5[%dma_wait3A_1490] : memref<3x!tpu.dma_semaphore, #tpu.memory_space<semaphore_mem>> -> memref<1x!tpu.dma_semaphore, #tpu.memory_space<semaphore_mem>>
    %dma_wait3A_1500 = tpu.memref_squeeze %dma_wait3A_1499 : memref<1x!tpu.dma_semaphore, #tpu.memory_space<semaphore_mem>> -> memref<!tpu.dma_semaphore, #tpu.memory_space<semaphore_mem>>
    %dma_wait3A_1501 = arith.constant 0 : i32
    %dma_wait3A_1502 = arith.constant 0 : i32
    %dma_wait3A_1503 = tpu.memref_slice %arg4[%dma_wait3A_1489, %dma_wait3A_1501, %dma_wait3A_1502] : memref<3x256x128xf32, #tpu.memory_space<vmem>> -> memref<1x256x128xf32, #tpu.memory_space<vmem>>
    %dma_wait3A_1504 = tpu.memref_squeeze %dma_wait3A_1503 : memref<1x256x128xf32, #tpu.memory_space<vmem>> -> memref<256x128xf32, #tpu.memory_space<vmem>>
    %dma_wait3A_1505 = arith.constant 0 : i32
    %dma_wait3A_1506 = arith.constant 0 : i32
    %dma_wait3A_1507 = tpu.memref_slice %arg2[%add3A_28, %dma_wait3A_1488, %dma_wait3A_1505, %dma_wait3A_1506] : memref<64x5x256x128xf32, #tpu.memory_space<hbm>> -> memref<1x1x256x128xf32, #tpu.memory_space<hbm>>
    %dma_wait3A_1508 = tpu.memref_squeeze %dma_wait3A_1507 : memref<1x1x256x128xf32, #tpu.memory_space<hbm>> -> memref<256x128xf32, #tpu.memory_space<hbm>>
    tpu.wait_dma2 semaphore(%dma_wait3A_1500 : memref<!tpu.dma_semaphore, #tpu.memory_space<semaphore_mem>>) src(%dma_wait3A_1508 : memref<256x128xf32, #tpu.memory_space<hbm>>) dst(%dma_wait3A_1504 : memref<256x128xf32, #tpu.memory_space<vmem>>)
    %dma_start3A_1509 = arith.constant 0 : i32
    %dma_start3A_1510 = arith.constant 4 : i32
    %dma_start3A_1511 = arith.constant 0 : i32
    %dma_start3A_1512 = arith.constant 0 : i32
    %dma_start3A_1513 = arith.constant 0 : i32
    %dma_start3A_1514 = tpu.memref_slice %arg4[%dma_start3A_1509, %dma_start3A_1512, %dma_start3A_1513] : memref<3x256x128xf32, #tpu.memory_space<vmem>> -> memref<1x256x128xf32, #tpu.memory_space<vmem>>
    %dma_start3A_1515 = tpu.memref_squeeze %dma_start3A_1514 : memref<1x256x128xf32, #tpu.memory_space<vmem>> -> memref<256x128xf32, #tpu.memory_space<vmem>>
    %dma_start3A_1516 = arith.constant 0 : i32
    %dma_start3A_1517 = arith.constant 0 : i32
    %dma_start3A_1518 = tpu.memref_slice %arg3[%add3A_28, %dma_start3A_1510, %dma_start3A_1516, %dma_start3A_1517] : memref<64x25x256x128xf32, #tpu.memory_space<hbm>> -> memref<1x1x256x128xf32, #tpu.memory_space<hbm>>
    %dma_start3A_1519 = tpu.memref_squeeze %dma_start3A_1518 : memref<1x1x256x128xf32, #tpu.memory_space<hbm>> -> memref<256x128xf32, #tpu.memory_space<hbm>>
    %dma_start3A_1520 = tpu.memref_slice %arg6[%dma_start3A_1511] : memref<3x!tpu.dma_semaphore, #tpu.memory_space<semaphore_mem>> -> memref<1x!tpu.dma_semaphore, #tpu.memory_space<semaphore_mem>>
    %dma_start3A_1521 = tpu.memref_squeeze %dma_start3A_1520 : memref<1x!tpu.dma_semaphore, #tpu.memory_space<semaphore_mem>> -> memref<!tpu.dma_semaphore, #tpu.memory_space<semaphore_mem>>
    %dma_start3A_1522 = arith.constant 0 : i32
    %dma_start3A_1523 = arith.constant 0 : i32
    %dma_start3A_1524 = tpu.memref_slice %arg3[%add3A_28, %dma_start3A_1510, %dma_start3A_1522, %dma_start3A_1523] : memref<64x25x256x128xf32, #tpu.memory_space<hbm>> -> memref<1x1x256x128xf32, #tpu.memory_space<hbm>>
    %dma_start3A_1525 = tpu.memref_squeeze %dma_start3A_1524 : memref<1x1x256x128xf32, #tpu.memory_space<hbm>> -> memref<256x128xf32, #tpu.memory_space<hbm>>
    %dma_start3A_1526 = arith.constant 0 : i32
    %dma_start3A_1527 = arith.constant 0 : i32
    %dma_start3A_1528 = tpu.memref_slice %arg4[%dma_start3A_1509, %dma_start3A_1526, %dma_start3A_1527] : memref<3x256x128xf32, #tpu.memory_space<vmem>> -> memref<1x256x128xf32, #tpu.memory_space<vmem>>
    %dma_start3A_1529 = tpu.memref_squeeze %dma_start3A_1528 : memref<1x256x128xf32, #tpu.memory_space<vmem>> -> memref<256x128xf32, #tpu.memory_space<vmem>>
    tpu.enqueue_dma source(%dma_start3A_1529 : memref<256x128xf32, #tpu.memory_space<vmem>>) target(%dma_start3A_1525 : memref<256x128xf32, #tpu.memory_space<hbm>>) target_semaphore(%dma_start3A_1521 : memref<!tpu.dma_semaphore, #tpu.memory_space<semaphore_mem>>)
    %dma_start3A_1530 = arith.constant 0 : i32
    %dma_start3A_1531 = arith.constant 5 : i32
    %dma_start3A_1532 = arith.constant 0 : i32
    %dma_start3A_1533 = arith.constant 0 : i32
    %dma_start3A_1534 = arith.constant 0 : i32
    %dma_start3A_1535 = tpu.memref_slice %arg4[%dma_start3A_1530, %dma_start3A_1533, %dma_start3A_1534] : memref<3x256x128xf32, #tpu.memory_space<vmem>> -> memref<1x256x128xf32, #tpu.memory_space<vmem>>
    %dma_start3A_1536 = tpu.memref_squeeze %dma_start3A_1535 : memref<1x256x128xf32, #tpu.memory_space<vmem>> -> memref<256x128xf32, #tpu.memory_space<vmem>>
    %dma_start3A_1537 = arith.constant 0 : i32
    %dma_start3A_1538 = arith.constant 0 : i32
    %dma_start3A_1539 = tpu.memref_slice %arg3[%add3A_28, %dma_start3A_1531, %dma_start3A_1537, %dma_start3A_1538] : memref<64x25x256x128xf32, #tpu.memory_space<hbm>> -> memref<1x1x256x128xf32, #tpu.memory_space<hbm>>
    %dma_start3A_1540 = tpu.memref_squeeze %dma_start3A_1539 : memref<1x1x256x128xf32, #tpu.memory_space<hbm>> -> memref<256x128xf32, #tpu.memory_space<hbm>>
    %dma_start3A_1541 = tpu.memref_slice %arg6[%dma_start3A_1532] : memref<3x!tpu.dma_semaphore, #tpu.memory_space<semaphore_mem>> -> memref<1x!tpu.dma_semaphore, #tpu.memory_space<semaphore_mem>>
    %dma_start3A_1542 = tpu.memref_squeeze %dma_start3A_1541 : memref<1x!tpu.dma_semaphore, #tpu.memory_space<semaphore_mem>> -> memref<!tpu.dma_semaphore, #tpu.memory_space<semaphore_mem>>
    %dma_start3A_1543 = arith.constant 0 : i32
    %dma_start3A_1544 = arith.constant 0 : i32
    %dma_start3A_1545 = tpu.memref_slice %arg3[%add3A_28, %dma_start3A_1531, %dma_start3A_1543, %dma_start3A_1544] : memref<64x25x256x128xf32, #tpu.memory_space<hbm>> -> memref<1x1x256x128xf32, #tpu.memory_space<hbm>>
    %dma_start3A_1546 = tpu.memref_squeeze %dma_start3A_1545 : memref<1x1x256x128xf32, #tpu.memory_space<hbm>> -> memref<256x128xf32, #tpu.memory_space<hbm>>
    %dma_start3A_1547 = arith.constant 0 : i32
    %dma_start3A_1548 = arith.constant 0 : i32
    %dma_start3A_1549 = tpu.memref_slice %arg4[%dma_start3A_1530, %dma_start3A_1547, %dma_start3A_1548] : memref<3x256x128xf32, #tpu.memory_space<vmem>> -> memref<1x256x128xf32, #tpu.memory_space<vmem>>
    %dma_start3A_1550 = tpu.memref_squeeze %dma_start3A_1549 : memref<1x256x128xf32, #tpu.memory_space<vmem>> -> memref<256x128xf32, #tpu.memory_space<vmem>>
    tpu.enqueue_dma source(%dma_start3A_1550 : memref<256x128xf32, #tpu.memory_space<vmem>>) target(%dma_start3A_1546 : memref<256x128xf32, #tpu.memory_space<hbm>>) target_semaphore(%dma_start3A_1542 : memref<!tpu.dma_semaphore, #tpu.memory_space<semaphore_mem>>)
    %dma_start3A_1551 = arith.constant 0 : i32
    %dma_start3A_1552 = arith.constant 6 : i32
    %dma_start3A_1553 = arith.constant 0 : i32
    %dma_start3A_1554 = arith.constant 0 : i32
    %dma_start3A_1555 = arith.constant 0 : i32
    %dma_start3A_1556 = tpu.memref_slice %arg4[%dma_start3A_1551, %dma_start3A_1554, %dma_start3A_1555] : memref<3x256x128xf32, #tpu.memory_space<vmem>> -> memref<1x256x128xf32, #tpu.memory_space<vmem>>
    %dma_start3A_1557 = tpu.memref_squeeze %dma_start3A_1556 : memref<1x256x128xf32, #tpu.memory_space<vmem>> -> memref<256x128xf32, #tpu.memory_space<vmem>>
    %dma_start3A_1558 = arith.constant 0 : i32
    %dma_start3A_1559 = arith.constant 0 : i32
    %dma_start3A_1560 = tpu.memref_slice %arg3[%add3A_28, %dma_start3A_1552, %dma_start3A_1558, %dma_start3A_1559] : memref<64x25x256x128xf32, #tpu.memory_space<hbm>> -> memref<1x1x256x128xf32, #tpu.memory_space<hbm>>
    %dma_start3A_1561 = tpu.memref_squeeze %dma_start3A_1560 : memref<1x1x256x128xf32, #tpu.memory_space<hbm>> -> memref<256x128xf32, #tpu.memory_space<hbm>>
    %dma_start3A_1562 = tpu.memref_slice %arg6[%dma_start3A_1553] : memref<3x!tpu.dma_semaphore, #tpu.memory_space<semaphore_mem>> -> memref<1x!tpu.dma_semaphore, #tpu.memory_space<semaphore_mem>>
    %dma_start3A_1563 = tpu.memref_squeeze %dma_start3A_1562 : memref<1x!tpu.dma_semaphore, #tpu.memory_space<semaphore_mem>> -> memref<!tpu.dma_semaphore, #tpu.memory_space<semaphore_mem>>
    %dma_start3A_1564 = arith.constant 0 : i32
    %dma_start3A_1565 = arith.constant 0 : i32
    %dma_start3A_1566 = tpu.memref_slice %arg3[%add3A_28, %dma_start3A_1552, %dma_start3A_1564, %dma_start3A_1565] : memref<64x25x256x128xf32, #tpu.memory_space<hbm>> -> memref<1x1x256x128xf32, #tpu.memory_space<hbm>>
    %dma_start3A_1567 = tpu.memref_squeeze %dma_start3A_1566 : memref<1x1x256x128xf32, #tpu.memory_space<hbm>> -> memref<256x128xf32, #tpu.memory_space<hbm>>
    %dma_start3A_1568 = arith.constant 0 : i32
    %dma_start3A_1569 = arith.constant 0 : i32
    %dma_start3A_1570 = tpu.memref_slice %arg4[%dma_start3A_1551, %dma_start3A_1568, %dma_start3A_1569] : memref<3x256x128xf32, #tpu.memory_space<vmem>> -> memref<1x256x128xf32, #tpu.memory_space<vmem>>
    %dma_start3A_1571 = tpu.memref_squeeze %dma_start3A_1570 : memref<1x256x128xf32, #tpu.memory_space<vmem>> -> memref<256x128xf32, #tpu.memory_space<vmem>>
    tpu.enqueue_dma source(%dma_start3A_1571 : memref<256x128xf32, #tpu.memory_space<vmem>>) target(%dma_start3A_1567 : memref<256x128xf32, #tpu.memory_space<hbm>>) target_semaphore(%dma_start3A_1563 : memref<!tpu.dma_semaphore, #tpu.memory_space<semaphore_mem>>)
    %dma_start3A_1572 = arith.constant 0 : i32
    %dma_start3A_1573 = arith.constant 7 : i32
    %dma_start3A_1574 = arith.constant 0 : i32
    %dma_start3A_1575 = arith.constant 0 : i32
    %dma_start3A_1576 = arith.constant 0 : i32
    %dma_start3A_1577 = tpu.memref_slice %arg4[%dma_start3A_1572, %dma_start3A_1575, %dma_start3A_1576] : memref<3x256x128xf32, #tpu.memory_space<vmem>> -> memref<1x256x128xf32, #tpu.memory_space<vmem>>
    %dma_start3A_1578 = tpu.memref_squeeze %dma_start3A_1577 : memref<1x256x128xf32, #tpu.memory_space<vmem>> -> memref<256x128xf32, #tpu.memory_space<vmem>>
    %dma_start3A_1579 = arith.constant 0 : i32
    %dma_start3A_1580 = arith.constant 0 : i32
    %dma_start3A_1581 = tpu.memref_slice %arg3[%add3A_28, %dma_start3A_1573, %dma_start3A_1579, %dma_start3A_1580] : memref<64x25x256x128xf32, #tpu.memory_space<hbm>> -> memref<1x1x256x128xf32, #tpu.memory_space<hbm>>
    %dma_start3A_1582 = tpu.memref_squeeze %dma_start3A_1581 : memref<1x1x256x128xf32, #tpu.memory_space<hbm>> -> memref<256x128xf32, #tpu.memory_space<hbm>>
    %dma_start3A_1583 = tpu.memref_slice %arg6[%dma_start3A_1574] : memref<3x!tpu.dma_semaphore, #tpu.memory_space<semaphore_mem>> -> memref<1x!tpu.dma_semaphore, #tpu.memory_space<semaphore_mem>>
    %dma_start3A_1584 = tpu.memref_squeeze %dma_start3A_1583 : memref<1x!tpu.dma_semaphore, #tpu.memory_space<semaphore_mem>> -> memref<!tpu.dma_semaphore, #tpu.memory_space<semaphore_mem>>
    %dma_start3A_1585 = arith.constant 0 : i32
    %dma_start3A_1586 = arith.constant 0 : i32
    %dma_start3A_1587 = tpu.memref_slice %arg3[%add3A_28, %dma_start3A_1573, %dma_start3A_1585, %dma_start3A_1586] : memref<64x25x256x128xf32, #tpu.memory_space<hbm>> -> memref<1x1x256x128xf32, #tpu.memory_space<hbm>>
    %dma_start3A_1588 = tpu.memref_squeeze %dma_start3A_1587 : memref<1x1x256x128xf32, #tpu.memory_space<hbm>> -> memref<256x128xf32, #tpu.memory_space<hbm>>
    %dma_start3A_1589 = arith.constant 0 : i32
    %dma_start3A_1590 = arith.constant 0 : i32
    %dma_start3A_1591 = tpu.memref_slice %arg4[%dma_start3A_1572, %dma_start3A_1589, %dma_start3A_1590] : memref<3x256x128xf32, #tpu.memory_space<vmem>> -> memref<1x256x128xf32, #tpu.memory_space<vmem>>
    %dma_start3A_1592 = tpu.memref_squeeze %dma_start3A_1591 : memref<1x256x128xf32, #tpu.memory_space<vmem>> -> memref<256x128xf32, #tpu.memory_space<vmem>>
    tpu.enqueue_dma source(%dma_start3A_1592 : memref<256x128xf32, #tpu.memory_space<vmem>>) target(%dma_start3A_1588 : memref<256x128xf32, #tpu.memory_space<hbm>>) target_semaphore(%dma_start3A_1584 : memref<!tpu.dma_semaphore, #tpu.memory_space<semaphore_mem>>)
    %dma_start3A_1593 = arith.constant 0 : i32
    %dma_start3A_1594 = arith.constant 21 : i32
    %dma_start3A_1595 = arith.constant 0 : i32
    %dma_start3A_1596 = arith.constant 0 : i32
    %dma_start3A_1597 = arith.constant 0 : i32
    %dma_start3A_1598 = tpu.memref_slice %arg4[%dma_start3A_1593, %dma_start3A_1596, %dma_start3A_1597] : memref<3x256x128xf32, #tpu.memory_space<vmem>> -> memref<1x256x128xf32, #tpu.memory_space<vmem>>
    %dma_start3A_1599 = tpu.memref_squeeze %dma_start3A_1598 : memref<1x256x128xf32, #tpu.memory_space<vmem>> -> memref<256x128xf32, #tpu.memory_space<vmem>>
    %dma_start3A_1600 = arith.constant 0 : i32
    %dma_start3A_1601 = arith.constant 0 : i32
    %dma_start3A_1602 = tpu.memref_slice %arg3[%add3A_28, %dma_start3A_1594, %dma_start3A_1600, %dma_start3A_1601] : memref<64x25x256x128xf32, #tpu.memory_space<hbm>> -> memref<1x1x256x128xf32, #tpu.memory_space<hbm>>
    %dma_start3A_1603 = tpu.memref_squeeze %dma_start3A_1602 : memref<1x1x256x128xf32, #tpu.memory_space<hbm>> -> memref<256x128xf32, #tpu.memory_space<hbm>>
    %dma_start3A_1604 = tpu.memref_slice %arg6[%dma_start3A_1595] : memref<3x!tpu.dma_semaphore, #tpu.memory_space<semaphore_mem>> -> memref<1x!tpu.dma_semaphore, #tpu.memory_space<semaphore_mem>>
    %dma_start3A_1605 = tpu.memref_squeeze %dma_start3A_1604 : memref<1x!tpu.dma_semaphore, #tpu.memory_space<semaphore_mem>> -> memref<!tpu.dma_semaphore, #tpu.memory_space<semaphore_mem>>
    %dma_start3A_1606 = arith.constant 0 : i32
    %dma_start3A_1607 = arith.constant 0 : i32
    %dma_start3A_1608 = tpu.memref_slice %arg3[%add3A_28, %dma_start3A_1594, %dma_start3A_1606, %dma_start3A_1607] : memref<64x25x256x128xf32, #tpu.memory_space<hbm>> -> memref<1x1x256x128xf32, #tpu.memory_space<hbm>>
    %dma_start3A_1609 = tpu.memref_squeeze %dma_start3A_1608 : memref<1x1x256x128xf32, #tpu.memory_space<hbm>> -> memref<256x128xf32, #tpu.memory_space<hbm>>
    %dma_start3A_1610 = arith.constant 0 : i32
    %dma_start3A_1611 = arith.constant 0 : i32
    %dma_start3A_1612 = tpu.memref_slice %arg4[%dma_start3A_1593, %dma_start3A_1610, %dma_start3A_1611] : memref<3x256x128xf32, #tpu.memory_space<vmem>> -> memref<1x256x128xf32, #tpu.memory_space<vmem>>
    %dma_start3A_1613 = tpu.memref_squeeze %dma_start3A_1612 : memref<1x256x128xf32, #tpu.memory_space<vmem>> -> memref<256x128xf32, #tpu.memory_space<vmem>>
    tpu.enqueue_dma source(%dma_start3A_1613 : memref<256x128xf32, #tpu.memory_space<vmem>>) target(%dma_start3A_1609 : memref<256x128xf32, #tpu.memory_space<hbm>>) target_semaphore(%dma_start3A_1605 : memref<!tpu.dma_semaphore, #tpu.memory_space<semaphore_mem>>)
    %dma_start3A_1614 = arith.constant 0 : i32
    %dma_start3A_1615 = arith.constant 22 : i32
    %dma_start3A_1616 = arith.constant 0 : i32
    %dma_start3A_1617 = arith.constant 0 : i32
    %dma_start3A_1618 = arith.constant 0 : i32
    %dma_start3A_1619 = tpu.memref_slice %arg4[%dma_start3A_1614, %dma_start3A_1617, %dma_start3A_1618] : memref<3x256x128xf32, #tpu.memory_space<vmem>> -> memref<1x256x128xf32, #tpu.memory_space<vmem>>
    %dma_start3A_1620 = tpu.memref_squeeze %dma_start3A_1619 : memref<1x256x128xf32, #tpu.memory_space<vmem>> -> memref<256x128xf32, #tpu.memory_space<vmem>>
    %dma_start3A_1621 = arith.constant 0 : i32
    %dma_start3A_1622 = arith.constant 0 : i32
    %dma_start3A_1623 = tpu.memref_slice %arg3[%add3A_28, %dma_start3A_1615, %dma_start3A_1621, %dma_start3A_1622] : memref<64x25x256x128xf32, #tpu.memory_space<hbm>> -> memref<1x1x256x128xf32, #tpu.memory_space<hbm>>
    %dma_start3A_1624 = tpu.memref_squeeze %dma_start3A_1623 : memref<1x1x256x128xf32, #tpu.memory_space<hbm>> -> memref<256x128xf32, #tpu.memory_space<hbm>>
    %dma_start3A_1625 = tpu.memref_slice %arg6[%dma_start3A_1616] : memref<3x!tpu.dma_semaphore, #tpu.memory_space<semaphore_mem>> -> memref<1x!tpu.dma_semaphore, #tpu.memory_space<semaphore_mem>>
    %dma_start3A_1626 = tpu.memref_squeeze %dma_start3A_1625 : memref<1x!tpu.dma_semaphore, #tpu.memory_space<semaphore_mem>> -> memref<!tpu.dma_semaphore, #tpu.memory_space<semaphore_mem>>
    %dma_start3A_1627 = arith.constant 0 : i32
    %dma_start3A_1628 = arith.constant 0 : i32
    %dma_start3A_1629 = tpu.memref_slice %arg3[%add3A_28, %dma_start3A_1615, %dma_start3A_1627, %dma_start3A_1628] : memref<64x25x256x128xf32, #tpu.memory_space<hbm>> -> memref<1x1x256x128xf32, #tpu.memory_space<hbm>>
    %dma_start3A_1630 = tpu.memref_squeeze %dma_start3A_1629 : memref<1x1x256x128xf32, #tpu.memory_space<hbm>> -> memref<256x128xf32, #tpu.memory_space<hbm>>
    %dma_start3A_1631 = arith.constant 0 : i32
    %dma_start3A_1632 = arith.constant 0 : i32
    %dma_start3A_1633 = tpu.memref_slice %arg4[%dma_start3A_1614, %dma_start3A_1631, %dma_start3A_1632] : memref<3x256x128xf32, #tpu.memory_space<vmem>> -> memref<1x256x128xf32, #tpu.memory_space<vmem>>
    %dma_start3A_1634 = tpu.memref_squeeze %dma_start3A_1633 : memref<1x256x128xf32, #tpu.memory_space<vmem>> -> memref<256x128xf32, #tpu.memory_space<vmem>>
    tpu.enqueue_dma source(%dma_start3A_1634 : memref<256x128xf32, #tpu.memory_space<vmem>>) target(%dma_start3A_1630 : memref<256x128xf32, #tpu.memory_space<hbm>>) target_semaphore(%dma_start3A_1626 : memref<!tpu.dma_semaphore, #tpu.memory_space<semaphore_mem>>)
    %dma_wait3A_1635 = arith.constant 2 : i32
    %dma_wait3A_1636 = arith.constant 0 : i32
    %dma_wait3A_1637 = arith.constant 2 : i32
    %dma_wait3A_1638 = arith.constant 0 : i32
    %dma_wait3A_1639 = arith.constant 0 : i32
    %dma_wait3A_1640 = tpu.memref_slice %arg4[%dma_wait3A_1635, %dma_wait3A_1638, %dma_wait3A_1639] : memref<3x256x128xf32, #tpu.memory_space<vmem>> -> memref<1x256x128xf32, #tpu.memory_space<vmem>>
    %dma_wait3A_1641 = tpu.memref_squeeze %dma_wait3A_1640 : memref<1x256x128xf32, #tpu.memory_space<vmem>> -> memref<256x128xf32, #tpu.memory_space<vmem>>
    %dma_wait3A_1642 = arith.constant 0 : i32
    %dma_wait3A_1643 = arith.constant 0 : i32
    %dma_wait3A_1644 = tpu.memref_slice %arg3[%add3A_24, %dma_wait3A_1636, %dma_wait3A_1642, %dma_wait3A_1643] : memref<64x25x256x128xf32, #tpu.memory_space<hbm>> -> memref<1x1x256x128xf32, #tpu.memory_space<hbm>>
    %dma_wait3A_1645 = tpu.memref_squeeze %dma_wait3A_1644 : memref<1x1x256x128xf32, #tpu.memory_space<hbm>> -> memref<256x128xf32, #tpu.memory_space<hbm>>
    %dma_wait3A_1646 = tpu.memref_slice %arg6[%dma_wait3A_1637] : memref<3x!tpu.dma_semaphore, #tpu.memory_space<semaphore_mem>> -> memref<1x!tpu.dma_semaphore, #tpu.memory_space<semaphore_mem>>
    %dma_wait3A_1647 = tpu.memref_squeeze %dma_wait3A_1646 : memref<1x!tpu.dma_semaphore, #tpu.memory_space<semaphore_mem>> -> memref<!tpu.dma_semaphore, #tpu.memory_space<semaphore_mem>>
    %dma_wait3A_1648 = arith.constant 0 : i32
    %dma_wait3A_1649 = arith.constant 0 : i32
    %dma_wait3A_1650 = tpu.memref_slice %arg3[%add3A_24, %dma_wait3A_1636, %dma_wait3A_1648, %dma_wait3A_1649] : memref<64x25x256x128xf32, #tpu.memory_space<hbm>> -> memref<1x1x256x128xf32, #tpu.memory_space<hbm>>
    %dma_wait3A_1651 = tpu.memref_squeeze %dma_wait3A_1650 : memref<1x1x256x128xf32, #tpu.memory_space<hbm>> -> memref<256x128xf32, #tpu.memory_space<hbm>>
    %dma_wait3A_1652 = arith.constant 0 : i32
    %dma_wait3A_1653 = arith.constant 0 : i32
    %dma_wait3A_1654 = tpu.memref_slice %arg4[%dma_wait3A_1635, %dma_wait3A_1652, %dma_wait3A_1653] : memref<3x256x128xf32, #tpu.memory_space<vmem>> -> memref<1x256x128xf32, #tpu.memory_space<vmem>>
    %dma_wait3A_1655 = tpu.memref_squeeze %dma_wait3A_1654 : memref<1x256x128xf32, #tpu.memory_space<vmem>> -> memref<256x128xf32, #tpu.memory_space<vmem>>
    tpu.wait_dma2 semaphore(%dma_wait3A_1647 : memref<!tpu.dma_semaphore, #tpu.memory_space<semaphore_mem>>) src(%dma_wait3A_1655 : memref<256x128xf32, #tpu.memory_space<vmem>>) dst(%dma_wait3A_1651 : memref<256x128xf32, #tpu.memory_space<hbm>>)
    %dma_wait3A_1656 = arith.constant 2 : i32
    %dma_wait3A_1657 = arith.constant 1 : i32
    %dma_wait3A_1658 = arith.constant 2 : i32
    %dma_wait3A_1659 = arith.constant 0 : i32
    %dma_wait3A_1660 = arith.constant 0 : i32
    %dma_wait3A_1661 = tpu.memref_slice %arg4[%dma_wait3A_1656, %dma_wait3A_1659, %dma_wait3A_1660] : memref<3x256x128xf32, #tpu.memory_space<vmem>> -> memref<1x256x128xf32, #tpu.memory_space<vmem>>
    %dma_wait3A_1662 = tpu.memref_squeeze %dma_wait3A_1661 : memref<1x256x128xf32, #tpu.memory_space<vmem>> -> memref<256x128xf32, #tpu.memory_space<vmem>>
    %dma_wait3A_1663 = arith.constant 0 : i32
    %dma_wait3A_1664 = arith.constant 0 : i32
    %dma_wait3A_1665 = tpu.memref_slice %arg3[%add3A_24, %dma_wait3A_1657, %dma_wait3A_1663, %dma_wait3A_1664] : memref<64x25x256x128xf32, #tpu.memory_space<hbm>> -> memref<1x1x256x128xf32, #tpu.memory_space<hbm>>
    %dma_wait3A_1666 = tpu.memref_squeeze %dma_wait3A_1665 : memref<1x1x256x128xf32, #tpu.memory_space<hbm>> -> memref<256x128xf32, #tpu.memory_space<hbm>>
    %dma_wait3A_1667 = tpu.memref_slice %arg6[%dma_wait3A_1658] : memref<3x!tpu.dma_semaphore, #tpu.memory_space<semaphore_mem>> -> memref<1x!tpu.dma_semaphore, #tpu.memory_space<semaphore_mem>>
    %dma_wait3A_1668 = tpu.memref_squeeze %dma_wait3A_1667 : memref<1x!tpu.dma_semaphore, #tpu.memory_space<semaphore_mem>> -> memref<!tpu.dma_semaphore, #tpu.memory_space<semaphore_mem>>
    %dma_wait3A_1669 = arith.constant 0 : i32
    %dma_wait3A_1670 = arith.constant 0 : i32
    %dma_wait3A_1671 = tpu.memref_slice %arg3[%add3A_24, %dma_wait3A_1657, %dma_wait3A_1669, %dma_wait3A_1670] : memref<64x25x256x128xf32, #tpu.memory_space<hbm>> -> memref<1x1x256x128xf32, #tpu.memory_space<hbm>>
    %dma_wait3A_1672 = tpu.memref_squeeze %dma_wait3A_1671 : memref<1x1x256x128xf32, #tpu.memory_space<hbm>> -> memref<256x128xf32, #tpu.memory_space<hbm>>
    %dma_wait3A_1673 = arith.constant 0 : i32
    %dma_wait3A_1674 = arith.constant 0 : i32
    %dma_wait3A_1675 = tpu.memref_slice %arg4[%dma_wait3A_1656, %dma_wait3A_1673, %dma_wait3A_1674] : memref<3x256x128xf32, #tpu.memory_space<vmem>> -> memref<1x256x128xf32, #tpu.memory_space<vmem>>
    %dma_wait3A_1676 = tpu.memref_squeeze %dma_wait3A_1675 : memref<1x256x128xf32, #tpu.memory_space<vmem>> -> memref<256x128xf32, #tpu.memory_space<vmem>>
    tpu.wait_dma2 semaphore(%dma_wait3A_1668 : memref<!tpu.dma_semaphore, #tpu.memory_space<semaphore_mem>>) src(%dma_wait3A_1676 : memref<256x128xf32, #tpu.memory_space<vmem>>) dst(%dma_wait3A_1672 : memref<256x128xf32, #tpu.memory_space<hbm>>)
    %dma_wait3A_1677 = arith.constant 2 : i32
    %dma_wait3A_1678 = arith.constant 2 : i32
    %dma_wait3A_1679 = arith.constant 2 : i32
    %dma_wait3A_1680 = arith.constant 0 : i32
    %dma_wait3A_1681 = arith.constant 0 : i32
    %dma_wait3A_1682 = tpu.memref_slice %arg4[%dma_wait3A_1677, %dma_wait3A_1680, %dma_wait3A_1681] : memref<3x256x128xf32, #tpu.memory_space<vmem>> -> memref<1x256x128xf32, #tpu.memory_space<vmem>>
    %dma_wait3A_1683 = tpu.memref_squeeze %dma_wait3A_1682 : memref<1x256x128xf32, #tpu.memory_space<vmem>> -> memref<256x128xf32, #tpu.memory_space<vmem>>
    %dma_wait3A_1684 = arith.constant 0 : i32
    %dma_wait3A_1685 = arith.constant 0 : i32
    %dma_wait3A_1686 = tpu.memref_slice %arg3[%add3A_24, %dma_wait3A_1678, %dma_wait3A_1684, %dma_wait3A_1685] : memref<64x25x256x128xf32, #tpu.memory_space<hbm>> -> memref<1x1x256x128xf32, #tpu.memory_space<hbm>>
    %dma_wait3A_1687 = tpu.memref_squeeze %dma_wait3A_1686 : memref<1x1x256x128xf32, #tpu.memory_space<hbm>> -> memref<256x128xf32, #tpu.memory_space<hbm>>
    %dma_wait3A_1688 = tpu.memref_slice %arg6[%dma_wait3A_1679] : memref<3x!tpu.dma_semaphore, #tpu.memory_space<semaphore_mem>> -> memref<1x!tpu.dma_semaphore, #tpu.memory_space<semaphore_mem>>
    %dma_wait3A_1689 = tpu.memref_squeeze %dma_wait3A_1688 : memref<1x!tpu.dma_semaphore, #tpu.memory_space<semaphore_mem>> -> memref<!tpu.dma_semaphore, #tpu.memory_space<semaphore_mem>>
    %dma_wait3A_1690 = arith.constant 0 : i32
    %dma_wait3A_1691 = arith.constant 0 : i32
    %dma_wait3A_1692 = tpu.memref_slice %arg3[%add3A_24, %dma_wait3A_1678, %dma_wait3A_1690, %dma_wait3A_1691] : memref<64x25x256x128xf32, #tpu.memory_space<hbm>> -> memref<1x1x256x128xf32, #tpu.memory_space<hbm>>
    %dma_wait3A_1693 = tpu.memref_squeeze %dma_wait3A_1692 : memref<1x1x256x128xf32, #tpu.memory_space<hbm>> -> memref<256x128xf32, #tpu.memory_space<hbm>>
    %dma_wait3A_1694 = arith.constant 0 : i32
    %dma_wait3A_1695 = arith.constant 0 : i32
    %dma_wait3A_1696 = tpu.memref_slice %arg4[%dma_wait3A_1677, %dma_wait3A_1694, %dma_wait3A_1695] : memref<3x256x128xf32, #tpu.memory_space<vmem>> -> memref<1x256x128xf32, #tpu.memory_space<vmem>>
    %dma_wait3A_1697 = tpu.memref_squeeze %dma_wait3A_1696 : memref<1x256x128xf32, #tpu.memory_space<vmem>> -> memref<256x128xf32, #tpu.memory_space<vmem>>
    tpu.wait_dma2 semaphore(%dma_wait3A_1689 : memref<!tpu.dma_semaphore, #tpu.memory_space<semaphore_mem>>) src(%dma_wait3A_1697 : memref<256x128xf32, #tpu.memory_space<vmem>>) dst(%dma_wait3A_1693 : memref<256x128xf32, #tpu.memory_space<hbm>>)
    %dma_wait3A_1698 = arith.constant 2 : i32
    %dma_wait3A_1699 = arith.constant 3 : i32
    %dma_wait3A_1700 = arith.constant 2 : i32
    %dma_wait3A_1701 = arith.constant 0 : i32
    %dma_wait3A_1702 = arith.constant 0 : i32
    %dma_wait3A_1703 = tpu.memref_slice %arg4[%dma_wait3A_1698, %dma_wait3A_1701, %dma_wait3A_1702] : memref<3x256x128xf32, #tpu.memory_space<vmem>> -> memref<1x256x128xf32, #tpu.memory_space<vmem>>
    %dma_wait3A_1704 = tpu.memref_squeeze %dma_wait3A_1703 : memref<1x256x128xf32, #tpu.memory_space<vmem>> -> memref<256x128xf32, #tpu.memory_space<vmem>>
    %dma_wait3A_1705 = arith.constant 0 : i32
    %dma_wait3A_1706 = arith.constant 0 : i32
    %dma_wait3A_1707 = tpu.memref_slice %arg3[%add3A_24, %dma_wait3A_1699, %dma_wait3A_1705, %dma_wait3A_1706] : memref<64x25x256x128xf32, #tpu.memory_space<hbm>> -> memref<1x1x256x128xf32, #tpu.memory_space<hbm>>
    %dma_wait3A_1708 = tpu.memref_squeeze %dma_wait3A_1707 : memref<1x1x256x128xf32, #tpu.memory_space<hbm>> -> memref<256x128xf32, #tpu.memory_space<hbm>>
    %dma_wait3A_1709 = tpu.memref_slice %arg6[%dma_wait3A_1700] : memref<3x!tpu.dma_semaphore, #tpu.memory_space<semaphore_mem>> -> memref<1x!tpu.dma_semaphore, #tpu.memory_space<semaphore_mem>>
    %dma_wait3A_1710 = tpu.memref_squeeze %dma_wait3A_1709 : memref<1x!tpu.dma_semaphore, #tpu.memory_space<semaphore_mem>> -> memref<!tpu.dma_semaphore, #tpu.memory_space<semaphore_mem>>
    %dma_wait3A_1711 = arith.constant 0 : i32
    %dma_wait3A_1712 = arith.constant 0 : i32
    %dma_wait3A_1713 = tpu.memref_slice %arg3[%add3A_24, %dma_wait3A_1699, %dma_wait3A_1711, %dma_wait3A_1712] : memref<64x25x256x128xf32, #tpu.memory_space<hbm>> -> memref<1x1x256x128xf32, #tpu.memory_space<hbm>>
    %dma_wait3A_1714 = tpu.memref_squeeze %dma_wait3A_1713 : memref<1x1x256x128xf32, #tpu.memory_space<hbm>> -> memref<256x128xf32, #tpu.memory_space<hbm>>
    %dma_wait3A_1715 = arith.constant 0 : i32
    %dma_wait3A_1716 = arith.constant 0 : i32
    %dma_wait3A_1717 = tpu.memref_slice %arg4[%dma_wait3A_1698, %dma_wait3A_1715, %dma_wait3A_1716] : memref<3x256x128xf32, #tpu.memory_space<vmem>> -> memref<1x256x128xf32, #tpu.memory_space<vmem>>
    %dma_wait3A_1718 = tpu.memref_squeeze %dma_wait3A_1717 : memref<1x256x128xf32, #tpu.memory_space<vmem>> -> memref<256x128xf32, #tpu.memory_space<vmem>>
    tpu.wait_dma2 semaphore(%dma_wait3A_1710 : memref<!tpu.dma_semaphore, #tpu.memory_space<semaphore_mem>>) src(%dma_wait3A_1718 : memref<256x128xf32, #tpu.memory_space<vmem>>) dst(%dma_wait3A_1714 : memref<256x128xf32, #tpu.memory_space<hbm>>)
    %dma_wait3A_1719 = arith.constant 2 : i32
    %dma_wait3A_1720 = arith.constant 20 : i32
    %dma_wait3A_1721 = arith.constant 2 : i32
    %dma_wait3A_1722 = arith.constant 0 : i32
    %dma_wait3A_1723 = arith.constant 0 : i32
    %dma_wait3A_1724 = tpu.memref_slice %arg4[%dma_wait3A_1719, %dma_wait3A_1722, %dma_wait3A_1723] : memref<3x256x128xf32, #tpu.memory_space<vmem>> -> memref<1x256x128xf32, #tpu.memory_space<vmem>>
    %dma_wait3A_1725 = tpu.memref_squeeze %dma_wait3A_1724 : memref<1x256x128xf32, #tpu.memory_space<vmem>> -> memref<256x128xf32, #tpu.memory_space<vmem>>
    %dma_wait3A_1726 = arith.constant 0 : i32
    %dma_wait3A_1727 = arith.constant 0 : i32
    %dma_wait3A_1728 = tpu.memref_slice %arg3[%add3A_24, %dma_wait3A_1720, %dma_wait3A_1726, %dma_wait3A_1727] : memref<64x25x256x128xf32, #tpu.memory_space<hbm>> -> memref<1x1x256x128xf32, #tpu.memory_space<hbm>>
    %dma_wait3A_1729 = tpu.memref_squeeze %dma_wait3A_1728 : memref<1x1x256x128xf32, #tpu.memory_space<hbm>> -> memref<256x128xf32, #tpu.memory_space<hbm>>
    %dma_wait3A_1730 = tpu.memref_slice %arg6[%dma_wait3A_1721] : memref<3x!tpu.dma_semaphore, #tpu.memory_space<semaphore_mem>> -> memref<1x!tpu.dma_semaphore, #tpu.memory_space<semaphore_mem>>
    %dma_wait3A_1731 = tpu.memref_squeeze %dma_wait3A_1730 : memref<1x!tpu.dma_semaphore, #tpu.memory_space<semaphore_mem>> -> memref<!tpu.dma_semaphore, #tpu.memory_space<semaphore_mem>>
    %dma_wait3A_1732 = arith.constant 0 : i32
    %dma_wait3A_1733 = arith.constant 0 : i32
    %dma_wait3A_1734 = tpu.memref_slice %arg3[%add3A_24, %dma_wait3A_1720, %dma_wait3A_1732, %dma_wait3A_1733] : memref<64x25x256x128xf32, #tpu.memory_space<hbm>> -> memref<1x1x256x128xf32, #tpu.memory_space<hbm>>
    %dma_wait3A_1735 = tpu.memref_squeeze %dma_wait3A_1734 : memref<1x1x256x128xf32, #tpu.memory_space<hbm>> -> memref<256x128xf32, #tpu.memory_space<hbm>>
    %dma_wait3A_1736 = arith.constant 0 : i32
    %dma_wait3A_1737 = arith.constant 0 : i32
    %dma_wait3A_1738 = tpu.memref_slice %arg4[%dma_wait3A_1719, %dma_wait3A_1736, %dma_wait3A_1737] : memref<3x256x128xf32, #tpu.memory_space<vmem>> -> memref<1x256x128xf32, #tpu.memory_space<vmem>>
    %dma_wait3A_1739 = tpu.memref_squeeze %dma_wait3A_1738 : memref<1x256x128xf32, #tpu.memory_space<vmem>> -> memref<256x128xf32, #tpu.memory_space<vmem>>
    tpu.wait_dma2 semaphore(%dma_wait3A_1731 : memref<!tpu.dma_semaphore, #tpu.memory_space<semaphore_mem>>) src(%dma_wait3A_1739 : memref<256x128xf32, #tpu.memory_space<vmem>>) dst(%dma_wait3A_1735 : memref<256x128xf32, #tpu.memory_space<hbm>>)
    %dma_start3A_1740 = arith.constant 3 : i32
    %dma_start3A_1741 = arith.constant 2 : i32
    %dma_start3A_1742 = arith.constant 2 : i32
    %dma_start3A_1743 = arith.constant 0 : i32
    %dma_start3A_1744 = arith.constant 0 : i32
    %dma_start3A_1745 = tpu.memref_slice %arg4[%dma_start3A_1741, %dma_start3A_1743, %dma_start3A_1744] : memref<3x256x128xf32, #tpu.memory_space<vmem>> -> memref<1x256x128xf32, #tpu.memory_space<vmem>>
    %dma_start3A_1746 = tpu.memref_squeeze %dma_start3A_1745 : memref<1x256x128xf32, #tpu.memory_space<vmem>> -> memref<256x128xf32, #tpu.memory_space<vmem>>
    %dma_start3A_1747 = arith.constant 0 : i32
    %dma_start3A_1748 = arith.constant 0 : i32
    %dma_start3A_1749 = tpu.memref_slice %arg2[%add3A_36, %dma_start3A_1740, %dma_start3A_1747, %dma_start3A_1748] : memref<64x5x256x128xf32, #tpu.memory_space<hbm>> -> memref<1x1x256x128xf32, #tpu.memory_space<hbm>>
    %dma_start3A_1750 = tpu.memref_squeeze %dma_start3A_1749 : memref<1x1x256x128xf32, #tpu.memory_space<hbm>> -> memref<256x128xf32, #tpu.memory_space<hbm>>
    %dma_start3A_1751 = tpu.memref_slice %arg5[%dma_start3A_1742] : memref<3x!tpu.dma_semaphore, #tpu.memory_space<semaphore_mem>> -> memref<1x!tpu.dma_semaphore, #tpu.memory_space<semaphore_mem>>
    %dma_start3A_1752 = tpu.memref_squeeze %dma_start3A_1751 : memref<1x!tpu.dma_semaphore, #tpu.memory_space<semaphore_mem>> -> memref<!tpu.dma_semaphore, #tpu.memory_space<semaphore_mem>>
    %dma_start3A_1753 = arith.constant 0 : i32
    %dma_start3A_1754 = arith.constant 0 : i32
    %dma_start3A_1755 = tpu.memref_slice %arg4[%dma_start3A_1741, %dma_start3A_1753, %dma_start3A_1754] : memref<3x256x128xf32, #tpu.memory_space<vmem>> -> memref<1x256x128xf32, #tpu.memory_space<vmem>>
    %dma_start3A_1756 = tpu.memref_squeeze %dma_start3A_1755 : memref<1x256x128xf32, #tpu.memory_space<vmem>> -> memref<256x128xf32, #tpu.memory_space<vmem>>
    %dma_start3A_1757 = arith.constant 0 : i32
    %dma_start3A_1758 = arith.constant 0 : i32
    %dma_start3A_1759 = tpu.memref_slice %arg2[%add3A_36, %dma_start3A_1740, %dma_start3A_1757, %dma_start3A_1758] : memref<64x5x256x128xf32, #tpu.memory_space<hbm>> -> memref<1x1x256x128xf32, #tpu.memory_space<hbm>>
    %dma_start3A_1760 = tpu.memref_squeeze %dma_start3A_1759 : memref<1x1x256x128xf32, #tpu.memory_space<hbm>> -> memref<256x128xf32, #tpu.memory_space<hbm>>
    tpu.enqueue_dma source(%dma_start3A_1760 : memref<256x128xf32, #tpu.memory_space<hbm>>) target(%dma_start3A_1756 : memref<256x128xf32, #tpu.memory_space<vmem>>) target_semaphore(%dma_start3A_1752 : memref<!tpu.dma_semaphore, #tpu.memory_space<semaphore_mem>>)
    %dma_wait3A_1761 = arith.constant 2 : i32
    %dma_wait3A_1762 = arith.constant 1 : i32
    %dma_wait3A_1763 = arith.constant 1 : i32
    %dma_wait3A_1764 = arith.constant 0 : i32
    %dma_wait3A_1765 = arith.constant 0 : i32
    %dma_wait3A_1766 = tpu.memref_slice %arg4[%dma_wait3A_1762, %dma_wait3A_1764, %dma_wait3A_1765] : memref<3x256x128xf32, #tpu.memory_space<vmem>> -> memref<1x256x128xf32, #tpu.memory_space<vmem>>
    %dma_wait3A_1767 = tpu.memref_squeeze %dma_wait3A_1766 : memref<1x256x128xf32, #tpu.memory_space<vmem>> -> memref<256x128xf32, #tpu.memory_space<vmem>>
    %dma_wait3A_1768 = arith.constant 0 : i32
    %dma_wait3A_1769 = arith.constant 0 : i32
    %dma_wait3A_1770 = tpu.memref_slice %arg2[%add3A_32, %dma_wait3A_1761, %dma_wait3A_1768, %dma_wait3A_1769] : memref<64x5x256x128xf32, #tpu.memory_space<hbm>> -> memref<1x1x256x128xf32, #tpu.memory_space<hbm>>
    %dma_wait3A_1771 = tpu.memref_squeeze %dma_wait3A_1770 : memref<1x1x256x128xf32, #tpu.memory_space<hbm>> -> memref<256x128xf32, #tpu.memory_space<hbm>>
    %dma_wait3A_1772 = tpu.memref_slice %arg5[%dma_wait3A_1763] : memref<3x!tpu.dma_semaphore, #tpu.memory_space<semaphore_mem>> -> memref<1x!tpu.dma_semaphore, #tpu.memory_space<semaphore_mem>>
    %dma_wait3A_1773 = tpu.memref_squeeze %dma_wait3A_1772 : memref<1x!tpu.dma_semaphore, #tpu.memory_space<semaphore_mem>> -> memref<!tpu.dma_semaphore, #tpu.memory_space<semaphore_mem>>
    %dma_wait3A_1774 = arith.constant 0 : i32
    %dma_wait3A_1775 = arith.constant 0 : i32
    %dma_wait3A_1776 = tpu.memref_slice %arg4[%dma_wait3A_1762, %dma_wait3A_1774, %dma_wait3A_1775] : memref<3x256x128xf32, #tpu.memory_space<vmem>> -> memref<1x256x128xf32, #tpu.memory_space<vmem>>
    %dma_wait3A_1777 = tpu.memref_squeeze %dma_wait3A_1776 : memref<1x256x128xf32, #tpu.memory_space<vmem>> -> memref<256x128xf32, #tpu.memory_space<vmem>>
    %dma_wait3A_1778 = arith.constant 0 : i32
    %dma_wait3A_1779 = arith.constant 0 : i32
    %dma_wait3A_1780 = tpu.memref_slice %arg2[%add3A_32, %dma_wait3A_1761, %dma_wait3A_1778, %dma_wait3A_1779] : memref<64x5x256x128xf32, #tpu.memory_space<hbm>> -> memref<1x1x256x128xf32, #tpu.memory_space<hbm>>
    %dma_wait3A_1781 = tpu.memref_squeeze %dma_wait3A_1780 : memref<1x1x256x128xf32, #tpu.memory_space<hbm>> -> memref<256x128xf32, #tpu.memory_space<hbm>>
    tpu.wait_dma2 semaphore(%dma_wait3A_1773 : memref<!tpu.dma_semaphore, #tpu.memory_space<semaphore_mem>>) src(%dma_wait3A_1781 : memref<256x128xf32, #tpu.memory_space<hbm>>) dst(%dma_wait3A_1777 : memref<256x128xf32, #tpu.memory_space<vmem>>)
    %dma_start3A_1782 = arith.constant 1 : i32
    %dma_start3A_1783 = arith.constant 8 : i32
    %dma_start3A_1784 = arith.constant 1 : i32
    %dma_start3A_1785 = arith.constant 0 : i32
    %dma_start3A_1786 = arith.constant 0 : i32
    %dma_start3A_1787 = tpu.memref_slice %arg4[%dma_start3A_1782, %dma_start3A_1785, %dma_start3A_1786] : memref<3x256x128xf32, #tpu.memory_space<vmem>> -> memref<1x256x128xf32, #tpu.memory_space<vmem>>
    %dma_start3A_1788 = tpu.memref_squeeze %dma_start3A_1787 : memref<1x256x128xf32, #tpu.memory_space<vmem>> -> memref<256x128xf32, #tpu.memory_space<vmem>>
    %dma_start3A_1789 = arith.constant 0 : i32
    %dma_start3A_1790 = arith.constant 0 : i32
    %dma_start3A_1791 = tpu.memref_slice %arg3[%add3A_32, %dma_start3A_1783, %dma_start3A_1789, %dma_start3A_1790] : memref<64x25x256x128xf32, #tpu.memory_space<hbm>> -> memref<1x1x256x128xf32, #tpu.memory_space<hbm>>
    %dma_start3A_1792 = tpu.memref_squeeze %dma_start3A_1791 : memref<1x1x256x128xf32, #tpu.memory_space<hbm>> -> memref<256x128xf32, #tpu.memory_space<hbm>>
    %dma_start3A_1793 = tpu.memref_slice %arg6[%dma_start3A_1784] : memref<3x!tpu.dma_semaphore, #tpu.memory_space<semaphore_mem>> -> memref<1x!tpu.dma_semaphore, #tpu.memory_space<semaphore_mem>>
    %dma_start3A_1794 = tpu.memref_squeeze %dma_start3A_1793 : memref<1x!tpu.dma_semaphore, #tpu.memory_space<semaphore_mem>> -> memref<!tpu.dma_semaphore, #tpu.memory_space<semaphore_mem>>
    %dma_start3A_1795 = arith.constant 0 : i32
    %dma_start3A_1796 = arith.constant 0 : i32
    %dma_start3A_1797 = tpu.memref_slice %arg3[%add3A_32, %dma_start3A_1783, %dma_start3A_1795, %dma_start3A_1796] : memref<64x25x256x128xf32, #tpu.memory_space<hbm>> -> memref<1x1x256x128xf32, #tpu.memory_space<hbm>>
    %dma_start3A_1798 = tpu.memref_squeeze %dma_start3A_1797 : memref<1x1x256x128xf32, #tpu.memory_space<hbm>> -> memref<256x128xf32, #tpu.memory_space<hbm>>
    %dma_start3A_1799 = arith.constant 0 : i32
    %dma_start3A_1800 = arith.constant 0 : i32
    %dma_start3A_1801 = tpu.memref_slice %arg4[%dma_start3A_1782, %dma_start3A_1799, %dma_start3A_1800] : memref<3x256x128xf32, #tpu.memory_space<vmem>> -> memref<1x256x128xf32, #tpu.memory_space<vmem>>
    %dma_start3A_1802 = tpu.memref_squeeze %dma_start3A_1801 : memref<1x256x128xf32, #tpu.memory_space<vmem>> -> memref<256x128xf32, #tpu.memory_space<vmem>>
    tpu.enqueue_dma source(%dma_start3A_1802 : memref<256x128xf32, #tpu.memory_space<vmem>>) target(%dma_start3A_1798 : memref<256x128xf32, #tpu.memory_space<hbm>>) target_semaphore(%dma_start3A_1794 : memref<!tpu.dma_semaphore, #tpu.memory_space<semaphore_mem>>)
    %dma_start3A_1803 = arith.constant 1 : i32
    %dma_start3A_1804 = arith.constant 9 : i32
    %dma_start3A_1805 = arith.constant 1 : i32
    %dma_start3A_1806 = arith.constant 0 : i32
    %dma_start3A_1807 = arith.constant 0 : i32
    %dma_start3A_1808 = tpu.memref_slice %arg4[%dma_start3A_1803, %dma_start3A_1806, %dma_start3A_1807] : memref<3x256x128xf32, #tpu.memory_space<vmem>> -> memref<1x256x128xf32, #tpu.memory_space<vmem>>
    %dma_start3A_1809 = tpu.memref_squeeze %dma_start3A_1808 : memref<1x256x128xf32, #tpu.memory_space<vmem>> -> memref<256x128xf32, #tpu.memory_space<vmem>>
    %dma_start3A_1810 = arith.constant 0 : i32
    %dma_start3A_1811 = arith.constant 0 : i32
    %dma_start3A_1812 = tpu.memref_slice %arg3[%add3A_32, %dma_start3A_1804, %dma_start3A_1810, %dma_start3A_1811] : memref<64x25x256x128xf32, #tpu.memory_space<hbm>> -> memref<1x1x256x128xf32, #tpu.memory_space<hbm>>
    %dma_start3A_1813 = tpu.memref_squeeze %dma_start3A_1812 : memref<1x1x256x128xf32, #tpu.memory_space<hbm>> -> memref<256x128xf32, #tpu.memory_space<hbm>>
    %dma_start3A_1814 = tpu.memref_slice %arg6[%dma_start3A_1805] : memref<3x!tpu.dma_semaphore, #tpu.memory_space<semaphore_mem>> -> memref<1x!tpu.dma_semaphore, #tpu.memory_space<semaphore_mem>>
    %dma_start3A_1815 = tpu.memref_squeeze %dma_start3A_1814 : memref<1x!tpu.dma_semaphore, #tpu.memory_space<semaphore_mem>> -> memref<!tpu.dma_semaphore, #tpu.memory_space<semaphore_mem>>
    %dma_start3A_1816 = arith.constant 0 : i32
    %dma_start3A_1817 = arith.constant 0 : i32
    %dma_start3A_1818 = tpu.memref_slice %arg3[%add3A_32, %dma_start3A_1804, %dma_start3A_1816, %dma_start3A_1817] : memref<64x25x256x128xf32, #tpu.memory_space<hbm>> -> memref<1x1x256x128xf32, #tpu.memory_space<hbm>>
    %dma_start3A_1819 = tpu.memref_squeeze %dma_start3A_1818 : memref<1x1x256x128xf32, #tpu.memory_space<hbm>> -> memref<256x128xf32, #tpu.memory_space<hbm>>
    %dma_start3A_1820 = arith.constant 0 : i32
    %dma_start3A_1821 = arith.constant 0 : i32
    %dma_start3A_1822 = tpu.memref_slice %arg4[%dma_start3A_1803, %dma_start3A_1820, %dma_start3A_1821] : memref<3x256x128xf32, #tpu.memory_space<vmem>> -> memref<1x256x128xf32, #tpu.memory_space<vmem>>
    %dma_start3A_1823 = tpu.memref_squeeze %dma_start3A_1822 : memref<1x256x128xf32, #tpu.memory_space<vmem>> -> memref<256x128xf32, #tpu.memory_space<vmem>>
    tpu.enqueue_dma source(%dma_start3A_1823 : memref<256x128xf32, #tpu.memory_space<vmem>>) target(%dma_start3A_1819 : memref<256x128xf32, #tpu.memory_space<hbm>>) target_semaphore(%dma_start3A_1815 : memref<!tpu.dma_semaphore, #tpu.memory_space<semaphore_mem>>)
    %dma_start3A_1824 = arith.constant 1 : i32
    %dma_start3A_1825 = arith.constant 10 : i32
    %dma_start3A_1826 = arith.constant 1 : i32
    %dma_start3A_1827 = arith.constant 0 : i32
    %dma_start3A_1828 = arith.constant 0 : i32
    %dma_start3A_1829 = tpu.memref_slice %arg4[%dma_start3A_1824, %dma_start3A_1827, %dma_start3A_1828] : memref<3x256x128xf32, #tpu.memory_space<vmem>> -> memref<1x256x128xf32, #tpu.memory_space<vmem>>
    %dma_start3A_1830 = tpu.memref_squeeze %dma_start3A_1829 : memref<1x256x128xf32, #tpu.memory_space<vmem>> -> memref<256x128xf32, #tpu.memory_space<vmem>>
    %dma_start3A_1831 = arith.constant 0 : i32
    %dma_start3A_1832 = arith.constant 0 : i32
    %dma_start3A_1833 = tpu.memref_slice %arg3[%add3A_32, %dma_start3A_1825, %dma_start3A_1831, %dma_start3A_1832] : memref<64x25x256x128xf32, #tpu.memory_space<hbm>> -> memref<1x1x256x128xf32, #tpu.memory_space<hbm>>
    %dma_start3A_1834 = tpu.memref_squeeze %dma_start3A_1833 : memref<1x1x256x128xf32, #tpu.memory_space<hbm>> -> memref<256x128xf32, #tpu.memory_space<hbm>>
    %dma_start3A_1835 = tpu.memref_slice %arg6[%dma_start3A_1826] : memref<3x!tpu.dma_semaphore, #tpu.memory_space<semaphore_mem>> -> memref<1x!tpu.dma_semaphore, #tpu.memory_space<semaphore_mem>>
    %dma_start3A_1836 = tpu.memref_squeeze %dma_start3A_1835 : memref<1x!tpu.dma_semaphore, #tpu.memory_space<semaphore_mem>> -> memref<!tpu.dma_semaphore, #tpu.memory_space<semaphore_mem>>
    %dma_start3A_1837 = arith.constant 0 : i32
    %dma_start3A_1838 = arith.constant 0 : i32
    %dma_start3A_1839 = tpu.memref_slice %arg3[%add3A_32, %dma_start3A_1825, %dma_start3A_1837, %dma_start3A_1838] : memref<64x25x256x128xf32, #tpu.memory_space<hbm>> -> memref<1x1x256x128xf32, #tpu.memory_space<hbm>>
    %dma_start3A_1840 = tpu.memref_squeeze %dma_start3A_1839 : memref<1x1x256x128xf32, #tpu.memory_space<hbm>> -> memref<256x128xf32, #tpu.memory_space<hbm>>
    %dma_start3A_1841 = arith.constant 0 : i32
    %dma_start3A_1842 = arith.constant 0 : i32
    %dma_start3A_1843 = tpu.memref_slice %arg4[%dma_start3A_1824, %dma_start3A_1841, %dma_start3A_1842] : memref<3x256x128xf32, #tpu.memory_space<vmem>> -> memref<1x256x128xf32, #tpu.memory_space<vmem>>
    %dma_start3A_1844 = tpu.memref_squeeze %dma_start3A_1843 : memref<1x256x128xf32, #tpu.memory_space<vmem>> -> memref<256x128xf32, #tpu.memory_space<vmem>>
    tpu.enqueue_dma source(%dma_start3A_1844 : memref<256x128xf32, #tpu.memory_space<vmem>>) target(%dma_start3A_1840 : memref<256x128xf32, #tpu.memory_space<hbm>>) target_semaphore(%dma_start3A_1836 : memref<!tpu.dma_semaphore, #tpu.memory_space<semaphore_mem>>)
    %dma_start3A_1845 = arith.constant 1 : i32
    %dma_start3A_1846 = arith.constant 11 : i32
    %dma_start3A_1847 = arith.constant 1 : i32
    %dma_start3A_1848 = arith.constant 0 : i32
    %dma_start3A_1849 = arith.constant 0 : i32
    %dma_start3A_1850 = tpu.memref_slice %arg4[%dma_start3A_1845, %dma_start3A_1848, %dma_start3A_1849] : memref<3x256x128xf32, #tpu.memory_space<vmem>> -> memref<1x256x128xf32, #tpu.memory_space<vmem>>
    %dma_start3A_1851 = tpu.memref_squeeze %dma_start3A_1850 : memref<1x256x128xf32, #tpu.memory_space<vmem>> -> memref<256x128xf32, #tpu.memory_space<vmem>>
    %dma_start3A_1852 = arith.constant 0 : i32
    %dma_start3A_1853 = arith.constant 0 : i32
    %dma_start3A_1854 = tpu.memref_slice %arg3[%add3A_32, %dma_start3A_1846, %dma_start3A_1852, %dma_start3A_1853] : memref<64x25x256x128xf32, #tpu.memory_space<hbm>> -> memref<1x1x256x128xf32, #tpu.memory_space<hbm>>
    %dma_start3A_1855 = tpu.memref_squeeze %dma_start3A_1854 : memref<1x1x256x128xf32, #tpu.memory_space<hbm>> -> memref<256x128xf32, #tpu.memory_space<hbm>>
    %dma_start3A_1856 = tpu.memref_slice %arg6[%dma_start3A_1847] : memref<3x!tpu.dma_semaphore, #tpu.memory_space<semaphore_mem>> -> memref<1x!tpu.dma_semaphore, #tpu.memory_space<semaphore_mem>>
    %dma_start3A_1857 = tpu.memref_squeeze %dma_start3A_1856 : memref<1x!tpu.dma_semaphore, #tpu.memory_space<semaphore_mem>> -> memref<!tpu.dma_semaphore, #tpu.memory_space<semaphore_mem>>
    %dma_start3A_1858 = arith.constant 0 : i32
    %dma_start3A_1859 = arith.constant 0 : i32
    %dma_start3A_1860 = tpu.memref_slice %arg3[%add3A_32, %dma_start3A_1846, %dma_start3A_1858, %dma_start3A_1859] : memref<64x25x256x128xf32, #tpu.memory_space<hbm>> -> memref<1x1x256x128xf32, #tpu.memory_space<hbm>>
    %dma_start3A_1861 = tpu.memref_squeeze %dma_start3A_1860 : memref<1x1x256x128xf32, #tpu.memory_space<hbm>> -> memref<256x128xf32, #tpu.memory_space<hbm>>
    %dma_start3A_1862 = arith.constant 0 : i32
    %dma_start3A_1863 = arith.constant 0 : i32
    %dma_start3A_1864 = tpu.memref_slice %arg4[%dma_start3A_1845, %dma_start3A_1862, %dma_start3A_1863] : memref<3x256x128xf32, #tpu.memory_space<vmem>> -> memref<1x256x128xf32, #tpu.memory_space<vmem>>
    %dma_start3A_1865 = tpu.memref_squeeze %dma_start3A_1864 : memref<1x256x128xf32, #tpu.memory_space<vmem>> -> memref<256x128xf32, #tpu.memory_space<vmem>>
    tpu.enqueue_dma source(%dma_start3A_1865 : memref<256x128xf32, #tpu.memory_space<vmem>>) target(%dma_start3A_1861 : memref<256x128xf32, #tpu.memory_space<hbm>>) target_semaphore(%dma_start3A_1857 : memref<!tpu.dma_semaphore, #tpu.memory_space<semaphore_mem>>)
    %dma_start3A_1866 = arith.constant 1 : i32
    %dma_start3A_1867 = arith.constant 23 : i32
    %dma_start3A_1868 = arith.constant 1 : i32
    %dma_start3A_1869 = arith.constant 0 : i32
    %dma_start3A_1870 = arith.constant 0 : i32
    %dma_start3A_1871 = tpu.memref_slice %arg4[%dma_start3A_1866, %dma_start3A_1869, %dma_start3A_1870] : memref<3x256x128xf32, #tpu.memory_space<vmem>> -> memref<1x256x128xf32, #tpu.memory_space<vmem>>
    %dma_start3A_1872 = tpu.memref_squeeze %dma_start3A_1871 : memref<1x256x128xf32, #tpu.memory_space<vmem>> -> memref<256x128xf32, #tpu.memory_space<vmem>>
    %dma_start3A_1873 = arith.constant 0 : i32
    %dma_start3A_1874 = arith.constant 0 : i32
    %dma_start3A_1875 = tpu.memref_slice %arg3[%add3A_32, %dma_start3A_1867, %dma_start3A_1873, %dma_start3A_1874] : memref<64x25x256x128xf32, #tpu.memory_space<hbm>> -> memref<1x1x256x128xf32, #tpu.memory_space<hbm>>
    %dma_start3A_1876 = tpu.memref_squeeze %dma_start3A_1875 : memref<1x1x256x128xf32, #tpu.memory_space<hbm>> -> memref<256x128xf32, #tpu.memory_space<hbm>>
    %dma_start3A_1877 = tpu.memref_slice %arg6[%dma_start3A_1868] : memref<3x!tpu.dma_semaphore, #tpu.memory_space<semaphore_mem>> -> memref<1x!tpu.dma_semaphore, #tpu.memory_space<semaphore_mem>>
    %dma_start3A_1878 = tpu.memref_squeeze %dma_start3A_1877 : memref<1x!tpu.dma_semaphore, #tpu.memory_space<semaphore_mem>> -> memref<!tpu.dma_semaphore, #tpu.memory_space<semaphore_mem>>
    %dma_start3A_1879 = arith.constant 0 : i32
    %dma_start3A_1880 = arith.constant 0 : i32
    %dma_start3A_1881 = tpu.memref_slice %arg3[%add3A_32, %dma_start3A_1867, %dma_start3A_1879, %dma_start3A_1880] : memref<64x25x256x128xf32, #tpu.memory_space<hbm>> -> memref<1x1x256x128xf32, #tpu.memory_space<hbm>>
    %dma_start3A_1882 = tpu.memref_squeeze %dma_start3A_1881 : memref<1x1x256x128xf32, #tpu.memory_space<hbm>> -> memref<256x128xf32, #tpu.memory_space<hbm>>
    %dma_start3A_1883 = arith.constant 0 : i32
    %dma_start3A_1884 = arith.constant 0 : i32
    %dma_start3A_1885 = tpu.memref_slice %arg4[%dma_start3A_1866, %dma_start3A_1883, %dma_start3A_1884] : memref<3x256x128xf32, #tpu.memory_space<vmem>> -> memref<1x256x128xf32, #tpu.memory_space<vmem>>
    %dma_start3A_1886 = tpu.memref_squeeze %dma_start3A_1885 : memref<1x256x128xf32, #tpu.memory_space<vmem>> -> memref<256x128xf32, #tpu.memory_space<vmem>>
    tpu.enqueue_dma source(%dma_start3A_1886 : memref<256x128xf32, #tpu.memory_space<vmem>>) target(%dma_start3A_1882 : memref<256x128xf32, #tpu.memory_space<hbm>>) target_semaphore(%dma_start3A_1878 : memref<!tpu.dma_semaphore, #tpu.memory_space<semaphore_mem>>)
    %dma_start3A_1887 = arith.constant 1 : i32
    %dma_start3A_1888 = arith.constant 24 : i32
    %dma_start3A_1889 = arith.constant 1 : i32
    %dma_start3A_1890 = arith.constant 0 : i32
    %dma_start3A_1891 = arith.constant 0 : i32
    %dma_start3A_1892 = tpu.memref_slice %arg4[%dma_start3A_1887, %dma_start3A_1890, %dma_start3A_1891] : memref<3x256x128xf32, #tpu.memory_space<vmem>> -> memref<1x256x128xf32, #tpu.memory_space<vmem>>
    %dma_start3A_1893 = tpu.memref_squeeze %dma_start3A_1892 : memref<1x256x128xf32, #tpu.memory_space<vmem>> -> memref<256x128xf32, #tpu.memory_space<vmem>>
    %dma_start3A_1894 = arith.constant 0 : i32
    %dma_start3A_1895 = arith.constant 0 : i32
    %dma_start3A_1896 = tpu.memref_slice %arg3[%add3A_32, %dma_start3A_1888, %dma_start3A_1894, %dma_start3A_1895] : memref<64x25x256x128xf32, #tpu.memory_space<hbm>> -> memref<1x1x256x128xf32, #tpu.memory_space<hbm>>
    %dma_start3A_1897 = tpu.memref_squeeze %dma_start3A_1896 : memref<1x1x256x128xf32, #tpu.memory_space<hbm>> -> memref<256x128xf32, #tpu.memory_space<hbm>>
    %dma_start3A_1898 = tpu.memref_slice %arg6[%dma_start3A_1889] : memref<3x!tpu.dma_semaphore, #tpu.memory_space<semaphore_mem>> -> memref<1x!tpu.dma_semaphore, #tpu.memory_space<semaphore_mem>>
    %dma_start3A_1899 = tpu.memref_squeeze %dma_start3A_1898 : memref<1x!tpu.dma_semaphore, #tpu.memory_space<semaphore_mem>> -> memref<!tpu.dma_semaphore, #tpu.memory_space<semaphore_mem>>
    %dma_start3A_1900 = arith.constant 0 : i32
    %dma_start3A_1901 = arith.constant 0 : i32
    %dma_start3A_1902 = tpu.memref_slice %arg3[%add3A_32, %dma_start3A_1888, %dma_start3A_1900, %dma_start3A_1901] : memref<64x25x256x128xf32, #tpu.memory_space<hbm>> -> memref<1x1x256x128xf32, #tpu.memory_space<hbm>>
    %dma_start3A_1903 = tpu.memref_squeeze %dma_start3A_1902 : memref<1x1x256x128xf32, #tpu.memory_space<hbm>> -> memref<256x128xf32, #tpu.memory_space<hbm>>
    %dma_start3A_1904 = arith.constant 0 : i32
    %dma_start3A_1905 = arith.constant 0 : i32
    %dma_start3A_1906 = tpu.memref_slice %arg4[%dma_start3A_1887, %dma_start3A_1904, %dma_start3A_1905] : memref<3x256x128xf32, #tpu.memory_space<vmem>> -> memref<1x256x128xf32, #tpu.memory_space<vmem>>
    %dma_start3A_1907 = tpu.memref_squeeze %dma_start3A_1906 : memref<1x256x128xf32, #tpu.memory_space<vmem>> -> memref<256x128xf32, #tpu.memory_space<vmem>>
    tpu.enqueue_dma source(%dma_start3A_1907 : memref<256x128xf32, #tpu.memory_space<vmem>>) target(%dma_start3A_1903 : memref<256x128xf32, #tpu.memory_space<hbm>>) target_semaphore(%dma_start3A_1899 : memref<!tpu.dma_semaphore, #tpu.memory_space<semaphore_mem>>)
    %dma_wait3A_1908 = arith.constant 0 : i32
    %dma_wait3A_1909 = arith.constant 4 : i32
    %dma_wait3A_1910 = arith.constant 0 : i32
    %dma_wait3A_1911 = arith.constant 0 : i32
    %dma_wait3A_1912 = arith.constant 0 : i32
    %dma_wait3A_1913 = tpu.memref_slice %arg4[%dma_wait3A_1908, %dma_wait3A_1911, %dma_wait3A_1912] : memref<3x256x128xf32, #tpu.memory_space<vmem>> -> memref<1x256x128xf32, #tpu.memory_space<vmem>>
    %dma_wait3A_1914 = tpu.memref_squeeze %dma_wait3A_1913 : memref<1x256x128xf32, #tpu.memory_space<vmem>> -> memref<256x128xf32, #tpu.memory_space<vmem>>
    %dma_wait3A_1915 = arith.constant 0 : i32
    %dma_wait3A_1916 = arith.constant 0 : i32
    %dma_wait3A_1917 = tpu.memref_slice %arg3[%add3A_28, %dma_wait3A_1909, %dma_wait3A_1915, %dma_wait3A_1916] : memref<64x25x256x128xf32, #tpu.memory_space<hbm>> -> memref<1x1x256x128xf32, #tpu.memory_space<hbm>>
    %dma_wait3A_1918 = tpu.memref_squeeze %dma_wait3A_1917 : memref<1x1x256x128xf32, #tpu.memory_space<hbm>> -> memref<256x128xf32, #tpu.memory_space<hbm>>
    %dma_wait3A_1919 = tpu.memref_slice %arg6[%dma_wait3A_1910] : memref<3x!tpu.dma_semaphore, #tpu.memory_space<semaphore_mem>> -> memref<1x!tpu.dma_semaphore, #tpu.memory_space<semaphore_mem>>
    %dma_wait3A_1920 = tpu.memref_squeeze %dma_wait3A_1919 : memref<1x!tpu.dma_semaphore, #tpu.memory_space<semaphore_mem>> -> memref<!tpu.dma_semaphore, #tpu.memory_space<semaphore_mem>>
    %dma_wait3A_1921 = arith.constant 0 : i32
    %dma_wait3A_1922 = arith.constant 0 : i32
    %dma_wait3A_1923 = tpu.memref_slice %arg3[%add3A_28, %dma_wait3A_1909, %dma_wait3A_1921, %dma_wait3A_1922] : memref<64x25x256x128xf32, #tpu.memory_space<hbm>> -> memref<1x1x256x128xf32, #tpu.memory_space<hbm>>
    %dma_wait3A_1924 = tpu.memref_squeeze %dma_wait3A_1923 : memref<1x1x256x128xf32, #tpu.memory_space<hbm>> -> memref<256x128xf32, #tpu.memory_space<hbm>>
    %dma_wait3A_1925 = arith.constant 0 : i32
    %dma_wait3A_1926 = arith.constant 0 : i32
    %dma_wait3A_1927 = tpu.memref_slice %arg4[%dma_wait3A_1908, %dma_wait3A_1925, %dma_wait3A_1926] : memref<3x256x128xf32, #tpu.memory_space<vmem>> -> memref<1x256x128xf32, #tpu.memory_space<vmem>>
    %dma_wait3A_1928 = tpu.memref_squeeze %dma_wait3A_1927 : memref<1x256x128xf32, #tpu.memory_space<vmem>> -> memref<256x128xf32, #tpu.memory_space<vmem>>
    tpu.wait_dma2 semaphore(%dma_wait3A_1920 : memref<!tpu.dma_semaphore, #tpu.memory_space<semaphore_mem>>) src(%dma_wait3A_1928 : memref<256x128xf32, #tpu.memory_space<vmem>>) dst(%dma_wait3A_1924 : memref<256x128xf32, #tpu.memory_space<hbm>>)
    %dma_wait3A_1929 = arith.constant 0 : i32
    %dma_wait3A_1930 = arith.constant 5 : i32
    %dma_wait3A_1931 = arith.constant 0 : i32
    %dma_wait3A_1932 = arith.constant 0 : i32
    %dma_wait3A_1933 = arith.constant 0 : i32
    %dma_wait3A_1934 = tpu.memref_slice %arg4[%dma_wait3A_1929, %dma_wait3A_1932, %dma_wait3A_1933] : memref<3x256x128xf32, #tpu.memory_space<vmem>> -> memref<1x256x128xf32, #tpu.memory_space<vmem>>
    %dma_wait3A_1935 = tpu.memref_squeeze %dma_wait3A_1934 : memref<1x256x128xf32, #tpu.memory_space<vmem>> -> memref<256x128xf32, #tpu.memory_space<vmem>>
    %dma_wait3A_1936 = arith.constant 0 : i32
    %dma_wait3A_1937 = arith.constant 0 : i32
    %dma_wait3A_1938 = tpu.memref_slice %arg3[%add3A_28, %dma_wait3A_1930, %dma_wait3A_1936, %dma_wait3A_1937] : memref<64x25x256x128xf32, #tpu.memory_space<hbm>> -> memref<1x1x256x128xf32, #tpu.memory_space<hbm>>
    %dma_wait3A_1939 = tpu.memref_squeeze %dma_wait3A_1938 : memref<1x1x256x128xf32, #tpu.memory_space<hbm>> -> memref<256x128xf32, #tpu.memory_space<hbm>>
    %dma_wait3A_1940 = tpu.memref_slice %arg6[%dma_wait3A_1931] : memref<3x!tpu.dma_semaphore, #tpu.memory_space<semaphore_mem>> -> memref<1x!tpu.dma_semaphore, #tpu.memory_space<semaphore_mem>>
    %dma_wait3A_1941 = tpu.memref_squeeze %dma_wait3A_1940 : memref<1x!tpu.dma_semaphore, #tpu.memory_space<semaphore_mem>> -> memref<!tpu.dma_semaphore, #tpu.memory_space<semaphore_mem>>
    %dma_wait3A_1942 = arith.constant 0 : i32
    %dma_wait3A_1943 = arith.constant 0 : i32
    %dma_wait3A_1944 = tpu.memref_slice %arg3[%add3A_28, %dma_wait3A_1930, %dma_wait3A_1942, %dma_wait3A_1943] : memref<64x25x256x128xf32, #tpu.memory_space<hbm>> -> memref<1x1x256x128xf32, #tpu.memory_space<hbm>>
    %dma_wait3A_1945 = tpu.memref_squeeze %dma_wait3A_1944 : memref<1x1x256x128xf32, #tpu.memory_space<hbm>> -> memref<256x128xf32, #tpu.memory_space<hbm>>
    %dma_wait3A_1946 = arith.constant 0 : i32
    %dma_wait3A_1947 = arith.constant 0 : i32
    %dma_wait3A_1948 = tpu.memref_slice %arg4[%dma_wait3A_1929, %dma_wait3A_1946, %dma_wait3A_1947] : memref<3x256x128xf32, #tpu.memory_space<vmem>> -> memref<1x256x128xf32, #tpu.memory_space<vmem>>
    %dma_wait3A_1949 = tpu.memref_squeeze %dma_wait3A_1948 : memref<1x256x128xf32, #tpu.memory_space<vmem>> -> memref<256x128xf32, #tpu.memory_space<vmem>>
    tpu.wait_dma2 semaphore(%dma_wait3A_1941 : memref<!tpu.dma_semaphore, #tpu.memory_space<semaphore_mem>>) src(%dma_wait3A_1949 : memref<256x128xf32, #tpu.memory_space<vmem>>) dst(%dma_wait3A_1945 : memref<256x128xf32, #tpu.memory_space<hbm>>)
    %dma_wait3A_1950 = arith.constant 0 : i32
    %dma_wait3A_1951 = arith.constant 6 : i32
    %dma_wait3A_1952 = arith.constant 0 : i32
    %dma_wait3A_1953 = arith.constant 0 : i32
    %dma_wait3A_1954 = arith.constant 0 : i32
    %dma_wait3A_1955 = tpu.memref_slice %arg4[%dma_wait3A_1950, %dma_wait3A_1953, %dma_wait3A_1954] : memref<3x256x128xf32, #tpu.memory_space<vmem>> -> memref<1x256x128xf32, #tpu.memory_space<vmem>>
    %dma_wait3A_1956 = tpu.memref_squeeze %dma_wait3A_1955 : memref<1x256x128xf32, #tpu.memory_space<vmem>> -> memref<256x128xf32, #tpu.memory_space<vmem>>
    %dma_wait3A_1957 = arith.constant 0 : i32
    %dma_wait3A_1958 = arith.constant 0 : i32
    %dma_wait3A_1959 = tpu.memref_slice %arg3[%add3A_28, %dma_wait3A_1951, %dma_wait3A_1957, %dma_wait3A_1958] : memref<64x25x256x128xf32, #tpu.memory_space<hbm>> -> memref<1x1x256x128xf32, #tpu.memory_space<hbm>>
    %dma_wait3A_1960 = tpu.memref_squeeze %dma_wait3A_1959 : memref<1x1x256x128xf32, #tpu.memory_space<hbm>> -> memref<256x128xf32, #tpu.memory_space<hbm>>
    %dma_wait3A_1961 = tpu.memref_slice %arg6[%dma_wait3A_1952] : memref<3x!tpu.dma_semaphore, #tpu.memory_space<semaphore_mem>> -> memref<1x!tpu.dma_semaphore, #tpu.memory_space<semaphore_mem>>
    %dma_wait3A_1962 = tpu.memref_squeeze %dma_wait3A_1961 : memref<1x!tpu.dma_semaphore, #tpu.memory_space<semaphore_mem>> -> memref<!tpu.dma_semaphore, #tpu.memory_space<semaphore_mem>>
    %dma_wait3A_1963 = arith.constant 0 : i32
    %dma_wait3A_1964 = arith.constant 0 : i32
    %dma_wait3A_1965 = tpu.memref_slice %arg3[%add3A_28, %dma_wait3A_1951, %dma_wait3A_1963, %dma_wait3A_1964] : memref<64x25x256x128xf32, #tpu.memory_space<hbm>> -> memref<1x1x256x128xf32, #tpu.memory_space<hbm>>
    %dma_wait3A_1966 = tpu.memref_squeeze %dma_wait3A_1965 : memref<1x1x256x128xf32, #tpu.memory_space<hbm>> -> memref<256x128xf32, #tpu.memory_space<hbm>>
    %dma_wait3A_1967 = arith.constant 0 : i32
    %dma_wait3A_1968 = arith.constant 0 : i32
    %dma_wait3A_1969 = tpu.memref_slice %arg4[%dma_wait3A_1950, %dma_wait3A_1967, %dma_wait3A_1968] : memref<3x256x128xf32, #tpu.memory_space<vmem>> -> memref<1x256x128xf32, #tpu.memory_space<vmem>>
    %dma_wait3A_1970 = tpu.memref_squeeze %dma_wait3A_1969 : memref<1x256x128xf32, #tpu.memory_space<vmem>> -> memref<256x128xf32, #tpu.memory_space<vmem>>
    tpu.wait_dma2 semaphore(%dma_wait3A_1962 : memref<!tpu.dma_semaphore, #tpu.memory_space<semaphore_mem>>) src(%dma_wait3A_1970 : memref<256x128xf32, #tpu.memory_space<vmem>>) dst(%dma_wait3A_1966 : memref<256x128xf32, #tpu.memory_space<hbm>>)
    %dma_wait3A_1971 = arith.constant 0 : i32
    %dma_wait3A_1972 = arith.constant 7 : i32
    %dma_wait3A_1973 = arith.constant 0 : i32
    %dma_wait3A_1974 = arith.constant 0 : i32
    %dma_wait3A_1975 = arith.constant 0 : i32
    %dma_wait3A_1976 = tpu.memref_slice %arg4[%dma_wait3A_1971, %dma_wait3A_1974, %dma_wait3A_1975] : memref<3x256x128xf32, #tpu.memory_space<vmem>> -> memref<1x256x128xf32, #tpu.memory_space<vmem>>
    %dma_wait3A_1977 = tpu.memref_squeeze %dma_wait3A_1976 : memref<1x256x128xf32, #tpu.memory_space<vmem>> -> memref<256x128xf32, #tpu.memory_space<vmem>>
    %dma_wait3A_1978 = arith.constant 0 : i32
    %dma_wait3A_1979 = arith.constant 0 : i32
    %dma_wait3A_1980 = tpu.memref_slice %arg3[%add3A_28, %dma_wait3A_1972, %dma_wait3A_1978, %dma_wait3A_1979] : memref<64x25x256x128xf32, #tpu.memory_space<hbm>> -> memref<1x1x256x128xf32, #tpu.memory_space<hbm>>
    %dma_wait3A_1981 = tpu.memref_squeeze %dma_wait3A_1980 : memref<1x1x256x128xf32, #tpu.memory_space<hbm>> -> memref<256x128xf32, #tpu.memory_space<hbm>>
    %dma_wait3A_1982 = tpu.memref_slice %arg6[%dma_wait3A_1973] : memref<3x!tpu.dma_semaphore, #tpu.memory_space<semaphore_mem>> -> memref<1x!tpu.dma_semaphore, #tpu.memory_space<semaphore_mem>>
    %dma_wait3A_1983 = tpu.memref_squeeze %dma_wait3A_1982 : memref<1x!tpu.dma_semaphore, #tpu.memory_space<semaphore_mem>> -> memref<!tpu.dma_semaphore, #tpu.memory_space<semaphore_mem>>
    %dma_wait3A_1984 = arith.constant 0 : i32
    %dma_wait3A_1985 = arith.constant 0 : i32
    %dma_wait3A_1986 = tpu.memref_slice %arg3[%add3A_28, %dma_wait3A_1972, %dma_wait3A_1984, %dma_wait3A_1985] : memref<64x25x256x128xf32, #tpu.memory_space<hbm>> -> memref<1x1x256x128xf32, #tpu.memory_space<hbm>>
    %dma_wait3A_1987 = tpu.memref_squeeze %dma_wait3A_1986 : memref<1x1x256x128xf32, #tpu.memory_space<hbm>> -> memref<256x128xf32, #tpu.memory_space<hbm>>
    %dma_wait3A_1988 = arith.constant 0 : i32
    %dma_wait3A_1989 = arith.constant 0 : i32
    %dma_wait3A_1990 = tpu.memref_slice %arg4[%dma_wait3A_1971, %dma_wait3A_1988, %dma_wait3A_1989] : memref<3x256x128xf32, #tpu.memory_space<vmem>> -> memref<1x256x128xf32, #tpu.memory_space<vmem>>
    %dma_wait3A_1991 = tpu.memref_squeeze %dma_wait3A_1990 : memref<1x256x128xf32, #tpu.memory_space<vmem>> -> memref<256x128xf32, #tpu.memory_space<vmem>>
    tpu.wait_dma2 semaphore(%dma_wait3A_1983 : memref<!tpu.dma_semaphore, #tpu.memory_space<semaphore_mem>>) src(%dma_wait3A_1991 : memref<256x128xf32, #tpu.memory_space<vmem>>) dst(%dma_wait3A_1987 : memref<256x128xf32, #tpu.memory_space<hbm>>)
    %dma_wait3A_1992 = arith.constant 0 : i32
    %dma_wait3A_1993 = arith.constant 21 : i32
    %dma_wait3A_1994 = arith.constant 0 : i32
    %dma_wait3A_1995 = arith.constant 0 : i32
    %dma_wait3A_1996 = arith.constant 0 : i32
    %dma_wait3A_1997 = tpu.memref_slice %arg4[%dma_wait3A_1992, %dma_wait3A_1995, %dma_wait3A_1996] : memref<3x256x128xf32, #tpu.memory_space<vmem>> -> memref<1x256x128xf32, #tpu.memory_space<vmem>>
    %dma_wait3A_1998 = tpu.memref_squeeze %dma_wait3A_1997 : memref<1x256x128xf32, #tpu.memory_space<vmem>> -> memref<256x128xf32, #tpu.memory_space<vmem>>
    %dma_wait3A_1999 = arith.constant 0 : i32
    %dma_wait3A_2000 = arith.constant 0 : i32
    %dma_wait3A_2001 = tpu.memref_slice %arg3[%add3A_28, %dma_wait3A_1993, %dma_wait3A_1999, %dma_wait3A_2000] : memref<64x25x256x128xf32, #tpu.memory_space<hbm>> -> memref<1x1x256x128xf32, #tpu.memory_space<hbm>>
    %dma_wait3A_2002 = tpu.memref_squeeze %dma_wait3A_2001 : memref<1x1x256x128xf32, #tpu.memory_space<hbm>> -> memref<256x128xf32, #tpu.memory_space<hbm>>
    %dma_wait3A_2003 = tpu.memref_slice %arg6[%dma_wait3A_1994] : memref<3x!tpu.dma_semaphore, #tpu.memory_space<semaphore_mem>> -> memref<1x!tpu.dma_semaphore, #tpu.memory_space<semaphore_mem>>
    %dma_wait3A_2004 = tpu.memref_squeeze %dma_wait3A_2003 : memref<1x!tpu.dma_semaphore, #tpu.memory_space<semaphore_mem>> -> memref<!tpu.dma_semaphore, #tpu.memory_space<semaphore_mem>>
    %dma_wait3A_2005 = arith.constant 0 : i32
    %dma_wait3A_2006 = arith.constant 0 : i32
    %dma_wait3A_2007 = tpu.memref_slice %arg3[%add3A_28, %dma_wait3A_1993, %dma_wait3A_2005, %dma_wait3A_2006] : memref<64x25x256x128xf32, #tpu.memory_space<hbm>> -> memref<1x1x256x128xf32, #tpu.memory_space<hbm>>
    %dma_wait3A_2008 = tpu.memref_squeeze %dma_wait3A_2007 : memref<1x1x256x128xf32, #tpu.memory_space<hbm>> -> memref<256x128xf32, #tpu.memory_space<hbm>>
    %dma_wait3A_2009 = arith.constant 0 : i32
    %dma_wait3A_2010 = arith.constant 0 : i32
    %dma_wait3A_2011 = tpu.memref_slice %arg4[%dma_wait3A_1992, %dma_wait3A_2009, %dma_wait3A_2010] : memref<3x256x128xf32, #tpu.memory_space<vmem>> -> memref<1x256x128xf32, #tpu.memory_space<vmem>>
    %dma_wait3A_2012 = tpu.memref_squeeze %dma_wait3A_2011 : memref<1x256x128xf32, #tpu.memory_space<vmem>> -> memref<256x128xf32, #tpu.memory_space<vmem>>
    tpu.wait_dma2 semaphore(%dma_wait3A_2004 : memref<!tpu.dma_semaphore, #tpu.memory_space<semaphore_mem>>) src(%dma_wait3A_2012 : memref<256x128xf32, #tpu.memory_space<vmem>>) dst(%dma_wait3A_2008 : memref<256x128xf32, #tpu.memory_space<hbm>>)
    %dma_wait3A_2013 = arith.constant 0 : i32
    %dma_wait3A_2014 = arith.constant 22 : i32
    %dma_wait3A_2015 = arith.constant 0 : i32
    %dma_wait3A_2016 = arith.constant 0 : i32
    %dma_wait3A_2017 = arith.constant 0 : i32
    %dma_wait3A_2018 = tpu.memref_slice %arg4[%dma_wait3A_2013, %dma_wait3A_2016, %dma_wait3A_2017] : memref<3x256x128xf32, #tpu.memory_space<vmem>> -> memref<1x256x128xf32, #tpu.memory_space<vmem>>
    %dma_wait3A_2019 = tpu.memref_squeeze %dma_wait3A_2018 : memref<1x256x128xf32, #tpu.memory_space<vmem>> -> memref<256x128xf32, #tpu.memory_space<vmem>>
    %dma_wait3A_2020 = arith.constant 0 : i32
    %dma_wait3A_2021 = arith.constant 0 : i32
    %dma_wait3A_2022 = tpu.memref_slice %arg3[%add3A_28, %dma_wait3A_2014, %dma_wait3A_2020, %dma_wait3A_2021] : memref<64x25x256x128xf32, #tpu.memory_space<hbm>> -> memref<1x1x256x128xf32, #tpu.memory_space<hbm>>
    %dma_wait3A_2023 = tpu.memref_squeeze %dma_wait3A_2022 : memref<1x1x256x128xf32, #tpu.memory_space<hbm>> -> memref<256x128xf32, #tpu.memory_space<hbm>>
    %dma_wait3A_2024 = tpu.memref_slice %arg6[%dma_wait3A_2015] : memref<3x!tpu.dma_semaphore, #tpu.memory_space<semaphore_mem>> -> memref<1x!tpu.dma_semaphore, #tpu.memory_space<semaphore_mem>>
    %dma_wait3A_2025 = tpu.memref_squeeze %dma_wait3A_2024 : memref<1x!tpu.dma_semaphore, #tpu.memory_space<semaphore_mem>> -> memref<!tpu.dma_semaphore, #tpu.memory_space<semaphore_mem>>
    %dma_wait3A_2026 = arith.constant 0 : i32
    %dma_wait3A_2027 = arith.constant 0 : i32
    %dma_wait3A_2028 = tpu.memref_slice %arg3[%add3A_28, %dma_wait3A_2014, %dma_wait3A_2026, %dma_wait3A_2027] : memref<64x25x256x128xf32, #tpu.memory_space<hbm>> -> memref<1x1x256x128xf32, #tpu.memory_space<hbm>>
    %dma_wait3A_2029 = tpu.memref_squeeze %dma_wait3A_2028 : memref<1x1x256x128xf32, #tpu.memory_space<hbm>> -> memref<256x128xf32, #tpu.memory_space<hbm>>
    %dma_wait3A_2030 = arith.constant 0 : i32
    %dma_wait3A_2031 = arith.constant 0 : i32
    %dma_wait3A_2032 = tpu.memref_slice %arg4[%dma_wait3A_2013, %dma_wait3A_2030, %dma_wait3A_2031] : memref<3x256x128xf32, #tpu.memory_space<vmem>> -> memref<1x256x128xf32, #tpu.memory_space<vmem>>
    %dma_wait3A_2033 = tpu.memref_squeeze %dma_wait3A_2032 : memref<1x256x128xf32, #tpu.memory_space<vmem>> -> memref<256x128xf32, #tpu.memory_space<vmem>>
    tpu.wait_dma2 semaphore(%dma_wait3A_2025 : memref<!tpu.dma_semaphore, #tpu.memory_space<semaphore_mem>>) src(%dma_wait3A_2033 : memref<256x128xf32, #tpu.memory_space<vmem>>) dst(%dma_wait3A_2029 : memref<256x128xf32, #tpu.memory_space<hbm>>)
    %dma_start3A_2034 = arith.constant 4 : i32
    %dma_start3A_2035 = arith.constant 0 : i32
    %dma_start3A_2036 = arith.constant 0 : i32
    %dma_start3A_2037 = arith.constant 0 : i32
    %dma_start3A_2038 = arith.constant 0 : i32
    %dma_start3A_2039 = tpu.memref_slice %arg4[%dma_start3A_2035, %dma_start3A_2037, %dma_start3A_2038] : memref<3x256x128xf32, #tpu.memory_space<vmem>> -> memref<1x256x128xf32, #tpu.memory_space<vmem>>
    %dma_start3A_2040 = tpu.memref_squeeze %dma_start3A_2039 : memref<1x256x128xf32, #tpu.memory_space<vmem>> -> memref<256x128xf32, #tpu.memory_space<vmem>>
    %dma_start3A_2041 = arith.constant 0 : i32
    %dma_start3A_2042 = arith.constant 0 : i32
    %dma_start3A_2043 = tpu.memref_slice %arg2[%add3A_40, %dma_start3A_2034, %dma_start3A_2041, %dma_start3A_2042] : memref<64x5x256x128xf32, #tpu.memory_space<hbm>> -> memref<1x1x256x128xf32, #tpu.memory_space<hbm>>
    %dma_start3A_2044 = tpu.memref_squeeze %dma_start3A_2043 : memref<1x1x256x128xf32, #tpu.memory_space<hbm>> -> memref<256x128xf32, #tpu.memory_space<hbm>>
    %dma_start3A_2045 = tpu.memref_slice %arg5[%dma_start3A_2036] : memref<3x!tpu.dma_semaphore, #tpu.memory_space<semaphore_mem>> -> memref<1x!tpu.dma_semaphore, #tpu.memory_space<semaphore_mem>>
    %dma_start3A_2046 = tpu.memref_squeeze %dma_start3A_2045 : memref<1x!tpu.dma_semaphore, #tpu.memory_space<semaphore_mem>> -> memref<!tpu.dma_semaphore, #tpu.memory_space<semaphore_mem>>
    %dma_start3A_2047 = arith.constant 0 : i32
    %dma_start3A_2048 = arith.constant 0 : i32
    %dma_start3A_2049 = tpu.memref_slice %arg4[%dma_start3A_2035, %dma_start3A_2047, %dma_start3A_2048] : memref<3x256x128xf32, #tpu.memory_space<vmem>> -> memref<1x256x128xf32, #tpu.memory_space<vmem>>
    %dma_start3A_2050 = tpu.memref_squeeze %dma_start3A_2049 : memref<1x256x128xf32, #tpu.memory_space<vmem>> -> memref<256x128xf32, #tpu.memory_space<vmem>>
    %dma_start3A_2051 = arith.constant 0 : i32
    %dma_start3A_2052 = arith.constant 0 : i32
    %dma_start3A_2053 = tpu.memref_slice %arg2[%add3A_40, %dma_start3A_2034, %dma_start3A_2051, %dma_start3A_2052] : memref<64x5x256x128xf32, #tpu.memory_space<hbm>> -> memref<1x1x256x128xf32, #tpu.memory_space<hbm>>
    %dma_start3A_2054 = tpu.memref_squeeze %dma_start3A_2053 : memref<1x1x256x128xf32, #tpu.memory_space<hbm>> -> memref<256x128xf32, #tpu.memory_space<hbm>>
    tpu.enqueue_dma source(%dma_start3A_2054 : memref<256x128xf32, #tpu.memory_space<hbm>>) target(%dma_start3A_2050 : memref<256x128xf32, #tpu.memory_space<vmem>>) target_semaphore(%dma_start3A_2046 : memref<!tpu.dma_semaphore, #tpu.memory_space<semaphore_mem>>)
    %dma_wait3A_2055 = arith.constant 3 : i32
    %dma_wait3A_2056 = arith.constant 2 : i32
    %dma_wait3A_2057 = arith.constant 2 : i32
    %dma_wait3A_2058 = arith.constant 0 : i32
    %dma_wait3A_2059 = arith.constant 0 : i32
    %dma_wait3A_2060 = tpu.memref_slice %arg4[%dma_wait3A_2056, %dma_wait3A_2058, %dma_wait3A_2059] : memref<3x256x128xf32, #tpu.memory_space<vmem>> -> memref<1x256x128xf32, #tpu.memory_space<vmem>>
    %dma_wait3A_2061 = tpu.memref_squeeze %dma_wait3A_2060 : memref<1x256x128xf32, #tpu.memory_space<vmem>> -> memref<256x128xf32, #tpu.memory_space<vmem>>
    %dma_wait3A_2062 = arith.constant 0 : i32
    %dma_wait3A_2063 = arith.constant 0 : i32
    %dma_wait3A_2064 = tpu.memref_slice %arg2[%add3A_36, %dma_wait3A_2055, %dma_wait3A_2062, %dma_wait3A_2063] : memref<64x5x256x128xf32, #tpu.memory_space<hbm>> -> memref<1x1x256x128xf32, #tpu.memory_space<hbm>>
    %dma_wait3A_2065 = tpu.memref_squeeze %dma_wait3A_2064 : memref<1x1x256x128xf32, #tpu.memory_space<hbm>> -> memref<256x128xf32, #tpu.memory_space<hbm>>
    %dma_wait3A_2066 = tpu.memref_slice %arg5[%dma_wait3A_2057] : memref<3x!tpu.dma_semaphore, #tpu.memory_space<semaphore_mem>> -> memref<1x!tpu.dma_semaphore, #tpu.memory_space<semaphore_mem>>
    %dma_wait3A_2067 = tpu.memref_squeeze %dma_wait3A_2066 : memref<1x!tpu.dma_semaphore, #tpu.memory_space<semaphore_mem>> -> memref<!tpu.dma_semaphore, #tpu.memory_space<semaphore_mem>>
    %dma_wait3A_2068 = arith.constant 0 : i32
    %dma_wait3A_2069 = arith.constant 0 : i32
    %dma_wait3A_2070 = tpu.memref_slice %arg4[%dma_wait3A_2056, %dma_wait3A_2068, %dma_wait3A_2069] : memref<3x256x128xf32, #tpu.memory_space<vmem>> -> memref<1x256x128xf32, #tpu.memory_space<vmem>>
    %dma_wait3A_2071 = tpu.memref_squeeze %dma_wait3A_2070 : memref<1x256x128xf32, #tpu.memory_space<vmem>> -> memref<256x128xf32, #tpu.memory_space<vmem>>
    %dma_wait3A_2072 = arith.constant 0 : i32
    %dma_wait3A_2073 = arith.constant 0 : i32
    %dma_wait3A_2074 = tpu.memref_slice %arg2[%add3A_36, %dma_wait3A_2055, %dma_wait3A_2072, %dma_wait3A_2073] : memref<64x5x256x128xf32, #tpu.memory_space<hbm>> -> memref<1x1x256x128xf32, #tpu.memory_space<hbm>>
    %dma_wait3A_2075 = tpu.memref_squeeze %dma_wait3A_2074 : memref<1x1x256x128xf32, #tpu.memory_space<hbm>> -> memref<256x128xf32, #tpu.memory_space<hbm>>
    tpu.wait_dma2 semaphore(%dma_wait3A_2067 : memref<!tpu.dma_semaphore, #tpu.memory_space<semaphore_mem>>) src(%dma_wait3A_2075 : memref<256x128xf32, #tpu.memory_space<hbm>>) dst(%dma_wait3A_2071 : memref<256x128xf32, #tpu.memory_space<vmem>>)
    %dma_start3A_2076 = arith.constant 2 : i32
    %dma_start3A_2077 = arith.constant 12 : i32
    %dma_start3A_2078 = arith.constant 2 : i32
    %dma_start3A_2079 = arith.constant 0 : i32
    %dma_start3A_2080 = arith.constant 0 : i32
    %dma_start3A_2081 = tpu.memref_slice %arg4[%dma_start3A_2076, %dma_start3A_2079, %dma_start3A_2080] : memref<3x256x128xf32, #tpu.memory_space<vmem>> -> memref<1x256x128xf32, #tpu.memory_space<vmem>>
    %dma_start3A_2082 = tpu.memref_squeeze %dma_start3A_2081 : memref<1x256x128xf32, #tpu.memory_space<vmem>> -> memref<256x128xf32, #tpu.memory_space<vmem>>
    %dma_start3A_2083 = arith.constant 0 : i32
    %dma_start3A_2084 = arith.constant 0 : i32
    %dma_start3A_2085 = tpu.memref_slice %arg3[%add3A_36, %dma_start3A_2077, %dma_start3A_2083, %dma_start3A_2084] : memref<64x25x256x128xf32, #tpu.memory_space<hbm>> -> memref<1x1x256x128xf32, #tpu.memory_space<hbm>>
    %dma_start3A_2086 = tpu.memref_squeeze %dma_start3A_2085 : memref<1x1x256x128xf32, #tpu.memory_space<hbm>> -> memref<256x128xf32, #tpu.memory_space<hbm>>
    %dma_start3A_2087 = tpu.memref_slice %arg6[%dma_start3A_2078] : memref<3x!tpu.dma_semaphore, #tpu.memory_space<semaphore_mem>> -> memref<1x!tpu.dma_semaphore, #tpu.memory_space<semaphore_mem>>
    %dma_start3A_2088 = tpu.memref_squeeze %dma_start3A_2087 : memref<1x!tpu.dma_semaphore, #tpu.memory_space<semaphore_mem>> -> memref<!tpu.dma_semaphore, #tpu.memory_space<semaphore_mem>>
    %dma_start3A_2089 = arith.constant 0 : i32
    %dma_start3A_2090 = arith.constant 0 : i32
    %dma_start3A_2091 = tpu.memref_slice %arg3[%add3A_36, %dma_start3A_2077, %dma_start3A_2089, %dma_start3A_2090] : memref<64x25x256x128xf32, #tpu.memory_space<hbm>> -> memref<1x1x256x128xf32, #tpu.memory_space<hbm>>
    %dma_start3A_2092 = tpu.memref_squeeze %dma_start3A_2091 : memref<1x1x256x128xf32, #tpu.memory_space<hbm>> -> memref<256x128xf32, #tpu.memory_space<hbm>>
    %dma_start3A_2093 = arith.constant 0 : i32
    %dma_start3A_2094 = arith.constant 0 : i32
    %dma_start3A_2095 = tpu.memref_slice %arg4[%dma_start3A_2076, %dma_start3A_2093, %dma_start3A_2094] : memref<3x256x128xf32, #tpu.memory_space<vmem>> -> memref<1x256x128xf32, #tpu.memory_space<vmem>>
    %dma_start3A_2096 = tpu.memref_squeeze %dma_start3A_2095 : memref<1x256x128xf32, #tpu.memory_space<vmem>> -> memref<256x128xf32, #tpu.memory_space<vmem>>
    tpu.enqueue_dma source(%dma_start3A_2096 : memref<256x128xf32, #tpu.memory_space<vmem>>) target(%dma_start3A_2092 : memref<256x128xf32, #tpu.memory_space<hbm>>) target_semaphore(%dma_start3A_2088 : memref<!tpu.dma_semaphore, #tpu.memory_space<semaphore_mem>>)
    %dma_start3A_2097 = arith.constant 2 : i32
    %dma_start3A_2098 = arith.constant 13 : i32
    %dma_start3A_2099 = arith.constant 2 : i32
    %dma_start3A_2100 = arith.constant 0 : i32
    %dma_start3A_2101 = arith.constant 0 : i32
    %dma_start3A_2102 = tpu.memref_slice %arg4[%dma_start3A_2097, %dma_start3A_2100, %dma_start3A_2101] : memref<3x256x128xf32, #tpu.memory_space<vmem>> -> memref<1x256x128xf32, #tpu.memory_space<vmem>>
    %dma_start3A_2103 = tpu.memref_squeeze %dma_start3A_2102 : memref<1x256x128xf32, #tpu.memory_space<vmem>> -> memref<256x128xf32, #tpu.memory_space<vmem>>
    %dma_start3A_2104 = arith.constant 0 : i32
    %dma_start3A_2105 = arith.constant 0 : i32
    %dma_start3A_2106 = tpu.memref_slice %arg3[%add3A_36, %dma_start3A_2098, %dma_start3A_2104, %dma_start3A_2105] : memref<64x25x256x128xf32, #tpu.memory_space<hbm>> -> memref<1x1x256x128xf32, #tpu.memory_space<hbm>>
    %dma_start3A_2107 = tpu.memref_squeeze %dma_start3A_2106 : memref<1x1x256x128xf32, #tpu.memory_space<hbm>> -> memref<256x128xf32, #tpu.memory_space<hbm>>
    %dma_start3A_2108 = tpu.memref_slice %arg6[%dma_start3A_2099] : memref<3x!tpu.dma_semaphore, #tpu.memory_space<semaphore_mem>> -> memref<1x!tpu.dma_semaphore, #tpu.memory_space<semaphore_mem>>
    %dma_start3A_2109 = tpu.memref_squeeze %dma_start3A_2108 : memref<1x!tpu.dma_semaphore, #tpu.memory_space<semaphore_mem>> -> memref<!tpu.dma_semaphore, #tpu.memory_space<semaphore_mem>>
    %dma_start3A_2110 = arith.constant 0 : i32
    %dma_start3A_2111 = arith.constant 0 : i32
    %dma_start3A_2112 = tpu.memref_slice %arg3[%add3A_36, %dma_start3A_2098, %dma_start3A_2110, %dma_start3A_2111] : memref<64x25x256x128xf32, #tpu.memory_space<hbm>> -> memref<1x1x256x128xf32, #tpu.memory_space<hbm>>
    %dma_start3A_2113 = tpu.memref_squeeze %dma_start3A_2112 : memref<1x1x256x128xf32, #tpu.memory_space<hbm>> -> memref<256x128xf32, #tpu.memory_space<hbm>>
    %dma_start3A_2114 = arith.constant 0 : i32
    %dma_start3A_2115 = arith.constant 0 : i32
    %dma_start3A_2116 = tpu.memref_slice %arg4[%dma_start3A_2097, %dma_start3A_2114, %dma_start3A_2115] : memref<3x256x128xf32, #tpu.memory_space<vmem>> -> memref<1x256x128xf32, #tpu.memory_space<vmem>>
    %dma_start3A_2117 = tpu.memref_squeeze %dma_start3A_2116 : memref<1x256x128xf32, #tpu.memory_space<vmem>> -> memref<256x128xf32, #tpu.memory_space<vmem>>
    tpu.enqueue_dma source(%dma_start3A_2117 : memref<256x128xf32, #tpu.memory_space<vmem>>) target(%dma_start3A_2113 : memref<256x128xf32, #tpu.memory_space<hbm>>) target_semaphore(%dma_start3A_2109 : memref<!tpu.dma_semaphore, #tpu.memory_space<semaphore_mem>>)
    %dma_start3A_2118 = arith.constant 2 : i32
    %dma_start3A_2119 = arith.constant 14 : i32
    %dma_start3A_2120 = arith.constant 2 : i32
    %dma_start3A_2121 = arith.constant 0 : i32
    %dma_start3A_2122 = arith.constant 0 : i32
    %dma_start3A_2123 = tpu.memref_slice %arg4[%dma_start3A_2118, %dma_start3A_2121, %dma_start3A_2122] : memref<3x256x128xf32, #tpu.memory_space<vmem>> -> memref<1x256x128xf32, #tpu.memory_space<vmem>>
    %dma_start3A_2124 = tpu.memref_squeeze %dma_start3A_2123 : memref<1x256x128xf32, #tpu.memory_space<vmem>> -> memref<256x128xf32, #tpu.memory_space<vmem>>
    %dma_start3A_2125 = arith.constant 0 : i32
    %dma_start3A_2126 = arith.constant 0 : i32
    %dma_start3A_2127 = tpu.memref_slice %arg3[%add3A_36, %dma_start3A_2119, %dma_start3A_2125, %dma_start3A_2126] : memref<64x25x256x128xf32, #tpu.memory_space<hbm>> -> memref<1x1x256x128xf32, #tpu.memory_space<hbm>>
    %dma_start3A_2128 = tpu.memref_squeeze %dma_start3A_2127 : memref<1x1x256x128xf32, #tpu.memory_space<hbm>> -> memref<256x128xf32, #tpu.memory_space<hbm>>
    %dma_start3A_2129 = tpu.memref_slice %arg6[%dma_start3A_2120] : memref<3x!tpu.dma_semaphore, #tpu.memory_space<semaphore_mem>> -> memref<1x!tpu.dma_semaphore, #tpu.memory_space<semaphore_mem>>
    %dma_start3A_2130 = tpu.memref_squeeze %dma_start3A_2129 : memref<1x!tpu.dma_semaphore, #tpu.memory_space<semaphore_mem>> -> memref<!tpu.dma_semaphore, #tpu.memory_space<semaphore_mem>>
    %dma_start3A_2131 = arith.constant 0 : i32
    %dma_start3A_2132 = arith.constant 0 : i32
    %dma_start3A_2133 = tpu.memref_slice %arg3[%add3A_36, %dma_start3A_2119, %dma_start3A_2131, %dma_start3A_2132] : memref<64x25x256x128xf32, #tpu.memory_space<hbm>> -> memref<1x1x256x128xf32, #tpu.memory_space<hbm>>
    %dma_start3A_2134 = tpu.memref_squeeze %dma_start3A_2133 : memref<1x1x256x128xf32, #tpu.memory_space<hbm>> -> memref<256x128xf32, #tpu.memory_space<hbm>>
    %dma_start3A_2135 = arith.constant 0 : i32
    %dma_start3A_2136 = arith.constant 0 : i32
    %dma_start3A_2137 = tpu.memref_slice %arg4[%dma_start3A_2118, %dma_start3A_2135, %dma_start3A_2136] : memref<3x256x128xf32, #tpu.memory_space<vmem>> -> memref<1x256x128xf32, #tpu.memory_space<vmem>>
    %dma_start3A_2138 = tpu.memref_squeeze %dma_start3A_2137 : memref<1x256x128xf32, #tpu.memory_space<vmem>> -> memref<256x128xf32, #tpu.memory_space<vmem>>
    tpu.enqueue_dma source(%dma_start3A_2138 : memref<256x128xf32, #tpu.memory_space<vmem>>) target(%dma_start3A_2134 : memref<256x128xf32, #tpu.memory_space<hbm>>) target_semaphore(%dma_start3A_2130 : memref<!tpu.dma_semaphore, #tpu.memory_space<semaphore_mem>>)
    %dma_start3A_2139 = arith.constant 2 : i32
    %dma_start3A_2140 = arith.constant 15 : i32
    %dma_start3A_2141 = arith.constant 2 : i32
    %dma_start3A_2142 = arith.constant 0 : i32
    %dma_start3A_2143 = arith.constant 0 : i32
    %dma_start3A_2144 = tpu.memref_slice %arg4[%dma_start3A_2139, %dma_start3A_2142, %dma_start3A_2143] : memref<3x256x128xf32, #tpu.memory_space<vmem>> -> memref<1x256x128xf32, #tpu.memory_space<vmem>>
    %dma_start3A_2145 = tpu.memref_squeeze %dma_start3A_2144 : memref<1x256x128xf32, #tpu.memory_space<vmem>> -> memref<256x128xf32, #tpu.memory_space<vmem>>
    %dma_start3A_2146 = arith.constant 0 : i32
    %dma_start3A_2147 = arith.constant 0 : i32
    %dma_start3A_2148 = tpu.memref_slice %arg3[%add3A_36, %dma_start3A_2140, %dma_start3A_2146, %dma_start3A_2147] : memref<64x25x256x128xf32, #tpu.memory_space<hbm>> -> memref<1x1x256x128xf32, #tpu.memory_space<hbm>>
    %dma_start3A_2149 = tpu.memref_squeeze %dma_start3A_2148 : memref<1x1x256x128xf32, #tpu.memory_space<hbm>> -> memref<256x128xf32, #tpu.memory_space<hbm>>
    %dma_start3A_2150 = tpu.memref_slice %arg6[%dma_start3A_2141] : memref<3x!tpu.dma_semaphore, #tpu.memory_space<semaphore_mem>> -> memref<1x!tpu.dma_semaphore, #tpu.memory_space<semaphore_mem>>
    %dma_start3A_2151 = tpu.memref_squeeze %dma_start3A_2150 : memref<1x!tpu.dma_semaphore, #tpu.memory_space<semaphore_mem>> -> memref<!tpu.dma_semaphore, #tpu.memory_space<semaphore_mem>>
    %dma_start3A_2152 = arith.constant 0 : i32
    %dma_start3A_2153 = arith.constant 0 : i32
    %dma_start3A_2154 = tpu.memref_slice %arg3[%add3A_36, %dma_start3A_2140, %dma_start3A_2152, %dma_start3A_2153] : memref<64x25x256x128xf32, #tpu.memory_space<hbm>> -> memref<1x1x256x128xf32, #tpu.memory_space<hbm>>
    %dma_start3A_2155 = tpu.memref_squeeze %dma_start3A_2154 : memref<1x1x256x128xf32, #tpu.memory_space<hbm>> -> memref<256x128xf32, #tpu.memory_space<hbm>>
    %dma_start3A_2156 = arith.constant 0 : i32
    %dma_start3A_2157 = arith.constant 0 : i32
    %dma_start3A_2158 = tpu.memref_slice %arg4[%dma_start3A_2139, %dma_start3A_2156, %dma_start3A_2157] : memref<3x256x128xf32, #tpu.memory_space<vmem>> -> memref<1x256x128xf32, #tpu.memory_space<vmem>>
    %dma_start3A_2159 = tpu.memref_squeeze %dma_start3A_2158 : memref<1x256x128xf32, #tpu.memory_space<vmem>> -> memref<256x128xf32, #tpu.memory_space<vmem>>
    tpu.enqueue_dma source(%dma_start3A_2159 : memref<256x128xf32, #tpu.memory_space<vmem>>) target(%dma_start3A_2155 : memref<256x128xf32, #tpu.memory_space<hbm>>) target_semaphore(%dma_start3A_2151 : memref<!tpu.dma_semaphore, #tpu.memory_space<semaphore_mem>>)
    %dma_wait3A_2160 = arith.constant 4 : i32
    %dma_wait3A_2161 = arith.constant 0 : i32
    %dma_wait3A_2162 = arith.constant 0 : i32
    %dma_wait3A_2163 = arith.constant 0 : i32
    %dma_wait3A_2164 = arith.constant 0 : i32
    %dma_wait3A_2165 = tpu.memref_slice %arg4[%dma_wait3A_2161, %dma_wait3A_2163, %dma_wait3A_2164] : memref<3x256x128xf32, #tpu.memory_space<vmem>> -> memref<1x256x128xf32, #tpu.memory_space<vmem>>
    %dma_wait3A_2166 = tpu.memref_squeeze %dma_wait3A_2165 : memref<1x256x128xf32, #tpu.memory_space<vmem>> -> memref<256x128xf32, #tpu.memory_space<vmem>>
    %dma_wait3A_2167 = arith.constant 0 : i32
    %dma_wait3A_2168 = arith.constant 0 : i32
    %dma_wait3A_2169 = tpu.memref_slice %arg2[%add3A_40, %dma_wait3A_2160, %dma_wait3A_2167, %dma_wait3A_2168] : memref<64x5x256x128xf32, #tpu.memory_space<hbm>> -> memref<1x1x256x128xf32, #tpu.memory_space<hbm>>
    %dma_wait3A_2170 = tpu.memref_squeeze %dma_wait3A_2169 : memref<1x1x256x128xf32, #tpu.memory_space<hbm>> -> memref<256x128xf32, #tpu.memory_space<hbm>>
    %dma_wait3A_2171 = tpu.memref_slice %arg5[%dma_wait3A_2162] : memref<3x!tpu.dma_semaphore, #tpu.memory_space<semaphore_mem>> -> memref<1x!tpu.dma_semaphore, #tpu.memory_space<semaphore_mem>>
    %dma_wait3A_2172 = tpu.memref_squeeze %dma_wait3A_2171 : memref<1x!tpu.dma_semaphore, #tpu.memory_space<semaphore_mem>> -> memref<!tpu.dma_semaphore, #tpu.memory_space<semaphore_mem>>
    %dma_wait3A_2173 = arith.constant 0 : i32
    %dma_wait3A_2174 = arith.constant 0 : i32
    %dma_wait3A_2175 = tpu.memref_slice %arg4[%dma_wait3A_2161, %dma_wait3A_2173, %dma_wait3A_2174] : memref<3x256x128xf32, #tpu.memory_space<vmem>> -> memref<1x256x128xf32, #tpu.memory_space<vmem>>
    %dma_wait3A_2176 = tpu.memref_squeeze %dma_wait3A_2175 : memref<1x256x128xf32, #tpu.memory_space<vmem>> -> memref<256x128xf32, #tpu.memory_space<vmem>>
    %dma_wait3A_2177 = arith.constant 0 : i32
    %dma_wait3A_2178 = arith.constant 0 : i32
    %dma_wait3A_2179 = tpu.memref_slice %arg2[%add3A_40, %dma_wait3A_2160, %dma_wait3A_2177, %dma_wait3A_2178] : memref<64x5x256x128xf32, #tpu.memory_space<hbm>> -> memref<1x1x256x128xf32, #tpu.memory_space<hbm>>
    %dma_wait3A_2180 = tpu.memref_squeeze %dma_wait3A_2179 : memref<1x1x256x128xf32, #tpu.memory_space<hbm>> -> memref<256x128xf32, #tpu.memory_space<hbm>>
    tpu.wait_dma2 semaphore(%dma_wait3A_2172 : memref<!tpu.dma_semaphore, #tpu.memory_space<semaphore_mem>>) src(%dma_wait3A_2180 : memref<256x128xf32, #tpu.memory_space<hbm>>) dst(%dma_wait3A_2176 : memref<256x128xf32, #tpu.memory_space<vmem>>)
    %dma_start3A_2181 = arith.constant 0 : i32
    %dma_start3A_2182 = arith.constant 16 : i32
    %dma_start3A_2183 = arith.constant 0 : i32
    %dma_start3A_2184 = arith.constant 0 : i32
    %dma_start3A_2185 = arith.constant 0 : i32
    %dma_start3A_2186 = tpu.memref_slice %arg4[%dma_start3A_2181, %dma_start3A_2184, %dma_start3A_2185] : memref<3x256x128xf32, #tpu.memory_space<vmem>> -> memref<1x256x128xf32, #tpu.memory_space<vmem>>
    %dma_start3A_2187 = tpu.memref_squeeze %dma_start3A_2186 : memref<1x256x128xf32, #tpu.memory_space<vmem>> -> memref<256x128xf32, #tpu.memory_space<vmem>>
    %dma_start3A_2188 = arith.constant 0 : i32
    %dma_start3A_2189 = arith.constant 0 : i32
    %dma_start3A_2190 = tpu.memref_slice %arg3[%add3A_40, %dma_start3A_2182, %dma_start3A_2188, %dma_start3A_2189] : memref<64x25x256x128xf32, #tpu.memory_space<hbm>> -> memref<1x1x256x128xf32, #tpu.memory_space<hbm>>
    %dma_start3A_2191 = tpu.memref_squeeze %dma_start3A_2190 : memref<1x1x256x128xf32, #tpu.memory_space<hbm>> -> memref<256x128xf32, #tpu.memory_space<hbm>>
    %dma_start3A_2192 = tpu.memref_slice %arg6[%dma_start3A_2183] : memref<3x!tpu.dma_semaphore, #tpu.memory_space<semaphore_mem>> -> memref<1x!tpu.dma_semaphore, #tpu.memory_space<semaphore_mem>>
    %dma_start3A_2193 = tpu.memref_squeeze %dma_start3A_2192 : memref<1x!tpu.dma_semaphore, #tpu.memory_space<semaphore_mem>> -> memref<!tpu.dma_semaphore, #tpu.memory_space<semaphore_mem>>
    %dma_start3A_2194 = arith.constant 0 : i32
    %dma_start3A_2195 = arith.constant 0 : i32
    %dma_start3A_2196 = tpu.memref_slice %arg3[%add3A_40, %dma_start3A_2182, %dma_start3A_2194, %dma_start3A_2195] : memref<64x25x256x128xf32, #tpu.memory_space<hbm>> -> memref<1x1x256x128xf32, #tpu.memory_space<hbm>>
    %dma_start3A_2197 = tpu.memref_squeeze %dma_start3A_2196 : memref<1x1x256x128xf32, #tpu.memory_space<hbm>> -> memref<256x128xf32, #tpu.memory_space<hbm>>
    %dma_start3A_2198 = arith.constant 0 : i32
    %dma_start3A_2199 = arith.constant 0 : i32
    %dma_start3A_2200 = tpu.memref_slice %arg4[%dma_start3A_2181, %dma_start3A_2198, %dma_start3A_2199] : memref<3x256x128xf32, #tpu.memory_space<vmem>> -> memref<1x256x128xf32, #tpu.memory_space<vmem>>
    %dma_start3A_2201 = tpu.memref_squeeze %dma_start3A_2200 : memref<1x256x128xf32, #tpu.memory_space<vmem>> -> memref<256x128xf32, #tpu.memory_space<vmem>>
    tpu.enqueue_dma source(%dma_start3A_2201 : memref<256x128xf32, #tpu.memory_space<vmem>>) target(%dma_start3A_2197 : memref<256x128xf32, #tpu.memory_space<hbm>>) target_semaphore(%dma_start3A_2193 : memref<!tpu.dma_semaphore, #tpu.memory_space<semaphore_mem>>)
    %dma_start3A_2202 = arith.constant 0 : i32
    %dma_start3A_2203 = arith.constant 17 : i32
    %dma_start3A_2204 = arith.constant 0 : i32
    %dma_start3A_2205 = arith.constant 0 : i32
    %dma_start3A_2206 = arith.constant 0 : i32
    %dma_start3A_2207 = tpu.memref_slice %arg4[%dma_start3A_2202, %dma_start3A_2205, %dma_start3A_2206] : memref<3x256x128xf32, #tpu.memory_space<vmem>> -> memref<1x256x128xf32, #tpu.memory_space<vmem>>
    %dma_start3A_2208 = tpu.memref_squeeze %dma_start3A_2207 : memref<1x256x128xf32, #tpu.memory_space<vmem>> -> memref<256x128xf32, #tpu.memory_space<vmem>>
    %dma_start3A_2209 = arith.constant 0 : i32
    %dma_start3A_2210 = arith.constant 0 : i32
    %dma_start3A_2211 = tpu.memref_slice %arg3[%add3A_40, %dma_start3A_2203, %dma_start3A_2209, %dma_start3A_2210] : memref<64x25x256x128xf32, #tpu.memory_space<hbm>> -> memref<1x1x256x128xf32, #tpu.memory_space<hbm>>
    %dma_start3A_2212 = tpu.memref_squeeze %dma_start3A_2211 : memref<1x1x256x128xf32, #tpu.memory_space<hbm>> -> memref<256x128xf32, #tpu.memory_space<hbm>>
    %dma_start3A_2213 = tpu.memref_slice %arg6[%dma_start3A_2204] : memref<3x!tpu.dma_semaphore, #tpu.memory_space<semaphore_mem>> -> memref<1x!tpu.dma_semaphore, #tpu.memory_space<semaphore_mem>>
    %dma_start3A_2214 = tpu.memref_squeeze %dma_start3A_2213 : memref<1x!tpu.dma_semaphore, #tpu.memory_space<semaphore_mem>> -> memref<!tpu.dma_semaphore, #tpu.memory_space<semaphore_mem>>
    %dma_start3A_2215 = arith.constant 0 : i32
    %dma_start3A_2216 = arith.constant 0 : i32
    %dma_start3A_2217 = tpu.memref_slice %arg3[%add3A_40, %dma_start3A_2203, %dma_start3A_2215, %dma_start3A_2216] : memref<64x25x256x128xf32, #tpu.memory_space<hbm>> -> memref<1x1x256x128xf32, #tpu.memory_space<hbm>>
    %dma_start3A_2218 = tpu.memref_squeeze %dma_start3A_2217 : memref<1x1x256x128xf32, #tpu.memory_space<hbm>> -> memref<256x128xf32, #tpu.memory_space<hbm>>
    %dma_start3A_2219 = arith.constant 0 : i32
    %dma_start3A_2220 = arith.constant 0 : i32
    %dma_start3A_2221 = tpu.memref_slice %arg4[%dma_start3A_2202, %dma_start3A_2219, %dma_start3A_2220] : memref<3x256x128xf32, #tpu.memory_space<vmem>> -> memref<1x256x128xf32, #tpu.memory_space<vmem>>
    %dma_start3A_2222 = tpu.memref_squeeze %dma_start3A_2221 : memref<1x256x128xf32, #tpu.memory_space<vmem>> -> memref<256x128xf32, #tpu.memory_space<vmem>>
    tpu.enqueue_dma source(%dma_start3A_2222 : memref<256x128xf32, #tpu.memory_space<vmem>>) target(%dma_start3A_2218 : memref<256x128xf32, #tpu.memory_space<hbm>>) target_semaphore(%dma_start3A_2214 : memref<!tpu.dma_semaphore, #tpu.memory_space<semaphore_mem>>)
    %dma_start3A_2223 = arith.constant 0 : i32
    %dma_start3A_2224 = arith.constant 18 : i32
    %dma_start3A_2225 = arith.constant 0 : i32
    %dma_start3A_2226 = arith.constant 0 : i32
    %dma_start3A_2227 = arith.constant 0 : i32
    %dma_start3A_2228 = tpu.memref_slice %arg4[%dma_start3A_2223, %dma_start3A_2226, %dma_start3A_2227] : memref<3x256x128xf32, #tpu.memory_space<vmem>> -> memref<1x256x128xf32, #tpu.memory_space<vmem>>
    %dma_start3A_2229 = tpu.memref_squeeze %dma_start3A_2228 : memref<1x256x128xf32, #tpu.memory_space<vmem>> -> memref<256x128xf32, #tpu.memory_space<vmem>>
    %dma_start3A_2230 = arith.constant 0 : i32
    %dma_start3A_2231 = arith.constant 0 : i32
    %dma_start3A_2232 = tpu.memref_slice %arg3[%add3A_40, %dma_start3A_2224, %dma_start3A_2230, %dma_start3A_2231] : memref<64x25x256x128xf32, #tpu.memory_space<hbm>> -> memref<1x1x256x128xf32, #tpu.memory_space<hbm>>
    %dma_start3A_2233 = tpu.memref_squeeze %dma_start3A_2232 : memref<1x1x256x128xf32, #tpu.memory_space<hbm>> -> memref<256x128xf32, #tpu.memory_space<hbm>>
    %dma_start3A_2234 = tpu.memref_slice %arg6[%dma_start3A_2225] : memref<3x!tpu.dma_semaphore, #tpu.memory_space<semaphore_mem>> -> memref<1x!tpu.dma_semaphore, #tpu.memory_space<semaphore_mem>>
    %dma_start3A_2235 = tpu.memref_squeeze %dma_start3A_2234 : memref<1x!tpu.dma_semaphore, #tpu.memory_space<semaphore_mem>> -> memref<!tpu.dma_semaphore, #tpu.memory_space<semaphore_mem>>
    %dma_start3A_2236 = arith.constant 0 : i32
    %dma_start3A_2237 = arith.constant 0 : i32
    %dma_start3A_2238 = tpu.memref_slice %arg3[%add3A_40, %dma_start3A_2224, %dma_start3A_2236, %dma_start3A_2237] : memref<64x25x256x128xf32, #tpu.memory_space<hbm>> -> memref<1x1x256x128xf32, #tpu.memory_space<hbm>>
    %dma_start3A_2239 = tpu.memref_squeeze %dma_start3A_2238 : memref<1x1x256x128xf32, #tpu.memory_space<hbm>> -> memref<256x128xf32, #tpu.memory_space<hbm>>
    %dma_start3A_2240 = arith.constant 0 : i32
    %dma_start3A_2241 = arith.constant 0 : i32
    %dma_start3A_2242 = tpu.memref_slice %arg4[%dma_start3A_2223, %dma_start3A_2240, %dma_start3A_2241] : memref<3x256x128xf32, #tpu.memory_space<vmem>> -> memref<1x256x128xf32, #tpu.memory_space<vmem>>
    %dma_start3A_2243 = tpu.memref_squeeze %dma_start3A_2242 : memref<1x256x128xf32, #tpu.memory_space<vmem>> -> memref<256x128xf32, #tpu.memory_space<vmem>>
    tpu.enqueue_dma source(%dma_start3A_2243 : memref<256x128xf32, #tpu.memory_space<vmem>>) target(%dma_start3A_2239 : memref<256x128xf32, #tpu.memory_space<hbm>>) target_semaphore(%dma_start3A_2235 : memref<!tpu.dma_semaphore, #tpu.memory_space<semaphore_mem>>)
    %dma_start3A_2244 = arith.constant 0 : i32
    %dma_start3A_2245 = arith.constant 19 : i32
    %dma_start3A_2246 = arith.constant 0 : i32
    %dma_start3A_2247 = arith.constant 0 : i32
    %dma_start3A_2248 = arith.constant 0 : i32
    %dma_start3A_2249 = tpu.memref_slice %arg4[%dma_start3A_2244, %dma_start3A_2247, %dma_start3A_2248] : memref<3x256x128xf32, #tpu.memory_space<vmem>> -> memref<1x256x128xf32, #tpu.memory_space<vmem>>
    %dma_start3A_2250 = tpu.memref_squeeze %dma_start3A_2249 : memref<1x256x128xf32, #tpu.memory_space<vmem>> -> memref<256x128xf32, #tpu.memory_space<vmem>>
    %dma_start3A_2251 = arith.constant 0 : i32
    %dma_start3A_2252 = arith.constant 0 : i32
    %dma_start3A_2253 = tpu.memref_slice %arg3[%add3A_40, %dma_start3A_2245, %dma_start3A_2251, %dma_start3A_2252] : memref<64x25x256x128xf32, #tpu.memory_space<hbm>> -> memref<1x1x256x128xf32, #tpu.memory_space<hbm>>
    %dma_start3A_2254 = tpu.memref_squeeze %dma_start3A_2253 : memref<1x1x256x128xf32, #tpu.memory_space<hbm>> -> memref<256x128xf32, #tpu.memory_space<hbm>>
    %dma_start3A_2255 = tpu.memref_slice %arg6[%dma_start3A_2246] : memref<3x!tpu.dma_semaphore, #tpu.memory_space<semaphore_mem>> -> memref<1x!tpu.dma_semaphore, #tpu.memory_space<semaphore_mem>>
    %dma_start3A_2256 = tpu.memref_squeeze %dma_start3A_2255 : memref<1x!tpu.dma_semaphore, #tpu.memory_space<semaphore_mem>> -> memref<!tpu.dma_semaphore, #tpu.memory_space<semaphore_mem>>
    %dma_start3A_2257 = arith.constant 0 : i32
    %dma_start3A_2258 = arith.constant 0 : i32
    %dma_start3A_2259 = tpu.memref_slice %arg3[%add3A_40, %dma_start3A_2245, %dma_start3A_2257, %dma_start3A_2258] : memref<64x25x256x128xf32, #tpu.memory_space<hbm>> -> memref<1x1x256x128xf32, #tpu.memory_space<hbm>>
    %dma_start3A_2260 = tpu.memref_squeeze %dma_start3A_2259 : memref<1x1x256x128xf32, #tpu.memory_space<hbm>> -> memref<256x128xf32, #tpu.memory_space<hbm>>
    %dma_start3A_2261 = arith.constant 0 : i32
    %dma_start3A_2262 = arith.constant 0 : i32
    %dma_start3A_2263 = tpu.memref_slice %arg4[%dma_start3A_2244, %dma_start3A_2261, %dma_start3A_2262] : memref<3x256x128xf32, #tpu.memory_space<vmem>> -> memref<1x256x128xf32, #tpu.memory_space<vmem>>
    %dma_start3A_2264 = tpu.memref_squeeze %dma_start3A_2263 : memref<1x256x128xf32, #tpu.memory_space<vmem>> -> memref<256x128xf32, #tpu.memory_space<vmem>>
    tpu.enqueue_dma source(%dma_start3A_2264 : memref<256x128xf32, #tpu.memory_space<vmem>>) target(%dma_start3A_2260 : memref<256x128xf32, #tpu.memory_space<hbm>>) target_semaphore(%dma_start3A_2256 : memref<!tpu.dma_semaphore, #tpu.memory_space<semaphore_mem>>)
    %dma_wait3A_2265 = arith.constant 0 : i32
    %dma_wait3A_2266 = arith.constant 16 : i32
    %dma_wait3A_2267 = arith.constant 0 : i32
    %dma_wait3A_2268 = arith.constant 0 : i32
    %dma_wait3A_2269 = arith.constant 0 : i32
    %dma_wait3A_2270 = tpu.memref_slice %arg4[%dma_wait3A_2265, %dma_wait3A_2268, %dma_wait3A_2269] : memref<3x256x128xf32, #tpu.memory_space<vmem>> -> memref<1x256x128xf32, #tpu.memory_space<vmem>>
    %dma_wait3A_2271 = tpu.memref_squeeze %dma_wait3A_2270 : memref<1x256x128xf32, #tpu.memory_space<vmem>> -> memref<256x128xf32, #tpu.memory_space<vmem>>
    %dma_wait3A_2272 = arith.constant 0 : i32
    %dma_wait3A_2273 = arith.constant 0 : i32
    %dma_wait3A_2274 = tpu.memref_slice %arg3[%add3A_40, %dma_wait3A_2266, %dma_wait3A_2272, %dma_wait3A_2273] : memref<64x25x256x128xf32, #tpu.memory_space<hbm>> -> memref<1x1x256x128xf32, #tpu.memory_space<hbm>>
    %dma_wait3A_2275 = tpu.memref_squeeze %dma_wait3A_2274 : memref<1x1x256x128xf32, #tpu.memory_space<hbm>> -> memref<256x128xf32, #tpu.memory_space<hbm>>
    %dma_wait3A_2276 = tpu.memref_slice %arg6[%dma_wait3A_2267] : memref<3x!tpu.dma_semaphore, #tpu.memory_space<semaphore_mem>> -> memref<1x!tpu.dma_semaphore, #tpu.memory_space<semaphore_mem>>
    %dma_wait3A_2277 = tpu.memref_squeeze %dma_wait3A_2276 : memref<1x!tpu.dma_semaphore, #tpu.memory_space<semaphore_mem>> -> memref<!tpu.dma_semaphore, #tpu.memory_space<semaphore_mem>>
    %dma_wait3A_2278 = arith.constant 0 : i32
    %dma_wait3A_2279 = arith.constant 0 : i32
    %dma_wait3A_2280 = tpu.memref_slice %arg3[%add3A_40, %dma_wait3A_2266, %dma_wait3A_2278, %dma_wait3A_2279] : memref<64x25x256x128xf32, #tpu.memory_space<hbm>> -> memref<1x1x256x128xf32, #tpu.memory_space<hbm>>
    %dma_wait3A_2281 = tpu.memref_squeeze %dma_wait3A_2280 : memref<1x1x256x128xf32, #tpu.memory_space<hbm>> -> memref<256x128xf32, #tpu.memory_space<hbm>>
    %dma_wait3A_2282 = arith.constant 0 : i32
    %dma_wait3A_2283 = arith.constant 0 : i32
    %dma_wait3A_2284 = tpu.memref_slice %arg4[%dma_wait3A_2265, %dma_wait3A_2282, %dma_wait3A_2283] : memref<3x256x128xf32, #tpu.memory_space<vmem>> -> memref<1x256x128xf32, #tpu.memory_space<vmem>>
    %dma_wait3A_2285 = tpu.memref_squeeze %dma_wait3A_2284 : memref<1x256x128xf32, #tpu.memory_space<vmem>> -> memref<256x128xf32, #tpu.memory_space<vmem>>
    tpu.wait_dma2 semaphore(%dma_wait3A_2277 : memref<!tpu.dma_semaphore, #tpu.memory_space<semaphore_mem>>) src(%dma_wait3A_2285 : memref<256x128xf32, #tpu.memory_space<vmem>>) dst(%dma_wait3A_2281 : memref<256x128xf32, #tpu.memory_space<hbm>>)
    %dma_wait3A_2286 = arith.constant 0 : i32
    %dma_wait3A_2287 = arith.constant 17 : i32
    %dma_wait3A_2288 = arith.constant 0 : i32
    %dma_wait3A_2289 = arith.constant 0 : i32
    %dma_wait3A_2290 = arith.constant 0 : i32
    %dma_wait3A_2291 = tpu.memref_slice %arg4[%dma_wait3A_2286, %dma_wait3A_2289, %dma_wait3A_2290] : memref<3x256x128xf32, #tpu.memory_space<vmem>> -> memref<1x256x128xf32, #tpu.memory_space<vmem>>
    %dma_wait3A_2292 = tpu.memref_squeeze %dma_wait3A_2291 : memref<1x256x128xf32, #tpu.memory_space<vmem>> -> memref<256x128xf32, #tpu.memory_space<vmem>>
    %dma_wait3A_2293 = arith.constant 0 : i32
    %dma_wait3A_2294 = arith.constant 0 : i32
    %dma_wait3A_2295 = tpu.memref_slice %arg3[%add3A_40, %dma_wait3A_2287, %dma_wait3A_2293, %dma_wait3A_2294] : memref<64x25x256x128xf32, #tpu.memory_space<hbm>> -> memref<1x1x256x128xf32, #tpu.memory_space<hbm>>
    %dma_wait3A_2296 = tpu.memref_squeeze %dma_wait3A_2295 : memref<1x1x256x128xf32, #tpu.memory_space<hbm>> -> memref<256x128xf32, #tpu.memory_space<hbm>>
    %dma_wait3A_2297 = tpu.memref_slice %arg6[%dma_wait3A_2288] : memref<3x!tpu.dma_semaphore, #tpu.memory_space<semaphore_mem>> -> memref<1x!tpu.dma_semaphore, #tpu.memory_space<semaphore_mem>>
    %dma_wait3A_2298 = tpu.memref_squeeze %dma_wait3A_2297 : memref<1x!tpu.dma_semaphore, #tpu.memory_space<semaphore_mem>> -> memref<!tpu.dma_semaphore, #tpu.memory_space<semaphore_mem>>
    %dma_wait3A_2299 = arith.constant 0 : i32
    %dma_wait3A_2300 = arith.constant 0 : i32
    %dma_wait3A_2301 = tpu.memref_slice %arg3[%add3A_40, %dma_wait3A_2287, %dma_wait3A_2299, %dma_wait3A_2300] : memref<64x25x256x128xf32, #tpu.memory_space<hbm>> -> memref<1x1x256x128xf32, #tpu.memory_space<hbm>>
    %dma_wait3A_2302 = tpu.memref_squeeze %dma_wait3A_2301 : memref<1x1x256x128xf32, #tpu.memory_space<hbm>> -> memref<256x128xf32, #tpu.memory_space<hbm>>
    %dma_wait3A_2303 = arith.constant 0 : i32
    %dma_wait3A_2304 = arith.constant 0 : i32
    %dma_wait3A_2305 = tpu.memref_slice %arg4[%dma_wait3A_2286, %dma_wait3A_2303, %dma_wait3A_2304] : memref<3x256x128xf32, #tpu.memory_space<vmem>> -> memref<1x256x128xf32, #tpu.memory_space<vmem>>
    %dma_wait3A_2306 = tpu.memref_squeeze %dma_wait3A_2305 : memref<1x256x128xf32, #tpu.memory_space<vmem>> -> memref<256x128xf32, #tpu.memory_space<vmem>>
    tpu.wait_dma2 semaphore(%dma_wait3A_2298 : memref<!tpu.dma_semaphore, #tpu.memory_space<semaphore_mem>>) src(%dma_wait3A_2306 : memref<256x128xf32, #tpu.memory_space<vmem>>) dst(%dma_wait3A_2302 : memref<256x128xf32, #tpu.memory_space<hbm>>)
    %dma_wait3A_2307 = arith.constant 0 : i32
    %dma_wait3A_2308 = arith.constant 18 : i32
    %dma_wait3A_2309 = arith.constant 0 : i32
    %dma_wait3A_2310 = arith.constant 0 : i32
    %dma_wait3A_2311 = arith.constant 0 : i32
    %dma_wait3A_2312 = tpu.memref_slice %arg4[%dma_wait3A_2307, %dma_wait3A_2310, %dma_wait3A_2311] : memref<3x256x128xf32, #tpu.memory_space<vmem>> -> memref<1x256x128xf32, #tpu.memory_space<vmem>>
    %dma_wait3A_2313 = tpu.memref_squeeze %dma_wait3A_2312 : memref<1x256x128xf32, #tpu.memory_space<vmem>> -> memref<256x128xf32, #tpu.memory_space<vmem>>
    %dma_wait3A_2314 = arith.constant 0 : i32
    %dma_wait3A_2315 = arith.constant 0 : i32
    %dma_wait3A_2316 = tpu.memref_slice %arg3[%add3A_40, %dma_wait3A_2308, %dma_wait3A_2314, %dma_wait3A_2315] : memref<64x25x256x128xf32, #tpu.memory_space<hbm>> -> memref<1x1x256x128xf32, #tpu.memory_space<hbm>>
    %dma_wait3A_2317 = tpu.memref_squeeze %dma_wait3A_2316 : memref<1x1x256x128xf32, #tpu.memory_space<hbm>> -> memref<256x128xf32, #tpu.memory_space<hbm>>
    %dma_wait3A_2318 = tpu.memref_slice %arg6[%dma_wait3A_2309] : memref<3x!tpu.dma_semaphore, #tpu.memory_space<semaphore_mem>> -> memref<1x!tpu.dma_semaphore, #tpu.memory_space<semaphore_mem>>
    %dma_wait3A_2319 = tpu.memref_squeeze %dma_wait3A_2318 : memref<1x!tpu.dma_semaphore, #tpu.memory_space<semaphore_mem>> -> memref<!tpu.dma_semaphore, #tpu.memory_space<semaphore_mem>>
    %dma_wait3A_2320 = arith.constant 0 : i32
    %dma_wait3A_2321 = arith.constant 0 : i32
    %dma_wait3A_2322 = tpu.memref_slice %arg3[%add3A_40, %dma_wait3A_2308, %dma_wait3A_2320, %dma_wait3A_2321] : memref<64x25x256x128xf32, #tpu.memory_space<hbm>> -> memref<1x1x256x128xf32, #tpu.memory_space<hbm>>
    %dma_wait3A_2323 = tpu.memref_squeeze %dma_wait3A_2322 : memref<1x1x256x128xf32, #tpu.memory_space<hbm>> -> memref<256x128xf32, #tpu.memory_space<hbm>>
    %dma_wait3A_2324 = arith.constant 0 : i32
    %dma_wait3A_2325 = arith.constant 0 : i32
    %dma_wait3A_2326 = tpu.memref_slice %arg4[%dma_wait3A_2307, %dma_wait3A_2324, %dma_wait3A_2325] : memref<3x256x128xf32, #tpu.memory_space<vmem>> -> memref<1x256x128xf32, #tpu.memory_space<vmem>>
    %dma_wait3A_2327 = tpu.memref_squeeze %dma_wait3A_2326 : memref<1x256x128xf32, #tpu.memory_space<vmem>> -> memref<256x128xf32, #tpu.memory_space<vmem>>
    tpu.wait_dma2 semaphore(%dma_wait3A_2319 : memref<!tpu.dma_semaphore, #tpu.memory_space<semaphore_mem>>) src(%dma_wait3A_2327 : memref<256x128xf32, #tpu.memory_space<vmem>>) dst(%dma_wait3A_2323 : memref<256x128xf32, #tpu.memory_space<hbm>>)
    %dma_wait3A_2328 = arith.constant 0 : i32
    %dma_wait3A_2329 = arith.constant 19 : i32
    %dma_wait3A_2330 = arith.constant 0 : i32
    %dma_wait3A_2331 = arith.constant 0 : i32
    %dma_wait3A_2332 = arith.constant 0 : i32
    %dma_wait3A_2333 = tpu.memref_slice %arg4[%dma_wait3A_2328, %dma_wait3A_2331, %dma_wait3A_2332] : memref<3x256x128xf32, #tpu.memory_space<vmem>> -> memref<1x256x128xf32, #tpu.memory_space<vmem>>
    %dma_wait3A_2334 = tpu.memref_squeeze %dma_wait3A_2333 : memref<1x256x128xf32, #tpu.memory_space<vmem>> -> memref<256x128xf32, #tpu.memory_space<vmem>>
    %dma_wait3A_2335 = arith.constant 0 : i32
    %dma_wait3A_2336 = arith.constant 0 : i32
    %dma_wait3A_2337 = tpu.memref_slice %arg3[%add3A_40, %dma_wait3A_2329, %dma_wait3A_2335, %dma_wait3A_2336] : memref<64x25x256x128xf32, #tpu.memory_space<hbm>> -> memref<1x1x256x128xf32, #tpu.memory_space<hbm>>
    %dma_wait3A_2338 = tpu.memref_squeeze %dma_wait3A_2337 : memref<1x1x256x128xf32, #tpu.memory_space<hbm>> -> memref<256x128xf32, #tpu.memory_space<hbm>>
    %dma_wait3A_2339 = tpu.memref_slice %arg6[%dma_wait3A_2330] : memref<3x!tpu.dma_semaphore, #tpu.memory_space<semaphore_mem>> -> memref<1x!tpu.dma_semaphore, #tpu.memory_space<semaphore_mem>>
    %dma_wait3A_2340 = tpu.memref_squeeze %dma_wait3A_2339 : memref<1x!tpu.dma_semaphore, #tpu.memory_space<semaphore_mem>> -> memref<!tpu.dma_semaphore, #tpu.memory_space<semaphore_mem>>
    %dma_wait3A_2341 = arith.constant 0 : i32
    %dma_wait3A_2342 = arith.constant 0 : i32
    %dma_wait3A_2343 = tpu.memref_slice %arg3[%add3A_40, %dma_wait3A_2329, %dma_wait3A_2341, %dma_wait3A_2342] : memref<64x25x256x128xf32, #tpu.memory_space<hbm>> -> memref<1x1x256x128xf32, #tpu.memory_space<hbm>>
    %dma_wait3A_2344 = tpu.memref_squeeze %dma_wait3A_2343 : memref<1x1x256x128xf32, #tpu.memory_space<hbm>> -> memref<256x128xf32, #tpu.memory_space<hbm>>
    %dma_wait3A_2345 = arith.constant 0 : i32
    %dma_wait3A_2346 = arith.constant 0 : i32
    %dma_wait3A_2347 = tpu.memref_slice %arg4[%dma_wait3A_2328, %dma_wait3A_2345, %dma_wait3A_2346] : memref<3x256x128xf32, #tpu.memory_space<vmem>> -> memref<1x256x128xf32, #tpu.memory_space<vmem>>
    %dma_wait3A_2348 = tpu.memref_squeeze %dma_wait3A_2347 : memref<1x256x128xf32, #tpu.memory_space<vmem>> -> memref<256x128xf32, #tpu.memory_space<vmem>>
    tpu.wait_dma2 semaphore(%dma_wait3A_2340 : memref<!tpu.dma_semaphore, #tpu.memory_space<semaphore_mem>>) src(%dma_wait3A_2348 : memref<256x128xf32, #tpu.memory_space<vmem>>) dst(%dma_wait3A_2344 : memref<256x128xf32, #tpu.memory_space<hbm>>)
    %dma_wait3A_2349 = arith.constant 1 : i32
    %dma_wait3A_2350 = arith.constant 8 : i32
    %dma_wait3A_2351 = arith.constant 1 : i32
    %dma_wait3A_2352 = arith.constant 0 : i32
    %dma_wait3A_2353 = arith.constant 0 : i32
    %dma_wait3A_2354 = tpu.memref_slice %arg4[%dma_wait3A_2349, %dma_wait3A_2352, %dma_wait3A_2353] : memref<3x256x128xf32, #tpu.memory_space<vmem>> -> memref<1x256x128xf32, #tpu.memory_space<vmem>>
    %dma_wait3A_2355 = tpu.memref_squeeze %dma_wait3A_2354 : memref<1x256x128xf32, #tpu.memory_space<vmem>> -> memref<256x128xf32, #tpu.memory_space<vmem>>
    %dma_wait3A_2356 = arith.constant 0 : i32
    %dma_wait3A_2357 = arith.constant 0 : i32
    %dma_wait3A_2358 = tpu.memref_slice %arg3[%add3A_32, %dma_wait3A_2350, %dma_wait3A_2356, %dma_wait3A_2357] : memref<64x25x256x128xf32, #tpu.memory_space<hbm>> -> memref<1x1x256x128xf32, #tpu.memory_space<hbm>>
    %dma_wait3A_2359 = tpu.memref_squeeze %dma_wait3A_2358 : memref<1x1x256x128xf32, #tpu.memory_space<hbm>> -> memref<256x128xf32, #tpu.memory_space<hbm>>
    %dma_wait3A_2360 = tpu.memref_slice %arg6[%dma_wait3A_2351] : memref<3x!tpu.dma_semaphore, #tpu.memory_space<semaphore_mem>> -> memref<1x!tpu.dma_semaphore, #tpu.memory_space<semaphore_mem>>
    %dma_wait3A_2361 = tpu.memref_squeeze %dma_wait3A_2360 : memref<1x!tpu.dma_semaphore, #tpu.memory_space<semaphore_mem>> -> memref<!tpu.dma_semaphore, #tpu.memory_space<semaphore_mem>>
    %dma_wait3A_2362 = arith.constant 0 : i32
    %dma_wait3A_2363 = arith.constant 0 : i32
    %dma_wait3A_2364 = tpu.memref_slice %arg3[%add3A_32, %dma_wait3A_2350, %dma_wait3A_2362, %dma_wait3A_2363] : memref<64x25x256x128xf32, #tpu.memory_space<hbm>> -> memref<1x1x256x128xf32, #tpu.memory_space<hbm>>
    %dma_wait3A_2365 = tpu.memref_squeeze %dma_wait3A_2364 : memref<1x1x256x128xf32, #tpu.memory_space<hbm>> -> memref<256x128xf32, #tpu.memory_space<hbm>>
    %dma_wait3A_2366 = arith.constant 0 : i32
    %dma_wait3A_2367 = arith.constant 0 : i32
    %dma_wait3A_2368 = tpu.memref_slice %arg4[%dma_wait3A_2349, %dma_wait3A_2366, %dma_wait3A_2367] : memref<3x256x128xf32, #tpu.memory_space<vmem>> -> memref<1x256x128xf32, #tpu.memory_space<vmem>>
    %dma_wait3A_2369 = tpu.memref_squeeze %dma_wait3A_2368 : memref<1x256x128xf32, #tpu.memory_space<vmem>> -> memref<256x128xf32, #tpu.memory_space<vmem>>
    tpu.wait_dma2 semaphore(%dma_wait3A_2361 : memref<!tpu.dma_semaphore, #tpu.memory_space<semaphore_mem>>) src(%dma_wait3A_2369 : memref<256x128xf32, #tpu.memory_space<vmem>>) dst(%dma_wait3A_2365 : memref<256x128xf32, #tpu.memory_space<hbm>>)
    %dma_wait3A_2370 = arith.constant 1 : i32
    %dma_wait3A_2371 = arith.constant 9 : i32
    %dma_wait3A_2372 = arith.constant 1 : i32
    %dma_wait3A_2373 = arith.constant 0 : i32
    %dma_wait3A_2374 = arith.constant 0 : i32
    %dma_wait3A_2375 = tpu.memref_slice %arg4[%dma_wait3A_2370, %dma_wait3A_2373, %dma_wait3A_2374] : memref<3x256x128xf32, #tpu.memory_space<vmem>> -> memref<1x256x128xf32, #tpu.memory_space<vmem>>
    %dma_wait3A_2376 = tpu.memref_squeeze %dma_wait3A_2375 : memref<1x256x128xf32, #tpu.memory_space<vmem>> -> memref<256x128xf32, #tpu.memory_space<vmem>>
    %dma_wait3A_2377 = arith.constant 0 : i32
    %dma_wait3A_2378 = arith.constant 0 : i32
    %dma_wait3A_2379 = tpu.memref_slice %arg3[%add3A_32, %dma_wait3A_2371, %dma_wait3A_2377, %dma_wait3A_2378] : memref<64x25x256x128xf32, #tpu.memory_space<hbm>> -> memref<1x1x256x128xf32, #tpu.memory_space<hbm>>
    %dma_wait3A_2380 = tpu.memref_squeeze %dma_wait3A_2379 : memref<1x1x256x128xf32, #tpu.memory_space<hbm>> -> memref<256x128xf32, #tpu.memory_space<hbm>>
    %dma_wait3A_2381 = tpu.memref_slice %arg6[%dma_wait3A_2372] : memref<3x!tpu.dma_semaphore, #tpu.memory_space<semaphore_mem>> -> memref<1x!tpu.dma_semaphore, #tpu.memory_space<semaphore_mem>>
    %dma_wait3A_2382 = tpu.memref_squeeze %dma_wait3A_2381 : memref<1x!tpu.dma_semaphore, #tpu.memory_space<semaphore_mem>> -> memref<!tpu.dma_semaphore, #tpu.memory_space<semaphore_mem>>
    %dma_wait3A_2383 = arith.constant 0 : i32
    %dma_wait3A_2384 = arith.constant 0 : i32
    %dma_wait3A_2385 = tpu.memref_slice %arg3[%add3A_32, %dma_wait3A_2371, %dma_wait3A_2383, %dma_wait3A_2384] : memref<64x25x256x128xf32, #tpu.memory_space<hbm>> -> memref<1x1x256x128xf32, #tpu.memory_space<hbm>>
    %dma_wait3A_2386 = tpu.memref_squeeze %dma_wait3A_2385 : memref<1x1x256x128xf32, #tpu.memory_space<hbm>> -> memref<256x128xf32, #tpu.memory_space<hbm>>
    %dma_wait3A_2387 = arith.constant 0 : i32
    %dma_wait3A_2388 = arith.constant 0 : i32
    %dma_wait3A_2389 = tpu.memref_slice %arg4[%dma_wait3A_2370, %dma_wait3A_2387, %dma_wait3A_2388] : memref<3x256x128xf32, #tpu.memory_space<vmem>> -> memref<1x256x128xf32, #tpu.memory_space<vmem>>
    %dma_wait3A_2390 = tpu.memref_squeeze %dma_wait3A_2389 : memref<1x256x128xf32, #tpu.memory_space<vmem>> -> memref<256x128xf32, #tpu.memory_space<vmem>>
    tpu.wait_dma2 semaphore(%dma_wait3A_2382 : memref<!tpu.dma_semaphore, #tpu.memory_space<semaphore_mem>>) src(%dma_wait3A_2390 : memref<256x128xf32, #tpu.memory_space<vmem>>) dst(%dma_wait3A_2386 : memref<256x128xf32, #tpu.memory_space<hbm>>)
    %dma_wait3A_2391 = arith.constant 1 : i32
    %dma_wait3A_2392 = arith.constant 10 : i32
    %dma_wait3A_2393 = arith.constant 1 : i32
    %dma_wait3A_2394 = arith.constant 0 : i32
    %dma_wait3A_2395 = arith.constant 0 : i32
    %dma_wait3A_2396 = tpu.memref_slice %arg4[%dma_wait3A_2391, %dma_wait3A_2394, %dma_wait3A_2395] : memref<3x256x128xf32, #tpu.memory_space<vmem>> -> memref<1x256x128xf32, #tpu.memory_space<vmem>>
    %dma_wait3A_2397 = tpu.memref_squeeze %dma_wait3A_2396 : memref<1x256x128xf32, #tpu.memory_space<vmem>> -> memref<256x128xf32, #tpu.memory_space<vmem>>
    %dma_wait3A_2398 = arith.constant 0 : i32
    %dma_wait3A_2399 = arith.constant 0 : i32
    %dma_wait3A_2400 = tpu.memref_slice %arg3[%add3A_32, %dma_wait3A_2392, %dma_wait3A_2398, %dma_wait3A_2399] : memref<64x25x256x128xf32, #tpu.memory_space<hbm>> -> memref<1x1x256x128xf32, #tpu.memory_space<hbm>>
    %dma_wait3A_2401 = tpu.memref_squeeze %dma_wait3A_2400 : memref<1x1x256x128xf32, #tpu.memory_space<hbm>> -> memref<256x128xf32, #tpu.memory_space<hbm>>
    %dma_wait3A_2402 = tpu.memref_slice %arg6[%dma_wait3A_2393] : memref<3x!tpu.dma_semaphore, #tpu.memory_space<semaphore_mem>> -> memref<1x!tpu.dma_semaphore, #tpu.memory_space<semaphore_mem>>
    %dma_wait3A_2403 = tpu.memref_squeeze %dma_wait3A_2402 : memref<1x!tpu.dma_semaphore, #tpu.memory_space<semaphore_mem>> -> memref<!tpu.dma_semaphore, #tpu.memory_space<semaphore_mem>>
    %dma_wait3A_2404 = arith.constant 0 : i32
    %dma_wait3A_2405 = arith.constant 0 : i32
    %dma_wait3A_2406 = tpu.memref_slice %arg3[%add3A_32, %dma_wait3A_2392, %dma_wait3A_2404, %dma_wait3A_2405] : memref<64x25x256x128xf32, #tpu.memory_space<hbm>> -> memref<1x1x256x128xf32, #tpu.memory_space<hbm>>
    %dma_wait3A_2407 = tpu.memref_squeeze %dma_wait3A_2406 : memref<1x1x256x128xf32, #tpu.memory_space<hbm>> -> memref<256x128xf32, #tpu.memory_space<hbm>>
    %dma_wait3A_2408 = arith.constant 0 : i32
    %dma_wait3A_2409 = arith.constant 0 : i32
    %dma_wait3A_2410 = tpu.memref_slice %arg4[%dma_wait3A_2391, %dma_wait3A_2408, %dma_wait3A_2409] : memref<3x256x128xf32, #tpu.memory_space<vmem>> -> memref<1x256x128xf32, #tpu.memory_space<vmem>>
    %dma_wait3A_2411 = tpu.memref_squeeze %dma_wait3A_2410 : memref<1x256x128xf32, #tpu.memory_space<vmem>> -> memref<256x128xf32, #tpu.memory_space<vmem>>
    tpu.wait_dma2 semaphore(%dma_wait3A_2403 : memref<!tpu.dma_semaphore, #tpu.memory_space<semaphore_mem>>) src(%dma_wait3A_2411 : memref<256x128xf32, #tpu.memory_space<vmem>>) dst(%dma_wait3A_2407 : memref<256x128xf32, #tpu.memory_space<hbm>>)
    %dma_wait3A_2412 = arith.constant 1 : i32
    %dma_wait3A_2413 = arith.constant 11 : i32
    %dma_wait3A_2414 = arith.constant 1 : i32
    %dma_wait3A_2415 = arith.constant 0 : i32
    %dma_wait3A_2416 = arith.constant 0 : i32
    %dma_wait3A_2417 = tpu.memref_slice %arg4[%dma_wait3A_2412, %dma_wait3A_2415, %dma_wait3A_2416] : memref<3x256x128xf32, #tpu.memory_space<vmem>> -> memref<1x256x128xf32, #tpu.memory_space<vmem>>
    %dma_wait3A_2418 = tpu.memref_squeeze %dma_wait3A_2417 : memref<1x256x128xf32, #tpu.memory_space<vmem>> -> memref<256x128xf32, #tpu.memory_space<vmem>>
    %dma_wait3A_2419 = arith.constant 0 : i32
    %dma_wait3A_2420 = arith.constant 0 : i32
    %dma_wait3A_2421 = tpu.memref_slice %arg3[%add3A_32, %dma_wait3A_2413, %dma_wait3A_2419, %dma_wait3A_2420] : memref<64x25x256x128xf32, #tpu.memory_space<hbm>> -> memref<1x1x256x128xf32, #tpu.memory_space<hbm>>
    %dma_wait3A_2422 = tpu.memref_squeeze %dma_wait3A_2421 : memref<1x1x256x128xf32, #tpu.memory_space<hbm>> -> memref<256x128xf32, #tpu.memory_space<hbm>>
    %dma_wait3A_2423 = tpu.memref_slice %arg6[%dma_wait3A_2414] : memref<3x!tpu.dma_semaphore, #tpu.memory_space<semaphore_mem>> -> memref<1x!tpu.dma_semaphore, #tpu.memory_space<semaphore_mem>>
    %dma_wait3A_2424 = tpu.memref_squeeze %dma_wait3A_2423 : memref<1x!tpu.dma_semaphore, #tpu.memory_space<semaphore_mem>> -> memref<!tpu.dma_semaphore, #tpu.memory_space<semaphore_mem>>
    %dma_wait3A_2425 = arith.constant 0 : i32
    %dma_wait3A_2426 = arith.constant 0 : i32
    %dma_wait3A_2427 = tpu.memref_slice %arg3[%add3A_32, %dma_wait3A_2413, %dma_wait3A_2425, %dma_wait3A_2426] : memref<64x25x256x128xf32, #tpu.memory_space<hbm>> -> memref<1x1x256x128xf32, #tpu.memory_space<hbm>>
    %dma_wait3A_2428 = tpu.memref_squeeze %dma_wait3A_2427 : memref<1x1x256x128xf32, #tpu.memory_space<hbm>> -> memref<256x128xf32, #tpu.memory_space<hbm>>
    %dma_wait3A_2429 = arith.constant 0 : i32
    %dma_wait3A_2430 = arith.constant 0 : i32
    %dma_wait3A_2431 = tpu.memref_slice %arg4[%dma_wait3A_2412, %dma_wait3A_2429, %dma_wait3A_2430] : memref<3x256x128xf32, #tpu.memory_space<vmem>> -> memref<1x256x128xf32, #tpu.memory_space<vmem>>
    %dma_wait3A_2432 = tpu.memref_squeeze %dma_wait3A_2431 : memref<1x256x128xf32, #tpu.memory_space<vmem>> -> memref<256x128xf32, #tpu.memory_space<vmem>>
    tpu.wait_dma2 semaphore(%dma_wait3A_2424 : memref<!tpu.dma_semaphore, #tpu.memory_space<semaphore_mem>>) src(%dma_wait3A_2432 : memref<256x128xf32, #tpu.memory_space<vmem>>) dst(%dma_wait3A_2428 : memref<256x128xf32, #tpu.memory_space<hbm>>)
    %dma_wait3A_2433 = arith.constant 1 : i32
    %dma_wait3A_2434 = arith.constant 23 : i32
    %dma_wait3A_2435 = arith.constant 1 : i32
    %dma_wait3A_2436 = arith.constant 0 : i32
    %dma_wait3A_2437 = arith.constant 0 : i32
    %dma_wait3A_2438 = tpu.memref_slice %arg4[%dma_wait3A_2433, %dma_wait3A_2436, %dma_wait3A_2437] : memref<3x256x128xf32, #tpu.memory_space<vmem>> -> memref<1x256x128xf32, #tpu.memory_space<vmem>>
    %dma_wait3A_2439 = tpu.memref_squeeze %dma_wait3A_2438 : memref<1x256x128xf32, #tpu.memory_space<vmem>> -> memref<256x128xf32, #tpu.memory_space<vmem>>
    %dma_wait3A_2440 = arith.constant 0 : i32
    %dma_wait3A_2441 = arith.constant 0 : i32
    %dma_wait3A_2442 = tpu.memref_slice %arg3[%add3A_32, %dma_wait3A_2434, %dma_wait3A_2440, %dma_wait3A_2441] : memref<64x25x256x128xf32, #tpu.memory_space<hbm>> -> memref<1x1x256x128xf32, #tpu.memory_space<hbm>>
    %dma_wait3A_2443 = tpu.memref_squeeze %dma_wait3A_2442 : memref<1x1x256x128xf32, #tpu.memory_space<hbm>> -> memref<256x128xf32, #tpu.memory_space<hbm>>
    %dma_wait3A_2444 = tpu.memref_slice %arg6[%dma_wait3A_2435] : memref<3x!tpu.dma_semaphore, #tpu.memory_space<semaphore_mem>> -> memref<1x!tpu.dma_semaphore, #tpu.memory_space<semaphore_mem>>
    %dma_wait3A_2445 = tpu.memref_squeeze %dma_wait3A_2444 : memref<1x!tpu.dma_semaphore, #tpu.memory_space<semaphore_mem>> -> memref<!tpu.dma_semaphore, #tpu.memory_space<semaphore_mem>>
    %dma_wait3A_2446 = arith.constant 0 : i32
    %dma_wait3A_2447 = arith.constant 0 : i32
    %dma_wait3A_2448 = tpu.memref_slice %arg3[%add3A_32, %dma_wait3A_2434, %dma_wait3A_2446, %dma_wait3A_2447] : memref<64x25x256x128xf32, #tpu.memory_space<hbm>> -> memref<1x1x256x128xf32, #tpu.memory_space<hbm>>
    %dma_wait3A_2449 = tpu.memref_squeeze %dma_wait3A_2448 : memref<1x1x256x128xf32, #tpu.memory_space<hbm>> -> memref<256x128xf32, #tpu.memory_space<hbm>>
    %dma_wait3A_2450 = arith.constant 0 : i32
    %dma_wait3A_2451 = arith.constant 0 : i32
    %dma_wait3A_2452 = tpu.memref_slice %arg4[%dma_wait3A_2433, %dma_wait3A_2450, %dma_wait3A_2451] : memref<3x256x128xf32, #tpu.memory_space<vmem>> -> memref<1x256x128xf32, #tpu.memory_space<vmem>>
    %dma_wait3A_2453 = tpu.memref_squeeze %dma_wait3A_2452 : memref<1x256x128xf32, #tpu.memory_space<vmem>> -> memref<256x128xf32, #tpu.memory_space<vmem>>
    tpu.wait_dma2 semaphore(%dma_wait3A_2445 : memref<!tpu.dma_semaphore, #tpu.memory_space<semaphore_mem>>) src(%dma_wait3A_2453 : memref<256x128xf32, #tpu.memory_space<vmem>>) dst(%dma_wait3A_2449 : memref<256x128xf32, #tpu.memory_space<hbm>>)
    %dma_wait3A_2454 = arith.constant 1 : i32
    %dma_wait3A_2455 = arith.constant 24 : i32
    %dma_wait3A_2456 = arith.constant 1 : i32
    %dma_wait3A_2457 = arith.constant 0 : i32
    %dma_wait3A_2458 = arith.constant 0 : i32
    %dma_wait3A_2459 = tpu.memref_slice %arg4[%dma_wait3A_2454, %dma_wait3A_2457, %dma_wait3A_2458] : memref<3x256x128xf32, #tpu.memory_space<vmem>> -> memref<1x256x128xf32, #tpu.memory_space<vmem>>
    %dma_wait3A_2460 = tpu.memref_squeeze %dma_wait3A_2459 : memref<1x256x128xf32, #tpu.memory_space<vmem>> -> memref<256x128xf32, #tpu.memory_space<vmem>>
    %dma_wait3A_2461 = arith.constant 0 : i32
    %dma_wait3A_2462 = arith.constant 0 : i32
    %dma_wait3A_2463 = tpu.memref_slice %arg3[%add3A_32, %dma_wait3A_2455, %dma_wait3A_2461, %dma_wait3A_2462] : memref<64x25x256x128xf32, #tpu.memory_space<hbm>> -> memref<1x1x256x128xf32, #tpu.memory_space<hbm>>
    %dma_wait3A_2464 = tpu.memref_squeeze %dma_wait3A_2463 : memref<1x1x256x128xf32, #tpu.memory_space<hbm>> -> memref<256x128xf32, #tpu.memory_space<hbm>>
    %dma_wait3A_2465 = tpu.memref_slice %arg6[%dma_wait3A_2456] : memref<3x!tpu.dma_semaphore, #tpu.memory_space<semaphore_mem>> -> memref<1x!tpu.dma_semaphore, #tpu.memory_space<semaphore_mem>>
    %dma_wait3A_2466 = tpu.memref_squeeze %dma_wait3A_2465 : memref<1x!tpu.dma_semaphore, #tpu.memory_space<semaphore_mem>> -> memref<!tpu.dma_semaphore, #tpu.memory_space<semaphore_mem>>
    %dma_wait3A_2467 = arith.constant 0 : i32
    %dma_wait3A_2468 = arith.constant 0 : i32
    %dma_wait3A_2469 = tpu.memref_slice %arg3[%add3A_32, %dma_wait3A_2455, %dma_wait3A_2467, %dma_wait3A_2468] : memref<64x25x256x128xf32, #tpu.memory_space<hbm>> -> memref<1x1x256x128xf32, #tpu.memory_space<hbm>>
    %dma_wait3A_2470 = tpu.memref_squeeze %dma_wait3A_2469 : memref<1x1x256x128xf32, #tpu.memory_space<hbm>> -> memref<256x128xf32, #tpu.memory_space<hbm>>
    %dma_wait3A_2471 = arith.constant 0 : i32
    %dma_wait3A_2472 = arith.constant 0 : i32
    %dma_wait3A_2473 = tpu.memref_slice %arg4[%dma_wait3A_2454, %dma_wait3A_2471, %dma_wait3A_2472] : memref<3x256x128xf32, #tpu.memory_space<vmem>> -> memref<1x256x128xf32, #tpu.memory_space<vmem>>
    %dma_wait3A_2474 = tpu.memref_squeeze %dma_wait3A_2473 : memref<1x256x128xf32, #tpu.memory_space<vmem>> -> memref<256x128xf32, #tpu.memory_space<vmem>>
    tpu.wait_dma2 semaphore(%dma_wait3A_2466 : memref<!tpu.dma_semaphore, #tpu.memory_space<semaphore_mem>>) src(%dma_wait3A_2474 : memref<256x128xf32, #tpu.memory_space<vmem>>) dst(%dma_wait3A_2470 : memref<256x128xf32, #tpu.memory_space<hbm>>)
    %dma_wait3A_2475 = arith.constant 2 : i32
    %dma_wait3A_2476 = arith.constant 12 : i32
    %dma_wait3A_2477 = arith.constant 2 : i32
    %dma_wait3A_2478 = arith.constant 0 : i32
    %dma_wait3A_2479 = arith.constant 0 : i32
    %dma_wait3A_2480 = tpu.memref_slice %arg4[%dma_wait3A_2475, %dma_wait3A_2478, %dma_wait3A_2479] : memref<3x256x128xf32, #tpu.memory_space<vmem>> -> memref<1x256x128xf32, #tpu.memory_space<vmem>>
    %dma_wait3A_2481 = tpu.memref_squeeze %dma_wait3A_2480 : memref<1x256x128xf32, #tpu.memory_space<vmem>> -> memref<256x128xf32, #tpu.memory_space<vmem>>
    %dma_wait3A_2482 = arith.constant 0 : i32
    %dma_wait3A_2483 = arith.constant 0 : i32
    %dma_wait3A_2484 = tpu.memref_slice %arg3[%add3A_36, %dma_wait3A_2476, %dma_wait3A_2482, %dma_wait3A_2483] : memref<64x25x256x128xf32, #tpu.memory_space<hbm>> -> memref<1x1x256x128xf32, #tpu.memory_space<hbm>>
    %dma_wait3A_2485 = tpu.memref_squeeze %dma_wait3A_2484 : memref<1x1x256x128xf32, #tpu.memory_space<hbm>> -> memref<256x128xf32, #tpu.memory_space<hbm>>
    %dma_wait3A_2486 = tpu.memref_slice %arg6[%dma_wait3A_2477] : memref<3x!tpu.dma_semaphore, #tpu.memory_space<semaphore_mem>> -> memref<1x!tpu.dma_semaphore, #tpu.memory_space<semaphore_mem>>
    %dma_wait3A_2487 = tpu.memref_squeeze %dma_wait3A_2486 : memref<1x!tpu.dma_semaphore, #tpu.memory_space<semaphore_mem>> -> memref<!tpu.dma_semaphore, #tpu.memory_space<semaphore_mem>>
    %dma_wait3A_2488 = arith.constant 0 : i32
    %dma_wait3A_2489 = arith.constant 0 : i32
    %dma_wait3A_2490 = tpu.memref_slice %arg3[%add3A_36, %dma_wait3A_2476, %dma_wait3A_2488, %dma_wait3A_2489] : memref<64x25x256x128xf32, #tpu.memory_space<hbm>> -> memref<1x1x256x128xf32, #tpu.memory_space<hbm>>
    %dma_wait3A_2491 = tpu.memref_squeeze %dma_wait3A_2490 : memref<1x1x256x128xf32, #tpu.memory_space<hbm>> -> memref<256x128xf32, #tpu.memory_space<hbm>>
    %dma_wait3A_2492 = arith.constant 0 : i32
    %dma_wait3A_2493 = arith.constant 0 : i32
    %dma_wait3A_2494 = tpu.memref_slice %arg4[%dma_wait3A_2475, %dma_wait3A_2492, %dma_wait3A_2493] : memref<3x256x128xf32, #tpu.memory_space<vmem>> -> memref<1x256x128xf32, #tpu.memory_space<vmem>>
    %dma_wait3A_2495 = tpu.memref_squeeze %dma_wait3A_2494 : memref<1x256x128xf32, #tpu.memory_space<vmem>> -> memref<256x128xf32, #tpu.memory_space<vmem>>
    tpu.wait_dma2 semaphore(%dma_wait3A_2487 : memref<!tpu.dma_semaphore, #tpu.memory_space<semaphore_mem>>) src(%dma_wait3A_2495 : memref<256x128xf32, #tpu.memory_space<vmem>>) dst(%dma_wait3A_2491 : memref<256x128xf32, #tpu.memory_space<hbm>>)
    %dma_wait3A_2496 = arith.constant 2 : i32
    %dma_wait3A_2497 = arith.constant 13 : i32
    %dma_wait3A_2498 = arith.constant 2 : i32
    %dma_wait3A_2499 = arith.constant 0 : i32
    %dma_wait3A_2500 = arith.constant 0 : i32
    %dma_wait3A_2501 = tpu.memref_slice %arg4[%dma_wait3A_2496, %dma_wait3A_2499, %dma_wait3A_2500] : memref<3x256x128xf32, #tpu.memory_space<vmem>> -> memref<1x256x128xf32, #tpu.memory_space<vmem>>
    %dma_wait3A_2502 = tpu.memref_squeeze %dma_wait3A_2501 : memref<1x256x128xf32, #tpu.memory_space<vmem>> -> memref<256x128xf32, #tpu.memory_space<vmem>>
    %dma_wait3A_2503 = arith.constant 0 : i32
    %dma_wait3A_2504 = arith.constant 0 : i32
    %dma_wait3A_2505 = tpu.memref_slice %arg3[%add3A_36, %dma_wait3A_2497, %dma_wait3A_2503, %dma_wait3A_2504] : memref<64x25x256x128xf32, #tpu.memory_space<hbm>> -> memref<1x1x256x128xf32, #tpu.memory_space<hbm>>
    %dma_wait3A_2506 = tpu.memref_squeeze %dma_wait3A_2505 : memref<1x1x256x128xf32, #tpu.memory_space<hbm>> -> memref<256x128xf32, #tpu.memory_space<hbm>>
    %dma_wait3A_2507 = tpu.memref_slice %arg6[%dma_wait3A_2498] : memref<3x!tpu.dma_semaphore, #tpu.memory_space<semaphore_mem>> -> memref<1x!tpu.dma_semaphore, #tpu.memory_space<semaphore_mem>>
    %dma_wait3A_2508 = tpu.memref_squeeze %dma_wait3A_2507 : memref<1x!tpu.dma_semaphore, #tpu.memory_space<semaphore_mem>> -> memref<!tpu.dma_semaphore, #tpu.memory_space<semaphore_mem>>
    %dma_wait3A_2509 = arith.constant 0 : i32
    %dma_wait3A_2510 = arith.constant 0 : i32
    %dma_wait3A_2511 = tpu.memref_slice %arg3[%add3A_36, %dma_wait3A_2497, %dma_wait3A_2509, %dma_wait3A_2510] : memref<64x25x256x128xf32, #tpu.memory_space<hbm>> -> memref<1x1x256x128xf32, #tpu.memory_space<hbm>>
    %dma_wait3A_2512 = tpu.memref_squeeze %dma_wait3A_2511 : memref<1x1x256x128xf32, #tpu.memory_space<hbm>> -> memref<256x128xf32, #tpu.memory_space<hbm>>
    %dma_wait3A_2513 = arith.constant 0 : i32
    %dma_wait3A_2514 = arith.constant 0 : i32
    %dma_wait3A_2515 = tpu.memref_slice %arg4[%dma_wait3A_2496, %dma_wait3A_2513, %dma_wait3A_2514] : memref<3x256x128xf32, #tpu.memory_space<vmem>> -> memref<1x256x128xf32, #tpu.memory_space<vmem>>
    %dma_wait3A_2516 = tpu.memref_squeeze %dma_wait3A_2515 : memref<1x256x128xf32, #tpu.memory_space<vmem>> -> memref<256x128xf32, #tpu.memory_space<vmem>>
    tpu.wait_dma2 semaphore(%dma_wait3A_2508 : memref<!tpu.dma_semaphore, #tpu.memory_space<semaphore_mem>>) src(%dma_wait3A_2516 : memref<256x128xf32, #tpu.memory_space<vmem>>) dst(%dma_wait3A_2512 : memref<256x128xf32, #tpu.memory_space<hbm>>)
    %dma_wait3A_2517 = arith.constant 2 : i32
    %dma_wait3A_2518 = arith.constant 14 : i32
    %dma_wait3A_2519 = arith.constant 2 : i32
    %dma_wait3A_2520 = arith.constant 0 : i32
    %dma_wait3A_2521 = arith.constant 0 : i32
    %dma_wait3A_2522 = tpu.memref_slice %arg4[%dma_wait3A_2517, %dma_wait3A_2520, %dma_wait3A_2521] : memref<3x256x128xf32, #tpu.memory_space<vmem>> -> memref<1x256x128xf32, #tpu.memory_space<vmem>>
    %dma_wait3A_2523 = tpu.memref_squeeze %dma_wait3A_2522 : memref<1x256x128xf32, #tpu.memory_space<vmem>> -> memref<256x128xf32, #tpu.memory_space<vmem>>
    %dma_wait3A_2524 = arith.constant 0 : i32
    %dma_wait3A_2525 = arith.constant 0 : i32
    %dma_wait3A_2526 = tpu.memref_slice %arg3[%add3A_36, %dma_wait3A_2518, %dma_wait3A_2524, %dma_wait3A_2525] : memref<64x25x256x128xf32, #tpu.memory_space<hbm>> -> memref<1x1x256x128xf32, #tpu.memory_space<hbm>>
    %dma_wait3A_2527 = tpu.memref_squeeze %dma_wait3A_2526 : memref<1x1x256x128xf32, #tpu.memory_space<hbm>> -> memref<256x128xf32, #tpu.memory_space<hbm>>
    %dma_wait3A_2528 = tpu.memref_slice %arg6[%dma_wait3A_2519] : memref<3x!tpu.dma_semaphore, #tpu.memory_space<semaphore_mem>> -> memref<1x!tpu.dma_semaphore, #tpu.memory_space<semaphore_mem>>
    %dma_wait3A_2529 = tpu.memref_squeeze %dma_wait3A_2528 : memref<1x!tpu.dma_semaphore, #tpu.memory_space<semaphore_mem>> -> memref<!tpu.dma_semaphore, #tpu.memory_space<semaphore_mem>>
    %dma_wait3A_2530 = arith.constant 0 : i32
    %dma_wait3A_2531 = arith.constant 0 : i32
    %dma_wait3A_2532 = tpu.memref_slice %arg3[%add3A_36, %dma_wait3A_2518, %dma_wait3A_2530, %dma_wait3A_2531] : memref<64x25x256x128xf32, #tpu.memory_space<hbm>> -> memref<1x1x256x128xf32, #tpu.memory_space<hbm>>
    %dma_wait3A_2533 = tpu.memref_squeeze %dma_wait3A_2532 : memref<1x1x256x128xf32, #tpu.memory_space<hbm>> -> memref<256x128xf32, #tpu.memory_space<hbm>>
    %dma_wait3A_2534 = arith.constant 0 : i32
    %dma_wait3A_2535 = arith.constant 0 : i32
    %dma_wait3A_2536 = tpu.memref_slice %arg4[%dma_wait3A_2517, %dma_wait3A_2534, %dma_wait3A_2535] : memref<3x256x128xf32, #tpu.memory_space<vmem>> -> memref<1x256x128xf32, #tpu.memory_space<vmem>>
    %dma_wait3A_2537 = tpu.memref_squeeze %dma_wait3A_2536 : memref<1x256x128xf32, #tpu.memory_space<vmem>> -> memref<256x128xf32, #tpu.memory_space<vmem>>
    tpu.wait_dma2 semaphore(%dma_wait3A_2529 : memref<!tpu.dma_semaphore, #tpu.memory_space<semaphore_mem>>) src(%dma_wait3A_2537 : memref<256x128xf32, #tpu.memory_space<vmem>>) dst(%dma_wait3A_2533 : memref<256x128xf32, #tpu.memory_space<hbm>>)
    %dma_wait3A_2538 = arith.constant 2 : i32
    %dma_wait3A_2539 = arith.constant 15 : i32
    %dma_wait3A_2540 = arith.constant 2 : i32
    %dma_wait3A_2541 = arith.constant 0 : i32
    %dma_wait3A_2542 = arith.constant 0 : i32
    %dma_wait3A_2543 = tpu.memref_slice %arg4[%dma_wait3A_2538, %dma_wait3A_2541, %dma_wait3A_2542] : memref<3x256x128xf32, #tpu.memory_space<vmem>> -> memref<1x256x128xf32, #tpu.memory_space<vmem>>
    %dma_wait3A_2544 = tpu.memref_squeeze %dma_wait3A_2543 : memref<1x256x128xf32, #tpu.memory_space<vmem>> -> memref<256x128xf32, #tpu.memory_space<vmem>>
    %dma_wait3A_2545 = arith.constant 0 : i32
    %dma_wait3A_2546 = arith.constant 0 : i32
    %dma_wait3A_2547 = tpu.memref_slice %arg3[%add3A_36, %dma_wait3A_2539, %dma_wait3A_2545, %dma_wait3A_2546] : memref<64x25x256x128xf32, #tpu.memory_space<hbm>> -> memref<1x1x256x128xf32, #tpu.memory_space<hbm>>
    %dma_wait3A_2548 = tpu.memref_squeeze %dma_wait3A_2547 : memref<1x1x256x128xf32, #tpu.memory_space<hbm>> -> memref<256x128xf32, #tpu.memory_space<hbm>>
    %dma_wait3A_2549 = tpu.memref_slice %arg6[%dma_wait3A_2540] : memref<3x!tpu.dma_semaphore, #tpu.memory_space<semaphore_mem>> -> memref<1x!tpu.dma_semaphore, #tpu.memory_space<semaphore_mem>>
    %dma_wait3A_2550 = tpu.memref_squeeze %dma_wait3A_2549 : memref<1x!tpu.dma_semaphore, #tpu.memory_space<semaphore_mem>> -> memref<!tpu.dma_semaphore, #tpu.memory_space<semaphore_mem>>
    %dma_wait3A_2551 = arith.constant 0 : i32
    %dma_wait3A_2552 = arith.constant 0 : i32
    %dma_wait3A_2553 = tpu.memref_slice %arg3[%add3A_36, %dma_wait3A_2539, %dma_wait3A_2551, %dma_wait3A_2552] : memref<64x25x256x128xf32, #tpu.memory_space<hbm>> -> memref<1x1x256x128xf32, #tpu.memory_space<hbm>>
    %dma_wait3A_2554 = tpu.memref_squeeze %dma_wait3A_2553 : memref<1x1x256x128xf32, #tpu.memory_space<hbm>> -> memref<256x128xf32, #tpu.memory_space<hbm>>
    %dma_wait3A_2555 = arith.constant 0 : i32
    %dma_wait3A_2556 = arith.constant 0 : i32
    %dma_wait3A_2557 = tpu.memref_slice %arg4[%dma_wait3A_2538, %dma_wait3A_2555, %dma_wait3A_2556] : memref<3x256x128xf32, #tpu.memory_space<vmem>> -> memref<1x256x128xf32, #tpu.memory_space<vmem>>
    %dma_wait3A_2558 = tpu.memref_squeeze %dma_wait3A_2557 : memref<1x256x128xf32, #tpu.memory_space<vmem>> -> memref<256x128xf32, #tpu.memory_space<vmem>>
    tpu.wait_dma2 semaphore(%dma_wait3A_2550 : memref<!tpu.dma_semaphore, #tpu.memory_space<semaphore_mem>>) src(%dma_wait3A_2558 : memref<256x128xf32, #tpu.memory_space<vmem>>) dst(%dma_wait3A_2554 : memref<256x128xf32, #tpu.memory_space<hbm>>)
    return
  }
}

</mosaic_0001>

<sc_bundles>
// kernel: kernel.3.cloned.1.call-start
scs
__scs_entry_jumppad:
0x0: {  	(pc) =	sbr.rel $0x88, $3  }
0x1: {  	(tag) =	ssettag $0x0;
	lr =	simm.s32 $0x1  }
0x2: {  	[smem:$0x3FA0] =	sst lr;
	_ =	strace $0xD0000000  }
0x3: {  	_ = 	snop  }
0x4: {  	_ = 	snop  }
0x5: {  	_ = 	snop  }
0x6: {  	_ = 	snop  }
0x7: {  	_ = 	snop  }
__scs_overlays_trampoline_lowered:
0x8: {  	[smem:$0x3FAF] =	sst s0  }
0x9: {  	[smem:$0x3FB0] =	sst s1  }
0xa: {  	[smem:$0x3FB1] =	sst s2  }
0xb: {  	[smem:$0x3FB2] =	sst s3  }
0xc: {  	[smem:$0x3FB3] =	sst s4  }
0xd: {  	[smem:$0x3FB4] =	sst s5  }
0xe: {  	[smem:$0x3FB5] =	sst s6  }
0xf: {  	[smem:$0x3FB6] =	sst s7  }
0x10: {  	[smem:$0x3FB7] =	sst s8  }
0x11: {  	[smem:$0x3FB8] =	sst s9;
	s0 =	simm.s32 @!p0 $0x0  }
0x12: {  	s1 =	sld [smem:$0x3F9E];
	s0 =	simm.s32 @p0 $0x1  }
0x13: {  	[smem:$0x3FB9] =	sst s0;
	s0 =	simm.s32 @!p1 $0x0  }
0x14: {  	s2 =	sld [smem:$0x3F9D];
	s0 =	simm.s32 @p1 $0x1  }
0x15: {  	[smem:$0x3FBA] =	sst s0;
	s0 =	simm.s32 @!p2 $0x0  }
0x16: {  	s3 =	sld [smem:$0x3FDB];
	s0 =	simm.s32 @p2 $0x1  }
0x17: {  	s4 =	simm.s32 $0x1BF5;
	[smem:$0x3FBC] =	sst s0  }
0x18: {  	s0 =	sld [smem:$0x3F9F];
	_ =	swait.ge [sflag:s4], $0x0  }
0x19: {  	s7 =	sld [smem:$0x3FA0]  }
0x1a: {  	s8 =	sadd.s32 $0xFFFFE003, lr  }
0x1b: {  	s9 =	sadd.s32 $0xFFFFFEF7, lr;
	s5 =	simm.s32 $0xFFFFFFFF;
	p2 =	slt.u32 s8, $0xFFFFF086  }
0x1c: {  	p1 =	slt.u32 s9, $0xF7A;
	s5 =	simm.s32 @!p2 $0x0  }
0x1d: {  	s5 =	simm.s32 @p1 $0x1;
	p0 =	seq.s32 s7, s2  }
0x1e: {  	s7 =	smul.u32 @!p0 $0xF7A, s2;
	p2 =	seq.s32 @!p0 s5, $0x0  }
0x1f: {  	s9 =	smul.u32 $0xF7A, s1;
	s8 =	simm.s32 @!p0 $0x1BF5;
	p2 =	por !p2, p0  }
0x20: {  	[sflag:s8] =	ssyncset.s32 @!p0 $0xFFFFF086;
	s6 =	sadd.s32 @!p0 s3, s7;
	s7 =	simm.s32 @!p0 $0x108  }
0x21: {  	s3 =	sadd.s32 s3, s9;
	s6 =	sadd.s32 @!p0 $0x88, s6;
	s7 =	simm.s32 @p2 $0x1082  }
0x22: {  	[simem:s7], [sflag:s8] =	dma.local @!p0 [hbm:s6], $0xF7A  }
0x23: {  	s9 =	sor.u32 $0xD0000000, s2;
	s6 =	simm.s32 $0x108;
	_ =	swait.ge @!p0 [sflag:s8], $0x0  }
0x24: {  	s3 =	sadd.s32 $0x88, s3;
	s6 =	simm.s32 @!p1 $0x1082;
	[sflag:s4] =	ssyncset.s32 $0xFFFFF086  }
0x25: {  	[simem:s6], [sflag:s4] =	dma.local [hbm:s3], $0xF7A  }
0x26: {  	[smem:$0x3FA0] =	sst s1;
	(tag) =	ssettag s2;
	_ =	strace s9  }
0x27: {  	s1 =	sld [smem:$0x3FB0]  }
0x28: {  	s2 =	sld [smem:$0x3FB1]  }
0x29: {  	s4 =	sld [smem:$0x3FB3]  }
0x2a: {  	p0 =	seq.s32 s5, $0x0;
	s5 =	sld [smem:$0x3FB4]  }
0x2b: {  	s6 =	sld [smem:$0x3FB5]  }
0x2c: {  	s7 =	sld [smem:$0x3FB6]  }
0x2d: {  	s3 =	simm.s32 $0x108;
	s8 =	sld [smem:$0x3FB7]  }
0x2e: {  	s3 =	simm.s32 @!p0 $0x1082;
	s9 =	sld [smem:$0x3FB8]  }
0x2f: {  	lr =	sadd.s32 s0, s3;
	s0 =	sld [smem:$0x3FAF]  }
0x30: {  	s3 =	sld [smem:$0x3FB2]  }
0x31: {  	[smem:$0x3FBB] =	sst s10  }
0x32: {  	s10 =	sld [smem:$0x3FB9];
	_ =	sdelay $0x3  }
0x33: {  	p0 =	seq.s32 s10, $0x1;
	s10 =	sld [smem:$0x3FBB];
	_ =	sdelay $0x3  }
0x34: {  	[smem:$0x3FBB] =	sst s10  }
0x35: {  	s10 =	sld [smem:$0x3FBA];
	_ =	sdelay $0x3  }
0x36: {  	p1 =	seq.s32 s10, $0x1;
	s10 =	sld [smem:$0x3FBB];
	_ =	sdelay $0x3  }
0x37: {  	[smem:$0x3FBB] =	sst s10  }
0x38: {  	s10 =	sld [smem:$0x3FBC]  }
0x39: {  	_ = 	snop;
	(pc) =	sbr.ind lr, $3  }
0x3a: {  	_ = 	snop  }
0x3b: {  	_ = 	snop  }
0x3c: {  	p2 =	seq.s32 s10, $0x1;
	s10 =	sld [smem:$0x3FBB]  }
0x3d: {  	_ =	shalt  }
0x3e: {  	_ =	shalt  }
0x3f: {  	_ =	shalt  }
0x40: {  	_ =	shalt  }
0x41: {  	_ =	shalt  }
0x42: {  	_ =	shalt  }
0x43: {  	_ =	shalt  }
0x44: {  	_ =	shalt  }
0x45: {  	_ =	shalt  }
0x46: {  	_ =	shalt  }
0x47: {  	_ =	shalt  }
0x48: {  	_ =	shalt  }
0x49: {  	_ =	shalt  }
0x4a: {  	_ =	shalt  }
0x4b: {  	_ =	shalt  }
0x4c: {  	_ =	shalt  }
0x4d: {  	_ =	shalt  }
0x4e: {  	_ =	shalt  }
0x4f: {  	_ =	shalt  }
0x50: {  	_ =	shalt  }
0x51: {  	_ =	shalt  }
0x52: {  	_ =	shalt  }
0x53: {  	_ =	shalt  }
0x54: {  	_ =	shalt  }
0x55: {  	_ =	shalt  }
0x56: {  	_ =	shalt  }
0x57: {  	_ =	shalt  }
0x58: {  	_ =	shalt  }
0x59: {  	_ =	shalt  }
0x5a: {  	_ =	shalt  }
0x5b: {  	_ =	shalt  }
0x5c: {  	_ =	shalt  }
0x5d: {  	_ =	shalt  }
0x5e: {  	_ =	shalt  }
0x5f: {  	_ =	shalt  }
0x60: {  	_ =	shalt  }
0x61: {  	_ =	shalt  }
0x62: {  	_ =	shalt  }
0x63: {  	_ =	shalt  }
0x64: {  	_ =	shalt  }
0x65: {  	_ =	shalt  }
0x66: {  	_ =	shalt  }
0x67: {  	_ =	shalt  }
0x68: {  	_ =	shalt  }
0x69: {  	_ =	shalt  }
0x6a: {  	_ =	shalt  }
0x6b: {  	_ =	shalt  }
0x6c: {  	_ =	shalt  }
0x6d: {  	_ =	shalt  }
0x6e: {  	_ =	shalt  }
0x6f: {  	_ =	shalt  }
0x70: {  	_ =	shalt  }
0x71: {  	_ =	shalt  }
0x72: {  	_ =	shalt  }
0x73: {  	_ =	shalt  }
0x74: {  	_ =	shalt  }
0x75: {  	_ =	shalt  }
0x76: {  	_ =	shalt  }
0x77: {  	_ =	shalt  }
0x78: {  	_ =	shalt  }
0x79: {  	_ =	shalt  }
0x7a: {  	_ =	shalt  }
0x7b: {  	_ =	shalt  }
0x7c: {  	_ =	shalt  }
0x7d: {  	_ =	shalt  }
0x7e: {  	_ =	shalt  }
0x7f: {  	_ =	shalt  }
0x80: {  	_ =	shalt  }
0x81: {  	_ =	shalt  }
0x82: {  	_ =	shalt  }
0x83: {  	_ =	shalt  }
0x84: {  	_ =	shalt  }
0x85: {  	_ =	shalt  }
0x86: {  	_ =	shalt  }
0x87: {  	_ =	shalt  }
.Lfunc_end0:
.L_simem_size_0:
called_computation_lowered:
.L_overlay_start_0:
0x88: {  	s2 =	sld [smem:$0x3FD9]  }
0x89: {  	s3 =	sld [smem:$0x3FFE];
	_ =	sdelay $0x1  }
0x8a: {  	s1 =	srdreg.scid  }
0x8b: {  	s0 =	sand.u32 $0x1, s1  }
0x8c: {  	s18 =	sshll.u32 s0, $0xA;
	s2 =	sadd.s32 s3, s2  }
0x8d: {  	s2 =	sadd.s32 s2, s18  }
0x8e: {  	[smem:$0x3FC7] =	sst s2  }
0x8f: {  	_ = 	snop  }
0x90: {  	s2 =	sld [smem:$0x3FC9]  }
0x91: {  	s19 =	sld [smem:$0x3FD0];
	(tm) =	ssettm $0x1  }
0x92: {  	s4 =	sld [smem:$0x3FFB];
	_ =	sdelay $0x3  }
0x93: {  	_ =	strace s4  }
0x94: {  	s4 =	sld [smem:$0x3FFC];
	_ =	sdelay $0x3  }
0x95: {  	_ =	strace s4  }
0x96: {  	s4 =	sld [smem:$0x3FFD];
	_ =	sdelay $0x3  }
0x97: {  	_ =	strace s4  }
0x98: {  	_ =	strace $0x8FFFFFFF  }
0x99: {  	s20 =	sld [smem:$0x3FDB];
	_ =	sdelay $0x1  }
0x9a: {  	s5 =	simm.s32 $_scs_section_size  }
0x9b: {  	s6 =	simm.s32 $_size__tile_overlayer_lowered;
	s7 =	simm.s32 $_tile_overlayer_lowered  }
0x9c: {  	s23 =	simm.s32 $0x1BFF;
	s22 =	sshll.u32 s7, $0x1;
	s4 =	sadd.s32 s5, s20  }
0x9d: {  	s8 =	simm.s32 $0x0;
	s21 =	sshll.u32 s6, $0x1;
	s6 =	sadd.s32 s22, s4  }
0x9e: {  	[timem:s8], [sflag:s23] =	dma.local [hbm:s6], s21  }
0x9f: {  	_ =	swait.ge [sflag:s23], s21  }
0xa0: {  	s5 =	ssub.s32 $0x0, s21;
	[sflag:s23] =	ssyncset.done $0x0  }
0xa1: {  	[sflag:s23] =	ssyncadd.s32 s5;
	_ =	sdelay $0x1  }
0xa2: {  	s24 =	simm.s32 $0x1B8B  }
0xa3: {  	_ =	swait.ge [sflag:s24], $0x1  }
0xa4: {  	[sflag:s24] =	ssyncset.done $0x0  }
0xa5: {  	s25 =	simm.s32 $0x1B8E;
	[sflag:s24] =	ssyncadd.s32 $0xFFFFFFFF  }
0xa6: {  	s26 =	simm.s32 $execute0_lowered;
	[smem:$0x3FD2] =	sst s25  }
0xa7: {  	s5 =	sshll.u32 s26, $0x1;
	_ =	strace $0x80000046;
	[dreg:$0x1] =	wrdreg $0xFFFFFFFF  }
0xa8: {  	s28 =	simm.s32 $_size_execute0_lowered;
	s4 =	sadd.s32 s4, s5;
	[dreg:$0x0] =	wrdreg $0x0  }
0xa9: {  	s5 =	sshll.u32 s28, $0x1;
	[dreg:$0x2] =	wrdreg s4  }
0xaa: {  	[dreg:$0x3] =	wrdreg s5  }
0xab: {  	[dreg:$0x4] =	wrdreg $0xC0  }
0xac: {  	_ =	task [dreg:s8], $0x5FFFF  }
0xad: {  	[dreg:$0x1] =	wrdreg $0xFFFFFFFF  }
0xae: {  	[dreg:$0x0] =	wrdreg $0x60  }
0xaf: {  	[dreg:$0x2] =	wrdreg s2  }
0xb0: {  	[dreg:$0x3] =	wrdreg s19  }
0xb1: {  	[dreg:$0x4] =	wrdreg $0x9  }
0xb2: {  	_ =	task.clear_ibuf [dreg:s8], $0x5FFFF;
	_ =	strace $0x90000046  }
0xb3: {  	s29 =	simm.s32 $0x9;
	_ =	strace $0x80000048  }
0xb4: {  	_ =	swait.ge [sflag:s29], $0x1  }
0xb5: {  	[sflag:s29] =	ssyncadd.s32 $0xFFFFFFFF  }
0xb6: {  	_ =	strace $0x90000048  }
0xb7: {  	_ =	sfence  }
0xb8: {  	s30 =	sld [smem:$0x0];
	_ =	sdelay $0x2  }
0xb9: {  	s31 =	sshll.u32 s1, $0xD;
	s1 =	sshrl.u32 s1, $0x2  }
0xba: {  	s3 =	sand.u32 $0x4000, s31;
	s1 =	sadd.s32 s1, s30  }
0xbb: {  	s0 =	sor.u32 s3, s0;
	s1 =	sshll.u32 s1, $0x11  }
0xbc: {  	s0 =	sor.u32 s1, s0  }
0xbd: {  	s0 =	sadd.s32 $0x8F2B, s0  }
0xbe: {  	[sflag:s0] =	ssyncadd.remote.s32 $0x1  }
0xbf: {  	_ =	sfence.sel $0xFFFF  }
0xc0: {  	[dreg:$0x0] =	wrdreg $0xFFFFFFFF;
	(pc) =	sbr.abs _section_cstart, $3  }
0xc1: {  	[dreg:$0x1] =	wrdreg $0xFFFFFFFF  }
0xc2: {  	_ =	task.clear_ibuf [dreg:s8], $0x2FFFF;
	_ =	strace $0x9FFFFFFF  }
0xc3: {  	(tm) =	ssettm $0x7FFFFFFF  }
tec
execute0_lowered:
.L_overlay_start_1:
0x0: {  	(tag) =	ssettag $0x1  }
0x1: {  	s1 =	srdreg.scid  }
0x2: {  	s0 =	stileid.u32;
	s1 =	sand.u32 $0x1, s1  }
0x3: {  	s3 =	sshll.u32 s0, $0x1;
	s2 =	sshll.u32 s1, $0x5  }
0x4: {  	s5 =	sor.u32 s3, s2  }
0x5: {  	s6 =	smul.u32 $0x28000, s5  }
0x6: {  	s4 =	rddreg [dreg:$0x0];
	s7 =	smul.u32 $0xC8000, s5  }
0x7: {  	s3 =	rddreg [dreg:$0x1];
	s6 =	sshrl.u32 s6, $0x3  }
0x8: {  	s2 =	simm.s32 $0x0;
	s25 =	sshrl.u32 s7, $0x3;
	s28 =	sadd.s32 s4, s6  }
0x9: {  	[smem:$0x7FF] =	sst s2;
	s30 =	sadd.s32 s3, s25;
	s26 =	sadd.s32 $0x1000, s28  }
0xa: {  	_ =	strace $0x80000047;
	s6 =	sadd.s32 $0x1000, s30;
	[dreg:$0x3] =	wrdreg s26  }
0xb: {  	s0 =	sadd.s32 $0x2000, s30;
	[dreg:$0x4] =	wrdreg s6  }
0xc: {  	s7 =	sadd.s32 $0x3000, s30;
	[dreg:$0x5] =	wrdreg s0  }
0xd: {  	s8 =	sadd.s32 $0x14000, s30;
	[dreg:$0x6] =	wrdreg s7  }
0xe: {  	s9 =	sadd.s32 $0x2000, s28;
	[dreg:$0x7] =	wrdreg s8  }
0xf: {  	s10 =	sadd.s32 $0x4000, s30;
	[dreg:$0x8] =	wrdreg s9  }
0x10: {  	s11 =	sadd.s32 $0x5000, s30;
	[dreg:$0x9] =	wrdreg s10  }
0x11: {  	s12 =	sadd.s32 $0x6000, s30;
	[dreg:$0xa] =	wrdreg s11  }
0x12: {  	s13 =	sadd.s32 $0x7000, s30;
	[dreg:$0xb] =	wrdreg s12  }
0x13: {  	s14 =	sadd.s32 $0x15000, s30;
	[dreg:$0xc] =	wrdreg s13  }
0x14: {  	s15 =	sadd.s32 $0x16000, s30;
	[dreg:$0xd] =	wrdreg s14  }
0x15: {  	s16 =	sadd.s32 $0x3000, s28;
	[dreg:$0xe] =	wrdreg s15  }
0x16: {  	s17 =	sadd.s32 $0x8000, s30;
	[dreg:$0xf] =	wrdreg s16  }
0x17: {  	s18 =	sadd.s32 $0x9000, s30;
	[dreg:$0x10] =	wrdreg s17  }
0x18: {  	s19 =	sadd.s32 $0xA000, s30;
	[dreg:$0x11] =	wrdreg s18  }
0x19: {  	s20 =	sadd.s32 $0xB000, s30;
	[dreg:$0x12] =	wrdreg s19  }
0x1a: {  	s21 =	sadd.s32 $0x17000, s30;
	[dreg:$0x13] =	wrdreg s20  }
0x1b: {  	s22 =	sadd.s32 $0x18000, s30;
	[dreg:$0x14] =	wrdreg s21  }
0x1c: {  	s23 =	sadd.s32 $0x4000, s28;
	[dreg:$0x15] =	wrdreg s22  }
0x1d: {  	s24 =	sadd.s32 $0xC000, s30;
	[dreg:$0x16] =	wrdreg s23  }
0x1e: {  	p0 =	por $0x0, $0x0;
	s25 =	sadd.s32 $0xD000, s30;
	[dreg:$0x17] =	wrdreg s24  }
0x1f: {  	s31 =	simm.s32 $0x3;
	[dreg:$0x18] =	wrdreg s25;
	s26 =	sadd.s32 $0xE000, s30  }
0x20: {  	s1 =	ssub.s32 $0x2, s1;
	s8 =	sadd.s32 $0xF000, s30;
	[dreg:$0x19] =	wrdreg s26  }
0x21: {  	s5 =	sor.u32 $0x1, s5;
	s10 =	sadd.s32 $0x10000, s30;
	[dreg:$0x1a] =	wrdreg s8  }
0x22: {  	s0 =	smul.u32 $0x28000, s5;
	s11 =	sadd.s32 $0x11000, s30;
	[dreg:$0x1b] =	wrdreg s10  }
0x23: {  	s5 =	smul.u32 $0xC8000, s5;
	s12 =	sadd.s32 $0x12000, s30;
	[dreg:$0x1c] =	wrdreg s11  }
0x24: {  	s13 =	sadd.s32 $0x13000, s30;
	s25 =	sshrl.u32 s1, $0x1;
	[dreg:$0x1d] =	wrdreg s12  }
0x25: {  	[dreg:$0x1e] =	wrdreg s13;
	s1 =	ssub.s32 s1, s25;
	s9 =	sshrl.u32 s0, $0x3  }
0x26: {  	s25 =	simm.s32 $0x8000;
	s5 =	sshrl.u32 s5, $0x3;
	s17 =	sadd.s32 s4, s9  }
0x27: {  	s1 =	smax.u32 s1, $0x1;
	s29 =	sadd.s32 s3, s5;
	s14 =	sadd.s32 $0x1000, s17  }
0x28: {  	p1 =	sne.s32 s1, $0x1;
	s3 =	sadd.s32 $0x1000, s29;
	[dreg:$0x1f] =	wrdreg s14  }
0x29: {  	s0 =	sadd.s32 $0xFFFFFFFF, s1;
	s15 =	sadd.s32 $0x2000, s29;
	[smem:$0x7F3] =	sst s3  }
0x2a: {  	s5 =	simm.s32 $0x4;
	s16 =	sadd.s32 $0x3000, s29;
	[smem:$0x7F4] =	sst s15  }
0x2b: {  	s4 =	simm.s32 $0x5;
	s18 =	sadd.s32 $0x14000, s29;
	[smem:$0x7F5] =	sst s16  }
0x2c: {  	s19 =	sadd.s32 $0x2000, s17;
	s20 =	sadd.s32 $0x4000, s29;
	[smem:$0x7F6] =	sst s18  }
0x2d: {  	s21 =	sadd.s32 $0x5000, s29;
	s22 =	sadd.s32 $0x6000, s29;
	[smem:$0x7F7] =	sst s19  }
0x2e: {  	s23 =	sadd.s32 $0x7000, s29;
	s24 =	sadd.s32 $0x15000, s29;
	[smem:$0x7F8] =	sst s20  }
0x2f: {  	s26 =	sadd.s32 $0x16000, s29;
	s10 =	sadd.s32 $0xC000, s29;
	[smem:$0x7F9] =	sst s21  }
0x30: {  	s11 =	sadd.s32 $0xD000, s29;
	s12 =	sadd.s32 $0xE000, s29;
	[smem:$0x7FA] =	sst s22  }
0x31: {  	s13 =	sadd.s32 $0xF000, s29;
	s6 =	sadd.s32 $0x10000, s29;
	[smem:$0x7FB] =	sst s23  }
0x32: {  	s7 =	sadd.s32 $0x11000, s29;
	s8 =	sadd.s32 $0x12000, s29;
	[smem:$0x7FC] =	sst s24  }
.Ltmp0:
0x33: {  	s9 =	sadd.s32 $0x13000, s29;
	[smem:$0x7FD] =	sst s26;
	(pc) =	sbr.rel @!p1 .LBB2_5-.Ltmp0, $4  }
0x34: {  	s24 =	sadd.s32 $0x3000, s17;
	s18 =	sadd.s32 $0x8000, s29;
	s19 =	sadd.s32 $0x9000, s29  }
0x35: {  	s20 =	sadd.s32 $0xA000, s29;
	s21 =	sadd.s32 $0xB000, s29;
	s22 =	sadd.s32 $0x17000, s29  }
0x36: {  	s23 =	sadd.s32 $0x18000, s29;
	s14 =	sadd.s32 $0x4000, s17;
	s15 =	simm.s32 $0x1  }
0x37: {  	s16 =	simm.s32 $0x10000;
	s26 =	simm.s32 $0x2;
	s3 =	simm.s32 $0x6  }
0x38: {  	[smem:$0x7F1] =	sst s0  }
0x39: {  	[tilespmem:s2], [sflag:$0x1] =	stream.linear.gather [hbm4b:s28+s2], $0x8000, $0x38;
	[tilespmem:$0x18000] =	vst v63  }
0x3a: {  	s1 =	rddreg [dreg:$0x3]  }
0x3b: {  	[tilespmem:s25], [sflag:$0x2] =	stream.linear.gather [hbm4b:s1+s2], $0x8000, $0x38;
	[tilespmem:$0x18000] =	vst v63  }
0x3c: {  	_ =	swait.ge [sflag:s15], $0x8000  }
0x3d: {  	[sflag:s15] =	ssyncset.done $0x0  }
0x3e: {  	[sflag:s15] =	ssyncadd.s32 $0xFFFF8000  }
0x3f: {  	[hbm4b:s30+s2] =	stream.linear.scatter [tilespmem:s2], [sflag:$0x4], $0x8000, $0x38;
	[tilespmem:$0x18000] =	vst v63  }
0x40: {  	s0 =	rddreg [dreg:$0x4]  }
0x41: {  	[hbm4b:s0+s2] =	stream.linear.scatter [tilespmem:s2], [sflag:$0x4], $0x8000, $0x38;
	[tilespmem:$0x18000] =	vst v63  }
0x42: {  	s1 =	rddreg [dreg:$0x5]  }
0x43: {  	[hbm4b:s1+s2] =	stream.linear.scatter [tilespmem:s2], [sflag:$0x4], $0x8000, $0x38;
	[tilespmem:$0x18000] =	vst v63  }
0x44: {  	s0 =	rddreg [dreg:$0x6]  }
0x45: {  	[hbm4b:s0+s2] =	stream.linear.scatter [tilespmem:s2], [sflag:$0x4], $0x8000, $0x38;
	[tilespmem:$0x18000] =	vst v63  }
0x46: {  	s1 =	rddreg [dreg:$0x7]  }
0x47: {  	[hbm4b:s1+s2] =	stream.linear.scatter [tilespmem:s2], [sflag:$0x4], $0x8000, $0x38;
	[tilespmem:$0x18000] =	vst v63  }
0x48: {  	s0 =	rddreg [dreg:$0x8]  }
0x49: {  	[tilespmem:s16], [sflag:$0x3] =	stream.linear.gather [hbm4b:s0+s2], $0x8000, $0x38;
	[tilespmem:$0x18000] =	vst v63  }
0x4a: {  	_ =	swait.ge [sflag:s26], $0x8000  }
0x4b: {  	[sflag:s26] =	ssyncset.done $0x0  }
0x4c: {  	s0 =	rddreg [dreg:$0x9];
	[sflag:s26] =	ssyncadd.s32 $0xFFFF8000  }
0x4d: {  	[hbm4b:s0+s2] =	stream.linear.scatter [tilespmem:s25], [sflag:$0x5], $0x8000, $0x38;
	[tilespmem:$0x18000] =	vst v63  }
0x4e: {  	s1 =	rddreg [dreg:$0xa]  }
0x4f: {  	[hbm4b:s1+s2] =	stream.linear.scatter [tilespmem:s25], [sflag:$0x5], $0x8000, $0x38;
	[tilespmem:$0x18000] =	vst v63  }
0x50: {  	s0 =	rddreg [dreg:$0xb]  }
0x51: {  	[hbm4b:s0+s2] =	stream.linear.scatter [tilespmem:s25], [sflag:$0x5], $0x8000, $0x38;
	[tilespmem:$0x18000] =	vst v63  }
0x52: {  	s1 =	rddreg [dreg:$0xc]  }
0x53: {  	[hbm4b:s1+s2] =	stream.linear.scatter [tilespmem:s25], [sflag:$0x5], $0x8000, $0x38;
	[tilespmem:$0x18000] =	vst v63  }
0x54: {  	s0 =	rddreg [dreg:$0xd]  }
0x55: {  	[hbm4b:s0+s2] =	stream.linear.scatter [tilespmem:s25], [sflag:$0x5], $0x8000, $0x38;
	[tilespmem:$0x18000] =	vst v63  }
0x56: {  	s1 =	rddreg [dreg:$0xe]  }
0x57: {  	[hbm4b:s1+s2] =	stream.linear.scatter [tilespmem:s25], [sflag:$0x5], $0x8000, $0x38;
	[tilespmem:$0x18000] =	vst v63  }
0x58: {  	_ =	swait.ge [sflag:s5], $0x8000  }
0x59: {  	[sflag:s5] =	ssyncset.done $0x0  }
0x5a: {  	[sflag:s5] =	ssyncadd.s32 $0xFFFF8000  }
0x5b: {  	_ =	swait.ge [sflag:s5], $0x8000  }
0x5c: {  	[sflag:s5] =	ssyncset.done $0x0  }
0x5d: {  	[sflag:s5] =	ssyncadd.s32 $0xFFFF8000  }
0x5e: {  	_ =	swait.ge [sflag:s5], $0x8000  }
0x5f: {  	[sflag:s5] =	ssyncset.done $0x0  }
0x60: {  	[sflag:s5] =	ssyncadd.s32 $0xFFFF8000  }
0x61: {  	_ =	swait.ge [sflag:s5], $0x8000  }
0x62: {  	[sflag:s5] =	ssyncset.done $0x0  }
0x63: {  	[sflag:s5] =	ssyncadd.s32 $0xFFFF8000  }
0x64: {  	_ =	swait.ge [sflag:s5], $0x8000  }
0x65: {  	[sflag:s5] =	ssyncset.done $0x0  }
0x66: {  	s1 =	rddreg [dreg:$0xf];
	[sflag:s5] =	ssyncadd.s32 $0xFFFF8000  }
0x67: {  	[tilespmem:s2], [sflag:$0x1] =	stream.linear.gather [hbm4b:s1+s2], $0x8000, $0x38;
	[tilespmem:$0x18000] =	vst v63  }
0x68: {  	_ =	swait.ge [sflag:s31], $0x8000  }
0x69: {  	[sflag:s31] =	ssyncset.done $0x0  }
0x6a: {  	s0 =	rddreg [dreg:$0x10];
	[sflag:s31] =	ssyncadd.s32 $0xFFFF8000  }
0x6b: {  	[hbm4b:s0+s2] =	stream.linear.scatter [tilespmem:s16], [sflag:$0x6], $0x8000, $0x38;
	[tilespmem:$0x18000] =	vst v63  }
0x6c: {  	s1 =	rddreg [dreg:$0x11]  }
0x6d: {  	[hbm4b:s1+s2] =	stream.linear.scatter [tilespmem:s16], [sflag:$0x6], $0x8000, $0x38;
	[tilespmem:$0x18000] =	vst v63  }
0x6e: {  	s0 =	rddreg [dreg:$0x12]  }
0x6f: {  	[hbm4b:s0+s2] =	stream.linear.scatter [tilespmem:s16], [sflag:$0x6], $0x8000, $0x38;
	[tilespmem:$0x18000] =	vst v63  }
0x70: {  	s1 =	rddreg [dreg:$0x13]  }
0x71: {  	[hbm4b:s1+s2] =	stream.linear.scatter [tilespmem:s16], [sflag:$0x6], $0x8000, $0x38;
	[tilespmem:$0x18000] =	vst v63  }
0x72: {  	s0 =	rddreg [dreg:$0x14]  }
0x73: {  	[hbm4b:s0+s2] =	stream.linear.scatter [tilespmem:s16], [sflag:$0x6], $0x8000, $0x38;
	[tilespmem:$0x18000] =	vst v63  }
0x74: {  	s1 =	rddreg [dreg:$0x15]  }
0x75: {  	[hbm4b:s1+s2] =	stream.linear.scatter [tilespmem:s16], [sflag:$0x6], $0x8000, $0x38;
	[tilespmem:$0x18000] =	vst v63  }
0x76: {  	_ =	swait.ge [sflag:s4], $0x8000  }
0x77: {  	[sflag:s4] =	ssyncset.done $0x0  }
0x78: {  	[sflag:s4] =	ssyncadd.s32 $0xFFFF8000  }
0x79: {  	_ =	swait.ge [sflag:s4], $0x8000  }
0x7a: {  	[sflag:s4] =	ssyncset.done $0x0  }
0x7b: {  	[sflag:s4] =	ssyncadd.s32 $0xFFFF8000  }
0x7c: {  	_ =	swait.ge [sflag:s4], $0x8000  }
0x7d: {  	[sflag:s4] =	ssyncset.done $0x0  }
0x7e: {  	[sflag:s4] =	ssyncadd.s32 $0xFFFF8000  }
0x7f: {  	_ =	swait.ge [sflag:s4], $0x8000  }
0x80: {  	[sflag:s4] =	ssyncset.done $0x0  }
0x81: {  	[sflag:s4] =	ssyncadd.s32 $0xFFFF8000  }
0x82: {  	_ =	swait.ge [sflag:s4], $0x8000  }
0x83: {  	[sflag:s4] =	ssyncset.done $0x0  }
0x84: {  	[sflag:s4] =	ssyncadd.s32 $0xFFFF8000  }
0x85: {  	_ =	swait.ge [sflag:s4], $0x8000  }
0x86: {  	[sflag:s4] =	ssyncset.done $0x0  }
0x87: {  	s1 =	rddreg [dreg:$0x16];
	[sflag:s4] =	ssyncadd.s32 $0xFFFF8000  }
0x88: {  	[tilespmem:s25], [sflag:$0x2] =	stream.linear.gather [hbm4b:s1+s2], $0x8000, $0x38;
	[tilespmem:$0x18000] =	vst v63  }
0x89: {  	_ =	swait.ge [sflag:s15], $0x8000  }
0x8a: {  	[sflag:s15] =	ssyncset.done $0x0  }
0x8b: {  	s0 =	rddreg [dreg:$0x17];
	[sflag:s15] =	ssyncadd.s32 $0xFFFF8000  }
0x8c: {  	[hbm4b:s0+s2] =	stream.linear.scatter [tilespmem:s2], [sflag:$0x4], $0x8000, $0x38;
	[tilespmem:$0x18000] =	vst v63  }
0x8d: {  	s1 =	rddreg [dreg:$0x18]  }
0x8e: {  	[hbm4b:s1+s2] =	stream.linear.scatter [tilespmem:s2], [sflag:$0x4], $0x8000, $0x38;
	[tilespmem:$0x18000] =	vst v63  }
0x8f: {  	s0 =	rddreg [dreg:$0x19]  }
0x90: {  	[hbm4b:s0+s2] =	stream.linear.scatter [tilespmem:s2], [sflag:$0x4], $0x8000, $0x38;
	[tilespmem:$0x18000] =	vst v63  }
0x91: {  	s1 =	rddreg [dreg:$0x1a]  }
0x92: {  	[hbm4b:s1+s2] =	stream.linear.scatter [tilespmem:s2], [sflag:$0x4], $0x8000, $0x38;
	[tilespmem:$0x18000] =	vst v63  }
0x93: {  	_ =	swait.ge [sflag:s3], $0x8000  }
0x94: {  	[sflag:s3] =	ssyncset.done $0x0  }
0x95: {  	[sflag:s3] =	ssyncadd.s32 $0xFFFF8000  }
0x96: {  	_ =	swait.ge [sflag:s3], $0x8000  }
0x97: {  	[sflag:s3] =	ssyncset.done $0x0  }
0x98: {  	[sflag:s3] =	ssyncadd.s32 $0xFFFF8000  }
0x99: {  	_ =	swait.ge [sflag:s3], $0x8000  }
0x9a: {  	[sflag:s3] =	ssyncset.done $0x0  }
0x9b: {  	[sflag:s3] =	ssyncadd.s32 $0xFFFF8000  }
0x9c: {  	_ =	swait.ge [sflag:s3], $0x8000  }
0x9d: {  	[sflag:s3] =	ssyncset.done $0x0  }
0x9e: {  	[sflag:s3] =	ssyncadd.s32 $0xFFFF8000  }
0x9f: {  	_ =	swait.ge [sflag:s3], $0x8000  }
0xa0: {  	[sflag:s3] =	ssyncset.done $0x0  }
0xa1: {  	[sflag:s3] =	ssyncadd.s32 $0xFFFF8000  }
0xa2: {  	_ =	swait.ge [sflag:s3], $0x8000  }
0xa3: {  	[sflag:s3] =	ssyncset.done $0x0  }
0xa4: {  	[sflag:s3] =	ssyncadd.s32 $0xFFFF8000  }
0xa5: {  	[tilespmem:s16], [sflag:$0x3] =	stream.linear.gather [hbm4b:s17+s2], $0x8000, $0x38;
	[tilespmem:$0x18000] =	vst v63  }
0xa6: {  	_ =	swait.ge [sflag:s26], $0x8000  }
0xa7: {  	[sflag:s26] =	ssyncset.done $0x0  }
0xa8: {  	s0 =	rddreg [dreg:$0x1b];
	[sflag:s26] =	ssyncadd.s32 $0xFFFF8000  }
0xa9: {  	[hbm4b:s0+s2] =	stream.linear.scatter [tilespmem:s25], [sflag:$0x5], $0x8000, $0x38;
	[tilespmem:$0x18000] =	vst v63  }
0xaa: {  	s1 =	rddreg [dreg:$0x1c]  }
0xab: {  	[hbm4b:s1+s2] =	stream.linear.scatter [tilespmem:s25], [sflag:$0x5], $0x8000, $0x38;
	[tilespmem:$0x18000] =	vst v63  }
0xac: {  	s0 =	rddreg [dreg:$0x1d]  }
0xad: {  	[hbm4b:s0+s2] =	stream.linear.scatter [tilespmem:s25], [sflag:$0x5], $0x8000, $0x38;
	[tilespmem:$0x18000] =	vst v63  }
0xae: {  	s1 =	rddreg [dreg:$0x1e]  }
0xaf: {  	[hbm4b:s1+s2] =	stream.linear.scatter [tilespmem:s25], [sflag:$0x5], $0x8000, $0x38;
	[tilespmem:$0x18000] =	vst v63  }
0xb0: {  	_ =	swait.ge [sflag:s5], $0x8000  }
0xb1: {  	[sflag:s5] =	ssyncset.done $0x0  }
0xb2: {  	[sflag:s5] =	ssyncadd.s32 $0xFFFF8000  }
0xb3: {  	_ =	swait.ge [sflag:s5], $0x8000  }
0xb4: {  	[sflag:s5] =	ssyncset.done $0x0  }
0xb5: {  	[sflag:s5] =	ssyncadd.s32 $0xFFFF8000  }
0xb6: {  	_ =	swait.ge [sflag:s5], $0x8000  }
0xb7: {  	[sflag:s5] =	ssyncset.done $0x0  }
0xb8: {  	[sflag:s5] =	ssyncadd.s32 $0xFFFF8000  }
0xb9: {  	_ =	swait.ge [sflag:s5], $0x8000  }
0xba: {  	[sflag:s5] =	ssyncset.done $0x0  }
0xbb: {  	s1 =	rddreg [dreg:$0x1f];
	[sflag:s5] =	ssyncadd.s32 $0xFFFF8000  }
0xbc: {  	[tilespmem:s2], [sflag:$0x1] =	stream.linear.gather [hbm4b:s1+s2], $0x8000, $0x38;
	[tilespmem:$0x18000] =	vst v63  }
0xbd: {  	_ =	swait.ge [sflag:s31], $0x8000  }
0xbe: {  	[sflag:s31] =	ssyncset.done $0x0  }
0xbf: {  	s0 =	sld [smem:$0x7F3];
	[sflag:s31] =	ssyncadd.s32 $0xFFFF8000  }
0xc0: {  	[hbm4b:s29+s2] =	stream.linear.scatter [tilespmem:s16], [sflag:$0x6], $0x8000, $0x38;
	[tilespmem:$0x18000] =	vst v63  }
0xc1: {  	s1 =	sld [smem:$0x7F4]  }
0xc2: {  	[hbm4b:s0+s2] =	stream.linear.scatter [tilespmem:s16], [sflag:$0x6], $0x8000, $0x38;
	[tilespmem:$0x18000] =	vst v63  }
0xc3: {  	s0 =	sld [smem:$0x7F5]  }
0xc4: {  	[hbm4b:s1+s2] =	stream.linear.scatter [tilespmem:s16], [sflag:$0x6], $0x8000, $0x38;
	[tilespmem:$0x18000] =	vst v63  }
0xc5: {  	s1 =	sld [smem:$0x7F6]  }
0xc6: {  	[hbm4b:s0+s2] =	stream.linear.scatter [tilespmem:s16], [sflag:$0x6], $0x8000, $0x38;
	[tilespmem:$0x18000] =	vst v63  }
0xc7: {  	_ = 	snop  }
0xc8: {  	[hbm4b:s1+s2] =	stream.linear.scatter [tilespmem:s16], [sflag:$0x6], $0x8000, $0x38;
	[tilespmem:$0x18000] =	vst v63  }
0xc9: {  	_ =	swait.ge [sflag:s4], $0x8000  }
0xca: {  	[sflag:s4] =	ssyncset.done $0x0  }
0xcb: {  	[sflag:s4] =	ssyncadd.s32 $0xFFFF8000  }
0xcc: {  	_ =	swait.ge [sflag:s4], $0x8000  }
0xcd: {  	[sflag:s4] =	ssyncset.done $0x0  }
0xce: {  	[sflag:s4] =	ssyncadd.s32 $0xFFFF8000  }
0xcf: {  	_ =	swait.ge [sflag:s4], $0x8000  }
0xd0: {  	[sflag:s4] =	ssyncset.done $0x0  }
0xd1: {  	[sflag:s4] =	ssyncadd.s32 $0xFFFF8000  }
0xd2: {  	_ =	swait.ge [sflag:s4], $0x8000  }
0xd3: {  	s1 =	sld [smem:$0x7F7]  }
0xd4: {  	[sflag:s4] =	ssyncset.done $0x0  }
0xd5: {  	[sflag:s4] =	ssyncadd.s32 $0xFFFF8000  }
0xd6: {  	[tilespmem:s25], [sflag:$0x2] =	stream.linear.gather [hbm4b:s1+s2], $0x8000, $0x38;
	[tilespmem:$0x18000] =	vst v63  }
0xd7: {  	_ =	swait.ge [sflag:s15], $0x8000  }
0xd8: {  	s0 =	sld [smem:$0x7F8]  }
0xd9: {  	[sflag:s15] =	ssyncset.done $0x0  }
0xda: {  	s1 =	sld [smem:$0x7F9];
	[sflag:s15] =	ssyncadd.s32 $0xFFFF8000  }
0xdb: {  	[hbm4b:s0+s2] =	stream.linear.scatter [tilespmem:s2], [sflag:$0x4], $0x8000, $0x38;
	[tilespmem:$0x18000] =	vst v63  }
0xdc: {  	s0 =	sld [smem:$0x7FA]  }
0xdd: {  	[hbm4b:s1+s2] =	stream.linear.scatter [tilespmem:s2], [sflag:$0x4], $0x8000, $0x38;
	[tilespmem:$0x18000] =	vst v63  }
0xde: {  	s1 =	sld [smem:$0x7FB]  }
0xdf: {  	[hbm4b:s0+s2] =	stream.linear.scatter [tilespmem:s2], [sflag:$0x4], $0x8000, $0x38;
	[tilespmem:$0x18000] =	vst v63  }
0xe0: {  	s0 =	sld [smem:$0x7FC]  }
0xe1: {  	[hbm4b:s1+s2] =	stream.linear.scatter [tilespmem:s2], [sflag:$0x4], $0x8000, $0x38;
	[tilespmem:$0x18000] =	vst v63  }
0xe2: {  	s1 =	sld [smem:$0x7FD]  }
0xe3: {  	[hbm4b:s0+s2] =	stream.linear.scatter [tilespmem:s2], [sflag:$0x4], $0x8000, $0x38;
	[tilespmem:$0x18000] =	vst v63  }
0xe4: {  	_ = 	snop  }
0xe5: {  	[hbm4b:s1+s2] =	stream.linear.scatter [tilespmem:s2], [sflag:$0x4], $0x8000, $0x38;
	[tilespmem:$0x18000] =	vst v63  }
0xe6: {  	_ =	swait.ge [sflag:s3], $0x8000  }
0xe7: {  	[sflag:s3] =	ssyncset.done $0x0  }
0xe8: {  	[sflag:s3] =	ssyncadd.s32 $0xFFFF8000  }
0xe9: {  	_ =	swait.ge [sflag:s3], $0x8000  }
0xea: {  	[sflag:s3] =	ssyncset.done $0x0  }
0xeb: {  	[sflag:s3] =	ssyncadd.s32 $0xFFFF8000  }
0xec: {  	_ =	swait.ge [sflag:s3], $0x8000  }
0xed: {  	[sflag:s3] =	ssyncset.done $0x0  }
0xee: {  	[sflag:s3] =	ssyncadd.s32 $0xFFFF8000  }
0xef: {  	_ =	swait.ge [sflag:s3], $0x8000  }
0xf0: {  	[sflag:s3] =	ssyncset.done $0x0  }
0xf1: {  	[sflag:s3] =	ssyncadd.s32 $0xFFFF8000  }
0xf2: {  	_ =	swait.ge [sflag:s3], $0x8000  }
0xf3: {  	[sflag:s3] =	ssyncset.done $0x0  }
0xf4: {  	[sflag:s3] =	ssyncadd.s32 $0xFFFF8000  }
0xf5: {  	[tilespmem:s16], [sflag:$0x3] =	stream.linear.gather [hbm4b:s24+s2], $0x8000, $0x38;
	[tilespmem:$0x18000] =	vst v63  }
0xf6: {  	_ =	swait.ge [sflag:s26], $0x8000  }
0xf7: {  	[sflag:s26] =	ssyncset.done $0x0  }
0xf8: {  	[sflag:s26] =	ssyncadd.s32 $0xFFFF8000  }
0xf9: {  	[hbm4b:s18+s2] =	stream.linear.scatter [tilespmem:s25], [sflag:$0x5], $0x8000, $0x38;
	[tilespmem:$0x18000] =	vst v63  }
0xfa: {  	_ = 	snop  }
0xfb: {  	[hbm4b:s19+s2] =	stream.linear.scatter [tilespmem:s25], [sflag:$0x5], $0x8000, $0x38;
	[tilespmem:$0x18000] =	vst v63  }
0xfc: {  	_ = 	snop  }
0xfd: {  	[hbm4b:s20+s2] =	stream.linear.scatter [tilespmem:s25], [sflag:$0x5], $0x8000, $0x38;
	[tilespmem:$0x18000] =	vst v63  }
0xfe: {  	_ = 	snop  }
0xff: {  	[hbm4b:s21+s2] =	stream.linear.scatter [tilespmem:s25], [sflag:$0x5], $0x8000, $0x38;
	[tilespmem:$0x18000] =	vst v63  }
0x100: {  	_ = 	snop  }
0x101: {  	[hbm4b:s22+s2] =	stream.linear.scatter [tilespmem:s25], [sflag:$0x5], $0x8000, $0x38;
	[tilespmem:$0x18000] =	vst v63  }
0x102: {  	_ = 	snop  }
0x103: {  	[hbm4b:s23+s2] =	stream.linear.scatter [tilespmem:s25], [sflag:$0x5], $0x8000, $0x38;
	[tilespmem:$0x18000] =	vst v63  }
0x104: {  	_ =	swait.ge [sflag:s5], $0x8000  }
0x105: {  	[sflag:s5] =	ssyncset.done $0x0  }
0x106: {  	[sflag:s5] =	ssyncadd.s32 $0xFFFF8000  }
0x107: {  	_ =	swait.ge [sflag:s5], $0x8000  }
0x108: {  	[sflag:s5] =	ssyncset.done $0x0  }
0x109: {  	[sflag:s5] =	ssyncadd.s32 $0xFFFF8000  }
0x10a: {  	_ =	swait.ge [sflag:s5], $0x8000  }
0x10b: {  	[sflag:s5] =	ssyncset.done $0x0  }
0x10c: {  	[sflag:s5] =	ssyncadd.s32 $0xFFFF8000  }
0x10d: {  	_ =	swait.ge [sflag:s5], $0x8000  }
0x10e: {  	[sflag:s5] =	ssyncset.done $0x0  }
0x10f: {  	[sflag:s5] =	ssyncadd.s32 $0xFFFF8000  }
0x110: {  	_ =	swait.ge [sflag:s5], $0x8000  }
0x111: {  	[sflag:s5] =	ssyncset.done $0x0  }
0x112: {  	[sflag:s5] =	ssyncadd.s32 $0xFFFF8000  }
0x113: {  	_ =	swait.ge [sflag:s5], $0x8000  }
0x114: {  	[sflag:s5] =	ssyncset.done $0x0  }
0x115: {  	[sflag:s5] =	ssyncadd.s32 $0xFFFF8000  }
0x116: {  	[tilespmem:s2], [sflag:$0x1] =	stream.linear.gather [hbm4b:s14+s2], $0x8000, $0x38;
	[tilespmem:$0x18000] =	vst v63  }
0x117: {  	_ =	swait.ge [sflag:s31], $0x8000  }
0x118: {  	[sflag:s31] =	ssyncset.done $0x0  }
0x119: {  	[sflag:s31] =	ssyncadd.s32 $0xFFFF8000  }
0x11a: {  	[hbm4b:s10+s2] =	stream.linear.scatter [tilespmem:s16], [sflag:$0x6], $0x8000, $0x38;
	[tilespmem:$0x18000] =	vst v63  }
0x11b: {  	_ = 	snop  }
0x11c: {  	[hbm4b:s11+s2] =	stream.linear.scatter [tilespmem:s16], [sflag:$0x6], $0x8000, $0x38;
	[tilespmem:$0x18000] =	vst v63  }
0x11d: {  	_ = 	snop  }
0x11e: {  	[hbm4b:s12+s2] =	stream.linear.scatter [tilespmem:s16], [sflag:$0x6], $0x8000, $0x38;
	[tilespmem:$0x18000] =	vst v63  }
0x11f: {  	_ = 	snop  }
0x120: {  	[hbm4b:s13+s2] =	stream.linear.scatter [tilespmem:s16], [sflag:$0x6], $0x8000, $0x38;
	[tilespmem:$0x18000] =	vst v63  }
0x121: {  	_ =	swait.ge [sflag:s15], $0x8000  }
0x122: {  	[sflag:s15] =	ssyncset.done $0x0  }
0x123: {  	[sflag:s15] =	ssyncadd.s32 $0xFFFF8000  }
0x124: {  	[hbm4b:s6+s2] =	stream.linear.scatter [tilespmem:s2], [sflag:$0x4], $0x8000, $0x38;
	[tilespmem:$0x18000] =	vst v63  }
0x125: {  	_ = 	snop  }
0x126: {  	[hbm4b:s7+s2] =	stream.linear.scatter [tilespmem:s2], [sflag:$0x4], $0x8000, $0x38;
	[tilespmem:$0x18000] =	vst v63  }
0x127: {  	_ = 	snop  }
0x128: {  	[hbm4b:s8+s2] =	stream.linear.scatter [tilespmem:s2], [sflag:$0x4], $0x8000, $0x38;
	[tilespmem:$0x18000] =	vst v63  }
0x129: {  	_ = 	snop  }
0x12a: {  	[hbm4b:s9+s2] =	stream.linear.scatter [tilespmem:s2], [sflag:$0x4], $0x8000, $0x38;
	[tilespmem:$0x18000] =	vst v63  }
0x12b: {  	_ =	swait.ge [sflag:s5], $0x8000  }
0x12c: {  	[sflag:s5] =	ssyncset.done $0x0  }
0x12d: {  	[sflag:s5] =	ssyncadd.s32 $0xFFFF8000  }
0x12e: {  	_ =	swait.ge [sflag:s5], $0x8000  }
0x12f: {  	[sflag:s5] =	ssyncset.done $0x0  }
0x130: {  	[sflag:s5] =	ssyncadd.s32 $0xFFFF8000  }
0x131: {  	_ =	swait.ge [sflag:s5], $0x8000  }
0x132: {  	[sflag:s5] =	ssyncset.done $0x0  }
0x133: {  	[sflag:s5] =	ssyncadd.s32 $0xFFFF8000  }
0x134: {  	_ =	swait.ge [sflag:s5], $0x8000  }
0x135: {  	[sflag:s5] =	ssyncset.done $0x0  }
0x136: {  	[sflag:s5] =	ssyncadd.s32 $0xFFFF8000  }
0x137: {  	_ =	swait.ge [sflag:s4], $0x8000  }
0x138: {  	[sflag:s4] =	ssyncset.done $0x0  }
0x139: {  	[sflag:s4] =	ssyncadd.s32 $0xFFFF8000  }
0x13a: {  	_ =	swait.ge [sflag:s4], $0x8000  }
0x13b: {  	[sflag:s4] =	ssyncset.done $0x0  }
0x13c: {  	[sflag:s4] =	ssyncadd.s32 $0xFFFF8000  }
0x13d: {  	_ =	swait.ge [sflag:s4], $0x8000  }
0x13e: {  	[sflag:s4] =	ssyncset.done $0x0  }
0x13f: {  	[sflag:s4] =	ssyncadd.s32 $0xFFFF8000  }
0x140: {  	_ =	swait.ge [sflag:s4], $0x8000  }
0x141: {  	[sflag:s4] =	ssyncset.done $0x0  }
0x142: {  	[sflag:s4] =	ssyncadd.s32 $0xFFFF8000  }
0x143: {  	_ =	swait.ge [sflag:s4], $0x8000  }
0x144: {  	[sflag:s4] =	ssyncset.done $0x0  }
0x145: {  	[sflag:s4] =	ssyncadd.s32 $0xFFFF8000  }
0x146: {  	_ =	swait.ge [sflag:s4], $0x8000  }
0x147: {  	[sflag:s4] =	ssyncset.done $0x0  }
0x148: {  	[sflag:s4] =	ssyncadd.s32 $0xFFFF8000  }
0x149: {  	_ =	swait.ge [sflag:s3], $0x8000  }
0x14a: {  	[sflag:s3] =	ssyncset.done $0x0  }
0x14b: {  	[sflag:s3] =	ssyncadd.s32 $0xFFFF8000  }
0x14c: {  	_ =	swait.ge [sflag:s3], $0x8000  }
0x14d: {  	[sflag:s3] =	ssyncset.done $0x0  }
0x14e: {  	[sflag:s3] =	ssyncadd.s32 $0xFFFF8000  }
0x14f: {  	_ =	swait.ge [sflag:s3], $0x8000  }
0x150: {  	s1 =	sld [smem:$0x7F1];
	_ =	sdelay $0x2  }
0x151: {  	p1 =	sne.s32 s1, $0x1  }
.Ltmp1:
0x152: {  	_ = 	snop;
	(pc) =	sbr.rel @!p1 .LBB2_2-.Ltmp1, $4  }
0x153: {  	[sflag:s3] =	ssyncset.done $0x0  }
0x154: {  	[sflag:s3] =	ssyncadd.s32 $0xFFFF8000  }
0x155: {  	p0 =	por $0x1, $0x1;
	_ =	swait.ge [sflag:s3], $0x8000  }
0x156: {  	s1 =	sadd.s32 $0xFFFFFFFF, s1;
	[sflag:s3] =	ssyncset.done $0x0;
	[smem:$0x7F2] =	sst s17  }
.LBB2_3:
0x157: {  	[sflag:s3] =	ssyncadd.s32 $0xFFFF8000  }
0x158: {  	[tilespmem:s2], [sflag:$0x1] =	stream.linear.gather [hbm4b:s28+s2], $0x8000, $0x38;
	[tilespmem:$0x18000] =	vst v63  }
0x159: {  	s0 =	rddreg [dreg:$0x3]  }
0x15a: {  	[tilespmem:s25], [sflag:$0x2] =	stream.linear.gather [hbm4b:s0+s2], $0x8000, $0x38;
	[tilespmem:$0x18000] =	vst v63  }
0x15b: {  	_ =	swait.ge [sflag:s15], $0x8000  }
0x15c: {  	[sflag:s15] =	ssyncset.done $0x0  }
0x15d: {  	s17 =	smov.u32 s30;
	s0 =	rddreg [dreg:$0x4];
	[sflag:s15] =	ssyncadd.s32 $0xFFFF8000  }
0x15e: {  	[hbm4b:s30+s2] =	stream.linear.scatter [tilespmem:s2], [sflag:$0x4], $0x8000, $0x38;
	[tilespmem:$0x18000] =	vst v63  }
0x15f: {  	s30 =	smov.u32 s28;
	s28 =	smov.u32 s24;
	s24 =	smov.u32 s23  }
0x160: {  	s23 =	smov.u32 s22;
	s22 =	smov.u32 s21;
	s21 =	smov.u32 s20  }
0x161: {  	s20 =	smov.u32 s19;
	s19 =	smov.u32 s18;
	s18 =	smov.u32 s14  }
0x162: {  	s14 =	smov.u32 s13;
	s13 =	smov.u32 s12;
	s12 =	smov.u32 s11  }
0x163: {  	s11 =	smov.u32 s10;
	s10 =	smov.u32 s9;
	s9 =	smov.u32 s8  }
0x164: {  	[hbm4b:s0+s2] =	stream.linear.scatter [tilespmem:s2], [sflag:$0x4], $0x8000, $0x38;
	[tilespmem:$0x18000] =	vst v63  }
0x165: {  	s8 =	smov.u32 s7;
	s7 =	smov.u32 s6;
	s6 =	rddreg [dreg:$0x5]  }
0x166: {  	[hbm4b:s6+s2] =	stream.linear.scatter [tilespmem:s2], [sflag:$0x4], $0x8000, $0x38;
	[tilespmem:$0x18000] =	vst v63  }
0x167: {  	s0 =	rddreg [dreg:$0x6]  }
0x168: {  	[hbm4b:s0+s2] =	stream.linear.scatter [tilespmem:s2], [sflag:$0x4], $0x8000, $0x38;
	[tilespmem:$0x18000] =	vst v63  }
0x169: {  	s6 =	rddreg [dreg:$0x7]  }
0x16a: {  	[hbm4b:s6+s2] =	stream.linear.scatter [tilespmem:s2], [sflag:$0x4], $0x8000, $0x38;
	[tilespmem:$0x18000] =	vst v63  }
0x16b: {  	s0 =	rddreg [dreg:$0x8]  }
0x16c: {  	[tilespmem:s16], [sflag:$0x3] =	stream.linear.gather [hbm4b:s0+s2], $0x8000, $0x38;
	[tilespmem:$0x18000] =	vst v63  }
0x16d: {  	_ =	swait.ge [sflag:s26], $0x8000  }
0x16e: {  	[sflag:s26] =	ssyncset.done $0x0  }
0x16f: {  	s0 =	rddreg [dreg:$0x9];
	[sflag:s26] =	ssyncadd.s32 $0xFFFF8000  }
0x170: {  	[hbm4b:s0+s2] =	stream.linear.scatter [tilespmem:s25], [sflag:$0x5], $0x8000, $0x38;
	[tilespmem:$0x18000] =	vst v63  }
0x171: {  	s6 =	rddreg [dreg:$0xa]  }
0x172: {  	[hbm4b:s6+s2] =	stream.linear.scatter [tilespmem:s25], [sflag:$0x5], $0x8000, $0x38;
	[tilespmem:$0x18000] =	vst v63  }
0x173: {  	s0 =	rddreg [dreg:$0xb]  }
0x174: {  	[hbm4b:s0+s2] =	stream.linear.scatter [tilespmem:s25], [sflag:$0x5], $0x8000, $0x38;
	[tilespmem:$0x18000] =	vst v63  }
0x175: {  	s6 =	rddreg [dreg:$0xc]  }
0x176: {  	[hbm4b:s6+s2] =	stream.linear.scatter [tilespmem:s25], [sflag:$0x5], $0x8000, $0x38;
	[tilespmem:$0x18000] =	vst v63  }
0x177: {  	s0 =	rddreg [dreg:$0xd]  }
0x178: {  	[hbm4b:s0+s2] =	stream.linear.scatter [tilespmem:s25], [sflag:$0x5], $0x8000, $0x38;
	[tilespmem:$0x18000] =	vst v63  }
0x179: {  	s6 =	rddreg [dreg:$0xe]  }
0x17a: {  	[hbm4b:s6+s2] =	stream.linear.scatter [tilespmem:s25], [sflag:$0x5], $0x8000, $0x38;
	[tilespmem:$0x18000] =	vst v63  }
0x17b: {  	_ =	swait.ge [sflag:s5], $0x8000  }
0x17c: {  	[sflag:s5] =	ssyncset.done $0x0  }
0x17d: {  	[sflag:s5] =	ssyncadd.s32 $0xFFFF8000  }
0x17e: {  	_ =	swait.ge [sflag:s5], $0x8000  }
0x17f: {  	[sflag:s5] =	ssyncset.done $0x0  }
0x180: {  	[sflag:s5] =	ssyncadd.s32 $0xFFFF8000  }
0x181: {  	_ =	swait.ge [sflag:s5], $0x8000  }
0x182: {  	[sflag:s5] =	ssyncset.done $0x0  }
0x183: {  	[sflag:s5] =	ssyncadd.s32 $0xFFFF8000  }
0x184: {  	_ =	swait.ge [sflag:s5], $0x8000  }
0x185: {  	[sflag:s5] =	ssyncset.done $0x0  }
0x186: {  	[sflag:s5] =	ssyncadd.s32 $0xFFFF8000  }
0x187: {  	_ =	swait.ge [sflag:s5], $0x8000  }
0x188: {  	[sflag:s5] =	ssyncset.done $0x0  }
0x189: {  	s6 =	rddreg [dreg:$0xf];
	[sflag:s5] =	ssyncadd.s32 $0xFFFF8000  }
0x18a: {  	[tilespmem:s2], [sflag:$0x1] =	stream.linear.gather [hbm4b:s6+s2], $0x8000, $0x38;
	[tilespmem:$0x18000] =	vst v63  }
0x18b: {  	_ =	swait.ge [sflag:s31], $0x8000  }
0x18c: {  	[sflag:s31] =	ssyncset.done $0x0  }
0x18d: {  	s0 =	rddreg [dreg:$0x10];
	[sflag:s31] =	ssyncadd.s32 $0xFFFF8000  }
0x18e: {  	[hbm4b:s0+s2] =	stream.linear.scatter [tilespmem:s16], [sflag:$0x6], $0x8000, $0x38;
	[tilespmem:$0x18000] =	vst v63  }
0x18f: {  	s6 =	rddreg [dreg:$0x11]  }
0x190: {  	[hbm4b:s6+s2] =	stream.linear.scatter [tilespmem:s16], [sflag:$0x6], $0x8000, $0x38;
	[tilespmem:$0x18000] =	vst v63  }
0x191: {  	s0 =	rddreg [dreg:$0x12]  }
0x192: {  	[hbm4b:s0+s2] =	stream.linear.scatter [tilespmem:s16], [sflag:$0x6], $0x8000, $0x38;
	[tilespmem:$0x18000] =	vst v63  }
0x193: {  	s6 =	rddreg [dreg:$0x13]  }
0x194: {  	[hbm4b:s6+s2] =	stream.linear.scatter [tilespmem:s16], [sflag:$0x6], $0x8000, $0x38;
	[tilespmem:$0x18000] =	vst v63  }
0x195: {  	s0 =	rddreg [dreg:$0x14]  }
0x196: {  	[hbm4b:s0+s2] =	stream.linear.scatter [tilespmem:s16], [sflag:$0x6], $0x8000, $0x38;
	[tilespmem:$0x18000] =	vst v63  }
0x197: {  	s6 =	rddreg [dreg:$0x15]  }
0x198: {  	[hbm4b:s6+s2] =	stream.linear.scatter [tilespmem:s16], [sflag:$0x6], $0x8000, $0x38;
	[tilespmem:$0x18000] =	vst v63  }
0x199: {  	_ =	swait.ge [sflag:s4], $0x8000  }
0x19a: {  	[sflag:s4] =	ssyncset.done $0x0  }
0x19b: {  	[sflag:s4] =	ssyncadd.s32 $0xFFFF8000  }
0x19c: {  	_ =	swait.ge [sflag:s4], $0x8000  }
0x19d: {  	[sflag:s4] =	ssyncset.done $0x0  }
0x19e: {  	[sflag:s4] =	ssyncadd.s32 $0xFFFF8000  }
0x19f: {  	_ =	swait.ge [sflag:s4], $0x8000  }
0x1a0: {  	[sflag:s4] =	ssyncset.done $0x0  }
0x1a1: {  	[sflag:s4] =	ssyncadd.s32 $0xFFFF8000  }
0x1a2: {  	_ =	swait.ge [sflag:s4], $0x8000  }
0x1a3: {  	[sflag:s4] =	ssyncset.done $0x0  }
0x1a4: {  	[sflag:s4] =	ssyncadd.s32 $0xFFFF8000  }
0x1a5: {  	_ =	swait.ge [sflag:s4], $0x8000  }
0x1a6: {  	[sflag:s4] =	ssyncset.done $0x0  }
0x1a7: {  	[sflag:s4] =	ssyncadd.s32 $0xFFFF8000  }
0x1a8: {  	_ =	swait.ge [sflag:s4], $0x8000  }
0x1a9: {  	[sflag:s4] =	ssyncset.done $0x0  }
0x1aa: {  	s6 =	rddreg [dreg:$0x16];
	[sflag:s4] =	ssyncadd.s32 $0xFFFF8000  }
0x1ab: {  	[tilespmem:s25], [sflag:$0x2] =	stream.linear.gather [hbm4b:s6+s2], $0x8000, $0x38;
	[tilespmem:$0x18000] =	vst v63  }
0x1ac: {  	_ =	swait.ge [sflag:s15], $0x8000  }
0x1ad: {  	[sflag:s15] =	ssyncset.done $0x0  }
0x1ae: {  	s0 =	rddreg [dreg:$0x17];
	[sflag:s15] =	ssyncadd.s32 $0xFFFF8000  }
0x1af: {  	[hbm4b:s0+s2] =	stream.linear.scatter [tilespmem:s2], [sflag:$0x4], $0x8000, $0x38;
	[tilespmem:$0x18000] =	vst v63  }
0x1b0: {  	s6 =	rddreg [dreg:$0x18]  }
0x1b1: {  	[hbm4b:s6+s2] =	stream.linear.scatter [tilespmem:s2], [sflag:$0x4], $0x8000, $0x38;
	[tilespmem:$0x18000] =	vst v63  }
0x1b2: {  	s0 =	rddreg [dreg:$0x19]  }
0x1b3: {  	[hbm4b:s0+s2] =	stream.linear.scatter [tilespmem:s2], [sflag:$0x4], $0x8000, $0x38;
	[tilespmem:$0x18000] =	vst v63  }
0x1b4: {  	s6 =	rddreg [dreg:$0x1a]  }
0x1b5: {  	[hbm4b:s6+s2] =	stream.linear.scatter [tilespmem:s2], [sflag:$0x4], $0x8000, $0x38;
	[tilespmem:$0x18000] =	vst v63  }
0x1b6: {  	_ =	swait.ge [sflag:s3], $0x8000  }
0x1b7: {  	[sflag:s3] =	ssyncset.done $0x0  }
0x1b8: {  	[sflag:s3] =	ssyncadd.s32 $0xFFFF8000  }
0x1b9: {  	_ =	swait.ge [sflag:s3], $0x8000  }
0x1ba: {  	[sflag:s3] =	ssyncset.done $0x0  }
0x1bb: {  	[sflag:s3] =	ssyncadd.s32 $0xFFFF8000  }
0x1bc: {  	_ =	swait.ge [sflag:s3], $0x8000  }
0x1bd: {  	[sflag:s3] =	ssyncset.done $0x0  }
0x1be: {  	[sflag:s3] =	ssyncadd.s32 $0xFFFF8000  }
0x1bf: {  	_ =	swait.ge [sflag:s3], $0x8000  }
0x1c0: {  	[sflag:s3] =	ssyncset.done $0x0  }
0x1c1: {  	[sflag:s3] =	ssyncadd.s32 $0xFFFF8000  }
0x1c2: {  	_ =	swait.ge [sflag:s3], $0x8000  }
0x1c3: {  	[sflag:s3] =	ssyncset.done $0x0  }
0x1c4: {  	[sflag:s3] =	ssyncadd.s32 $0xFFFF8000  }
0x1c5: {  	_ =	swait.ge [sflag:s3], $0x8000  }
0x1c6: {  	s6 =	sld [smem:$0x7F2]  }
0x1c7: {  	[sflag:s3] =	ssyncset.done $0x0  }
0x1c8: {  	[sflag:s3] =	ssyncadd.s32 $0xFFFF8000  }
0x1c9: {  	[tilespmem:s16], [sflag:$0x3] =	stream.linear.gather [hbm4b:s6+s2], $0x8000, $0x38;
	[tilespmem:$0x18000] =	vst v63  }
0x1ca: {  	_ =	swait.ge [sflag:s26], $0x8000  }
0x1cb: {  	[sflag:s26] =	ssyncset.done $0x0  }
0x1cc: {  	s0 =	rddreg [dreg:$0x1b];
	[sflag:s26] =	ssyncadd.s32 $0xFFFF8000  }
0x1cd: {  	[hbm4b:s0+s2] =	stream.linear.scatter [tilespmem:s25], [sflag:$0x5], $0x8000, $0x38;
	[tilespmem:$0x18000] =	vst v63  }
0x1ce: {  	s6 =	rddreg [dreg:$0x1c]  }
0x1cf: {  	[hbm4b:s6+s2] =	stream.linear.scatter [tilespmem:s25], [sflag:$0x5], $0x8000, $0x38;
	[tilespmem:$0x18000] =	vst v63  }
0x1d0: {  	s0 =	rddreg [dreg:$0x1d]  }
0x1d1: {  	[hbm4b:s0+s2] =	stream.linear.scatter [tilespmem:s25], [sflag:$0x5], $0x8000, $0x38;
	[tilespmem:$0x18000] =	vst v63  }
0x1d2: {  	s6 =	rddreg [dreg:$0x1e]  }
0x1d3: {  	[hbm4b:s6+s2] =	stream.linear.scatter [tilespmem:s25], [sflag:$0x5], $0x8000, $0x38;
	[tilespmem:$0x18000] =	vst v63  }
0x1d4: {  	_ =	swait.ge [sflag:s5], $0x8000  }
0x1d5: {  	[sflag:s5] =	ssyncset.done $0x0  }
0x1d6: {  	[sflag:s5] =	ssyncadd.s32 $0xFFFF8000  }
0x1d7: {  	_ =	swait.ge [sflag:s5], $0x8000  }
0x1d8: {  	[sflag:s5] =	ssyncset.done $0x0  }
0x1d9: {  	[sflag:s5] =	ssyncadd.s32 $0xFFFF8000  }
0x1da: {  	_ =	swait.ge [sflag:s5], $0x8000  }
0x1db: {  	[sflag:s5] =	ssyncset.done $0x0  }
0x1dc: {  	[sflag:s5] =	ssyncadd.s32 $0xFFFF8000  }
0x1dd: {  	_ =	swait.ge [sflag:s5], $0x8000  }
0x1de: {  	[sflag:s5] =	ssyncset.done $0x0  }
0x1df: {  	s6 =	rddreg [dreg:$0x1f];
	[sflag:s5] =	ssyncadd.s32 $0xFFFF8000  }
0x1e0: {  	[tilespmem:s2], [sflag:$0x1] =	stream.linear.gather [hbm4b:s6+s2], $0x8000, $0x38;
	[tilespmem:$0x18000] =	vst v63  }
0x1e1: {  	_ =	swait.ge [sflag:s31], $0x8000  }
0x1e2: {  	[sflag:s31] =	ssyncset.done $0x0  }
0x1e3: {  	s0 =	sld [smem:$0x7F3];
	[sflag:s31] =	ssyncadd.s32 $0xFFFF8000  }
0x1e4: {  	[hbm4b:s29+s2] =	stream.linear.scatter [tilespmem:s16], [sflag:$0x6], $0x8000, $0x38;
	[tilespmem:$0x18000] =	vst v63  }
0x1e5: {  	s6 =	sld [smem:$0x7F4]  }
0x1e6: {  	[hbm4b:s0+s2] =	stream.linear.scatter [tilespmem:s16], [sflag:$0x6], $0x8000, $0x38;
	[tilespmem:$0x18000] =	vst v63  }
0x1e7: {  	s0 =	sld [smem:$0x7F5]  }
0x1e8: {  	[hbm4b:s6+s2] =	stream.linear.scatter [tilespmem:s16], [sflag:$0x6], $0x8000, $0x38;
	[tilespmem:$0x18000] =	vst v63  }
0x1e9: {  	s6 =	sld [smem:$0x7F6]  }
0x1ea: {  	[hbm4b:s0+s2] =	stream.linear.scatter [tilespmem:s16], [sflag:$0x6], $0x8000, $0x38;
	[tilespmem:$0x18000] =	vst v63  }
0x1eb: {  	_ = 	snop  }
0x1ec: {  	[hbm4b:s6+s2] =	stream.linear.scatter [tilespmem:s16], [sflag:$0x6], $0x8000, $0x38;
	[tilespmem:$0x18000] =	vst v63  }
0x1ed: {  	_ =	swait.ge [sflag:s4], $0x8000  }
0x1ee: {  	[sflag:s4] =	ssyncset.done $0x0  }
0x1ef: {  	[sflag:s4] =	ssyncadd.s32 $0xFFFF8000  }
0x1f0: {  	_ =	swait.ge [sflag:s4], $0x8000  }
0x1f1: {  	[sflag:s4] =	ssyncset.done $0x0  }
0x1f2: {  	[sflag:s4] =	ssyncadd.s32 $0xFFFF8000  }
0x1f3: {  	_ =	swait.ge [sflag:s4], $0x8000  }
0x1f4: {  	[sflag:s4] =	ssyncset.done $0x0  }
0x1f5: {  	[sflag:s4] =	ssyncadd.s32 $0xFFFF8000  }
0x1f6: {  	_ =	swait.ge [sflag:s4], $0x8000  }
0x1f7: {  	s6 =	sld [smem:$0x7F7]  }
0x1f8: {  	[sflag:s4] =	ssyncset.done $0x0  }
0x1f9: {  	[sflag:s4] =	ssyncadd.s32 $0xFFFF8000  }
0x1fa: {  	[tilespmem:s25], [sflag:$0x2] =	stream.linear.gather [hbm4b:s6+s2], $0x8000, $0x38;
	[tilespmem:$0x18000] =	vst v63  }
0x1fb: {  	_ =	swait.ge [sflag:s15], $0x8000  }
0x1fc: {  	s0 =	sld [smem:$0x7F8]  }
0x1fd: {  	[sflag:s15] =	ssyncset.done $0x0  }
0x1fe: {  	s6 =	sld [smem:$0x7F9];
	[sflag:s15] =	ssyncadd.s32 $0xFFFF8000  }
0x1ff: {  	[hbm4b:s0+s2] =	stream.linear.scatter [tilespmem:s2], [sflag:$0x4], $0x8000, $0x38;
	[tilespmem:$0x18000] =	vst v63  }
0x200: {  	s0 =	sld [smem:$0x7FA]  }
0x201: {  	[hbm4b:s6+s2] =	stream.linear.scatter [tilespmem:s2], [sflag:$0x4], $0x8000, $0x38;
	[tilespmem:$0x18000] =	vst v63  }
0x202: {  	s6 =	sld [smem:$0x7FB]  }
0x203: {  	[hbm4b:s0+s2] =	stream.linear.scatter [tilespmem:s2], [sflag:$0x4], $0x8000, $0x38;
	[tilespmem:$0x18000] =	vst v63  }
0x204: {  	s0 =	sld [smem:$0x7FC]  }
0x205: {  	[hbm4b:s6+s2] =	stream.linear.scatter [tilespmem:s2], [sflag:$0x4], $0x8000, $0x38;
	[tilespmem:$0x18000] =	vst v63  }
0x206: {  	s6 =	sld [smem:$0x7FD]  }
0x207: {  	[hbm4b:s0+s2] =	stream.linear.scatter [tilespmem:s2], [sflag:$0x4], $0x8000, $0x38;
	[tilespmem:$0x18000] =	vst v63  }
0x208: {  	_ = 	snop  }
0x209: {  	[hbm4b:s6+s2] =	stream.linear.scatter [tilespmem:s2], [sflag:$0x4], $0x8000, $0x38;
	[tilespmem:$0x18000] =	vst v63  }
0x20a: {  	_ =	swait.ge [sflag:s3], $0x8000  }
0x20b: {  	[sflag:s3] =	ssyncset.done $0x0  }
0x20c: {  	[sflag:s3] =	ssyncadd.s32 $0xFFFF8000  }
0x20d: {  	_ =	swait.ge [sflag:s3], $0x8000  }
0x20e: {  	[sflag:s3] =	ssyncset.done $0x0  }
0x20f: {  	[sflag:s3] =	ssyncadd.s32 $0xFFFF8000  }
0x210: {  	_ =	swait.ge [sflag:s3], $0x8000  }
0x211: {  	s6 =	smov.u32 s7;
	s7 =	smov.u32 s8;
	[sflag:s3] =	ssyncset.done $0x0  }
0x212: {  	s8 =	smov.u32 s9;
	s9 =	smov.u32 s10;
	[sflag:s3] =	ssyncadd.s32 $0xFFFF8000  }
0x213: {  	s10 =	smov.u32 s11;
	s11 =	smov.u32 s12;
	_ =	swait.ge [sflag:s3], $0x8000  }
0x214: {  	s12 =	smov.u32 s13;
	s13 =	smov.u32 s14;
	[sflag:s3] =	ssyncset.done $0x0  }
0x215: {  	s14 =	smov.u32 s18;
	s18 =	smov.u32 s19;
	[sflag:s3] =	ssyncadd.s32 $0xFFFF8000  }
0x216: {  	s19 =	smov.u32 s20;
	s20 =	smov.u32 s21;
	_ =	swait.ge [sflag:s3], $0x8000  }
0x217: {  	s21 =	smov.u32 s22;
	s22 =	smov.u32 s23;
	[sflag:s3] =	ssyncset.done $0x0  }
0x218: {  	s23 =	smov.u32 s24;
	s24 =	smov.u32 s28;
	[sflag:s3] =	ssyncadd.s32 $0xFFFF8000  }
0x219: {  	[tilespmem:s16], [sflag:$0x3] =	stream.linear.gather [hbm4b:s24+s2], $0x8000, $0x38;
	[tilespmem:$0x18000] =	vst v63  }
0x21a: {  	_ =	swait.ge [sflag:s26], $0x8000  }
0x21b: {  	[sflag:s26] =	ssyncset.done $0x0  }
0x21c: {  	[sflag:s26] =	ssyncadd.s32 $0xFFFF8000  }
0x21d: {  	[hbm4b:s18+s2] =	stream.linear.scatter [tilespmem:s25], [sflag:$0x5], $0x8000, $0x38;
	[tilespmem:$0x18000] =	vst v63  }
0x21e: {  	_ = 	snop  }
0x21f: {  	[hbm4b:s19+s2] =	stream.linear.scatter [tilespmem:s25], [sflag:$0x5], $0x8000, $0x38;
	[tilespmem:$0x18000] =	vst v63  }
0x220: {  	_ = 	snop  }
0x221: {  	[hbm4b:s20+s2] =	stream.linear.scatter [tilespmem:s25], [sflag:$0x5], $0x8000, $0x38;
	[tilespmem:$0x18000] =	vst v63  }
0x222: {  	_ = 	snop  }
0x223: {  	[hbm4b:s21+s2] =	stream.linear.scatter [tilespmem:s25], [sflag:$0x5], $0x8000, $0x38;
	[tilespmem:$0x18000] =	vst v63  }
0x224: {  	_ = 	snop  }
0x225: {  	[hbm4b:s22+s2] =	stream.linear.scatter [tilespmem:s25], [sflag:$0x5], $0x8000, $0x38;
	[tilespmem:$0x18000] =	vst v63  }
0x226: {  	_ = 	snop  }
0x227: {  	[hbm4b:s23+s2] =	stream.linear.scatter [tilespmem:s25], [sflag:$0x5], $0x8000, $0x38;
	[tilespmem:$0x18000] =	vst v63  }
0x228: {  	_ =	swait.ge [sflag:s5], $0x8000  }
0x229: {  	[sflag:s5] =	ssyncset.done $0x0  }
0x22a: {  	[sflag:s5] =	ssyncadd.s32 $0xFFFF8000  }
0x22b: {  	_ =	swait.ge [sflag:s5], $0x8000  }
0x22c: {  	[sflag:s5] =	ssyncset.done $0x0  }
0x22d: {  	[sflag:s5] =	ssyncadd.s32 $0xFFFF8000  }
0x22e: {  	_ =	swait.ge [sflag:s5], $0x8000  }
0x22f: {  	[sflag:s5] =	ssyncset.done $0x0  }
0x230: {  	[sflag:s5] =	ssyncadd.s32 $0xFFFF8000  }
0x231: {  	_ =	swait.ge [sflag:s5], $0x8000  }
0x232: {  	[sflag:s5] =	ssyncset.done $0x0  }
0x233: {  	[sflag:s5] =	ssyncadd.s32 $0xFFFF8000  }
0x234: {  	_ =	swait.ge [sflag:s5], $0x8000  }
0x235: {  	[sflag:s5] =	ssyncset.done $0x0  }
0x236: {  	[sflag:s5] =	ssyncadd.s32 $0xFFFF8000  }
0x237: {  	_ =	swait.ge [sflag:s5], $0x8000  }
0x238: {  	[sflag:s5] =	ssyncset.done $0x0  }
0x239: {  	[sflag:s5] =	ssyncadd.s32 $0xFFFF8000  }
0x23a: {  	[tilespmem:s2], [sflag:$0x1] =	stream.linear.gather [hbm4b:s14+s2], $0x8000, $0x38;
	[tilespmem:$0x18000] =	vst v63  }
0x23b: {  	_ =	swait.ge [sflag:s31], $0x8000  }
0x23c: {  	[sflag:s31] =	ssyncset.done $0x0  }
0x23d: {  	[sflag:s31] =	ssyncadd.s32 $0xFFFF8000  }
0x23e: {  	[hbm4b:s10+s2] =	stream.linear.scatter [tilespmem:s16], [sflag:$0x6], $0x8000, $0x38;
	[tilespmem:$0x18000] =	vst v63  }
0x23f: {  	_ = 	snop  }
0x240: {  	[hbm4b:s11+s2] =	stream.linear.scatter [tilespmem:s16], [sflag:$0x6], $0x8000, $0x38;
	[tilespmem:$0x18000] =	vst v63  }
0x241: {  	_ = 	snop  }
0x242: {  	[hbm4b:s12+s2] =	stream.linear.scatter [tilespmem:s16], [sflag:$0x6], $0x8000, $0x38;
	[tilespmem:$0x18000] =	vst v63  }
0x243: {  	_ = 	snop  }
0x244: {  	[hbm4b:s13+s2] =	stream.linear.scatter [tilespmem:s16], [sflag:$0x6], $0x8000, $0x38;
	[tilespmem:$0x18000] =	vst v63  }
0x245: {  	_ =	swait.ge [sflag:s15], $0x8000  }
0x246: {  	[sflag:s15] =	ssyncset.done $0x0  }
0x247: {  	[sflag:s15] =	ssyncadd.s32 $0xFFFF8000  }
0x248: {  	[hbm4b:s6+s2] =	stream.linear.scatter [tilespmem:s2], [sflag:$0x4], $0x8000, $0x38;
	[tilespmem:$0x18000] =	vst v63  }
0x249: {  	_ = 	snop  }
0x24a: {  	[hbm4b:s7+s2] =	stream.linear.scatter [tilespmem:s2], [sflag:$0x4], $0x8000, $0x38;
	[tilespmem:$0x18000] =	vst v63  }
0x24b: {  	_ = 	snop  }
0x24c: {  	[hbm4b:s8+s2] =	stream.linear.scatter [tilespmem:s2], [sflag:$0x4], $0x8000, $0x38;
	[tilespmem:$0x18000] =	vst v63  }
0x24d: {  	_ = 	snop  }
0x24e: {  	[hbm4b:s9+s2] =	stream.linear.scatter [tilespmem:s2], [sflag:$0x4], $0x8000, $0x38;
	[tilespmem:$0x18000] =	vst v63  }
0x24f: {  	_ =	swait.ge [sflag:s5], $0x8000  }
0x250: {  	[sflag:s5] =	ssyncset.done $0x0  }
0x251: {  	[sflag:s5] =	ssyncadd.s32 $0xFFFF8000  }
0x252: {  	_ =	swait.ge [sflag:s5], $0x8000  }
0x253: {  	[sflag:s5] =	ssyncset.done $0x0  }
0x254: {  	[sflag:s5] =	ssyncadd.s32 $0xFFFF8000  }
0x255: {  	_ =	swait.ge [sflag:s5], $0x8000  }
0x256: {  	[sflag:s5] =	ssyncset.done $0x0  }
0x257: {  	[sflag:s5] =	ssyncadd.s32 $0xFFFF8000  }
0x258: {  	_ =	swait.ge [sflag:s5], $0x8000  }
0x259: {  	[sflag:s5] =	ssyncset.done $0x0  }
0x25a: {  	[sflag:s5] =	ssyncadd.s32 $0xFFFF8000  }
0x25b: {  	_ =	swait.ge [sflag:s4], $0x8000  }
0x25c: {  	[sflag:s4] =	ssyncset.done $0x0  }
0x25d: {  	[sflag:s4] =	ssyncadd.s32 $0xFFFF8000  }
0x25e: {  	_ =	swait.ge [sflag:s4], $0x8000  }
0x25f: {  	[sflag:s4] =	ssyncset.done $0x0  }
0x260: {  	[sflag:s4] =	ssyncadd.s32 $0xFFFF8000  }
0x261: {  	_ =	swait.ge [sflag:s4], $0x8000  }
0x262: {  	[sflag:s4] =	ssyncset.done $0x0  }
0x263: {  	[sflag:s4] =	ssyncadd.s32 $0xFFFF8000  }
0x264: {  	_ =	swait.ge [sflag:s4], $0x8000  }
0x265: {  	[sflag:s4] =	ssyncset.done $0x0  }
0x266: {  	[sflag:s4] =	ssyncadd.s32 $0xFFFF8000  }
0x267: {  	_ =	swait.ge [sflag:s4], $0x8000  }
0x268: {  	[sflag:s4] =	ssyncset.done $0x0  }
0x269: {  	[sflag:s4] =	ssyncadd.s32 $0xFFFF8000  }
0x26a: {  	_ =	swait.ge [sflag:s4], $0x8000  }
0x26b: {  	[sflag:s4] =	ssyncset.done $0x0  }
0x26c: {  	[sflag:s4] =	ssyncadd.s32 $0xFFFF8000  }
0x26d: {  	_ =	swait.ge [sflag:s3], $0x8000  }
0x26e: {  	[sflag:s3] =	ssyncset.done $0x0  }
0x26f: {  	[sflag:s3] =	ssyncadd.s32 $0xFFFF8000  }
0x270: {  	_ =	swait.ge [sflag:s3], $0x8000  }
0x271: {  	[sflag:s3] =	ssyncset.done $0x0  }
0x272: {  	p1 =	sne.s32 s1, $0x1;
	[sflag:s3] =	ssyncadd.s32 $0xFFFF8000  }
.Ltmp2:
0x273: {  	_ =	swait.ge [sflag:s3], $0x8000;
	(pc) =	sbr.rel @p1 .LBB2_3-.Ltmp2, $4  }
0x274: {  	[sflag:s3] =	ssyncset.done $0x0  }
0x275: {  	[sflag:s3] =	ssyncadd.s32 $0xFFFF8000  }
0x276: {  	s1 =	sadd.s32 $0xFFFFFFFF, s1;
	_ =	swait.ge [sflag:s3], $0x8000  }
0x277: {  	s28 =	smov.u32 s30;
	s30 =	smov.u32 s17;
	[sflag:s3] =	ssyncset.done $0x0  }
0x278: {  	s17 =	sld [smem:$0x7F2]  }
.LBB2_5:
0x279: {  	[sflag:s3] =	ssyncadd.s32 @p0 $0xFFFF8000  }
0x27a: {  	[tilespmem:s2], [sflag:$0x1] =	stream.linear.gather [hbm4b:s28+s2], $0x8000, $0x38;
	[tilespmem:$0x18000] =	vst v63  }
0x27b: {  	s0 =	rddreg [dreg:$0x3]  }
0x27c: {  	[tilespmem:s25], [sflag:$0x2] =	stream.linear.gather [hbm4b:s0+s2], $0x8000, $0x38;
	[tilespmem:$0x18000] =	vst v63  }
0x27d: {  	_ =	swait.ge [sflag:s15], $0x8000  }
0x27e: {  	[sflag:s15] =	ssyncset.done $0x0  }
0x27f: {  	[sflag:s15] =	ssyncadd.s32 $0xFFFF8000  }
0x280: {  	[hbm4b:s30+s2] =	stream.linear.scatter [tilespmem:s2], [sflag:$0x4], $0x8000, $0x38;
	[tilespmem:$0x18000] =	vst v63  }
0x281: {  	s28 =	rddreg [dreg:$0x4]  }
0x282: {  	[hbm4b:s28+s2] =	stream.linear.scatter [tilespmem:s2], [sflag:$0x4], $0x8000, $0x38;
	[tilespmem:$0x18000] =	vst v63  }
0x283: {  	s1 =	rddreg [dreg:$0x5]  }
0x284: {  	[hbm4b:s1+s2] =	stream.linear.scatter [tilespmem:s2], [sflag:$0x4], $0x8000, $0x38;
	[tilespmem:$0x18000] =	vst v63  }
0x285: {  	s30 =	rddreg [dreg:$0x6]  }
0x286: {  	[hbm4b:s30+s2] =	stream.linear.scatter [tilespmem:s2], [sflag:$0x4], $0x8000, $0x38;
	[tilespmem:$0x18000] =	vst v63  }
0x287: {  	s28 =	rddreg [dreg:$0x7]  }
0x288: {  	[hbm4b:s28+s2] =	stream.linear.scatter [tilespmem:s2], [sflag:$0x4], $0x8000, $0x38;
	[tilespmem:$0x18000] =	vst v63  }
0x289: {  	s30 =	rddreg [dreg:$0x8]  }
0x28a: {  	[tilespmem:s16], [sflag:$0x3] =	stream.linear.gather [hbm4b:s30+s2], $0x8000, $0x38;
	[tilespmem:$0x18000] =	vst v63  }
0x28b: {  	_ =	swait.ge [sflag:s26], $0x8000  }
0x28c: {  	[sflag:s26] =	ssyncset.done $0x0  }
0x28d: {  	s28 =	rddreg [dreg:$0x9];
	[sflag:s26] =	ssyncadd.s32 $0xFFFF8000  }
0x28e: {  	[hbm4b:s28+s2] =	stream.linear.scatter [tilespmem:s25], [sflag:$0x5], $0x8000, $0x38;
	[tilespmem:$0x18000] =	vst v63  }
0x28f: {  	s30 =	rddreg [dreg:$0xa]  }
0x290: {  	[hbm4b:s30+s2] =	stream.linear.scatter [tilespmem:s25], [sflag:$0x5], $0x8000, $0x38;
	[tilespmem:$0x18000] =	vst v63  }
0x291: {  	s28 =	rddreg [dreg:$0xb]  }
0x292: {  	[hbm4b:s28+s2] =	stream.linear.scatter [tilespmem:s25], [sflag:$0x5], $0x8000, $0x38;
	[tilespmem:$0x18000] =	vst v63  }
0x293: {  	s30 =	rddreg [dreg:$0xc]  }
0x294: {  	[hbm4b:s30+s2] =	stream.linear.scatter [tilespmem:s25], [sflag:$0x5], $0x8000, $0x38;
	[tilespmem:$0x18000] =	vst v63  }
0x295: {  	s28 =	rddreg [dreg:$0xd]  }
0x296: {  	[hbm4b:s28+s2] =	stream.linear.scatter [tilespmem:s25], [sflag:$0x5], $0x8000, $0x38;
	[tilespmem:$0x18000] =	vst v63  }
0x297: {  	s30 =	rddreg [dreg:$0xe]  }
0x298: {  	[hbm4b:s30+s2] =	stream.linear.scatter [tilespmem:s25], [sflag:$0x5], $0x8000, $0x38;
	[tilespmem:$0x18000] =	vst v63  }
0x299: {  	_ =	swait.ge [sflag:s5], $0x8000  }
0x29a: {  	[sflag:s5] =	ssyncset.done $0x0  }
0x29b: {  	[sflag:s5] =	ssyncadd.s32 $0xFFFF8000  }
0x29c: {  	_ =	swait.ge [sflag:s5], $0x8000  }
0x29d: {  	[sflag:s5] =	ssyncset.done $0x0  }
0x29e: {  	[sflag:s5] =	ssyncadd.s32 $0xFFFF8000  }
0x29f: {  	_ =	swait.ge [sflag:s5], $0x8000  }
0x2a0: {  	[sflag:s5] =	ssyncset.done $0x0  }
0x2a1: {  	[sflag:s5] =	ssyncadd.s32 $0xFFFF8000  }
0x2a2: {  	_ =	swait.ge [sflag:s5], $0x8000  }
0x2a3: {  	[sflag:s5] =	ssyncset.done $0x0  }
0x2a4: {  	[sflag:s5] =	ssyncadd.s32 $0xFFFF8000  }
0x2a5: {  	_ =	swait.ge [sflag:s5], $0x8000  }
0x2a6: {  	[sflag:s5] =	ssyncset.done $0x0  }
0x2a7: {  	s1 =	rddreg [dreg:$0xf];
	[sflag:s5] =	ssyncadd.s32 $0xFFFF8000  }
0x2a8: {  	[tilespmem:s2], [sflag:$0x1] =	stream.linear.gather [hbm4b:s1+s2], $0x8000, $0x38;
	[tilespmem:$0x18000] =	vst v63  }
0x2a9: {  	_ =	swait.ge [sflag:s31], $0x8000  }
0x2aa: {  	[sflag:s31] =	ssyncset.done $0x0  }
0x2ab: {  	s28 =	rddreg [dreg:$0x10];
	[sflag:s31] =	ssyncadd.s32 $0xFFFF8000  }
0x2ac: {  	[hbm4b:s28+s2] =	stream.linear.scatter [tilespmem:s16], [sflag:$0x6], $0x8000, $0x38;
	[tilespmem:$0x18000] =	vst v63  }
0x2ad: {  	s30 =	rddreg [dreg:$0x11]  }
0x2ae: {  	[hbm4b:s30+s2] =	stream.linear.scatter [tilespmem:s16], [sflag:$0x6], $0x8000, $0x38;
	[tilespmem:$0x18000] =	vst v63  }
0x2af: {  	s28 =	rddreg [dreg:$0x12]  }
0x2b0: {  	[hbm4b:s28+s2] =	stream.linear.scatter [tilespmem:s16], [sflag:$0x6], $0x8000, $0x38;
	[tilespmem:$0x18000] =	vst v63  }
0x2b1: {  	s30 =	rddreg [dreg:$0x13]  }
0x2b2: {  	[hbm4b:s30+s2] =	stream.linear.scatter [tilespmem:s16], [sflag:$0x6], $0x8000, $0x38;
	[tilespmem:$0x18000] =	vst v63  }
0x2b3: {  	s28 =	rddreg [dreg:$0x14]  }
0x2b4: {  	[hbm4b:s28+s2] =	stream.linear.scatter [tilespmem:s16], [sflag:$0x6], $0x8000, $0x38;
	[tilespmem:$0x18000] =	vst v63  }
0x2b5: {  	s30 =	rddreg [dreg:$0x15]  }
0x2b6: {  	[hbm4b:s30+s2] =	stream.linear.scatter [tilespmem:s16], [sflag:$0x6], $0x8000, $0x38;
	[tilespmem:$0x18000] =	vst v63  }
0x2b7: {  	_ =	swait.ge [sflag:s4], $0x8000  }
0x2b8: {  	[sflag:s4] =	ssyncset.done $0x0  }
0x2b9: {  	[sflag:s4] =	ssyncadd.s32 $0xFFFF8000  }
0x2ba: {  	_ =	swait.ge [sflag:s4], $0x8000  }
0x2bb: {  	[sflag:s4] =	ssyncset.done $0x0  }
0x2bc: {  	[sflag:s4] =	ssyncadd.s32 $0xFFFF8000  }
0x2bd: {  	_ =	swait.ge [sflag:s4], $0x8000  }
0x2be: {  	[sflag:s4] =	ssyncset.done $0x0  }
0x2bf: {  	[sflag:s4] =	ssyncadd.s32 $0xFFFF8000  }
0x2c0: {  	_ =	swait.ge [sflag:s4], $0x8000  }
0x2c1: {  	[sflag:s4] =	ssyncset.done $0x0  }
0x2c2: {  	[sflag:s4] =	ssyncadd.s32 $0xFFFF8000  }
0x2c3: {  	_ =	swait.ge [sflag:s4], $0x8000  }
0x2c4: {  	[sflag:s4] =	ssyncset.done $0x0  }
0x2c5: {  	[sflag:s4] =	ssyncadd.s32 $0xFFFF8000  }
0x2c6: {  	_ =	swait.ge [sflag:s4], $0x8000  }
0x2c7: {  	[sflag:s4] =	ssyncset.done $0x0  }
0x2c8: {  	s1 =	rddreg [dreg:$0x16];
	[sflag:s4] =	ssyncadd.s32 $0xFFFF8000  }
0x2c9: {  	[tilespmem:s25], [sflag:$0x2] =	stream.linear.gather [hbm4b:s1+s2], $0x8000, $0x38;
	[tilespmem:$0x18000] =	vst v63  }
0x2ca: {  	_ =	swait.ge [sflag:s15], $0x8000  }
0x2cb: {  	[sflag:s15] =	ssyncset.done $0x0  }
0x2cc: {  	s28 =	rddreg [dreg:$0x17];
	[sflag:s15] =	ssyncadd.s32 $0xFFFF8000  }
0x2cd: {  	[hbm4b:s28+s2] =	stream.linear.scatter [tilespmem:s2], [sflag:$0x4], $0x8000, $0x38;
	[tilespmem:$0x18000] =	vst v63  }
0x2ce: {  	s30 =	rddreg [dreg:$0x18]  }
0x2cf: {  	[hbm4b:s30+s2] =	stream.linear.scatter [tilespmem:s2], [sflag:$0x4], $0x8000, $0x38;
	[tilespmem:$0x18000] =	vst v63  }
0x2d0: {  	s28 =	rddreg [dreg:$0x19]  }
0x2d1: {  	[hbm4b:s28+s2] =	stream.linear.scatter [tilespmem:s2], [sflag:$0x4], $0x8000, $0x38;
	[tilespmem:$0x18000] =	vst v63  }
0x2d2: {  	s30 =	rddreg [dreg:$0x1a]  }
0x2d3: {  	[hbm4b:s30+s2] =	stream.linear.scatter [tilespmem:s2], [sflag:$0x4], $0x8000, $0x38;
	[tilespmem:$0x18000] =	vst v63  }
0x2d4: {  	_ =	swait.ge [sflag:s3], $0x8000  }
0x2d5: {  	[sflag:s3] =	ssyncset.done $0x0  }
0x2d6: {  	[sflag:s3] =	ssyncadd.s32 $0xFFFF8000  }
0x2d7: {  	_ =	swait.ge [sflag:s3], $0x8000  }
0x2d8: {  	[sflag:s3] =	ssyncset.done $0x0  }
0x2d9: {  	[sflag:s3] =	ssyncadd.s32 $0xFFFF8000  }
0x2da: {  	_ =	swait.ge [sflag:s3], $0x8000  }
0x2db: {  	[sflag:s3] =	ssyncset.done $0x0  }
0x2dc: {  	[sflag:s3] =	ssyncadd.s32 $0xFFFF8000  }
0x2dd: {  	_ =	swait.ge [sflag:s3], $0x8000  }
0x2de: {  	[sflag:s3] =	ssyncset.done $0x0  }
0x2df: {  	[sflag:s3] =	ssyncadd.s32 $0xFFFF8000  }
0x2e0: {  	_ =	swait.ge [sflag:s3], $0x8000  }
0x2e1: {  	[sflag:s3] =	ssyncset.done $0x0  }
0x2e2: {  	[sflag:s3] =	ssyncadd.s32 $0xFFFF8000  }
0x2e3: {  	_ =	swait.ge [sflag:s3], $0x8000  }
0x2e4: {  	[sflag:s3] =	ssyncset.done $0x0  }
0x2e5: {  	[sflag:s3] =	ssyncadd.s32 $0xFFFF8000  }
0x2e6: {  	[tilespmem:s16], [sflag:$0x3] =	stream.linear.gather [hbm4b:s17+s2], $0x8000, $0x38;
	[tilespmem:$0x18000] =	vst v63  }
0x2e7: {  	_ =	swait.ge [sflag:s26], $0x8000  }
0x2e8: {  	[sflag:s26] =	ssyncset.done $0x0  }
0x2e9: {  	s1 =	rddreg [dreg:$0x1b];
	[sflag:s26] =	ssyncadd.s32 $0xFFFF8000  }
0x2ea: {  	[hbm4b:s1+s2] =	stream.linear.scatter [tilespmem:s25], [sflag:$0x5], $0x8000, $0x38;
	[tilespmem:$0x18000] =	vst v63  }
0x2eb: {  	s17 =	rddreg [dreg:$0x1c]  }
0x2ec: {  	[hbm4b:s17+s2] =	stream.linear.scatter [tilespmem:s25], [sflag:$0x5], $0x8000, $0x38;
	[tilespmem:$0x18000] =	vst v63  }
0x2ed: {  	s28 =	rddreg [dreg:$0x1d]  }
0x2ee: {  	[hbm4b:s28+s2] =	stream.linear.scatter [tilespmem:s25], [sflag:$0x5], $0x8000, $0x38;
	[tilespmem:$0x18000] =	vst v63  }
0x2ef: {  	s30 =	rddreg [dreg:$0x1e]  }
0x2f0: {  	[hbm4b:s30+s2] =	stream.linear.scatter [tilespmem:s25], [sflag:$0x5], $0x8000, $0x38;
	[tilespmem:$0x18000] =	vst v63  }
0x2f1: {  	_ =	swait.ge [sflag:s5], $0x8000  }
0x2f2: {  	[sflag:s5] =	ssyncset.done $0x0  }
0x2f3: {  	[sflag:s5] =	ssyncadd.s32 $0xFFFF8000  }
0x2f4: {  	_ =	swait.ge [sflag:s5], $0x8000  }
0x2f5: {  	[sflag:s5] =	ssyncset.done $0x0  }
0x2f6: {  	[sflag:s5] =	ssyncadd.s32 $0xFFFF8000  }
0x2f7: {  	_ =	swait.ge [sflag:s5], $0x8000  }
0x2f8: {  	[sflag:s5] =	ssyncset.done $0x0  }
0x2f9: {  	[sflag:s5] =	ssyncadd.s32 $0xFFFF8000  }
0x2fa: {  	_ =	swait.ge [sflag:s5], $0x8000  }
0x2fb: {  	[sflag:s5] =	ssyncset.done $0x0  }
0x2fc: {  	s17 =	rddreg [dreg:$0x1f];
	[sflag:s5] =	ssyncadd.s32 $0xFFFF8000  }
0x2fd: {  	[tilespmem:s2], [sflag:$0x1] =	stream.linear.gather [hbm4b:s17+s2], $0x8000, $0x38;
	[tilespmem:$0x18000] =	vst v63  }
0x2fe: {  	_ =	swait.ge [sflag:s31], $0x8000  }
0x2ff: {  	[sflag:s31] =	ssyncset.done $0x0  }
0x300: {  	s28 =	sld [smem:$0x7F3];
	[sflag:s31] =	ssyncadd.s32 $0xFFFF8000  }
0x301: {  	[hbm4b:s29+s2] =	stream.linear.scatter [tilespmem:s16], [sflag:$0x6], $0x8000, $0x38;
	[tilespmem:$0x18000] =	vst v63  }
0x302: {  	s29 =	sld [smem:$0x7F4]  }
0x303: {  	[hbm4b:s28+s2] =	stream.linear.scatter [tilespmem:s16], [sflag:$0x6], $0x8000, $0x38;
	[tilespmem:$0x18000] =	vst v63  }
0x304: {  	s30 =	sld [smem:$0x7F5]  }
0x305: {  	[hbm4b:s29+s2] =	stream.linear.scatter [tilespmem:s16], [sflag:$0x6], $0x8000, $0x38;
	[tilespmem:$0x18000] =	vst v63  }
0x306: {  	s17 =	sld [smem:$0x7F6]  }
0x307: {  	[hbm4b:s30+s2] =	stream.linear.scatter [tilespmem:s16], [sflag:$0x6], $0x8000, $0x38;
	[tilespmem:$0x18000] =	vst v63  }
0x308: {  	_ = 	snop  }
0x309: {  	[hbm4b:s17+s2] =	stream.linear.scatter [tilespmem:s16], [sflag:$0x6], $0x8000, $0x38;
	[tilespmem:$0x18000] =	vst v63  }
0x30a: {  	_ =	swait.ge [sflag:s4], $0x8000  }
0x30b: {  	[sflag:s4] =	ssyncset.done $0x0  }
0x30c: {  	[sflag:s4] =	ssyncadd.s32 $0xFFFF8000  }
0x30d: {  	_ =	swait.ge [sflag:s4], $0x8000  }
0x30e: {  	[sflag:s4] =	ssyncset.done $0x0  }
0x30f: {  	[sflag:s4] =	ssyncadd.s32 $0xFFFF8000  }
0x310: {  	_ =	swait.ge [sflag:s4], $0x8000  }
0x311: {  	[sflag:s4] =	ssyncset.done $0x0  }
0x312: {  	[sflag:s4] =	ssyncadd.s32 $0xFFFF8000  }
0x313: {  	_ =	swait.ge [sflag:s4], $0x8000  }
0x314: {  	s28 =	sld [smem:$0x7F7]  }
0x315: {  	[sflag:s4] =	ssyncset.done $0x0  }
0x316: {  	[sflag:s4] =	ssyncadd.s32 $0xFFFF8000  }
0x317: {  	[tilespmem:s25], [sflag:$0x2] =	stream.linear.gather [hbm4b:s28+s2], $0x8000, $0x38;
	[tilespmem:$0x18000] =	vst v63  }
0x318: {  	_ =	swait.ge [sflag:s15], $0x8000  }
0x319: {  	s29 =	sld [smem:$0x7F8]  }
0x31a: {  	[sflag:s15] =	ssyncset.done $0x0  }
0x31b: {  	s30 =	sld [smem:$0x7F9];
	[sflag:s15] =	ssyncadd.s32 $0xFFFF8000  }
0x31c: {  	[hbm4b:s29+s2] =	stream.linear.scatter [tilespmem:s2], [sflag:$0x4], $0x8000, $0x38;
	[tilespmem:$0x18000] =	vst v63  }
0x31d: {  	s17 =	sld [smem:$0x7FA]  }
0x31e: {  	[hbm4b:s30+s2] =	stream.linear.scatter [tilespmem:s2], [sflag:$0x4], $0x8000, $0x38;
	[tilespmem:$0x18000] =	vst v63  }
0x31f: {  	s28 =	sld [smem:$0x7FB]  }
0x320: {  	[hbm4b:s17+s2] =	stream.linear.scatter [tilespmem:s2], [sflag:$0x4], $0x8000, $0x38;
	[tilespmem:$0x18000] =	vst v63  }
0x321: {  	s29 =	sld [smem:$0x7FC]  }
0x322: {  	[hbm4b:s28+s2] =	stream.linear.scatter [tilespmem:s2], [sflag:$0x4], $0x8000, $0x38;
	[tilespmem:$0x18000] =	vst v63  }
0x323: {  	s30 =	sld [smem:$0x7FD]  }
0x324: {  	[hbm4b:s29+s2] =	stream.linear.scatter [tilespmem:s2], [sflag:$0x4], $0x8000, $0x38;
	[tilespmem:$0x18000] =	vst v63  }
0x325: {  	_ = 	snop  }
0x326: {  	[hbm4b:s30+s2] =	stream.linear.scatter [tilespmem:s2], [sflag:$0x4], $0x8000, $0x38;
	[tilespmem:$0x18000] =	vst v63  }
0x327: {  	_ =	swait.ge [sflag:s3], $0x8000  }
0x328: {  	[sflag:s3] =	ssyncset.done $0x0  }
0x329: {  	[sflag:s3] =	ssyncadd.s32 $0xFFFF8000  }
0x32a: {  	_ =	swait.ge [sflag:s3], $0x8000  }
0x32b: {  	[sflag:s3] =	ssyncset.done $0x0  }
0x32c: {  	[sflag:s3] =	ssyncadd.s32 $0xFFFF8000  }
0x32d: {  	_ =	swait.ge [sflag:s3], $0x8000  }
0x32e: {  	[sflag:s3] =	ssyncset.done $0x0  }
0x32f: {  	[sflag:s3] =	ssyncadd.s32 $0xFFFF8000  }
0x330: {  	_ =	swait.ge [sflag:s3], $0x8000  }
0x331: {  	[sflag:s3] =	ssyncset.done $0x0  }
0x332: {  	[sflag:s3] =	ssyncadd.s32 $0xFFFF8000  }
0x333: {  	_ =	swait.ge [sflag:s3], $0x8000  }
0x334: {  	[sflag:s3] =	ssyncset.done $0x0  }
0x335: {  	[sflag:s3] =	ssyncadd.s32 $0xFFFF8000  }
0x336: {  	[tilespmem:s16], [sflag:$0x3] =	stream.linear.gather [hbm4b:s24+s2], $0x8000, $0x38;
	[tilespmem:$0x18000] =	vst v63  }
0x337: {  	_ =	swait.ge [sflag:s26], $0x8000  }
0x338: {  	[sflag:s26] =	ssyncset.done $0x0  }
0x339: {  	[sflag:s26] =	ssyncadd.s32 $0xFFFF8000  }
0x33a: {  	[hbm4b:s18+s2] =	stream.linear.scatter [tilespmem:s25], [sflag:$0x5], $0x8000, $0x38;
	[tilespmem:$0x18000] =	vst v63  }
0x33b: {  	_ = 	snop  }
0x33c: {  	[hbm4b:s19+s2] =	stream.linear.scatter [tilespmem:s25], [sflag:$0x5], $0x8000, $0x38;
	[tilespmem:$0x18000] =	vst v63  }
0x33d: {  	_ = 	snop  }
0x33e: {  	[hbm4b:s20+s2] =	stream.linear.scatter [tilespmem:s25], [sflag:$0x5], $0x8000, $0x38;
	[tilespmem:$0x18000] =	vst v63  }
0x33f: {  	_ = 	snop  }
0x340: {  	[hbm4b:s21+s2] =	stream.linear.scatter [tilespmem:s25], [sflag:$0x5], $0x8000, $0x38;
	[tilespmem:$0x18000] =	vst v63  }
0x341: {  	_ = 	snop  }
0x342: {  	[hbm4b:s22+s2] =	stream.linear.scatter [tilespmem:s25], [sflag:$0x5], $0x8000, $0x38;
	[tilespmem:$0x18000] =	vst v63  }
0x343: {  	_ = 	snop  }
0x344: {  	[hbm4b:s23+s2] =	stream.linear.scatter [tilespmem:s25], [sflag:$0x5], $0x8000, $0x38;
	[tilespmem:$0x18000] =	vst v63  }
0x345: {  	_ =	swait.ge [sflag:s5], $0x8000  }
0x346: {  	[sflag:s5] =	ssyncset.done $0x0  }
0x347: {  	[sflag:s5] =	ssyncadd.s32 $0xFFFF8000  }
0x348: {  	_ =	swait.ge [sflag:s5], $0x8000  }
0x349: {  	[sflag:s5] =	ssyncset.done $0x0  }
0x34a: {  	[sflag:s5] =	ssyncadd.s32 $0xFFFF8000  }
0x34b: {  	_ =	swait.ge [sflag:s5], $0x8000  }
0x34c: {  	[sflag:s5] =	ssyncset.done $0x0  }
0x34d: {  	[sflag:s5] =	ssyncadd.s32 $0xFFFF8000  }
0x34e: {  	_ =	swait.ge [sflag:s5], $0x8000  }
0x34f: {  	[sflag:s5] =	ssyncset.done $0x0  }
0x350: {  	[sflag:s5] =	ssyncadd.s32 $0xFFFF8000  }
0x351: {  	_ =	swait.ge [sflag:s5], $0x8000  }
0x352: {  	[sflag:s5] =	ssyncset.done $0x0  }
0x353: {  	[sflag:s5] =	ssyncadd.s32 $0xFFFF8000  }
0x354: {  	_ =	swait.ge [sflag:s5], $0x8000  }
0x355: {  	[sflag:s5] =	ssyncset.done $0x0  }
0x356: {  	[sflag:s5] =	ssyncadd.s32 $0xFFFF8000  }
0x357: {  	[tilespmem:s2], [sflag:$0x1] =	stream.linear.gather [hbm4b:s14+s2], $0x8000, $0x38;
	[tilespmem:$0x18000] =	vst v63  }
0x358: {  	_ =	swait.ge [sflag:s31], $0x8000  }
0x359: {  	[sflag:s31] =	ssyncset.done $0x0  }
0x35a: {  	[sflag:s31] =	ssyncadd.s32 $0xFFFF8000  }
0x35b: {  	[hbm4b:s10+s2] =	stream.linear.scatter [tilespmem:s16], [sflag:$0x6], $0x8000, $0x38;
	[tilespmem:$0x18000] =	vst v63  }
0x35c: {  	_ = 	snop  }
0x35d: {  	[hbm4b:s11+s2] =	stream.linear.scatter [tilespmem:s16], [sflag:$0x6], $0x8000, $0x38;
	[tilespmem:$0x18000] =	vst v63  }
0x35e: {  	_ = 	snop  }
0x35f: {  	[hbm4b:s12+s2] =	stream.linear.scatter [tilespmem:s16], [sflag:$0x6], $0x8000, $0x38;
	[tilespmem:$0x18000] =	vst v63  }
0x360: {  	_ = 	snop  }
0x361: {  	[hbm4b:s13+s2] =	stream.linear.scatter [tilespmem:s16], [sflag:$0x6], $0x8000, $0x38;
	[tilespmem:$0x18000] =	vst v63  }
0x362: {  	_ =	swait.ge [sflag:s15], $0x8000  }
0x363: {  	[sflag:s15] =	ssyncset.done $0x0  }
0x364: {  	[sflag:s15] =	ssyncadd.s32 $0xFFFF8000  }
0x365: {  	[hbm4b:s6+s2] =	stream.linear.scatter [tilespmem:s2], [sflag:$0x4], $0x8000, $0x38;
	[tilespmem:$0x18000] =	vst v63  }
0x366: {  	_ = 	snop  }
0x367: {  	[hbm4b:s7+s2] =	stream.linear.scatter [tilespmem:s2], [sflag:$0x4], $0x8000, $0x38;
	[tilespmem:$0x18000] =	vst v63  }
0x368: {  	_ = 	snop  }
0x369: {  	[hbm4b:s8+s2] =	stream.linear.scatter [tilespmem:s2], [sflag:$0x4], $0x8000, $0x38;
	[tilespmem:$0x18000] =	vst v63  }
0x36a: {  	_ = 	snop  }
0x36b: {  	[hbm4b:s9+s2] =	stream.linear.scatter [tilespmem:s2], [sflag:$0x4], $0x8000, $0x38;
	[tilespmem:$0x18000] =	vst v63  }
0x36c: {  	_ =	swait.ge [sflag:s5], $0x8000  }
0x36d: {  	[sflag:s5] =	ssyncset.done $0x0  }
0x36e: {  	[sflag:s5] =	ssyncadd.s32 $0xFFFF8000  }
0x36f: {  	_ =	swait.ge [sflag:s5], $0x8000  }
0x370: {  	[sflag:s5] =	ssyncset.done $0x0  }
0x371: {  	[sflag:s5] =	ssyncadd.s32 $0xFFFF8000  }
0x372: {  	_ =	swait.ge [sflag:s5], $0x8000  }
0x373: {  	[sflag:s5] =	ssyncset.done $0x0  }
0x374: {  	[sflag:s5] =	ssyncadd.s32 $0xFFFF8000  }
0x375: {  	_ =	swait.ge [sflag:s5], $0x8000  }
0x376: {  	[sflag:s5] =	ssyncset.done $0x0  }
0x377: {  	[sflag:s5] =	ssyncadd.s32 $0xFFFF8000  }
0x378: {  	_ =	swait.ge [sflag:s4], $0x8000  }
0x379: {  	[sflag:s4] =	ssyncset.done $0x0  }
0x37a: {  	[sflag:s4] =	ssyncadd.s32 $0xFFFF8000  }
0x37b: {  	_ =	swait.ge [sflag:s4], $0x8000  }
0x37c: {  	[sflag:s4] =	ssyncset.done $0x0  }
0x37d: {  	[sflag:s4] =	ssyncadd.s32 $0xFFFF8000  }
0x37e: {  	_ =	swait.ge [sflag:s4], $0x8000  }
0x37f: {  	[sflag:s4] =	ssyncset.done $0x0  }
0x380: {  	[sflag:s4] =	ssyncadd.s32 $0xFFFF8000  }
0x381: {  	_ =	swait.ge [sflag:s4], $0x8000  }
0x382: {  	[sflag:s4] =	ssyncset.done $0x0  }
0x383: {  	[sflag:s4] =	ssyncadd.s32 $0xFFFF8000  }
0x384: {  	_ =	swait.ge [sflag:s4], $0x8000  }
0x385: {  	[sflag:s4] =	ssyncset.done $0x0  }
0x386: {  	[sflag:s4] =	ssyncadd.s32 $0xFFFF8000  }
0x387: {  	_ =	swait.ge [sflag:s4], $0x8000  }
0x388: {  	[sflag:s4] =	ssyncset.done $0x0  }
0x389: {  	[sflag:s4] =	ssyncadd.s32 $0xFFFF8000  }
0x38a: {  	_ =	swait.ge [sflag:s3], $0x8000  }
0x38b: {  	[sflag:s3] =	ssyncset.done $0x0  }
0x38c: {  	[sflag:s3] =	ssyncadd.s32 $0xFFFF8000  }
0x38d: {  	_ =	swait.ge [sflag:s3], $0x8000  }
0x38e: {  	[sflag:s3] =	ssyncset.done $0x0  }
0x38f: {  	[sflag:s3] =	ssyncadd.s32 $0xFFFF8000  }
0x390: {  	_ =	swait.ge [sflag:s3], $0x8000  }
0x391: {  	[sflag:s3] =	ssyncset.done $0x0  }
0x392: {  	[sflag:s3] =	ssyncadd.s32 $0xFFFF8000  }
0x393: {  	_ =	swait.ge [sflag:s3], $0x8000  }
0x394: {  	[sflag:s3] =	ssyncset.done $0x0  }
0x395: {  	[sflag:s3] =	ssyncadd.s32 $0xFFFF8000  }
0x396: {  	_ =	sfence.sel $0x180000  }
0x397: {  	[bflag:$0x0] =	sbarrier.arrive $0xFFFF  }
0x398: {  	_ =	strace $0x90000047  }
0x399: {  	s31 =	stileid.u32;
	[bflag:$0x2] =	sbarrier.arrive $0xFFFF  }
0x39a: {  	p0 =	sne.s32 s31, $0x0;
	s0 =	rddreg [dreg:$0x2]  }
0x39b: {  	s0 =	sadd.s32 @!p0 $0x100000, s0  }
0x39c: {  	[sflag:s0] =	ssyncadd.tile.s32 @!p0 $0x1;
	_ =	shalt  }
.LBB2_2:
.Ltmp3:
0x39d: {  	(pc) =	sbr.rel .LBB2_5-.Ltmp3, $2  }
0x39e: {  	_ =	sdelay $0x2  }
0x39f: {  	s17 =	sld [smem:$0x7F2]  }
.Lfunc_end2:
_tile_overlayer_lowered:
.L_overlay_start_2:
0x3a0: {  	(tag) =	ssettag $0x2  }
0x3a1: {  	s0 =	rddreg [dreg:$0x0];
	s2 =	stileid.u32  }
0x3a2: {  	s1 =	rddreg [dreg:$0x1];
	p0 =	sne.s32 s2, $0x0  }
0x3a3: {  	s3 =	rddreg [dreg:$0x2];
	[bflag:$0x3] =	sbarrier.arrive $0xFFFF;
	s2 =	simm.s32 @!p0 $0x1C07  }
0x3a4: {  	[timem:s3], [sflag:s2] =	dma.local @!p0 [hbm:s0], s1  }
0x3a5: {  	s0 =	simm.s32 @!p0 $0x7  }
0x3a6: {  	_ =	swait.ge @!p0 [sflag:s0], s1  }
0x3a7: {  	s1 =	ssub.s32 @!p0 $0x0, s1;
	[sflag:s0] =	ssyncset.done @!p0 $0x0  }
0x3a8: {  	[sflag:s0] =	ssyncadd.s32 @!p0 s1  }
0x3a9: {  	[bflag:$0x3] =	sbarrier.arrive $0xFFFF  }
0x3aa: {  	_ =	shalt  }

</sc_bundles>
